<compile_context>
chip_gen: v7x
topology: tpu7x:2x2x1
jax: 0.10.2.dev20260603
libtpu: 0.0.44.dev20260713+nightly
codegen_flags: <defaults>
</compile_context>

<pallas_src>
import functools

import jax
import jax.numpy as jnp
from jax import lax
from jax.experimental import pallas as pl
from jax.experimental.pallas import tpu as pltpu
from jax.experimental.pallas import tpu_sc as plsc

_N = 10000
_E = 320000
_IN = 128
_HID = 64
_OUT = 32

_NC = 2
_NS = 16
_NW = _NC * _NS
_CB = 128
_ROWS = _E // _CB
_RPW = _ROWS // _NW
_RTAIL = _ROWS - _RPW * _NW
_ZR = 624
_ZTAIL = _N - _NS * _ZR
_NBUF = 6
_RPIPE = (_RPW // _NBUF) * _NBUF


def _sc_mesh():
    return plsc.VectorSubcoreMesh(
        core_axis_name="c", subcore_axis_name="s",
        num_cores=_NC, num_subcores=_NS)


def _segsum_body(h_hbm, edges_hbm, out_hbm,
                 src_v, dst_v, rows_v, acc_sh, gsem, ssem, c, s,
                 deg=None):
    w = c * _NS + s
    base = w * _RPW
    pltpu.sync_copy(edges_hbm.at[0, pl.ds(base, _RPW)],
                    src_v.at[pl.ds(0, _RPW)])
    pltpu.sync_copy(edges_hbm.at[1, pl.ds(base, _RPW)],
                    dst_v.at[pl.ds(0, _RPW)])

    @pl.when(w < _RTAIL)
    def _tail_idx():
        pltpu.sync_copy(edges_hbm.at[0, pl.ds(_RPW * _NW + w, 1)],
                        src_v.at[pl.ds(_RPW, 1)])
        pltpu.sync_copy(edges_hbm.at[1, pl.ds(_RPW * _NW + w, 1)],
                        dst_v.at[pl.ds(_RPW, 1)])

    def g_desc(b, j):
        return pltpu.make_async_copy(
            h_hbm.at[src_v.at[j]], rows_v.at[b], gsem[b])

    def s_desc(b, j):
        return pltpu.make_async_copy(
            rows_v.at[b], acc_sh.at[dst_v.at[j]], ssem[b])

    if deg is not None:
        ones_v, dacc_sh, dsem = deg

    def d_desc(b, j):
        return pltpu.make_async_copy(ones_v, dacc_sh.at[dst_v.at[j]],
                                     dsem[b])

    for b in range(_NBUF):
        g_desc(b, b).start()

    def step(k, carry):
        j0 = k * _NBUF
        for b in range(_NBUF):
            g_desc(b, j0 + b).wait()
            pltpu.async_copy(rows_v.at[b], acc_sh.at[dst_v.at[j0 + b]],
                             ssem[b], add=True)
            if deg is not None:
                pltpu.async_copy(ones_v, dacc_sh.at[dst_v.at[j0 + b]],
                                 dsem[b], add=True)
        for b in range(_NBUF):
            s_desc(b, j0 + b).wait()
            if deg is not None:
                d_desc(b, j0 + b).wait()
            g_desc(b, j0 + _NBUF + b).start()
        return carry

    lax.fori_loop(0, _RPIPE // _NBUF - 1, step, 0)

    j0 = _RPIPE - _NBUF
    for b in range(_NBUF):
        g_desc(b, j0 + b).wait()
        pltpu.async_copy(rows_v.at[b], acc_sh.at[dst_v.at[j0 + b]],
                         ssem[b], add=True)
        if deg is not None:
            pltpu.async_copy(ones_v, dacc_sh.at[dst_v.at[j0 + b]],
                             dsem[b], add=True)
    for b in range(_NBUF):
        s_desc(b, j0 + b).wait()
        if deg is not None:
            d_desc(b, j0 + b).wait()

    for j in range(_RPIPE, _RPW):
        pltpu.async_copy(h_hbm.at[src_v.at[j]], rows_v.at[0],
                         gsem[0]).wait()
        pltpu.sync_copy(rows_v.at[0], acc_sh.at[dst_v.at[j]], add=True)
        if deg is not None:
            pltpu.sync_copy(ones_v, dacc_sh.at[dst_v.at[j]], add=True)

    @pl.when(w < _RTAIL)
    def _tail_edges():
        pltpu.async_copy(h_hbm.at[src_v.at[_RPW]], rows_v.at[0],
                         gsem[0]).wait()
        pltpu.sync_copy(rows_v.at[0], acc_sh.at[dst_v.at[_RPW]], add=True)
        if deg is not None:
            pltpu.sync_copy(ones_v, dacc_sh.at[dst_v.at[_RPW]], add=True)


def _writeout(acc_sh, out_hbm, c, s):
    pltpu.sync_copy(acc_sh.at[pl.ds(s * _ZR, _ZR)],
                    out_hbm.at[c, pl.ds(s * _ZR, _ZR)])

    @pl.when(s == 0)
    def _otail():
        pltpu.sync_copy(acc_sh.at[pl.ds(_NS * _ZR, _ZTAIL)],
                        out_hbm.at[c, pl.ds(_NS * _ZR, _ZTAIL)])


def _zero_slice(z_hbm, acc_sh, s):
    pltpu.sync_copy(z_hbm, acc_sh.at[pl.ds(s * _ZR, _ZR)])

    @pl.when(s == 0)
    def _ztail():
        pltpu.sync_copy(z_hbm.at[pl.ds(0, _ZTAIL)],
                        acc_sh.at[pl.ds(_NS * _ZR, _ZTAIL)])


def _sc_segsum(h, edges, zrows):

    @functools.partial(
        pl.kernel,
        out_type=jax.ShapeDtypeStruct((_NC, _N, _HID), jnp.float32),
        mesh=_sc_mesh(),
        scratch_types=[
            pltpu.VMEM((_RPW + 1, _CB), jnp.int32),
            pltpu.VMEM((_RPW + 1, _CB), jnp.int32),
            pltpu.VMEM((_NBUF, _CB, _HID), jnp.float32),
            pltpu.VMEM_SHARED((_N, _HID), jnp.float32),
        ] + [pltpu.SemaphoreType.DMA] * (2 * _NBUF),
        compiler_params=pltpu.CompilerParams(use_tc_tiling_on_sc=False),
    )
    def run(h_hbm, edges_hbm, z_hbm, out_hbm,
            src_v, dst_v, rows_v, acc_sh, *sems):
        c = lax.axis_index("c")
        s = lax.axis_index("s")
        _zero_slice(z_hbm, acc_sh, s)
        plsc.subcore_barrier()
        _segsum_body(h_hbm, edges_hbm, out_hbm, src_v, dst_v,
                     rows_v, acc_sh, sems[:_NBUF], sems[_NBUF:], c, s)
        plsc.subcore_barrier()
        _writeout(acc_sh, out_hbm, c, s)

    return run(h, edges, zrows)


def _sc_segsum_deg(h, edges, zrows, zrows8, ones_rows):

    @functools.partial(
        pl.kernel,
        out_type=(jax.ShapeDtypeStruct((_NC, _N, _HID), jnp.float32),
                  jax.ShapeDtypeStruct((_NC, _N, 8), jnp.float32)),
        mesh=_sc_mesh(),
        scratch_types=[
            pltpu.VMEM((_RPW + 1, _CB), jnp.int32),
            pltpu.VMEM((_RPW + 1, _CB), jnp.int32),
            pltpu.VMEM((_NBUF, _CB, _HID), jnp.float32),
            pltpu.VMEM((_CB, 8), jnp.float32),
            pltpu.VMEM_SHARED((_N, _HID), jnp.float32),
            pltpu.VMEM_SHARED((_N, 8), jnp.float32),
        ] + [pltpu.SemaphoreType.DMA] * (3 * _NBUF),
        compiler_params=pltpu.CompilerParams(use_tc_tiling_on_sc=False),
    )
    def run(h_hbm, edges_hbm, z_hbm, z8_hbm, ones_hbm,
            out_hbm, deg_hbm, src_v, dst_v, rows_v, ones_v,
            acc_sh, dacc_sh, *sems):
        c = lax.axis_index("c")
        s = lax.axis_index("s")
        w = c * _NS + s
        pltpu.sync_copy(ones_hbm, ones_v)
        _zero_slice(z_hbm, acc_sh, s)
        _zero_slice(z8_hbm, dacc_sh, s)
        plsc.subcore_barrier()
        _segsum_body(h_hbm, edges_hbm, out_hbm, src_v, dst_v,
                     rows_v, acc_sh, sems[:_NBUF], sems[_NBUF:2 * _NBUF],
                     c, s, deg=(ones_v, dacc_sh, sems[2 * _NBUF:]))
        plsc.subcore_barrier()
        _writeout(acc_sh, out_hbm, c, s)
        _writeout(dacc_sh, deg_hbm, c, s)

    return run(h, edges, zrows, zrows8, ones_rows)


_R2 = 1000
_N2 = _N // 2


def _pair_dot(x2, w_ref, half):
    w = w_ref[...]
    ya = jnp.dot(x2[:, :half], w, preferred_element_type=jnp.float32)
    yb = jnp.dot(x2[:, half:], w, preferred_element_type=jnp.float32)
    return jnp.concatenate([ya, yb], axis=1)


def _tc_encoder(x, wt, b):

    def body(x_ref, w_ref, b_ref, o_ref):
        bb = jnp.concatenate([b_ref[...], b_ref[...]], axis=1)
        o_ref[...] = _pair_dot(x_ref[...], w_ref, _IN) + bb

    return pl.pallas_call(
        body,
        grid=(_N2 // _R2,),
        in_specs=[
            pl.BlockSpec((_R2, 2 * _IN), lambda i: (i, 0)),
            pl.BlockSpec((_IN, _HID), lambda i: (0, 0)),
            pl.BlockSpec((1, _HID), lambda i: (0, 0)),
        ],
        out_specs=pl.BlockSpec((_R2, 2 * _HID), lambda i: (i, 0)),
        out_shape=jax.ShapeDtypeStruct((_N2, 2 * _HID), jnp.float32),
    )(x, wt, b)


def _tc_inv(deg2):

    def body(d_ref, o_ref):
        inv = 1.0 / jnp.maximum(d_ref[0] + d_ref[1], 1.0)
        l_idx = lax.broadcasted_iota(jnp.int32, (128, 128), 0)
        c_idx = lax.broadcasted_iota(jnp.int32, (128, 128), 1)
        parts = []
        for m in range(8):
            sel = (l_idx == 16 * m + 8 * (c_idx // 64)).astype(jnp.float32)
            parts.append(jnp.dot(inv, sel,
                                 preferred_element_type=jnp.float32))
        o_ref[...] = jnp.stack(parts, axis=1).reshape(_N2, 128)

    return pl.pallas_call(
        body,
        grid=(1,),
        in_specs=[pl.BlockSpec((_NC, _N // 16, 128), lambda i: (0, 0, 0))],
        out_specs=pl.BlockSpec((_N2, 128), lambda i: (0, 0)),
        out_shape=jax.ShapeDtypeStruct((_N2, 128), jnp.float32),
    )(deg2)


def _tc_layer(part2, inv2, h2, wlt, wrt, scale, bias):

    def body(p_ref, i_ref, h_ref, wl_ref, wr_ref, s_ref, b_ref, o_ref):
        aggr = (p_ref[0] + p_ref[1]) * i_ref[...]
        y = _pair_dot(aggr, wl_ref, _HID) + _pair_dot(h_ref[...], wr_ref, _HID)
        ss = jnp.concatenate([s_ref[...], s_ref[...]], axis=1)
        bb = jnp.concatenate([b_ref[...], b_ref[...]], axis=1)
        o_ref[...] = jnp.maximum(y * ss + bb, 0.0)

    return pl.pallas_call(
        body,
        grid=(_N2 // _R2,),
        in_specs=[
            pl.BlockSpec((_NC, _R2, 128), lambda i: (0, i, 0)),
            pl.BlockSpec((_R2, 128), lambda i: (i, 0)),
            pl.BlockSpec((_R2, 128), lambda i: (i, 0)),
            pl.BlockSpec((_HID, _HID), lambda i: (0, 0)),
            pl.BlockSpec((_HID, _HID), lambda i: (0, 0)),
            pl.BlockSpec((1, _HID), lambda i: (0, 0)),
            pl.BlockSpec((1, _HID), lambda i: (0, 0)),
        ],
        out_specs=pl.BlockSpec((_R2, 128), lambda i: (i, 0)),
        out_shape=jax.ShapeDtypeStruct((_N2, 128), jnp.float32),
    )(part2, inv2, h2, wlt, wrt, scale, bias)


def _tc_final(part2, inv2, h2, wlt, wrt, scale, bias, heads):
    (ew1t, eb1, ew2t, eb2, mw1t, mb1, mw2t, mb2, fw1t, fb1, fw2t, fb2) = heads
    steps = _N2 // _R2

    def body(p_ref, i_ref, h_ref, wl_ref, wr_ref, s_ref, b_ref,
             ew1_ref, eb1_ref, ew2_ref, eb2_ref,
             mw1_ref, mb1_ref, mw2_ref, mb2_ref,
             fw1_ref, fb1_ref, fw2_ref, fb2_ref,
             o_ref, g_ref, eth_ref, man_ref, mf_ref):
        i = pl.program_id(0)
        aggr = (p_ref[0] + p_ref[1]) * i_ref[...]
        y = _pair_dot(aggr, wl_ref, _HID) + _pair_dot(h_ref[...], wr_ref, _HID)
        ss = jnp.concatenate([s_ref[...], s_ref[...]], axis=1)
        bb = jnp.concatenate([b_ref[...], b_ref[...]], axis=1)
        y = y * ss + bb
        o_ref[...] = y
        blk = jnp.sum(y, axis=0, keepdims=True)

        @pl.when(i == 0)
        def _init():
            g_ref[...] = blk

        @pl.when(i > 0)
        def _acc():
            g_ref[...] = g_ref[...] + blk

        @pl.when(i == steps - 1)
        def _heads():
            gpair = g_ref[...]
            g = (gpair[:, :_OUT] + gpair[:, _OUT:]) / float(_N)
            g_ref[...] = jnp.concatenate([g, g], axis=1)
            e1 = jnp.maximum(
                jnp.dot(g, ew1_ref[...], preferred_element_type=jnp.float32)
                + eb1_ref[...], 0.0)
            eth_ref[...] = jax.nn.sigmoid(
                jnp.dot(e1, ew2_ref[...], preferred_element_type=jnp.float32)
                + eb2_ref[...])
            m1 = jnp.maximum(
                jnp.dot(g, mw1_ref[...], preferred_element_type=jnp.float32)
                + mb1_ref[...], 0.0)
            man_ref[...] = jax.nn.sigmoid(
                jnp.dot(m1, mw2_ref[...], preferred_element_type=jnp.float32)
                + mb2_ref[...])
            f1 = jnp.maximum(
                jnp.dot(g, fw1_ref[...], preferred_element_type=jnp.float32)
                + fb1_ref[...], 0.0)
            mf_ref[...] = (
                jnp.dot(f1, fw2_ref[...], preferred_element_type=jnp.float32)
                + fb2_ref[...])

    full = lambda shape: pl.BlockSpec(shape, lambda i: tuple(0 for _ in shape))
    return pl.pallas_call(
        body,
        grid=(steps,),
        in_specs=[
            pl.BlockSpec((_NC, _R2, 128), lambda i: (0, i, 0)),
            pl.BlockSpec((_R2, 128), lambda i: (i, 0)),
            pl.BlockSpec((_R2, 128), lambda i: (i, 0)),
            full((_HID, _OUT)),
            full((_HID, _OUT)),
            full((1, _OUT)),
            full((1, _OUT)),
            full((_OUT, 16)), full((1, 16)), full((16, 1)), full((1, 1)),
            full((_OUT, 16)), full((1, 16)), full((16, 1)), full((1, 1)),
            full((_OUT, 16)), full((1, 16)), full((16, 6)), full((1, 6)),
        ],
        out_specs=[
            pl.BlockSpec((_R2, 2 * _OUT), lambda i: (i, 0)),
            full((1, 2 * _OUT)),
            full((1, 1)),
            full((1, 1)),
            full((1, 6)),
        ],
        out_shape=[
            jax.ShapeDtypeStruct((_N2, 2 * _OUT), jnp.float32),
            jax.ShapeDtypeStruct((1, 2 * _OUT), jnp.float32),
            jax.ShapeDtypeStruct((1, 1), jnp.float32),
            jax.ShapeDtypeStruct((1, 1), jnp.float32),
            jax.ShapeDtypeStruct((1, 6), jnp.float32),
        ],
    )(part2, inv2, h2, wlt, wrt, scale, bias,
      ew1t, eb1, ew2t, eb2, mw1t, mb1, mw2t, mb2, fw1t, fb1, fw2t, fb2)


def kernel(x, edge_index, params):
    p = params
    edges = edge_index.reshape(2, _ROWS, _CB)
    zrows = jnp.zeros((_ZR, _HID), jnp.float32)
    zrows8 = jnp.zeros((_ZR, 8), jnp.float32)
    ones_rows = jnp.ones((_CB, 8), jnp.float32)

    x2 = x.reshape(_N2, 2 * _IN)
    h2 = _tc_encoder(x2, p['enc_W'].T, p['enc_b'].reshape(1, -1))

    inv2 = None
    for i in range(3):
        lp = p['sage'][i]
        bn = p['bn'][i]
        scale = (bn['gamma'] / jnp.sqrt(bn['var'] + 1e-5)).reshape(1, -1)
        bias = ((lp['bl'] - bn['mean']).reshape(1, -1) * scale
                + bn['beta'].reshape(1, -1))
        h_flat = h2.reshape(_N, _HID)
        if i == 0:
            part, degp = _sc_segsum_deg(h_flat, edges,
                                        zrows, zrows8, ones_rows)
            inv2 = _tc_inv(degp.reshape(_NC, _N // 16, 128))
        else:
            part = _sc_segsum(h_flat, edges, zrows)
        part2 = part.reshape(_NC, _N2, 128)
        if i < 2:
            h2 = _tc_layer(part2, inv2, h2, lp['Wl'].T, lp['Wr'].T,
                           scale, bias)
        else:
            heads = (
                p['eth_W1'].T, p['eth_b1'].reshape(1, -1),
                p['eth_W2'].T, p['eth_b2'].reshape(1, -1),
                p['man_W1'].T, p['man_b1'].reshape(1, -1),
                p['man_W2'].T, p['man_b2'].reshape(1, -1),
                p['mf_W1'].T, p['mf_b1'].reshape(1, -1),
                p['mf_W2'].T, p['mf_b2'].reshape(1, -1),
            )
            emb2, gpair, eth, man, mf = _tc_final(
                part2, inv2, h2, lp['Wl'].T, lp['Wr'].T, scale, bias, heads)
    node_emb = emb2.reshape(_N, _OUT)
    g = gpair[:, :_OUT]
    return (node_emb, g, eth, man, mf)

# --- scband reference (transcript-rebuilt; emitter-appended) ---
"""Pipeline reference for scband-ethical-relation-reasoning-64776696758655 (READ-ONLY COPY).

The authoritative reference and input builder live on the scoring server;
editing this copy changes nothing except your own understanding.
"""

import jax, jax.numpy as jnp
import numpy as np

N = 10000
E = 320000
IN_CH = 128
HID = 64
OUT_CH = 32


def _linear_params(key, out_dim, in_dim):
    k1, k2 = jax.random.split(key)
    s = 1.0 / np.sqrt(in_dim)
    W = jax.random.uniform(k1, (out_dim, in_dim), minval=-s, maxval=s, dtype=jnp.float32)
    b = jax.random.uniform(k2, (out_dim,), minval=-s, maxval=s, dtype=jnp.float32)
    return W, b


def setup_inputs(seed: int = 0):
    key = jax.random.key(seed)
    ks = jax.random.split(key, 20)
    x = jax.random.normal(ks[0], (N, IN_CH), dtype=jnp.float32)
    edge_index = jax.random.randint(ks[1], (2, E), 0, N, dtype=jnp.int32)
    params = {}
    params['enc_W'], params['enc_b'] = _linear_params(ks[2], HID, IN_CH)
    dims = [(HID, HID), (HID, HID), (OUT_CH, HID)]
    sage = []
    bns = []
    for i, (o, ic) in enumerate(dims):
        Wl, bl = _linear_params(ks[3 + i], o, ic)
        Wr, _ = _linear_params(ks[6 + i], o, ic)
        sage.append({'Wl': Wl, 'bl': bl, 'Wr': Wr})
        bns.append({'gamma': jnp.ones((o,), dtype=jnp.float32), 'beta': jnp.zeros((o,), dtype=jnp.float32), 'mean': jnp.zeros((o,), dtype=jnp.float32), 'var': jnp.ones((o,), dtype=jnp.float32)})
    params['sage'] = sage
    params['bn'] = bns
    params['eth_W1'], params['eth_b1'] = _linear_params(ks[9], OUT_CH // 2, OUT_CH)
    params['eth_W2'], params['eth_b2'] = _linear_params(ks[10], 1, OUT_CH // 2)
    params['man_W1'], params['man_b1'] = _linear_params(ks[11], OUT_CH // 2, OUT_CH)
    params['man_W2'], params['man_b2'] = _linear_params(ks[12], 1, OUT_CH // 2)
    params['mf_W1'], params['mf_b1'] = _linear_params(ks[13], OUT_CH // 2, OUT_CH)
    params['mf_W2'], params['mf_b2'] = _linear_params(ks[14], 6, OUT_CH // 2)
    return {'x': x, 'edge_index': edge_index, 'params': params}


def _forward(x, edge_index, params):
    src = edge_index[0]
    dst = edge_index[1]
    # node encoder
    h = x @ params['enc_W'].T + params['enc_b']
    # degree for mean aggregation (SAGEConv mean aggr)
    deg = jax.ops.segment_sum(jnp.ones((E,), dtype=jnp.float32), dst, num_segments=N)
    deg = jnp.clip(deg, 1.0, None)
    for i in range(3):
        lp = params['sage'][i]
        msg = jnp.take(h, src, axis=0)  # gather source node feats per edge
        aggr = jax.ops.segment_sum(msg, dst, num_segments=N) / deg[:, None]  # scatter-add mean
        h = aggr @ lp['Wl'].T + lp['bl'] + h @ lp['Wr'].T
        bn = params['bn'][i]
        # BatchNorm1d in eval mode (running stats); dropout is identity in eval
        h = bn['gamma'] * (h - bn['mean']) / jnp.sqrt(bn['var'] + 1e-5) + bn['beta']
        if i < 2:
            h = jax.nn.relu(h)
    node_embeddings = h
    g = jnp.mean(h, axis=0, keepdims=True)  # no batch attr -> mean over nodes
    eth = jax.nn.sigmoid(jax.nn.relu(g @ params['eth_W1'].T + params['eth_b1']) @ params['eth_W2'].T + params['eth_b2'])
    man = jax.nn.sigmoid(jax.nn.relu(g @ params['man_W1'].T + params['man_b1']) @ params['man_W2'].T + params['man_b2'])
    mf = jax.nn.relu(g @ params['mf_W1'].T + params['mf_b1']) @ params['mf_W2'].T + params['mf_b2']
    return (node_embeddings, g, eth, man, mf)


def reference(x, edge_index, params):
    return _forward(x, edge_index, params)

if __name__ == "__main__":
    import jax
    _d = setup_inputs()
    print(jax.jit(kernel)(*tuple(_d.values())))

</pallas_src>

<mosaic_0001>
#map = affine_map<(d0, d1) -> (0, 0)>
#map1 = affine_map<(d0, d1) -> (0, 0, 0)>
module attributes {stable_mosaic.version = 14 : i64} {
  func.func @run(%arg0: i32, %arg1: i32, %arg2: memref<10000x64xf32, #tpu.memory_space<hbm>>, %arg3: memref<2x2500x128xi32, #tpu.memory_space<hbm>>, %arg4: memref<624x64xf32, #tpu.memory_space<hbm>>, %arg5: memref<2x10000x64xf32, #tpu.memory_space<hbm>>, %arg6: memref<79x128xi32, #tpu.memory_space<vmem>>, %arg7: memref<79x128xi32, #tpu.memory_space<vmem>>, %arg8: memref<6x128x64xf32, #tpu.memory_space<vmem>>, %arg9: memref<10000x64xf32, #tpu.memory_space<vmem_shared>>, %arg10: memref<!tpu.dma_semaphore, #tpu.memory_space<semaphore_mem>>, %arg11: memref<!tpu.dma_semaphore, #tpu.memory_space<semaphore_mem>>, %arg12: memref<!tpu.dma_semaphore, #tpu.memory_space<semaphore_mem>>, %arg13: memref<!tpu.dma_semaphore, #tpu.memory_space<semaphore_mem>>, %arg14: memref<!tpu.dma_semaphore, #tpu.memory_space<semaphore_mem>>, %arg15: memref<!tpu.dma_semaphore, #tpu.memory_space<semaphore_mem>>, %arg16: memref<!tpu.dma_semaphore, #tpu.memory_space<semaphore_mem>>, %arg17: memref<!tpu.dma_semaphore, #tpu.memory_space<semaphore_mem>>, %arg18: memref<!tpu.dma_semaphore, #tpu.memory_space<semaphore_mem>>, %arg19: memref<!tpu.dma_semaphore, #tpu.memory_space<semaphore_mem>>, %arg20: memref<!tpu.dma_semaphore, #tpu.memory_space<semaphore_mem>>, %arg21: memref<!tpu.dma_semaphore, #tpu.memory_space<semaphore_mem>>) attributes {dimension_semantics = [#tpu.dimension_semantics<core_parallel>, #tpu.dimension_semantics<subcore_parallel>], iteration_bounds = array<i64: 2, 16>, scalar_prefetch = 0 : i64, scratch_operands = 16 : i64, tpu.core_type = #tpu.core_type<sc_vector_subcore>, window_params = [{transform_indices = #map}, {transform_indices = #map1}, {transform_indices = #map}, {transform_indices = #map1}]} {
    %mul3A = arith.constant 624 : i32
    %mul3A_0 = arith.muli %arg1, %mul3A : i32
    "tpu.region"() ({
      %run_scoped3A_318 = tpu.sem_alloc : memref<!tpu.dma_semaphore, #tpu.memory_space<semaphore_mem>>
      %dma_start3A_319 = arith.constant 0 : i32
      %dma_start3A_320 = tpu.memref_slice %arg9[%mul3A_0, %dma_start3A_319] : memref<10000x64xf32, #tpu.memory_space<vmem_shared>> -> memref<624x64xf32, #tpu.memory_space<vmem_shared>>
      tpu.enqueue_dma source(%arg4 : memref<624x64xf32, #tpu.memory_space<hbm>>) target(%dma_start3A_320 : memref<624x64xf32, #tpu.memory_space<vmem_shared>>) target_semaphore(%run_scoped3A_318 : memref<!tpu.dma_semaphore, #tpu.memory_space<semaphore_mem>>)
      %dma_wait3A_321 = arith.constant 0 : i32
      %dma_wait3A_322 = tpu.memref_slice %arg9[%mul3A_0, %dma_wait3A_321] : memref<10000x64xf32, #tpu.memory_space<vmem_shared>> -> memref<624x64xf32, #tpu.memory_space<vmem_shared>>
      tpu.wait_dma2 semaphore(%run_scoped3A_318 : memref<!tpu.dma_semaphore, #tpu.memory_space<semaphore_mem>>) src(%arg4 : memref<624x64xf32, #tpu.memory_space<hbm>>) dst(%dma_wait3A_322 : memref<624x64xf32, #tpu.memory_space<vmem_shared>>)
      tpu.yield
    }) : () -> ()
    %eq3A = arith.constant 0 : i32
    %eq3A_1 = arith.cmpi eq, %arg1, %eq3A : i32
    %convert_element_type3A = arith.extui %eq3A_1 : i1 to i32
    %cond3A = arith.constant 0 : i32
    %cond3A_2 = arith.cmpi ne, %convert_element_type3A, %cond3A : i32
    scf.if %cond3A_2 {
      "tpu.region"() ({
        %run_scoped3A_318 = tpu.sem_alloc : memref<!tpu.dma_semaphore, #tpu.memory_space<semaphore_mem>>
        %dma_start3A_319 = arith.constant 9984 : i32
        %dma_start3A_320 = arith.constant 0 : i32
        %dma_start3A_321 = tpu.memref_slice %arg9[%dma_start3A_319, %dma_start3A_320] : memref<10000x64xf32, #tpu.memory_space<vmem_shared>> -> memref<16x64xf32, #tpu.memory_space<vmem_shared>>
        %dma_start3A_322 = arith.constant 0 : i32
        %dma_start3A_323 = arith.constant 0 : i32
        %dma_start3A_324 = tpu.memref_slice %arg4[%dma_start3A_322, %dma_start3A_323] : memref<624x64xf32, #tpu.memory_space<hbm>> -> memref<16x64xf32, #tpu.memory_space<hbm>>
        tpu.enqueue_dma source(%dma_start3A_324 : memref<16x64xf32, #tpu.memory_space<hbm>>) target(%dma_start3A_321 : memref<16x64xf32, #tpu.memory_space<vmem_shared>>) target_semaphore(%run_scoped3A_318 : memref<!tpu.dma_semaphore, #tpu.memory_space<semaphore_mem>>)
        %dma_wait3A_325 = arith.constant 9984 : i32
        %dma_wait3A_326 = arith.constant 0 : i32
        %dma_wait3A_327 = tpu.memref_slice %arg9[%dma_wait3A_325, %dma_wait3A_326] : memref<10000x64xf32, #tpu.memory_space<vmem_shared>> -> memref<16x64xf32, #tpu.memory_space<vmem_shared>>
        %dma_wait3A_328 = arith.constant 0 : i32
        %dma_wait3A_329 = arith.constant 0 : i32
        %dma_wait3A_330 = tpu.memref_slice %arg4[%dma_wait3A_328, %dma_wait3A_329] : memref<624x64xf32, #tpu.memory_space<hbm>> -> memref<16x64xf32, #tpu.memory_space<hbm>>
        tpu.wait_dma2 semaphore(%run_scoped3A_318 : memref<!tpu.dma_semaphore, #tpu.memory_space<semaphore_mem>>) src(%dma_wait3A_330 : memref<16x64xf32, #tpu.memory_space<hbm>>) dst(%dma_wait3A_327 : memref<16x64xf32, #tpu.memory_space<vmem_shared>>)
        tpu.yield
      }) : () -> ()
    } else {
    }
    %barrier3A = arith.constant 0 : index
    tpu.barrier barrier_id(%barrier3A)
    %mul3A_3 = arith.constant 16 : i32
    %mul3A_4 = arith.muli %arg0, %mul3A_3 : i32
    %add3A = arith.addi %mul3A_4, %arg1 : i32
    %mul3A_5 = arith.constant 78 : i32
    %mul3A_6 = arith.muli %add3A, %mul3A_5 : i32
    %run_scoped3A = arith.constant 0 : i32
    "tpu.region"() ({
      %run_scoped3A_318 = tpu.sem_alloc : memref<!tpu.dma_semaphore, #tpu.memory_space<semaphore_mem>>
      %dma_start3A_319 = arith.constant 0 : i32
      %dma_start3A_320 = arith.constant 0 : i32
      %dma_start3A_321 = tpu.memref_slice %arg6[%dma_start3A_319, %dma_start3A_320] : memref<79x128xi32, #tpu.memory_space<vmem>> -> memref<78x128xi32, #tpu.memory_space<vmem>>
      %dma_start3A_322 = arith.constant 0 : i32
      %dma_start3A_323 = tpu.memref_slice %arg3[%run_scoped3A, %mul3A_6, %dma_start3A_322] : memref<2x2500x128xi32, #tpu.memory_space<hbm>> -> memref<1x78x128xi32, #tpu.memory_space<hbm>>
      %dma_start3A_324 = tpu.memref_squeeze %dma_start3A_323 : memref<1x78x128xi32, #tpu.memory_space<hbm>> -> memref<78x128xi32, #tpu.memory_space<hbm>>
      %dma_start3A_325 = arith.constant 0 : i32
      %dma_start3A_326 = arith.constant 0 : i32
      %dma_start3A_327 = tpu.memref_slice %arg6[%dma_start3A_325, %dma_start3A_326] : memref<79x128xi32, #tpu.memory_space<vmem>> -> memref<78x128xi32, #tpu.memory_space<vmem>>
      %dma_start3A_328 = arith.constant 0 : i32
      %dma_start3A_329 = tpu.memref_slice %arg3[%run_scoped3A, %mul3A_6, %dma_start3A_328] : memref<2x2500x128xi32, #tpu.memory_space<hbm>> -> memref<1x78x128xi32, #tpu.memory_space<hbm>>
      %dma_start3A_330 = tpu.memref_squeeze %dma_start3A_329 : memref<1x78x128xi32, #tpu.memory_space<hbm>> -> memref<78x128xi32, #tpu.memory_space<hbm>>
      tpu.enqueue_dma source(%dma_start3A_330 : memref<78x128xi32, #tpu.memory_space<hbm>>) target(%dma_start3A_327 : memref<78x128xi32, #tpu.memory_space<vmem>>) target_semaphore(%run_scoped3A_318 : memref<!tpu.dma_semaphore, #tpu.memory_space<semaphore_mem>>)
      %dma_wait3A_331 = arith.constant 0 : i32
      %dma_wait3A_332 = arith.constant 0 : i32
      %dma_wait3A_333 = tpu.memref_slice %arg6[%dma_wait3A_331, %dma_wait3A_332] : memref<79x128xi32, #tpu.memory_space<vmem>> -> memref<78x128xi32, #tpu.memory_space<vmem>>
      %dma_wait3A_334 = arith.constant 0 : i32
      %dma_wait3A_335 = tpu.memref_slice %arg3[%run_scoped3A, %mul3A_6, %dma_wait3A_334] : memref<2x2500x128xi32, #tpu.memory_space<hbm>> -> memref<1x78x128xi32, #tpu.memory_space<hbm>>
      %dma_wait3A_336 = tpu.memref_squeeze %dma_wait3A_335 : memref<1x78x128xi32, #tpu.memory_space<hbm>> -> memref<78x128xi32, #tpu.memory_space<hbm>>
      %dma_wait3A_337 = arith.constant 0 : i32
      %dma_wait3A_338 = arith.constant 0 : i32
      %dma_wait3A_339 = tpu.memref_slice %arg6[%dma_wait3A_337, %dma_wait3A_338] : memref<79x128xi32, #tpu.memory_space<vmem>> -> memref<78x128xi32, #tpu.memory_space<vmem>>
      %dma_wait3A_340 = arith.constant 0 : i32
      %dma_wait3A_341 = tpu.memref_slice %arg3[%run_scoped3A, %mul3A_6, %dma_wait3A_340] : memref<2x2500x128xi32, #tpu.memory_space<hbm>> -> memref<1x78x128xi32, #tpu.memory_space<hbm>>
      %dma_wait3A_342 = tpu.memref_squeeze %dma_wait3A_341 : memref<1x78x128xi32, #tpu.memory_space<hbm>> -> memref<78x128xi32, #tpu.memory_space<hbm>>
      tpu.wait_dma2 semaphore(%run_scoped3A_318 : memref<!tpu.dma_semaphore, #tpu.memory_space<semaphore_mem>>) src(%dma_wait3A_342 : memref<78x128xi32, #tpu.memory_space<hbm>>) dst(%dma_wait3A_339 : memref<78x128xi32, #tpu.memory_space<vmem>>)
      tpu.yield
    }) : () -> ()
    %run_scoped3A_7 = arith.constant 1 : i32
    "tpu.region"() ({
      %run_scoped3A_318 = tpu.sem_alloc : memref<!tpu.dma_semaphore, #tpu.memory_space<semaphore_mem>>
      %dma_start3A_319 = arith.constant 0 : i32
      %dma_start3A_320 = arith.constant 0 : i32
      %dma_start3A_321 = tpu.memref_slice %arg7[%dma_start3A_319, %dma_start3A_320] : memref<79x128xi32, #tpu.memory_space<vmem>> -> memref<78x128xi32, #tpu.memory_space<vmem>>
      %dma_start3A_322 = arith.constant 0 : i32
      %dma_start3A_323 = tpu.memref_slice %arg3[%run_scoped3A_7, %mul3A_6, %dma_start3A_322] : memref<2x2500x128xi32, #tpu.memory_space<hbm>> -> memref<1x78x128xi32, #tpu.memory_space<hbm>>
      %dma_start3A_324 = tpu.memref_squeeze %dma_start3A_323 : memref<1x78x128xi32, #tpu.memory_space<hbm>> -> memref<78x128xi32, #tpu.memory_space<hbm>>
      %dma_start3A_325 = arith.constant 0 : i32
      %dma_start3A_326 = arith.constant 0 : i32
      %dma_start3A_327 = tpu.memref_slice %arg7[%dma_start3A_325, %dma_start3A_326] : memref<79x128xi32, #tpu.memory_space<vmem>> -> memref<78x128xi32, #tpu.memory_space<vmem>>
      %dma_start3A_328 = arith.constant 0 : i32
      %dma_start3A_329 = tpu.memref_slice %arg3[%run_scoped3A_7, %mul3A_6, %dma_start3A_328] : memref<2x2500x128xi32, #tpu.memory_space<hbm>> -> memref<1x78x128xi32, #tpu.memory_space<hbm>>
      %dma_start3A_330 = tpu.memref_squeeze %dma_start3A_329 : memref<1x78x128xi32, #tpu.memory_space<hbm>> -> memref<78x128xi32, #tpu.memory_space<hbm>>
      tpu.enqueue_dma source(%dma_start3A_330 : memref<78x128xi32, #tpu.memory_space<hbm>>) target(%dma_start3A_327 : memref<78x128xi32, #tpu.memory_space<vmem>>) target_semaphore(%run_scoped3A_318 : memref<!tpu.dma_semaphore, #tpu.memory_space<semaphore_mem>>)
      %dma_wait3A_331 = arith.constant 0 : i32
      %dma_wait3A_332 = arith.constant 0 : i32
      %dma_wait3A_333 = tpu.memref_slice %arg7[%dma_wait3A_331, %dma_wait3A_332] : memref<79x128xi32, #tpu.memory_space<vmem>> -> memref<78x128xi32, #tpu.memory_space<vmem>>
      %dma_wait3A_334 = arith.constant 0 : i32
      %dma_wait3A_335 = tpu.memref_slice %arg3[%run_scoped3A_7, %mul3A_6, %dma_wait3A_334] : memref<2x2500x128xi32, #tpu.memory_space<hbm>> -> memref<1x78x128xi32, #tpu.memory_space<hbm>>
      %dma_wait3A_336 = tpu.memref_squeeze %dma_wait3A_335 : memref<1x78x128xi32, #tpu.memory_space<hbm>> -> memref<78x128xi32, #tpu.memory_space<hbm>>
      %dma_wait3A_337 = arith.constant 0 : i32
      %dma_wait3A_338 = arith.constant 0 : i32
      %dma_wait3A_339 = tpu.memref_slice %arg7[%dma_wait3A_337, %dma_wait3A_338] : memref<79x128xi32, #tpu.memory_space<vmem>> -> memref<78x128xi32, #tpu.memory_space<vmem>>
      %dma_wait3A_340 = arith.constant 0 : i32
      %dma_wait3A_341 = tpu.memref_slice %arg3[%run_scoped3A_7, %mul3A_6, %dma_wait3A_340] : memref<2x2500x128xi32, #tpu.memory_space<hbm>> -> memref<1x78x128xi32, #tpu.memory_space<hbm>>
      %dma_wait3A_342 = tpu.memref_squeeze %dma_wait3A_341 : memref<1x78x128xi32, #tpu.memory_space<hbm>> -> memref<78x128xi32, #tpu.memory_space<hbm>>
      tpu.wait_dma2 semaphore(%run_scoped3A_318 : memref<!tpu.dma_semaphore, #tpu.memory_space<semaphore_mem>>) src(%dma_wait3A_342 : memref<78x128xi32, #tpu.memory_space<hbm>>) dst(%dma_wait3A_339 : memref<78x128xi32, #tpu.memory_space<vmem>>)
      tpu.yield
    }) : () -> ()
    %lt3A = arith.constant 4 : i32
    %lt3A_8 = arith.cmpi slt, %add3A, %lt3A : i32
    %convert_element_type3A_9 = arith.extui %lt3A_8 : i1 to i32
    %cond3A_10 = arith.constant 0 : i32
    %cond3A_11 = arith.cmpi ne, %convert_element_type3A_9, %cond3A_10 : i32
    scf.if %cond3A_11 {
      %add3A_318 = arith.constant 2496 : i32
      %add3A_319 = arith.addi %add3A_318, %add3A : i32
      %run_scoped3A_320 = arith.constant 0 : i32
      "tpu.region"() ({
        %run_scoped3A_324 = tpu.sem_alloc : memref<!tpu.dma_semaphore, #tpu.memory_space<semaphore_mem>>
        %dma_start3A_325 = arith.constant 78 : i32
        %dma_start3A_326 = arith.constant 0 : i32
        %dma_start3A_327 = tpu.memref_slice %arg6[%dma_start3A_325, %dma_start3A_326] : memref<79x128xi32, #tpu.memory_space<vmem>> -> memref<1x128xi32, #tpu.memory_space<vmem>>
        %dma_start3A_328 = arith.constant 0 : i32
        %dma_start3A_329 = tpu.memref_slice %arg3[%run_scoped3A_320, %add3A_319, %dma_start3A_328] : memref<2x2500x128xi32, #tpu.memory_space<hbm>> -> memref<1x1x128xi32, #tpu.memory_space<hbm>>
        %dma_start3A_330 = tpu.memref_squeeze %dma_start3A_329 : memref<1x1x128xi32, #tpu.memory_space<hbm>> -> memref<1x128xi32, #tpu.memory_space<hbm>>
        %dma_start3A_331 = arith.constant 78 : i32
        %dma_start3A_332 = arith.constant 0 : i32
        %dma_start3A_333 = tpu.memref_slice %arg6[%dma_start3A_331, %dma_start3A_332] : memref<79x128xi32, #tpu.memory_space<vmem>> -> memref<1x128xi32, #tpu.memory_space<vmem>>
        %dma_start3A_334 = arith.constant 0 : i32
        %dma_start3A_335 = tpu.memref_slice %arg3[%run_scoped3A_320, %add3A_319, %dma_start3A_334] : memref<2x2500x128xi32, #tpu.memory_space<hbm>> -> memref<1x1x128xi32, #tpu.memory_space<hbm>>
        %dma_start3A_336 = tpu.memref_squeeze %dma_start3A_335 : memref<1x1x128xi32, #tpu.memory_space<hbm>> -> memref<1x128xi32, #tpu.memory_space<hbm>>
        tpu.enqueue_dma source(%dma_start3A_336 : memref<1x128xi32, #tpu.memory_space<hbm>>) target(%dma_start3A_333 : memref<1x128xi32, #tpu.memory_space<vmem>>) target_semaphore(%run_scoped3A_324 : memref<!tpu.dma_semaphore, #tpu.memory_space<semaphore_mem>>)
        %dma_wait3A_337 = arith.constant 78 : i32
        %dma_wait3A_338 = arith.constant 0 : i32
        %dma_wait3A_339 = tpu.memref_slice %arg6[%dma_wait3A_337, %dma_wait3A_338] : memref<79x128xi32, #tpu.memory_space<vmem>> -> memref<1x128xi32, #tpu.memory_space<vmem>>
        %dma_wait3A_340 = arith.constant 0 : i32
        %dma_wait3A_341 = tpu.memref_slice %arg3[%run_scoped3A_320, %add3A_319, %dma_wait3A_340] : memref<2x2500x128xi32, #tpu.memory_space<hbm>> -> memref<1x1x128xi32, #tpu.memory_space<hbm>>
        %dma_wait3A_342 = tpu.memref_squeeze %dma_wait3A_341 : memref<1x1x128xi32, #tpu.memory_space<hbm>> -> memref<1x128xi32, #tpu.memory_space<hbm>>
        %dma_wait3A_343 = arith.constant 78 : i32
        %dma_wait3A_344 = arith.constant 0 : i32
        %dma_wait3A_345 = tpu.memref_slice %arg6[%dma_wait3A_343, %dma_wait3A_344] : memref<79x128xi32, #tpu.memory_space<vmem>> -> memref<1x128xi32, #tpu.memory_space<vmem>>
        %dma_wait3A_346 = arith.constant 0 : i32
        %dma_wait3A_347 = tpu.memref_slice %arg3[%run_scoped3A_320, %add3A_319, %dma_wait3A_346] : memref<2x2500x128xi32, #tpu.memory_space<hbm>> -> memref<1x1x128xi32, #tpu.memory_space<hbm>>
        %dma_wait3A_348 = tpu.memref_squeeze %dma_wait3A_347 : memref<1x1x128xi32, #tpu.memory_space<hbm>> -> memref<1x128xi32, #tpu.memory_space<hbm>>
        tpu.wait_dma2 semaphore(%run_scoped3A_324 : memref<!tpu.dma_semaphore, #tpu.memory_space<semaphore_mem>>) src(%dma_wait3A_348 : memref<1x128xi32, #tpu.memory_space<hbm>>) dst(%dma_wait3A_345 : memref<1x128xi32, #tpu.memory_space<vmem>>)
        tpu.yield
      }) : () -> ()
      %add3A_321 = arith.constant 2496 : i32
      %add3A_322 = arith.addi %add3A_321, %add3A : i32
      %run_scoped3A_323 = arith.constant 1 : i32
      "tpu.region"() ({
        %run_scoped3A_324 = tpu.sem_alloc : memref<!tpu.dma_semaphore, #tpu.memory_space<semaphore_mem>>
        %dma_start3A_325 = arith.constant 78 : i32
        %dma_start3A_326 = arith.constant 0 : i32
        %dma_start3A_327 = tpu.memref_slice %arg7[%dma_start3A_325, %dma_start3A_326] : memref<79x128xi32, #tpu.memory_space<vmem>> -> memref<1x128xi32, #tpu.memory_space<vmem>>
        %dma_start3A_328 = arith.constant 0 : i32
        %dma_start3A_329 = tpu.memref_slice %arg3[%run_scoped3A_323, %add3A_322, %dma_start3A_328] : memref<2x2500x128xi32, #tpu.memory_space<hbm>> -> memref<1x1x128xi32, #tpu.memory_space<hbm>>
        %dma_start3A_330 = tpu.memref_squeeze %dma_start3A_329 : memref<1x1x128xi32, #tpu.memory_space<hbm>> -> memref<1x128xi32, #tpu.memory_space<hbm>>
        %dma_start3A_331 = arith.constant 78 : i32
        %dma_start3A_332 = arith.constant 0 : i32
        %dma_start3A_333 = tpu.memref_slice %arg7[%dma_start3A_331, %dma_start3A_332] : memref<79x128xi32, #tpu.memory_space<vmem>> -> memref<1x128xi32, #tpu.memory_space<vmem>>
        %dma_start3A_334 = arith.constant 0 : i32
        %dma_start3A_335 = tpu.memref_slice %arg3[%run_scoped3A_323, %add3A_322, %dma_start3A_334] : memref<2x2500x128xi32, #tpu.memory_space<hbm>> -> memref<1x1x128xi32, #tpu.memory_space<hbm>>
        %dma_start3A_336 = tpu.memref_squeeze %dma_start3A_335 : memref<1x1x128xi32, #tpu.memory_space<hbm>> -> memref<1x128xi32, #tpu.memory_space<hbm>>
        tpu.enqueue_dma source(%dma_start3A_336 : memref<1x128xi32, #tpu.memory_space<hbm>>) target(%dma_start3A_333 : memref<1x128xi32, #tpu.memory_space<vmem>>) target_semaphore(%run_scoped3A_324 : memref<!tpu.dma_semaphore, #tpu.memory_space<semaphore_mem>>)
        %dma_wait3A_337 = arith.constant 78 : i32
        %dma_wait3A_338 = arith.constant 0 : i32
        %dma_wait3A_339 = tpu.memref_slice %arg7[%dma_wait3A_337, %dma_wait3A_338] : memref<79x128xi32, #tpu.memory_space<vmem>> -> memref<1x128xi32, #tpu.memory_space<vmem>>
        %dma_wait3A_340 = arith.constant 0 : i32
        %dma_wait3A_341 = tpu.memref_slice %arg3[%run_scoped3A_323, %add3A_322, %dma_wait3A_340] : memref<2x2500x128xi32, #tpu.memory_space<hbm>> -> memref<1x1x128xi32, #tpu.memory_space<hbm>>
        %dma_wait3A_342 = tpu.memref_squeeze %dma_wait3A_341 : memref<1x1x128xi32, #tpu.memory_space<hbm>> -> memref<1x128xi32, #tpu.memory_space<hbm>>
        %dma_wait3A_343 = arith.constant 78 : i32
        %dma_wait3A_344 = arith.constant 0 : i32
        %dma_wait3A_345 = tpu.memref_slice %arg7[%dma_wait3A_343, %dma_wait3A_344] : memref<79x128xi32, #tpu.memory_space<vmem>> -> memref<1x128xi32, #tpu.memory_space<vmem>>
        %dma_wait3A_346 = arith.constant 0 : i32
        %dma_wait3A_347 = tpu.memref_slice %arg3[%run_scoped3A_323, %add3A_322, %dma_wait3A_346] : memref<2x2500x128xi32, #tpu.memory_space<hbm>> -> memref<1x1x128xi32, #tpu.memory_space<hbm>>
        %dma_wait3A_348 = tpu.memref_squeeze %dma_wait3A_347 : memref<1x1x128xi32, #tpu.memory_space<hbm>> -> memref<1x128xi32, #tpu.memory_space<hbm>>
        tpu.wait_dma2 semaphore(%run_scoped3A_324 : memref<!tpu.dma_semaphore, #tpu.memory_space<semaphore_mem>>) src(%dma_wait3A_348 : memref<1x128xi32, #tpu.memory_space<hbm>>) dst(%dma_wait3A_345 : memref<1x128xi32, #tpu.memory_space<vmem>>)
        tpu.yield
      }) : () -> ()
    } else {
    }
    %dma_start3A = arith.constant 0 : i32
    %dma_start3A_12 = arith.constant 0 : i32
    %dma_start3A_13 = arith.constant 0 : i32
    %dma_start3A_14 = arith.constant 0 : i32
    %dma_start3A_15 = tpu.memref_slice %arg8[%dma_start3A_12, %dma_start3A_13, %dma_start3A_14] : memref<6x128x64xf32, #tpu.memory_space<vmem>> -> memref<1x128x64xf32, #tpu.memory_space<vmem>>
    %dma_start3A_16 = tpu.memref_squeeze %dma_start3A_15 : memref<1x128x64xf32, #tpu.memory_space<vmem>> -> memref<128x64xf32, #tpu.memory_space<vmem>>
    %dma_start3A_17 = arith.constant 0 : i32
    %dma_start3A_18 = tpu.memref_slice %arg6[%dma_start3A, %dma_start3A_17] : memref<79x128xi32, #tpu.memory_space<vmem>> -> memref<1x128xi32, #tpu.memory_space<vmem>>
    %dma_start3A_19 = tpu.memref_squeeze %dma_start3A_18 : memref<1x128xi32, #tpu.memory_space<vmem>> -> memref<128xi32, #tpu.memory_space<vmem>>
    %dma_start3A_20 = arith.constant 0 : i32
    %dma_start3A_21 = arith.constant 0 : i32
    %dma_start3A_22 = tpu.memref_slice %arg2[%dma_start3A_20, %dma_start3A_21] : memref<10000x64xf32, #tpu.memory_space<hbm>> -> memref<10000x64xf32, #tpu.memory_space<hbm>>
    tpu.enqueue_indirect_dma source(%dma_start3A_22 : memref<10000x64xf32, #tpu.memory_space<hbm>>) target(%dma_start3A_16 : memref<128x64xf32, #tpu.memory_space<vmem>>) offsets(%dma_start3A_19 : memref<128xi32, #tpu.memory_space<vmem>>) semaphore(%arg10 : memref<!tpu.dma_semaphore, #tpu.memory_space<semaphore_mem>>)
    %dma_start3A_23 = arith.constant 1 : i32
    %dma_start3A_24 = arith.constant 1 : i32
    %dma_start3A_25 = arith.constant 0 : i32
    %dma_start3A_26 = arith.constant 0 : i32
    %dma_start3A_27 = tpu.memref_slice %arg8[%dma_start3A_24, %dma_start3A_25, %dma_start3A_26] : memref<6x128x64xf32, #tpu.memory_space<vmem>> -> memref<1x128x64xf32, #tpu.memory_space<vmem>>
    %dma_start3A_28 = tpu.memref_squeeze %dma_start3A_27 : memref<1x128x64xf32, #tpu.memory_space<vmem>> -> memref<128x64xf32, #tpu.memory_space<vmem>>
    %dma_start3A_29 = arith.constant 0 : i32
    %dma_start3A_30 = tpu.memref_slice %arg6[%dma_start3A_23, %dma_start3A_29] : memref<79x128xi32, #tpu.memory_space<vmem>> -> memref<1x128xi32, #tpu.memory_space<vmem>>
    %dma_start3A_31 = tpu.memref_squeeze %dma_start3A_30 : memref<1x128xi32, #tpu.memory_space<vmem>> -> memref<128xi32, #tpu.memory_space<vmem>>
    %dma_start3A_32 = arith.constant 0 : i32
    %dma_start3A_33 = arith.constant 0 : i32
    %dma_start3A_34 = tpu.memref_slice %arg2[%dma_start3A_32, %dma_start3A_33] : memref<10000x64xf32, #tpu.memory_space<hbm>> -> memref<10000x64xf32, #tpu.memory_space<hbm>>
    tpu.enqueue_indirect_dma source(%dma_start3A_34 : memref<10000x64xf32, #tpu.memory_space<hbm>>) target(%dma_start3A_28 : memref<128x64xf32, #tpu.memory_space<vmem>>) offsets(%dma_start3A_31 : memref<128xi32, #tpu.memory_space<vmem>>) semaphore(%arg11 : memref<!tpu.dma_semaphore, #tpu.memory_space<semaphore_mem>>)
    %dma_start3A_35 = arith.constant 2 : i32
    %dma_start3A_36 = arith.constant 2 : i32
    %dma_start3A_37 = arith.constant 0 : i32
    %dma_start3A_38 = arith.constant 0 : i32
    %dma_start3A_39 = tpu.memref_slice %arg8[%dma_start3A_36, %dma_start3A_37, %dma_start3A_38] : memref<6x128x64xf32, #tpu.memory_space<vmem>> -> memref<1x128x64xf32, #tpu.memory_space<vmem>>
    %dma_start3A_40 = tpu.memref_squeeze %dma_start3A_39 : memref<1x128x64xf32, #tpu.memory_space<vmem>> -> memref<128x64xf32, #tpu.memory_space<vmem>>
    %dma_start3A_41 = arith.constant 0 : i32
    %dma_start3A_42 = tpu.memref_slice %arg6[%dma_start3A_35, %dma_start3A_41] : memref<79x128xi32, #tpu.memory_space<vmem>> -> memref<1x128xi32, #tpu.memory_space<vmem>>
    %dma_start3A_43 = tpu.memref_squeeze %dma_start3A_42 : memref<1x128xi32, #tpu.memory_space<vmem>> -> memref<128xi32, #tpu.memory_space<vmem>>
    %dma_start3A_44 = arith.constant 0 : i32
    %dma_start3A_45 = arith.constant 0 : i32
    %dma_start3A_46 = tpu.memref_slice %arg2[%dma_start3A_44, %dma_start3A_45] : memref<10000x64xf32, #tpu.memory_space<hbm>> -> memref<10000x64xf32, #tpu.memory_space<hbm>>
    tpu.enqueue_indirect_dma source(%dma_start3A_46 : memref<10000x64xf32, #tpu.memory_space<hbm>>) target(%dma_start3A_40 : memref<128x64xf32, #tpu.memory_space<vmem>>) offsets(%dma_start3A_43 : memref<128xi32, #tpu.memory_space<vmem>>) semaphore(%arg12 : memref<!tpu.dma_semaphore, #tpu.memory_space<semaphore_mem>>)
    %dma_start3A_47 = arith.constant 3 : i32
    %dma_start3A_48 = arith.constant 3 : i32
    %dma_start3A_49 = arith.constant 0 : i32
    %dma_start3A_50 = arith.constant 0 : i32
    %dma_start3A_51 = tpu.memref_slice %arg8[%dma_start3A_48, %dma_start3A_49, %dma_start3A_50] : memref<6x128x64xf32, #tpu.memory_space<vmem>> -> memref<1x128x64xf32, #tpu.memory_space<vmem>>
    %dma_start3A_52 = tpu.memref_squeeze %dma_start3A_51 : memref<1x128x64xf32, #tpu.memory_space<vmem>> -> memref<128x64xf32, #tpu.memory_space<vmem>>
    %dma_start3A_53 = arith.constant 0 : i32
    %dma_start3A_54 = tpu.memref_slice %arg6[%dma_start3A_47, %dma_start3A_53] : memref<79x128xi32, #tpu.memory_space<vmem>> -> memref<1x128xi32, #tpu.memory_space<vmem>>
    %dma_start3A_55 = tpu.memref_squeeze %dma_start3A_54 : memref<1x128xi32, #tpu.memory_space<vmem>> -> memref<128xi32, #tpu.memory_space<vmem>>
    %dma_start3A_56 = arith.constant 0 : i32
    %dma_start3A_57 = arith.constant 0 : i32
    %dma_start3A_58 = tpu.memref_slice %arg2[%dma_start3A_56, %dma_start3A_57] : memref<10000x64xf32, #tpu.memory_space<hbm>> -> memref<10000x64xf32, #tpu.memory_space<hbm>>
    tpu.enqueue_indirect_dma source(%dma_start3A_58 : memref<10000x64xf32, #tpu.memory_space<hbm>>) target(%dma_start3A_52 : memref<128x64xf32, #tpu.memory_space<vmem>>) offsets(%dma_start3A_55 : memref<128xi32, #tpu.memory_space<vmem>>) semaphore(%arg13 : memref<!tpu.dma_semaphore, #tpu.memory_space<semaphore_mem>>)
    %dma_start3A_59 = arith.constant 4 : i32
    %dma_start3A_60 = arith.constant 4 : i32
    %dma_start3A_61 = arith.constant 0 : i32
    %dma_start3A_62 = arith.constant 0 : i32
    %dma_start3A_63 = tpu.memref_slice %arg8[%dma_start3A_60, %dma_start3A_61, %dma_start3A_62] : memref<6x128x64xf32, #tpu.memory_space<vmem>> -> memref<1x128x64xf32, #tpu.memory_space<vmem>>
    %dma_start3A_64 = tpu.memref_squeeze %dma_start3A_63 : memref<1x128x64xf32, #tpu.memory_space<vmem>> -> memref<128x64xf32, #tpu.memory_space<vmem>>
    %dma_start3A_65 = arith.constant 0 : i32
    %dma_start3A_66 = tpu.memref_slice %arg6[%dma_start3A_59, %dma_start3A_65] : memref<79x128xi32, #tpu.memory_space<vmem>> -> memref<1x128xi32, #tpu.memory_space<vmem>>
    %dma_start3A_67 = tpu.memref_squeeze %dma_start3A_66 : memref<1x128xi32, #tpu.memory_space<vmem>> -> memref<128xi32, #tpu.memory_space<vmem>>
    %dma_start3A_68 = arith.constant 0 : i32
    %dma_start3A_69 = arith.constant 0 : i32
    %dma_start3A_70 = tpu.memref_slice %arg2[%dma_start3A_68, %dma_start3A_69] : memref<10000x64xf32, #tpu.memory_space<hbm>> -> memref<10000x64xf32, #tpu.memory_space<hbm>>
    tpu.enqueue_indirect_dma source(%dma_start3A_70 : memref<10000x64xf32, #tpu.memory_space<hbm>>) target(%dma_start3A_64 : memref<128x64xf32, #tpu.memory_space<vmem>>) offsets(%dma_start3A_67 : memref<128xi32, #tpu.memory_space<vmem>>) semaphore(%arg14 : memref<!tpu.dma_semaphore, #tpu.memory_space<semaphore_mem>>)
    %dma_start3A_71 = arith.constant 5 : i32
    %dma_start3A_72 = arith.constant 5 : i32
    %dma_start3A_73 = arith.constant 0 : i32
    %dma_start3A_74 = arith.constant 0 : i32
    %dma_start3A_75 = tpu.memref_slice %arg8[%dma_start3A_72, %dma_start3A_73, %dma_start3A_74] : memref<6x128x64xf32, #tpu.memory_space<vmem>> -> memref<1x128x64xf32, #tpu.memory_space<vmem>>
    %dma_start3A_76 = tpu.memref_squeeze %dma_start3A_75 : memref<1x128x64xf32, #tpu.memory_space<vmem>> -> memref<128x64xf32, #tpu.memory_space<vmem>>
    %dma_start3A_77 = arith.constant 0 : i32
    %dma_start3A_78 = tpu.memref_slice %arg6[%dma_start3A_71, %dma_start3A_77] : memref<79x128xi32, #tpu.memory_space<vmem>> -> memref<1x128xi32, #tpu.memory_space<vmem>>
    %dma_start3A_79 = tpu.memref_squeeze %dma_start3A_78 : memref<1x128xi32, #tpu.memory_space<vmem>> -> memref<128xi32, #tpu.memory_space<vmem>>
    %dma_start3A_80 = arith.constant 0 : i32
    %dma_start3A_81 = arith.constant 0 : i32
    %dma_start3A_82 = tpu.memref_slice %arg2[%dma_start3A_80, %dma_start3A_81] : memref<10000x64xf32, #tpu.memory_space<hbm>> -> memref<10000x64xf32, #tpu.memory_space<hbm>>
    tpu.enqueue_indirect_dma source(%dma_start3A_82 : memref<10000x64xf32, #tpu.memory_space<hbm>>) target(%dma_start3A_76 : memref<128x64xf32, #tpu.memory_space<vmem>>) offsets(%dma_start3A_79 : memref<128xi32, #tpu.memory_space<vmem>>) semaphore(%arg15 : memref<!tpu.dma_semaphore, #tpu.memory_space<semaphore_mem>>)
    %scan3A = arith.constant 0 : i32
    %scan3A_83 = arith.constant 0 : i32
    %scan3A_84 = arith.constant 12 : i32
    %scan3A_85 = arith.addi %scan3A_83, %scan3A_84 : i32
    %scan3A_86 = arith.constant 1 : i32
    scf.for %scan3A_318 = %scan3A_83 to %scan3A_85 step %scan3A_86  : i32 {
      %mul3A_319 = arith.constant 6 : i32
      %mul3A_320 = arith.muli %scan3A_318, %mul3A_319 : i32
      %add3A_321 = arith.constant 0 : i32
      %add3A_322 = arith.addi %mul3A_320, %add3A_321 : i32
      %dma_wait3A_323 = arith.constant 0 : i32
      %dma_wait3A_324 = arith.constant 0 : i32
      %dma_wait3A_325 = arith.constant 0 : i32
      %dma_wait3A_326 = tpu.memref_slice %arg8[%dma_wait3A_323, %dma_wait3A_324, %dma_wait3A_325] : memref<6x128x64xf32, #tpu.memory_space<vmem>> -> memref<1x128x64xf32, #tpu.memory_space<vmem>>
      %dma_wait3A_327 = tpu.memref_squeeze %dma_wait3A_326 : memref<1x128x64xf32, #tpu.memory_space<vmem>> -> memref<128x64xf32, #tpu.memory_space<vmem>>
      %dma_wait3A_328 = arith.constant 0 : i32
      %dma_wait3A_329 = tpu.memref_slice %arg6[%add3A_322, %dma_wait3A_328] : memref<79x128xi32, #tpu.memory_space<vmem>> -> memref<1x128xi32, #tpu.memory_space<vmem>>
      %dma_wait3A_330 = tpu.memref_squeeze %dma_wait3A_329 : memref<1x128xi32, #tpu.memory_space<vmem>> -> memref<128xi32, #tpu.memory_space<vmem>>
      %dma_wait3A_331 = arith.constant 0 : i32
      %dma_wait3A_332 = arith.constant 0 : i32
      %dma_wait3A_333 = tpu.memref_slice %arg2[%dma_wait3A_331, %dma_wait3A_332] : memref<10000x64xf32, #tpu.memory_space<hbm>> -> memref<10000x64xf32, #tpu.memory_space<hbm>>
      tpu.wait_indirect_dma semaphore(%arg10 : memref<!tpu.dma_semaphore, #tpu.memory_space<semaphore_mem>>) src(%dma_wait3A_333 : memref<10000x64xf32, #tpu.memory_space<hbm>>) dst(%dma_wait3A_327 : memref<128x64xf32, #tpu.memory_space<vmem>>)
      %add3A_334 = arith.constant 0 : i32
      %add3A_335 = arith.addi %mul3A_320, %add3A_334 : i32
      %dma_start3A_336 = arith.constant 0 : i32
      %dma_start3A_337 = arith.constant 0 : i32
      %dma_start3A_338 = arith.constant 0 : i32
      %dma_start3A_339 = tpu.memref_slice %arg8[%dma_start3A_336, %dma_start3A_337, %dma_start3A_338] : memref<6x128x64xf32, #tpu.memory_space<vmem>> -> memref<1x128x64xf32, #tpu.memory_space<vmem>>
      %dma_start3A_340 = tpu.memref_squeeze %dma_start3A_339 : memref<1x128x64xf32, #tpu.memory_space<vmem>> -> memref<128x64xf32, #tpu.memory_space<vmem>>
      %dma_start3A_341 = arith.constant 0 : i32
      %dma_start3A_342 = tpu.memref_slice %arg7[%add3A_335, %dma_start3A_341] : memref<79x128xi32, #tpu.memory_space<vmem>> -> memref<1x128xi32, #tpu.memory_space<vmem>>
      %dma_start3A_343 = tpu.memref_squeeze %dma_start3A_342 : memref<1x128xi32, #tpu.memory_space<vmem>> -> memref<128xi32, #tpu.memory_space<vmem>>
      %dma_start3A_344 = arith.constant 0 : i32
      %dma_start3A_345 = arith.constant 0 : i32
      %dma_start3A_346 = tpu.memref_slice %arg9[%dma_start3A_344, %dma_start3A_345] : memref<10000x64xf32, #tpu.memory_space<vmem_shared>> -> memref<10000x64xf32, #tpu.memory_space<vmem_shared>>
      tpu.enqueue_indirect_dma source(%dma_start3A_340 : memref<128x64xf32, #tpu.memory_space<vmem>>) target(%dma_start3A_346 : memref<10000x64xf32, #tpu.memory_space<vmem_shared>>) offsets(%dma_start3A_343 : memref<128xi32, #tpu.memory_space<vmem>>) semaphore(%arg16 : memref<!tpu.dma_semaphore, #tpu.memory_space<semaphore_mem>>) {add = true}
      %add3A_347 = arith.constant 1 : i32
      %add3A_348 = arith.addi %mul3A_320, %add3A_347 : i32
      %dma_wait3A_349 = arith.constant 1 : i32
      %dma_wait3A_350 = arith.constant 0 : i32
      %dma_wait3A_351 = arith.constant 0 : i32
      %dma_wait3A_352 = tpu.memref_slice %arg8[%dma_wait3A_349, %dma_wait3A_350, %dma_wait3A_351] : memref<6x128x64xf32, #tpu.memory_space<vmem>> -> memref<1x128x64xf32, #tpu.memory_space<vmem>>
      %dma_wait3A_353 = tpu.memref_squeeze %dma_wait3A_352 : memref<1x128x64xf32, #tpu.memory_space<vmem>> -> memref<128x64xf32, #tpu.memory_space<vmem>>
      %dma_wait3A_354 = arith.constant 0 : i32
      %dma_wait3A_355 = tpu.memref_slice %arg6[%add3A_348, %dma_wait3A_354] : memref<79x128xi32, #tpu.memory_space<vmem>> -> memref<1x128xi32, #tpu.memory_space<vmem>>
      %dma_wait3A_356 = tpu.memref_squeeze %dma_wait3A_355 : memref<1x128xi32, #tpu.memory_space<vmem>> -> memref<128xi32, #tpu.memory_space<vmem>>
      %dma_wait3A_357 = arith.constant 0 : i32
      %dma_wait3A_358 = arith.constant 0 : i32
      %dma_wait3A_359 = tpu.memref_slice %arg2[%dma_wait3A_357, %dma_wait3A_358] : memref<10000x64xf32, #tpu.memory_space<hbm>> -> memref<10000x64xf32, #tpu.memory_space<hbm>>
      tpu.wait_indirect_dma semaphore(%arg11 : memref<!tpu.dma_semaphore, #tpu.memory_space<semaphore_mem>>) src(%dma_wait3A_359 : memref<10000x64xf32, #tpu.memory_space<hbm>>) dst(%dma_wait3A_353 : memref<128x64xf32, #tpu.memory_space<vmem>>)
      %add3A_360 = arith.constant 1 : i32
      %add3A_361 = arith.addi %mul3A_320, %add3A_360 : i32
      %dma_start3A_362 = arith.constant 1 : i32
      %dma_start3A_363 = arith.constant 0 : i32
      %dma_start3A_364 = arith.constant 0 : i32
      %dma_start3A_365 = tpu.memref_slice %arg8[%dma_start3A_362, %dma_start3A_363, %dma_start3A_364] : memref<6x128x64xf32, #tpu.memory_space<vmem>> -> memref<1x128x64xf32, #tpu.memory_space<vmem>>
      %dma_start3A_366 = tpu.memref_squeeze %dma_start3A_365 : memref<1x128x64xf32, #tpu.memory_space<vmem>> -> memref<128x64xf32, #tpu.memory_space<vmem>>
      %dma_start3A_367 = arith.constant 0 : i32
      %dma_start3A_368 = tpu.memref_slice %arg7[%add3A_361, %dma_start3A_367] : memref<79x128xi32, #tpu.memory_space<vmem>> -> memref<1x128xi32, #tpu.memory_space<vmem>>
      %dma_start3A_369 = tpu.memref_squeeze %dma_start3A_368 : memref<1x128xi32, #tpu.memory_space<vmem>> -> memref<128xi32, #tpu.memory_space<vmem>>
      %dma_start3A_370 = arith.constant 0 : i32
      %dma_start3A_371 = arith.constant 0 : i32
      %dma_start3A_372 = tpu.memref_slice %arg9[%dma_start3A_370, %dma_start3A_371] : memref<10000x64xf32, #tpu.memory_space<vmem_shared>> -> memref<10000x64xf32, #tpu.memory_space<vmem_shared>>
      tpu.enqueue_indirect_dma source(%dma_start3A_366 : memref<128x64xf32, #tpu.memory_space<vmem>>) target(%dma_start3A_372 : memref<10000x64xf32, #tpu.memory_space<vmem_shared>>) offsets(%dma_start3A_369 : memref<128xi32, #tpu.memory_space<vmem>>) semaphore(%arg17 : memref<!tpu.dma_semaphore, #tpu.memory_space<semaphore_mem>>) {add = true}
      %add3A_373 = arith.constant 2 : i32
      %add3A_374 = arith.addi %mul3A_320, %add3A_373 : i32
      %dma_wait3A_375 = arith.constant 2 : i32
      %dma_wait3A_376 = arith.constant 0 : i32
      %dma_wait3A_377 = arith.constant 0 : i32
      %dma_wait3A_378 = tpu.memref_slice %arg8[%dma_wait3A_375, %dma_wait3A_376, %dma_wait3A_377] : memref<6x128x64xf32, #tpu.memory_space<vmem>> -> memref<1x128x64xf32, #tpu.memory_space<vmem>>
      %dma_wait3A_379 = tpu.memref_squeeze %dma_wait3A_378 : memref<1x128x64xf32, #tpu.memory_space<vmem>> -> memref<128x64xf32, #tpu.memory_space<vmem>>
      %dma_wait3A_380 = arith.constant 0 : i32
      %dma_wait3A_381 = tpu.memref_slice %arg6[%add3A_374, %dma_wait3A_380] : memref<79x128xi32, #tpu.memory_space<vmem>> -> memref<1x128xi32, #tpu.memory_space<vmem>>
      %dma_wait3A_382 = tpu.memref_squeeze %dma_wait3A_381 : memref<1x128xi32, #tpu.memory_space<vmem>> -> memref<128xi32, #tpu.memory_space<vmem>>
      %dma_wait3A_383 = arith.constant 0 : i32
      %dma_wait3A_384 = arith.constant 0 : i32
      %dma_wait3A_385 = tpu.memref_slice %arg2[%dma_wait3A_383, %dma_wait3A_384] : memref<10000x64xf32, #tpu.memory_space<hbm>> -> memref<10000x64xf32, #tpu.memory_space<hbm>>
      tpu.wait_indirect_dma semaphore(%arg12 : memref<!tpu.dma_semaphore, #tpu.memory_space<semaphore_mem>>) src(%dma_wait3A_385 : memref<10000x64xf32, #tpu.memory_space<hbm>>) dst(%dma_wait3A_379 : memref<128x64xf32, #tpu.memory_space<vmem>>)
      %add3A_386 = arith.constant 2 : i32
      %add3A_387 = arith.addi %mul3A_320, %add3A_386 : i32
      %dma_start3A_388 = arith.constant 2 : i32
      %dma_start3A_389 = arith.constant 0 : i32
      %dma_start3A_390 = arith.constant 0 : i32
      %dma_start3A_391 = tpu.memref_slice %arg8[%dma_start3A_388, %dma_start3A_389, %dma_start3A_390] : memref<6x128x64xf32, #tpu.memory_space<vmem>> -> memref<1x128x64xf32, #tpu.memory_space<vmem>>
      %dma_start3A_392 = tpu.memref_squeeze %dma_start3A_391 : memref<1x128x64xf32, #tpu.memory_space<vmem>> -> memref<128x64xf32, #tpu.memory_space<vmem>>
      %dma_start3A_393 = arith.constant 0 : i32
      %dma_start3A_394 = tpu.memref_slice %arg7[%add3A_387, %dma_start3A_393] : memref<79x128xi32, #tpu.memory_space<vmem>> -> memref<1x128xi32, #tpu.memory_space<vmem>>
      %dma_start3A_395 = tpu.memref_squeeze %dma_start3A_394 : memref<1x128xi32, #tpu.memory_space<vmem>> -> memref<128xi32, #tpu.memory_space<vmem>>
      %dma_start3A_396 = arith.constant 0 : i32
      %dma_start3A_397 = arith.constant 0 : i32
      %dma_start3A_398 = tpu.memref_slice %arg9[%dma_start3A_396, %dma_start3A_397] : memref<10000x64xf32, #tpu.memory_space<vmem_shared>> -> memref<10000x64xf32, #tpu.memory_space<vmem_shared>>
      tpu.enqueue_indirect_dma source(%dma_start3A_392 : memref<128x64xf32, #tpu.memory_space<vmem>>) target(%dma_start3A_398 : memref<10000x64xf32, #tpu.memory_space<vmem_shared>>) offsets(%dma_start3A_395 : memref<128xi32, #tpu.memory_space<vmem>>) semaphore(%arg18 : memref<!tpu.dma_semaphore, #tpu.memory_space<semaphore_mem>>) {add = true}
      %add3A_399 = arith.constant 3 : i32
      %add3A_400 = arith.addi %mul3A_320, %add3A_399 : i32
      %dma_wait3A_401 = arith.constant 3 : i32
      %dma_wait3A_402 = arith.constant 0 : i32
      %dma_wait3A_403 = arith.constant 0 : i32
      %dma_wait3A_404 = tpu.memref_slice %arg8[%dma_wait3A_401, %dma_wait3A_402, %dma_wait3A_403] : memref<6x128x64xf32, #tpu.memory_space<vmem>> -> memref<1x128x64xf32, #tpu.memory_space<vmem>>
      %dma_wait3A_405 = tpu.memref_squeeze %dma_wait3A_404 : memref<1x128x64xf32, #tpu.memory_space<vmem>> -> memref<128x64xf32, #tpu.memory_space<vmem>>
      %dma_wait3A_406 = arith.constant 0 : i32
      %dma_wait3A_407 = tpu.memref_slice %arg6[%add3A_400, %dma_wait3A_406] : memref<79x128xi32, #tpu.memory_space<vmem>> -> memref<1x128xi32, #tpu.memory_space<vmem>>
      %dma_wait3A_408 = tpu.memref_squeeze %dma_wait3A_407 : memref<1x128xi32, #tpu.memory_space<vmem>> -> memref<128xi32, #tpu.memory_space<vmem>>
      %dma_wait3A_409 = arith.constant 0 : i32
      %dma_wait3A_410 = arith.constant 0 : i32
      %dma_wait3A_411 = tpu.memref_slice %arg2[%dma_wait3A_409, %dma_wait3A_410] : memref<10000x64xf32, #tpu.memory_space<hbm>> -> memref<10000x64xf32, #tpu.memory_space<hbm>>
      tpu.wait_indirect_dma semaphore(%arg13 : memref<!tpu.dma_semaphore, #tpu.memory_space<semaphore_mem>>) src(%dma_wait3A_411 : memref<10000x64xf32, #tpu.memory_space<hbm>>) dst(%dma_wait3A_405 : memref<128x64xf32, #tpu.memory_space<vmem>>)
      %add3A_412 = arith.constant 3 : i32
      %add3A_413 = arith.addi %mul3A_320, %add3A_412 : i32
      %dma_start3A_414 = arith.constant 3 : i32
      %dma_start3A_415 = arith.constant 0 : i32
      %dma_start3A_416 = arith.constant 0 : i32
      %dma_start3A_417 = tpu.memref_slice %arg8[%dma_start3A_414, %dma_start3A_415, %dma_start3A_416] : memref<6x128x64xf32, #tpu.memory_space<vmem>> -> memref<1x128x64xf32, #tpu.memory_space<vmem>>
      %dma_start3A_418 = tpu.memref_squeeze %dma_start3A_417 : memref<1x128x64xf32, #tpu.memory_space<vmem>> -> memref<128x64xf32, #tpu.memory_space<vmem>>
      %dma_start3A_419 = arith.constant 0 : i32
      %dma_start3A_420 = tpu.memref_slice %arg7[%add3A_413, %dma_start3A_419] : memref<79x128xi32, #tpu.memory_space<vmem>> -> memref<1x128xi32, #tpu.memory_space<vmem>>
      %dma_start3A_421 = tpu.memref_squeeze %dma_start3A_420 : memref<1x128xi32, #tpu.memory_space<vmem>> -> memref<128xi32, #tpu.memory_space<vmem>>
      %dma_start3A_422 = arith.constant 0 : i32
      %dma_start3A_423 = arith.constant 0 : i32
      %dma_start3A_424 = tpu.memref_slice %arg9[%dma_start3A_422, %dma_start3A_423] : memref<10000x64xf32, #tpu.memory_space<vmem_shared>> -> memref<10000x64xf32, #tpu.memory_space<vmem_shared>>
      tpu.enqueue_indirect_dma source(%dma_start3A_418 : memref<128x64xf32, #tpu.memory_space<vmem>>) target(%dma_start3A_424 : memref<10000x64xf32, #tpu.memory_space<vmem_shared>>) offsets(%dma_start3A_421 : memref<128xi32, #tpu.memory_space<vmem>>) semaphore(%arg19 : memref<!tpu.dma_semaphore, #tpu.memory_space<semaphore_mem>>) {add = true}
      %add3A_425 = arith.constant 4 : i32
      %add3A_426 = arith.addi %mul3A_320, %add3A_425 : i32
      %dma_wait3A_427 = arith.constant 4 : i32
      %dma_wait3A_428 = arith.constant 0 : i32
      %dma_wait3A_429 = arith.constant 0 : i32
      %dma_wait3A_430 = tpu.memref_slice %arg8[%dma_wait3A_427, %dma_wait3A_428, %dma_wait3A_429] : memref<6x128x64xf32, #tpu.memory_space<vmem>> -> memref<1x128x64xf32, #tpu.memory_space<vmem>>
      %dma_wait3A_431 = tpu.memref_squeeze %dma_wait3A_430 : memref<1x128x64xf32, #tpu.memory_space<vmem>> -> memref<128x64xf32, #tpu.memory_space<vmem>>
      %dma_wait3A_432 = arith.constant 0 : i32
      %dma_wait3A_433 = tpu.memref_slice %arg6[%add3A_426, %dma_wait3A_432] : memref<79x128xi32, #tpu.memory_space<vmem>> -> memref<1x128xi32, #tpu.memory_space<vmem>>
      %dma_wait3A_434 = tpu.memref_squeeze %dma_wait3A_433 : memref<1x128xi32, #tpu.memory_space<vmem>> -> memref<128xi32, #tpu.memory_space<vmem>>
      %dma_wait3A_435 = arith.constant 0 : i32
      %dma_wait3A_436 = arith.constant 0 : i32
      %dma_wait3A_437 = tpu.memref_slice %arg2[%dma_wait3A_435, %dma_wait3A_436] : memref<10000x64xf32, #tpu.memory_space<hbm>> -> memref<10000x64xf32, #tpu.memory_space<hbm>>
      tpu.wait_indirect_dma semaphore(%arg14 : memref<!tpu.dma_semaphore, #tpu.memory_space<semaphore_mem>>) src(%dma_wait3A_437 : memref<10000x64xf32, #tpu.memory_space<hbm>>) dst(%dma_wait3A_431 : memref<128x64xf32, #tpu.memory_space<vmem>>)
      %add3A_438 = arith.constant 4 : i32
      %add3A_439 = arith.addi %mul3A_320, %add3A_438 : i32
      %dma_start3A_440 = arith.constant 4 : i32
      %dma_start3A_441 = arith.constant 0 : i32
      %dma_start3A_442 = arith.constant 0 : i32
      %dma_start3A_443 = tpu.memref_slice %arg8[%dma_start3A_440, %dma_start3A_441, %dma_start3A_442] : memref<6x128x64xf32, #tpu.memory_space<vmem>> -> memref<1x128x64xf32, #tpu.memory_space<vmem>>
      %dma_start3A_444 = tpu.memref_squeeze %dma_start3A_443 : memref<1x128x64xf32, #tpu.memory_space<vmem>> -> memref<128x64xf32, #tpu.memory_space<vmem>>
      %dma_start3A_445 = arith.constant 0 : i32
      %dma_start3A_446 = tpu.memref_slice %arg7[%add3A_439, %dma_start3A_445] : memref<79x128xi32, #tpu.memory_space<vmem>> -> memref<1x128xi32, #tpu.memory_space<vmem>>
      %dma_start3A_447 = tpu.memref_squeeze %dma_start3A_446 : memref<1x128xi32, #tpu.memory_space<vmem>> -> memref<128xi32, #tpu.memory_space<vmem>>
      %dma_start3A_448 = arith.constant 0 : i32
      %dma_start3A_449 = arith.constant 0 : i32
      %dma_start3A_450 = tpu.memref_slice %arg9[%dma_start3A_448, %dma_start3A_449] : memref<10000x64xf32, #tpu.memory_space<vmem_shared>> -> memref<10000x64xf32, #tpu.memory_space<vmem_shared>>
      tpu.enqueue_indirect_dma source(%dma_start3A_444 : memref<128x64xf32, #tpu.memory_space<vmem>>) target(%dma_start3A_450 : memref<10000x64xf32, #tpu.memory_space<vmem_shared>>) offsets(%dma_start3A_447 : memref<128xi32, #tpu.memory_space<vmem>>) semaphore(%arg20 : memref<!tpu.dma_semaphore, #tpu.memory_space<semaphore_mem>>) {add = true}
      %add3A_451 = arith.constant 5 : i32
      %add3A_452 = arith.addi %mul3A_320, %add3A_451 : i32
      %dma_wait3A_453 = arith.constant 5 : i32
      %dma_wait3A_454 = arith.constant 0 : i32
      %dma_wait3A_455 = arith.constant 0 : i32
      %dma_wait3A_456 = tpu.memref_slice %arg8[%dma_wait3A_453, %dma_wait3A_454, %dma_wait3A_455] : memref<6x128x64xf32, #tpu.memory_space<vmem>> -> memref<1x128x64xf32, #tpu.memory_space<vmem>>
      %dma_wait3A_457 = tpu.memref_squeeze %dma_wait3A_456 : memref<1x128x64xf32, #tpu.memory_space<vmem>> -> memref<128x64xf32, #tpu.memory_space<vmem>>
      %dma_wait3A_458 = arith.constant 0 : i32
      %dma_wait3A_459 = tpu.memref_slice %arg6[%add3A_452, %dma_wait3A_458] : memref<79x128xi32, #tpu.memory_space<vmem>> -> memref<1x128xi32, #tpu.memory_space<vmem>>
      %dma_wait3A_460 = tpu.memref_squeeze %dma_wait3A_459 : memref<1x128xi32, #tpu.memory_space<vmem>> -> memref<128xi32, #tpu.memory_space<vmem>>
      %dma_wait3A_461 = arith.constant 0 : i32
      %dma_wait3A_462 = arith.constant 0 : i32
      %dma_wait3A_463 = tpu.memref_slice %arg2[%dma_wait3A_461, %dma_wait3A_462] : memref<10000x64xf32, #tpu.memory_space<hbm>> -> memref<10000x64xf32, #tpu.memory_space<hbm>>
      tpu.wait_indirect_dma semaphore(%arg15 : memref<!tpu.dma_semaphore, #tpu.memory_space<semaphore_mem>>) src(%dma_wait3A_463 : memref<10000x64xf32, #tpu.memory_space<hbm>>) dst(%dma_wait3A_457 : memref<128x64xf32, #tpu.memory_space<vmem>>)
      %add3A_464 = arith.constant 5 : i32
      %add3A_465 = arith.addi %mul3A_320, %add3A_464 : i32
      %dma_start3A_466 = arith.constant 5 : i32
      %dma_start3A_467 = arith.constant 0 : i32
      %dma_start3A_468 = arith.constant 0 : i32
      %dma_start3A_469 = tpu.memref_slice %arg8[%dma_start3A_466, %dma_start3A_467, %dma_start3A_468] : memref<6x128x64xf32, #tpu.memory_space<vmem>> -> memref<1x128x64xf32, #tpu.memory_space<vmem>>
      %dma_start3A_470 = tpu.memref_squeeze %dma_start3A_469 : memref<1x128x64xf32, #tpu.memory_space<vmem>> -> memref<128x64xf32, #tpu.memory_space<vmem>>
      %dma_start3A_471 = arith.constant 0 : i32
      %dma_start3A_472 = tpu.memref_slice %arg7[%add3A_465, %dma_start3A_471] : memref<79x128xi32, #tpu.memory_space<vmem>> -> memref<1x128xi32, #tpu.memory_space<vmem>>
      %dma_start3A_473 = tpu.memref_squeeze %dma_start3A_472 : memref<1x128xi32, #tpu.memory_space<vmem>> -> memref<128xi32, #tpu.memory_space<vmem>>
      %dma_start3A_474 = arith.constant 0 : i32
      %dma_start3A_475 = arith.constant 0 : i32
      %dma_start3A_476 = tpu.memref_slice %arg9[%dma_start3A_474, %dma_start3A_475] : memref<10000x64xf32, #tpu.memory_space<vmem_shared>> -> memref<10000x64xf32, #tpu.memory_space<vmem_shared>>
      tpu.enqueue_indirect_dma source(%dma_start3A_470 : memref<128x64xf32, #tpu.memory_space<vmem>>) target(%dma_start3A_476 : memref<10000x64xf32, #tpu.memory_space<vmem_shared>>) offsets(%dma_start3A_473 : memref<128xi32, #tpu.memory_space<vmem>>) semaphore(%arg21 : memref<!tpu.dma_semaphore, #tpu.memory_space<semaphore_mem>>) {add = true}
      %add3A_477 = arith.constant 0 : i32
      %add3A_478 = arith.addi %mul3A_320, %add3A_477 : i32
      %dma_wait3A_479 = arith.constant 0 : i32
      %dma_wait3A_480 = arith.constant 0 : i32
      %dma_wait3A_481 = arith.constant 0 : i32
      %dma_wait3A_482 = tpu.memref_slice %arg8[%dma_wait3A_479, %dma_wait3A_480, %dma_wait3A_481] : memref<6x128x64xf32, #tpu.memory_space<vmem>> -> memref<1x128x64xf32, #tpu.memory_space<vmem>>
      %dma_wait3A_483 = tpu.memref_squeeze %dma_wait3A_482 : memref<1x128x64xf32, #tpu.memory_space<vmem>> -> memref<128x64xf32, #tpu.memory_space<vmem>>
      %dma_wait3A_484 = arith.constant 0 : i32
      %dma_wait3A_485 = tpu.memref_slice %arg7[%add3A_478, %dma_wait3A_484] : memref<79x128xi32, #tpu.memory_space<vmem>> -> memref<1x128xi32, #tpu.memory_space<vmem>>
      %dma_wait3A_486 = tpu.memref_squeeze %dma_wait3A_485 : memref<1x128xi32, #tpu.memory_space<vmem>> -> memref<128xi32, #tpu.memory_space<vmem>>
      %dma_wait3A_487 = arith.constant 0 : i32
      %dma_wait3A_488 = arith.constant 0 : i32
      %dma_wait3A_489 = tpu.memref_slice %arg9[%dma_wait3A_487, %dma_wait3A_488] : memref<10000x64xf32, #tpu.memory_space<vmem_shared>> -> memref<10000x64xf32, #tpu.memory_space<vmem_shared>>
      tpu.wait_indirect_dma semaphore(%arg16 : memref<!tpu.dma_semaphore, #tpu.memory_space<semaphore_mem>>) src(%dma_wait3A_483 : memref<128x64xf32, #tpu.memory_space<vmem>>) dst(%dma_wait3A_489 : memref<10000x64xf32, #tpu.memory_space<vmem_shared>>)
      %add3A_490 = arith.constant 6 : i32
      %add3A_491 = arith.addi %mul3A_320, %add3A_490 : i32
      %add3A_492 = arith.constant 0 : i32
      %add3A_493 = arith.addi %add3A_491, %add3A_492 : i32
      %dma_start3A_494 = arith.constant 0 : i32
      %dma_start3A_495 = arith.constant 0 : i32
      %dma_start3A_496 = arith.constant 0 : i32
      %dma_start3A_497 = tpu.memref_slice %arg8[%dma_start3A_494, %dma_start3A_495, %dma_start3A_496] : memref<6x128x64xf32, #tpu.memory_space<vmem>> -> memref<1x128x64xf32, #tpu.memory_space<vmem>>
      %dma_start3A_498 = tpu.memref_squeeze %dma_start3A_497 : memref<1x128x64xf32, #tpu.memory_space<vmem>> -> memref<128x64xf32, #tpu.memory_space<vmem>>
      %dma_start3A_499 = arith.constant 0 : i32
      %dma_start3A_500 = tpu.memref_slice %arg6[%add3A_493, %dma_start3A_499] : memref<79x128xi32, #tpu.memory_space<vmem>> -> memref<1x128xi32, #tpu.memory_space<vmem>>
      %dma_start3A_501 = tpu.memref_squeeze %dma_start3A_500 : memref<1x128xi32, #tpu.memory_space<vmem>> -> memref<128xi32, #tpu.memory_space<vmem>>
      %dma_start3A_502 = arith.constant 0 : i32
      %dma_start3A_503 = arith.constant 0 : i32
      %dma_start3A_504 = tpu.memref_slice %arg2[%dma_start3A_502, %dma_start3A_503] : memref<10000x64xf32, #tpu.memory_space<hbm>> -> memref<10000x64xf32, #tpu.memory_space<hbm>>
      tpu.enqueue_indirect_dma source(%dma_start3A_504 : memref<10000x64xf32, #tpu.memory_space<hbm>>) target(%dma_start3A_498 : memref<128x64xf32, #tpu.memory_space<vmem>>) offsets(%dma_start3A_501 : memref<128xi32, #tpu.memory_space<vmem>>) semaphore(%arg10 : memref<!tpu.dma_semaphore, #tpu.memory_space<semaphore_mem>>)
      %add3A_505 = arith.constant 1 : i32
      %add3A_506 = arith.addi %mul3A_320, %add3A_505 : i32
      %dma_wait3A_507 = arith.constant 1 : i32
      %dma_wait3A_508 = arith.constant 0 : i32
      %dma_wait3A_509 = arith.constant 0 : i32
      %dma_wait3A_510 = tpu.memref_slice %arg8[%dma_wait3A_507, %dma_wait3A_508, %dma_wait3A_509] : memref<6x128x64xf32, #tpu.memory_space<vmem>> -> memref<1x128x64xf32, #tpu.memory_space<vmem>>
      %dma_wait3A_511 = tpu.memref_squeeze %dma_wait3A_510 : memref<1x128x64xf32, #tpu.memory_space<vmem>> -> memref<128x64xf32, #tpu.memory_space<vmem>>
      %dma_wait3A_512 = arith.constant 0 : i32
      %dma_wait3A_513 = tpu.memref_slice %arg7[%add3A_506, %dma_wait3A_512] : memref<79x128xi32, #tpu.memory_space<vmem>> -> memref<1x128xi32, #tpu.memory_space<vmem>>
      %dma_wait3A_514 = tpu.memref_squeeze %dma_wait3A_513 : memref<1x128xi32, #tpu.memory_space<vmem>> -> memref<128xi32, #tpu.memory_space<vmem>>
      %dma_wait3A_515 = arith.constant 0 : i32
      %dma_wait3A_516 = arith.constant 0 : i32
      %dma_wait3A_517 = tpu.memref_slice %arg9[%dma_wait3A_515, %dma_wait3A_516] : memref<10000x64xf32, #tpu.memory_space<vmem_shared>> -> memref<10000x64xf32, #tpu.memory_space<vmem_shared>>
      tpu.wait_indirect_dma semaphore(%arg17 : memref<!tpu.dma_semaphore, #tpu.memory_space<semaphore_mem>>) src(%dma_wait3A_511 : memref<128x64xf32, #tpu.memory_space<vmem>>) dst(%dma_wait3A_517 : memref<10000x64xf32, #tpu.memory_space<vmem_shared>>)
      %add3A_518 = arith.constant 6 : i32
      %add3A_519 = arith.addi %mul3A_320, %add3A_518 : i32
      %add3A_520 = arith.constant 1 : i32
      %add3A_521 = arith.addi %add3A_519, %add3A_520 : i32
      %dma_start3A_522 = arith.constant 1 : i32
      %dma_start3A_523 = arith.constant 0 : i32
      %dma_start3A_524 = arith.constant 0 : i32
      %dma_start3A_525 = tpu.memref_slice %arg8[%dma_start3A_522, %dma_start3A_523, %dma_start3A_524] : memref<6x128x64xf32, #tpu.memory_space<vmem>> -> memref<1x128x64xf32, #tpu.memory_space<vmem>>
      %dma_start3A_526 = tpu.memref_squeeze %dma_start3A_525 : memref<1x128x64xf32, #tpu.memory_space<vmem>> -> memref<128x64xf32, #tpu.memory_space<vmem>>
      %dma_start3A_527 = arith.constant 0 : i32
      %dma_start3A_528 = tpu.memref_slice %arg6[%add3A_521, %dma_start3A_527] : memref<79x128xi32, #tpu.memory_space<vmem>> -> memref<1x128xi32, #tpu.memory_space<vmem>>
      %dma_start3A_529 = tpu.memref_squeeze %dma_start3A_528 : memref<1x128xi32, #tpu.memory_space<vmem>> -> memref<128xi32, #tpu.memory_space<vmem>>
      %dma_start3A_530 = arith.constant 0 : i32
      %dma_start3A_531 = arith.constant 0 : i32
      %dma_start3A_532 = tpu.memref_slice %arg2[%dma_start3A_530, %dma_start3A_531] : memref<10000x64xf32, #tpu.memory_space<hbm>> -> memref<10000x64xf32, #tpu.memory_space<hbm>>
      tpu.enqueue_indirect_dma source(%dma_start3A_532 : memref<10000x64xf32, #tpu.memory_space<hbm>>) target(%dma_start3A_526 : memref<128x64xf32, #tpu.memory_space<vmem>>) offsets(%dma_start3A_529 : memref<128xi32, #tpu.memory_space<vmem>>) semaphore(%arg11 : memref<!tpu.dma_semaphore, #tpu.memory_space<semaphore_mem>>)
      %add3A_533 = arith.constant 2 : i32
      %add3A_534 = arith.addi %mul3A_320, %add3A_533 : i32
      %dma_wait3A_535 = arith.constant 2 : i32
      %dma_wait3A_536 = arith.constant 0 : i32
      %dma_wait3A_537 = arith.constant 0 : i32
      %dma_wait3A_538 = tpu.memref_slice %arg8[%dma_wait3A_535, %dma_wait3A_536, %dma_wait3A_537] : memref<6x128x64xf32, #tpu.memory_space<vmem>> -> memref<1x128x64xf32, #tpu.memory_space<vmem>>
      %dma_wait3A_539 = tpu.memref_squeeze %dma_wait3A_538 : memref<1x128x64xf32, #tpu.memory_space<vmem>> -> memref<128x64xf32, #tpu.memory_space<vmem>>
      %dma_wait3A_540 = arith.constant 0 : i32
      %dma_wait3A_541 = tpu.memref_slice %arg7[%add3A_534, %dma_wait3A_540] : memref<79x128xi32, #tpu.memory_space<vmem>> -> memref<1x128xi32, #tpu.memory_space<vmem>>
      %dma_wait3A_542 = tpu.memref_squeeze %dma_wait3A_541 : memref<1x128xi32, #tpu.memory_space<vmem>> -> memref<128xi32, #tpu.memory_space<vmem>>
      %dma_wait3A_543 = arith.constant 0 : i32
      %dma_wait3A_544 = arith.constant 0 : i32
      %dma_wait3A_545 = tpu.memref_slice %arg9[%dma_wait3A_543, %dma_wait3A_544] : memref<10000x64xf32, #tpu.memory_space<vmem_shared>> -> memref<10000x64xf32, #tpu.memory_space<vmem_shared>>
      tpu.wait_indirect_dma semaphore(%arg18 : memref<!tpu.dma_semaphore, #tpu.memory_space<semaphore_mem>>) src(%dma_wait3A_539 : memref<128x64xf32, #tpu.memory_space<vmem>>) dst(%dma_wait3A_545 : memref<10000x64xf32, #tpu.memory_space<vmem_shared>>)
      %add3A_546 = arith.constant 6 : i32
      %add3A_547 = arith.addi %mul3A_320, %add3A_546 : i32
      %add3A_548 = arith.constant 2 : i32
      %add3A_549 = arith.addi %add3A_547, %add3A_548 : i32
      %dma_start3A_550 = arith.constant 2 : i32
      %dma_start3A_551 = arith.constant 0 : i32
      %dma_start3A_552 = arith.constant 0 : i32
      %dma_start3A_553 = tpu.memref_slice %arg8[%dma_start3A_550, %dma_start3A_551, %dma_start3A_552] : memref<6x128x64xf32, #tpu.memory_space<vmem>> -> memref<1x128x64xf32, #tpu.memory_space<vmem>>
      %dma_start3A_554 = tpu.memref_squeeze %dma_start3A_553 : memref<1x128x64xf32, #tpu.memory_space<vmem>> -> memref<128x64xf32, #tpu.memory_space<vmem>>
      %dma_start3A_555 = arith.constant 0 : i32
      %dma_start3A_556 = tpu.memref_slice %arg6[%add3A_549, %dma_start3A_555] : memref<79x128xi32, #tpu.memory_space<vmem>> -> memref<1x128xi32, #tpu.memory_space<vmem>>
      %dma_start3A_557 = tpu.memref_squeeze %dma_start3A_556 : memref<1x128xi32, #tpu.memory_space<vmem>> -> memref<128xi32, #tpu.memory_space<vmem>>
      %dma_start3A_558 = arith.constant 0 : i32
      %dma_start3A_559 = arith.constant 0 : i32
      %dma_start3A_560 = tpu.memref_slice %arg2[%dma_start3A_558, %dma_start3A_559] : memref<10000x64xf32, #tpu.memory_space<hbm>> -> memref<10000x64xf32, #tpu.memory_space<hbm>>
      tpu.enqueue_indirect_dma source(%dma_start3A_560 : memref<10000x64xf32, #tpu.memory_space<hbm>>) target(%dma_start3A_554 : memref<128x64xf32, #tpu.memory_space<vmem>>) offsets(%dma_start3A_557 : memref<128xi32, #tpu.memory_space<vmem>>) semaphore(%arg12 : memref<!tpu.dma_semaphore, #tpu.memory_space<semaphore_mem>>)
      %add3A_561 = arith.constant 3 : i32
      %add3A_562 = arith.addi %mul3A_320, %add3A_561 : i32
      %dma_wait3A_563 = arith.constant 3 : i32
      %dma_wait3A_564 = arith.constant 0 : i32
      %dma_wait3A_565 = arith.constant 0 : i32
      %dma_wait3A_566 = tpu.memref_slice %arg8[%dma_wait3A_563, %dma_wait3A_564, %dma_wait3A_565] : memref<6x128x64xf32, #tpu.memory_space<vmem>> -> memref<1x128x64xf32, #tpu.memory_space<vmem>>
      %dma_wait3A_567 = tpu.memref_squeeze %dma_wait3A_566 : memref<1x128x64xf32, #tpu.memory_space<vmem>> -> memref<128x64xf32, #tpu.memory_space<vmem>>
      %dma_wait3A_568 = arith.constant 0 : i32
      %dma_wait3A_569 = tpu.memref_slice %arg7[%add3A_562, %dma_wait3A_568] : memref<79x128xi32, #tpu.memory_space<vmem>> -> memref<1x128xi32, #tpu.memory_space<vmem>>
      %dma_wait3A_570 = tpu.memref_squeeze %dma_wait3A_569 : memref<1x128xi32, #tpu.memory_space<vmem>> -> memref<128xi32, #tpu.memory_space<vmem>>
      %dma_wait3A_571 = arith.constant 0 : i32
      %dma_wait3A_572 = arith.constant 0 : i32
      %dma_wait3A_573 = tpu.memref_slice %arg9[%dma_wait3A_571, %dma_wait3A_572] : memref<10000x64xf32, #tpu.memory_space<vmem_shared>> -> memref<10000x64xf32, #tpu.memory_space<vmem_shared>>
      tpu.wait_indirect_dma semaphore(%arg19 : memref<!tpu.dma_semaphore, #tpu.memory_space<semaphore_mem>>) src(%dma_wait3A_567 : memref<128x64xf32, #tpu.memory_space<vmem>>) dst(%dma_wait3A_573 : memref<10000x64xf32, #tpu.memory_space<vmem_shared>>)
      %add3A_574 = arith.constant 6 : i32
      %add3A_575 = arith.addi %mul3A_320, %add3A_574 : i32
      %add3A_576 = arith.constant 3 : i32
      %add3A_577 = arith.addi %add3A_575, %add3A_576 : i32
      %dma_start3A_578 = arith.constant 3 : i32
      %dma_start3A_579 = arith.constant 0 : i32
      %dma_start3A_580 = arith.constant 0 : i32
      %dma_start3A_581 = tpu.memref_slice %arg8[%dma_start3A_578, %dma_start3A_579, %dma_start3A_580] : memref<6x128x64xf32, #tpu.memory_space<vmem>> -> memref<1x128x64xf32, #tpu.memory_space<vmem>>
      %dma_start3A_582 = tpu.memref_squeeze %dma_start3A_581 : memref<1x128x64xf32, #tpu.memory_space<vmem>> -> memref<128x64xf32, #tpu.memory_space<vmem>>
      %dma_start3A_583 = arith.constant 0 : i32
      %dma_start3A_584 = tpu.memref_slice %arg6[%add3A_577, %dma_start3A_583] : memref<79x128xi32, #tpu.memory_space<vmem>> -> memref<1x128xi32, #tpu.memory_space<vmem>>
      %dma_start3A_585 = tpu.memref_squeeze %dma_start3A_584 : memref<1x128xi32, #tpu.memory_space<vmem>> -> memref<128xi32, #tpu.memory_space<vmem>>
      %dma_start3A_586 = arith.constant 0 : i32
      %dma_start3A_587 = arith.constant 0 : i32
      %dma_start3A_588 = tpu.memref_slice %arg2[%dma_start3A_586, %dma_start3A_587] : memref<10000x64xf32, #tpu.memory_space<hbm>> -> memref<10000x64xf32, #tpu.memory_space<hbm>>
      tpu.enqueue_indirect_dma source(%dma_start3A_588 : memref<10000x64xf32, #tpu.memory_space<hbm>>) target(%dma_start3A_582 : memref<128x64xf32, #tpu.memory_space<vmem>>) offsets(%dma_start3A_585 : memref<128xi32, #tpu.memory_space<vmem>>) semaphore(%arg13 : memref<!tpu.dma_semaphore, #tpu.memory_space<semaphore_mem>>)
      %add3A_589 = arith.constant 4 : i32
      %add3A_590 = arith.addi %mul3A_320, %add3A_589 : i32
      %dma_wait3A_591 = arith.constant 4 : i32
      %dma_wait3A_592 = arith.constant 0 : i32
      %dma_wait3A_593 = arith.constant 0 : i32
      %dma_wait3A_594 = tpu.memref_slice %arg8[%dma_wait3A_591, %dma_wait3A_592, %dma_wait3A_593] : memref<6x128x64xf32, #tpu.memory_space<vmem>> -> memref<1x128x64xf32, #tpu.memory_space<vmem>>
      %dma_wait3A_595 = tpu.memref_squeeze %dma_wait3A_594 : memref<1x128x64xf32, #tpu.memory_space<vmem>> -> memref<128x64xf32, #tpu.memory_space<vmem>>
      %dma_wait3A_596 = arith.constant 0 : i32
      %dma_wait3A_597 = tpu.memref_slice %arg7[%add3A_590, %dma_wait3A_596] : memref<79x128xi32, #tpu.memory_space<vmem>> -> memref<1x128xi32, #tpu.memory_space<vmem>>
      %dma_wait3A_598 = tpu.memref_squeeze %dma_wait3A_597 : memref<1x128xi32, #tpu.memory_space<vmem>> -> memref<128xi32, #tpu.memory_space<vmem>>
      %dma_wait3A_599 = arith.constant 0 : i32
      %dma_wait3A_600 = arith.constant 0 : i32
      %dma_wait3A_601 = tpu.memref_slice %arg9[%dma_wait3A_599, %dma_wait3A_600] : memref<10000x64xf32, #tpu.memory_space<vmem_shared>> -> memref<10000x64xf32, #tpu.memory_space<vmem_shared>>
      tpu.wait_indirect_dma semaphore(%arg20 : memref<!tpu.dma_semaphore, #tpu.memory_space<semaphore_mem>>) src(%dma_wait3A_595 : memref<128x64xf32, #tpu.memory_space<vmem>>) dst(%dma_wait3A_601 : memref<10000x64xf32, #tpu.memory_space<vmem_shared>>)
      %add3A_602 = arith.constant 6 : i32
      %add3A_603 = arith.addi %mul3A_320, %add3A_602 : i32
      %add3A_604 = arith.constant 4 : i32
      %add3A_605 = arith.addi %add3A_603, %add3A_604 : i32
      %dma_start3A_606 = arith.constant 4 : i32
      %dma_start3A_607 = arith.constant 0 : i32
      %dma_start3A_608 = arith.constant 0 : i32
      %dma_start3A_609 = tpu.memref_slice %arg8[%dma_start3A_606, %dma_start3A_607, %dma_start3A_608] : memref<6x128x64xf32, #tpu.memory_space<vmem>> -> memref<1x128x64xf32, #tpu.memory_space<vmem>>
      %dma_start3A_610 = tpu.memref_squeeze %dma_start3A_609 : memref<1x128x64xf32, #tpu.memory_space<vmem>> -> memref<128x64xf32, #tpu.memory_space<vmem>>
      %dma_start3A_611 = arith.constant 0 : i32
      %dma_start3A_612 = tpu.memref_slice %arg6[%add3A_605, %dma_start3A_611] : memref<79x128xi32, #tpu.memory_space<vmem>> -> memref<1x128xi32, #tpu.memory_space<vmem>>
      %dma_start3A_613 = tpu.memref_squeeze %dma_start3A_612 : memref<1x128xi32, #tpu.memory_space<vmem>> -> memref<128xi32, #tpu.memory_space<vmem>>
      %dma_start3A_614 = arith.constant 0 : i32
      %dma_start3A_615 = arith.constant 0 : i32
      %dma_start3A_616 = tpu.memref_slice %arg2[%dma_start3A_614, %dma_start3A_615] : memref<10000x64xf32, #tpu.memory_space<hbm>> -> memref<10000x64xf32, #tpu.memory_space<hbm>>
      tpu.enqueue_indirect_dma source(%dma_start3A_616 : memref<10000x64xf32, #tpu.memory_space<hbm>>) target(%dma_start3A_610 : memref<128x64xf32, #tpu.memory_space<vmem>>) offsets(%dma_start3A_613 : memref<128xi32, #tpu.memory_space<vmem>>) semaphore(%arg14 : memref<!tpu.dma_semaphore, #tpu.memory_space<semaphore_mem>>)
      %add3A_617 = arith.constant 5 : i32
      %add3A_618 = arith.addi %mul3A_320, %add3A_617 : i32
      %dma_wait3A_619 = arith.constant 5 : i32
      %dma_wait3A_620 = arith.constant 0 : i32
      %dma_wait3A_621 = arith.constant 0 : i32
      %dma_wait3A_622 = tpu.memref_slice %arg8[%dma_wait3A_619, %dma_wait3A_620, %dma_wait3A_621] : memref<6x128x64xf32, #tpu.memory_space<vmem>> -> memref<1x128x64xf32, #tpu.memory_space<vmem>>
      %dma_wait3A_623 = tpu.memref_squeeze %dma_wait3A_622 : memref<1x128x64xf32, #tpu.memory_space<vmem>> -> memref<128x64xf32, #tpu.memory_space<vmem>>
      %dma_wait3A_624 = arith.constant 0 : i32
      %dma_wait3A_625 = tpu.memref_slice %arg7[%add3A_618, %dma_wait3A_624] : memref<79x128xi32, #tpu.memory_space<vmem>> -> memref<1x128xi32, #tpu.memory_space<vmem>>
      %dma_wait3A_626 = tpu.memref_squeeze %dma_wait3A_625 : memref<1x128xi32, #tpu.memory_space<vmem>> -> memref<128xi32, #tpu.memory_space<vmem>>
      %dma_wait3A_627 = arith.constant 0 : i32
      %dma_wait3A_628 = arith.constant 0 : i32
      %dma_wait3A_629 = tpu.memref_slice %arg9[%dma_wait3A_627, %dma_wait3A_628] : memref<10000x64xf32, #tpu.memory_space<vmem_shared>> -> memref<10000x64xf32, #tpu.memory_space<vmem_shared>>
      tpu.wait_indirect_dma semaphore(%arg21 : memref<!tpu.dma_semaphore, #tpu.memory_space<semaphore_mem>>) src(%dma_wait3A_623 : memref<128x64xf32, #tpu.memory_space<vmem>>) dst(%dma_wait3A_629 : memref<10000x64xf32, #tpu.memory_space<vmem_shared>>)
      %add3A_630 = arith.constant 6 : i32
      %add3A_631 = arith.addi %mul3A_320, %add3A_630 : i32
      %add3A_632 = arith.constant 5 : i32
      %add3A_633 = arith.addi %add3A_631, %add3A_632 : i32
      %dma_start3A_634 = arith.constant 5 : i32
      %dma_start3A_635 = arith.constant 0 : i32
      %dma_start3A_636 = arith.constant 0 : i32
      %dma_start3A_637 = tpu.memref_slice %arg8[%dma_start3A_634, %dma_start3A_635, %dma_start3A_636] : memref<6x128x64xf32, #tpu.memory_space<vmem>> -> memref<1x128x64xf32, #tpu.memory_space<vmem>>
      %dma_start3A_638 = tpu.memref_squeeze %dma_start3A_637 : memref<1x128x64xf32, #tpu.memory_space<vmem>> -> memref<128x64xf32, #tpu.memory_space<vmem>>
      %dma_start3A_639 = arith.constant 0 : i32
      %dma_start3A_640 = tpu.memref_slice %arg6[%add3A_633, %dma_start3A_639] : memref<79x128xi32, #tpu.memory_space<vmem>> -> memref<1x128xi32, #tpu.memory_space<vmem>>
      %dma_start3A_641 = tpu.memref_squeeze %dma_start3A_640 : memref<1x128xi32, #tpu.memory_space<vmem>> -> memref<128xi32, #tpu.memory_space<vmem>>
      %dma_start3A_642 = arith.constant 0 : i32
      %dma_start3A_643 = arith.constant 0 : i32
      %dma_start3A_644 = tpu.memref_slice %arg2[%dma_start3A_642, %dma_start3A_643] : memref<10000x64xf32, #tpu.memory_space<hbm>> -> memref<10000x64xf32, #tpu.memory_space<hbm>>
      tpu.enqueue_indirect_dma source(%dma_start3A_644 : memref<10000x64xf32, #tpu.memory_space<hbm>>) target(%dma_start3A_638 : memref<128x64xf32, #tpu.memory_space<vmem>>) offsets(%dma_start3A_641 : memref<128xi32, #tpu.memory_space<vmem>>) semaphore(%arg15 : memref<!tpu.dma_semaphore, #tpu.memory_space<semaphore_mem>>)
    }
    %scan3A_87 = arith.constant 12 : i32
    %dma_wait3A = arith.constant 72 : i32
    %dma_wait3A_88 = arith.constant 0 : i32
    %dma_wait3A_89 = arith.constant 0 : i32
    %dma_wait3A_90 = arith.constant 0 : i32
    %dma_wait3A_91 = tpu.memref_slice %arg8[%dma_wait3A_88, %dma_wait3A_89, %dma_wait3A_90] : memref<6x128x64xf32, #tpu.memory_space<vmem>> -> memref<1x128x64xf32, #tpu.memory_space<vmem>>
    %dma_wait3A_92 = tpu.memref_squeeze %dma_wait3A_91 : memref<1x128x64xf32, #tpu.memory_space<vmem>> -> memref<128x64xf32, #tpu.memory_space<vmem>>
    %dma_wait3A_93 = arith.constant 0 : i32
    %dma_wait3A_94 = tpu.memref_slice %arg6[%dma_wait3A, %dma_wait3A_93] : memref<79x128xi32, #tpu.memory_space<vmem>> -> memref<1x128xi32, #tpu.memory_space<vmem>>
    %dma_wait3A_95 = tpu.memref_squeeze %dma_wait3A_94 : memref<1x128xi32, #tpu.memory_space<vmem>> -> memref<128xi32, #tpu.memory_space<vmem>>
    %dma_wait3A_96 = arith.constant 0 : i32
    %dma_wait3A_97 = arith.constant 0 : i32
    %dma_wait3A_98 = tpu.memref_slice %arg2[%dma_wait3A_96, %dma_wait3A_97] : memref<10000x64xf32, #tpu.memory_space<hbm>> -> memref<10000x64xf32, #tpu.memory_space<hbm>>
    tpu.wait_indirect_dma semaphore(%arg10 : memref<!tpu.dma_semaphore, #tpu.memory_space<semaphore_mem>>) src(%dma_wait3A_98 : memref<10000x64xf32, #tpu.memory_space<hbm>>) dst(%dma_wait3A_92 : memref<128x64xf32, #tpu.memory_space<vmem>>)
    %dma_start3A_99 = arith.constant 0 : i32
    %dma_start3A_100 = arith.constant 72 : i32
    %dma_start3A_101 = arith.constant 0 : i32
    %dma_start3A_102 = arith.constant 0 : i32
    %dma_start3A_103 = tpu.memref_slice %arg8[%dma_start3A_99, %dma_start3A_101, %dma_start3A_102] : memref<6x128x64xf32, #tpu.memory_space<vmem>> -> memref<1x128x64xf32, #tpu.memory_space<vmem>>
    %dma_start3A_104 = tpu.memref_squeeze %dma_start3A_103 : memref<1x128x64xf32, #tpu.memory_space<vmem>> -> memref<128x64xf32, #tpu.memory_space<vmem>>
    %dma_start3A_105 = arith.constant 0 : i32
    %dma_start3A_106 = tpu.memref_slice %arg7[%dma_start3A_100, %dma_start3A_105] : memref<79x128xi32, #tpu.memory_space<vmem>> -> memref<1x128xi32, #tpu.memory_space<vmem>>
    %dma_start3A_107 = tpu.memref_squeeze %dma_start3A_106 : memref<1x128xi32, #tpu.memory_space<vmem>> -> memref<128xi32, #tpu.memory_space<vmem>>
    %dma_start3A_108 = arith.constant 0 : i32
    %dma_start3A_109 = arith.constant 0 : i32
    %dma_start3A_110 = tpu.memref_slice %arg9[%dma_start3A_108, %dma_start3A_109] : memref<10000x64xf32, #tpu.memory_space<vmem_shared>> -> memref<10000x64xf32, #tpu.memory_space<vmem_shared>>
    tpu.enqueue_indirect_dma source(%dma_start3A_104 : memref<128x64xf32, #tpu.memory_space<vmem>>) target(%dma_start3A_110 : memref<10000x64xf32, #tpu.memory_space<vmem_shared>>) offsets(%dma_start3A_107 : memref<128xi32, #tpu.memory_space<vmem>>) semaphore(%arg16 : memref<!tpu.dma_semaphore, #tpu.memory_space<semaphore_mem>>) {add = true}
    %dma_wait3A_111 = arith.constant 73 : i32
    %dma_wait3A_112 = arith.constant 1 : i32
    %dma_wait3A_113 = arith.constant 0 : i32
    %dma_wait3A_114 = arith.constant 0 : i32
    %dma_wait3A_115 = tpu.memref_slice %arg8[%dma_wait3A_112, %dma_wait3A_113, %dma_wait3A_114] : memref<6x128x64xf32, #tpu.memory_space<vmem>> -> memref<1x128x64xf32, #tpu.memory_space<vmem>>
    %dma_wait3A_116 = tpu.memref_squeeze %dma_wait3A_115 : memref<1x128x64xf32, #tpu.memory_space<vmem>> -> memref<128x64xf32, #tpu.memory_space<vmem>>
    %dma_wait3A_117 = arith.constant 0 : i32
    %dma_wait3A_118 = tpu.memref_slice %arg6[%dma_wait3A_111, %dma_wait3A_117] : memref<79x128xi32, #tpu.memory_space<vmem>> -> memref<1x128xi32, #tpu.memory_space<vmem>>
    %dma_wait3A_119 = tpu.memref_squeeze %dma_wait3A_118 : memref<1x128xi32, #tpu.memory_space<vmem>> -> memref<128xi32, #tpu.memory_space<vmem>>
    %dma_wait3A_120 = arith.constant 0 : i32
    %dma_wait3A_121 = arith.constant 0 : i32
    %dma_wait3A_122 = tpu.memref_slice %arg2[%dma_wait3A_120, %dma_wait3A_121] : memref<10000x64xf32, #tpu.memory_space<hbm>> -> memref<10000x64xf32, #tpu.memory_space<hbm>>
    tpu.wait_indirect_dma semaphore(%arg11 : memref<!tpu.dma_semaphore, #tpu.memory_space<semaphore_mem>>) src(%dma_wait3A_122 : memref<10000x64xf32, #tpu.memory_space<hbm>>) dst(%dma_wait3A_116 : memref<128x64xf32, #tpu.memory_space<vmem>>)
    %dma_start3A_123 = arith.constant 1 : i32
    %dma_start3A_124 = arith.constant 73 : i32
    %dma_start3A_125 = arith.constant 0 : i32
    %dma_start3A_126 = arith.constant 0 : i32
    %dma_start3A_127 = tpu.memref_slice %arg8[%dma_start3A_123, %dma_start3A_125, %dma_start3A_126] : memref<6x128x64xf32, #tpu.memory_space<vmem>> -> memref<1x128x64xf32, #tpu.memory_space<vmem>>
    %dma_start3A_128 = tpu.memref_squeeze %dma_start3A_127 : memref<1x128x64xf32, #tpu.memory_space<vmem>> -> memref<128x64xf32, #tpu.memory_space<vmem>>
    %dma_start3A_129 = arith.constant 0 : i32
    %dma_start3A_130 = tpu.memref_slice %arg7[%dma_start3A_124, %dma_start3A_129] : memref<79x128xi32, #tpu.memory_space<vmem>> -> memref<1x128xi32, #tpu.memory_space<vmem>>
    %dma_start3A_131 = tpu.memref_squeeze %dma_start3A_130 : memref<1x128xi32, #tpu.memory_space<vmem>> -> memref<128xi32, #tpu.memory_space<vmem>>
    %dma_start3A_132 = arith.constant 0 : i32
    %dma_start3A_133 = arith.constant 0 : i32
    %dma_start3A_134 = tpu.memref_slice %arg9[%dma_start3A_132, %dma_start3A_133] : memref<10000x64xf32, #tpu.memory_space<vmem_shared>> -> memref<10000x64xf32, #tpu.memory_space<vmem_shared>>
    tpu.enqueue_indirect_dma source(%dma_start3A_128 : memref<128x64xf32, #tpu.memory_space<vmem>>) target(%dma_start3A_134 : memref<10000x64xf32, #tpu.memory_space<vmem_shared>>) offsets(%dma_start3A_131 : memref<128xi32, #tpu.memory_space<vmem>>) semaphore(%arg17 : memref<!tpu.dma_semaphore, #tpu.memory_space<semaphore_mem>>) {add = true}
    %dma_wait3A_135 = arith.constant 74 : i32
    %dma_wait3A_136 = arith.constant 2 : i32
    %dma_wait3A_137 = arith.constant 0 : i32
    %dma_wait3A_138 = arith.constant 0 : i32
    %dma_wait3A_139 = tpu.memref_slice %arg8[%dma_wait3A_136, %dma_wait3A_137, %dma_wait3A_138] : memref<6x128x64xf32, #tpu.memory_space<vmem>> -> memref<1x128x64xf32, #tpu.memory_space<vmem>>
    %dma_wait3A_140 = tpu.memref_squeeze %dma_wait3A_139 : memref<1x128x64xf32, #tpu.memory_space<vmem>> -> memref<128x64xf32, #tpu.memory_space<vmem>>
    %dma_wait3A_141 = arith.constant 0 : i32
    %dma_wait3A_142 = tpu.memref_slice %arg6[%dma_wait3A_135, %dma_wait3A_141] : memref<79x128xi32, #tpu.memory_space<vmem>> -> memref<1x128xi32, #tpu.memory_space<vmem>>
    %dma_wait3A_143 = tpu.memref_squeeze %dma_wait3A_142 : memref<1x128xi32, #tpu.memory_space<vmem>> -> memref<128xi32, #tpu.memory_space<vmem>>
    %dma_wait3A_144 = arith.constant 0 : i32
    %dma_wait3A_145 = arith.constant 0 : i32
    %dma_wait3A_146 = tpu.memref_slice %arg2[%dma_wait3A_144, %dma_wait3A_145] : memref<10000x64xf32, #tpu.memory_space<hbm>> -> memref<10000x64xf32, #tpu.memory_space<hbm>>
    tpu.wait_indirect_dma semaphore(%arg12 : memref<!tpu.dma_semaphore, #tpu.memory_space<semaphore_mem>>) src(%dma_wait3A_146 : memref<10000x64xf32, #tpu.memory_space<hbm>>) dst(%dma_wait3A_140 : memref<128x64xf32, #tpu.memory_space<vmem>>)
    %dma_start3A_147 = arith.constant 2 : i32
    %dma_start3A_148 = arith.constant 74 : i32
    %dma_start3A_149 = arith.constant 0 : i32
    %dma_start3A_150 = arith.constant 0 : i32
    %dma_start3A_151 = tpu.memref_slice %arg8[%dma_start3A_147, %dma_start3A_149, %dma_start3A_150] : memref<6x128x64xf32, #tpu.memory_space<vmem>> -> memref<1x128x64xf32, #tpu.memory_space<vmem>>
    %dma_start3A_152 = tpu.memref_squeeze %dma_start3A_151 : memref<1x128x64xf32, #tpu.memory_space<vmem>> -> memref<128x64xf32, #tpu.memory_space<vmem>>
    %dma_start3A_153 = arith.constant 0 : i32
    %dma_start3A_154 = tpu.memref_slice %arg7[%dma_start3A_148, %dma_start3A_153] : memref<79x128xi32, #tpu.memory_space<vmem>> -> memref<1x128xi32, #tpu.memory_space<vmem>>
    %dma_start3A_155 = tpu.memref_squeeze %dma_start3A_154 : memref<1x128xi32, #tpu.memory_space<vmem>> -> memref<128xi32, #tpu.memory_space<vmem>>
    %dma_start3A_156 = arith.constant 0 : i32
    %dma_start3A_157 = arith.constant 0 : i32
    %dma_start3A_158 = tpu.memref_slice %arg9[%dma_start3A_156, %dma_start3A_157] : memref<10000x64xf32, #tpu.memory_space<vmem_shared>> -> memref<10000x64xf32, #tpu.memory_space<vmem_shared>>
    tpu.enqueue_indirect_dma source(%dma_start3A_152 : memref<128x64xf32, #tpu.memory_space<vmem>>) target(%dma_start3A_158 : memref<10000x64xf32, #tpu.memory_space<vmem_shared>>) offsets(%dma_start3A_155 : memref<128xi32, #tpu.memory_space<vmem>>) semaphore(%arg18 : memref<!tpu.dma_semaphore, #tpu.memory_space<semaphore_mem>>) {add = true}
    %dma_wait3A_159 = arith.constant 75 : i32
    %dma_wait3A_160 = arith.constant 3 : i32
    %dma_wait3A_161 = arith.constant 0 : i32
    %dma_wait3A_162 = arith.constant 0 : i32
    %dma_wait3A_163 = tpu.memref_slice %arg8[%dma_wait3A_160, %dma_wait3A_161, %dma_wait3A_162] : memref<6x128x64xf32, #tpu.memory_space<vmem>> -> memref<1x128x64xf32, #tpu.memory_space<vmem>>
    %dma_wait3A_164 = tpu.memref_squeeze %dma_wait3A_163 : memref<1x128x64xf32, #tpu.memory_space<vmem>> -> memref<128x64xf32, #tpu.memory_space<vmem>>
    %dma_wait3A_165 = arith.constant 0 : i32
    %dma_wait3A_166 = tpu.memref_slice %arg6[%dma_wait3A_159, %dma_wait3A_165] : memref<79x128xi32, #tpu.memory_space<vmem>> -> memref<1x128xi32, #tpu.memory_space<vmem>>
    %dma_wait3A_167 = tpu.memref_squeeze %dma_wait3A_166 : memref<1x128xi32, #tpu.memory_space<vmem>> -> memref<128xi32, #tpu.memory_space<vmem>>
    %dma_wait3A_168 = arith.constant 0 : i32
    %dma_wait3A_169 = arith.constant 0 : i32
    %dma_wait3A_170 = tpu.memref_slice %arg2[%dma_wait3A_168, %dma_wait3A_169] : memref<10000x64xf32, #tpu.memory_space<hbm>> -> memref<10000x64xf32, #tpu.memory_space<hbm>>
    tpu.wait_indirect_dma semaphore(%arg13 : memref<!tpu.dma_semaphore, #tpu.memory_space<semaphore_mem>>) src(%dma_wait3A_170 : memref<10000x64xf32, #tpu.memory_space<hbm>>) dst(%dma_wait3A_164 : memref<128x64xf32, #tpu.memory_space<vmem>>)
    %dma_start3A_171 = arith.constant 3 : i32
    %dma_start3A_172 = arith.constant 75 : i32
    %dma_start3A_173 = arith.constant 0 : i32
    %dma_start3A_174 = arith.constant 0 : i32
    %dma_start3A_175 = tpu.memref_slice %arg8[%dma_start3A_171, %dma_start3A_173, %dma_start3A_174] : memref<6x128x64xf32, #tpu.memory_space<vmem>> -> memref<1x128x64xf32, #tpu.memory_space<vmem>>
    %dma_start3A_176 = tpu.memref_squeeze %dma_start3A_175 : memref<1x128x64xf32, #tpu.memory_space<vmem>> -> memref<128x64xf32, #tpu.memory_space<vmem>>
    %dma_start3A_177 = arith.constant 0 : i32
    %dma_start3A_178 = tpu.memref_slice %arg7[%dma_start3A_172, %dma_start3A_177] : memref<79x128xi32, #tpu.memory_space<vmem>> -> memref<1x128xi32, #tpu.memory_space<vmem>>
    %dma_start3A_179 = tpu.memref_squeeze %dma_start3A_178 : memref<1x128xi32, #tpu.memory_space<vmem>> -> memref<128xi32, #tpu.memory_space<vmem>>
    %dma_start3A_180 = arith.constant 0 : i32
    %dma_start3A_181 = arith.constant 0 : i32
    %dma_start3A_182 = tpu.memref_slice %arg9[%dma_start3A_180, %dma_start3A_181] : memref<10000x64xf32, #tpu.memory_space<vmem_shared>> -> memref<10000x64xf32, #tpu.memory_space<vmem_shared>>
    tpu.enqueue_indirect_dma source(%dma_start3A_176 : memref<128x64xf32, #tpu.memory_space<vmem>>) target(%dma_start3A_182 : memref<10000x64xf32, #tpu.memory_space<vmem_shared>>) offsets(%dma_start3A_179 : memref<128xi32, #tpu.memory_space<vmem>>) semaphore(%arg19 : memref<!tpu.dma_semaphore, #tpu.memory_space<semaphore_mem>>) {add = true}
    %dma_wait3A_183 = arith.constant 76 : i32
    %dma_wait3A_184 = arith.constant 4 : i32
    %dma_wait3A_185 = arith.constant 0 : i32
    %dma_wait3A_186 = arith.constant 0 : i32
    %dma_wait3A_187 = tpu.memref_slice %arg8[%dma_wait3A_184, %dma_wait3A_185, %dma_wait3A_186] : memref<6x128x64xf32, #tpu.memory_space<vmem>> -> memref<1x128x64xf32, #tpu.memory_space<vmem>>
    %dma_wait3A_188 = tpu.memref_squeeze %dma_wait3A_187 : memref<1x128x64xf32, #tpu.memory_space<vmem>> -> memref<128x64xf32, #tpu.memory_space<vmem>>
    %dma_wait3A_189 = arith.constant 0 : i32
    %dma_wait3A_190 = tpu.memref_slice %arg6[%dma_wait3A_183, %dma_wait3A_189] : memref<79x128xi32, #tpu.memory_space<vmem>> -> memref<1x128xi32, #tpu.memory_space<vmem>>
    %dma_wait3A_191 = tpu.memref_squeeze %dma_wait3A_190 : memref<1x128xi32, #tpu.memory_space<vmem>> -> memref<128xi32, #tpu.memory_space<vmem>>
    %dma_wait3A_192 = arith.constant 0 : i32
    %dma_wait3A_193 = arith.constant 0 : i32
    %dma_wait3A_194 = tpu.memref_slice %arg2[%dma_wait3A_192, %dma_wait3A_193] : memref<10000x64xf32, #tpu.memory_space<hbm>> -> memref<10000x64xf32, #tpu.memory_space<hbm>>
    tpu.wait_indirect_dma semaphore(%arg14 : memref<!tpu.dma_semaphore, #tpu.memory_space<semaphore_mem>>) src(%dma_wait3A_194 : memref<10000x64xf32, #tpu.memory_space<hbm>>) dst(%dma_wait3A_188 : memref<128x64xf32, #tpu.memory_space<vmem>>)
    %dma_start3A_195 = arith.constant 4 : i32
    %dma_start3A_196 = arith.constant 76 : i32
    %dma_start3A_197 = arith.constant 0 : i32
    %dma_start3A_198 = arith.constant 0 : i32
    %dma_start3A_199 = tpu.memref_slice %arg8[%dma_start3A_195, %dma_start3A_197, %dma_start3A_198] : memref<6x128x64xf32, #tpu.memory_space<vmem>> -> memref<1x128x64xf32, #tpu.memory_space<vmem>>
    %dma_start3A_200 = tpu.memref_squeeze %dma_start3A_199 : memref<1x128x64xf32, #tpu.memory_space<vmem>> -> memref<128x64xf32, #tpu.memory_space<vmem>>
    %dma_start3A_201 = arith.constant 0 : i32
    %dma_start3A_202 = tpu.memref_slice %arg7[%dma_start3A_196, %dma_start3A_201] : memref<79x128xi32, #tpu.memory_space<vmem>> -> memref<1x128xi32, #tpu.memory_space<vmem>>
    %dma_start3A_203 = tpu.memref_squeeze %dma_start3A_202 : memref<1x128xi32, #tpu.memory_space<vmem>> -> memref<128xi32, #tpu.memory_space<vmem>>
    %dma_start3A_204 = arith.constant 0 : i32
    %dma_start3A_205 = arith.constant 0 : i32
    %dma_start3A_206 = tpu.memref_slice %arg9[%dma_start3A_204, %dma_start3A_205] : memref<10000x64xf32, #tpu.memory_space<vmem_shared>> -> memref<10000x64xf32, #tpu.memory_space<vmem_shared>>
    tpu.enqueue_indirect_dma source(%dma_start3A_200 : memref<128x64xf32, #tpu.memory_space<vmem>>) target(%dma_start3A_206 : memref<10000x64xf32, #tpu.memory_space<vmem_shared>>) offsets(%dma_start3A_203 : memref<128xi32, #tpu.memory_space<vmem>>) semaphore(%arg20 : memref<!tpu.dma_semaphore, #tpu.memory_space<semaphore_mem>>) {add = true}
    %dma_wait3A_207 = arith.constant 77 : i32
    %dma_wait3A_208 = arith.constant 5 : i32
    %dma_wait3A_209 = arith.constant 0 : i32
    %dma_wait3A_210 = arith.constant 0 : i32
    %dma_wait3A_211 = tpu.memref_slice %arg8[%dma_wait3A_208, %dma_wait3A_209, %dma_wait3A_210] : memref<6x128x64xf32, #tpu.memory_space<vmem>> -> memref<1x128x64xf32, #tpu.memory_space<vmem>>
    %dma_wait3A_212 = tpu.memref_squeeze %dma_wait3A_211 : memref<1x128x64xf32, #tpu.memory_space<vmem>> -> memref<128x64xf32, #tpu.memory_space<vmem>>
    %dma_wait3A_213 = arith.constant 0 : i32
    %dma_wait3A_214 = tpu.memref_slice %arg6[%dma_wait3A_207, %dma_wait3A_213] : memref<79x128xi32, #tpu.memory_space<vmem>> -> memref<1x128xi32, #tpu.memory_space<vmem>>
    %dma_wait3A_215 = tpu.memref_squeeze %dma_wait3A_214 : memref<1x128xi32, #tpu.memory_space<vmem>> -> memref<128xi32, #tpu.memory_space<vmem>>
    %dma_wait3A_216 = arith.constant 0 : i32
    %dma_wait3A_217 = arith.constant 0 : i32
    %dma_wait3A_218 = tpu.memref_slice %arg2[%dma_wait3A_216, %dma_wait3A_217] : memref<10000x64xf32, #tpu.memory_space<hbm>> -> memref<10000x64xf32, #tpu.memory_space<hbm>>
    tpu.wait_indirect_dma semaphore(%arg15 : memref<!tpu.dma_semaphore, #tpu.memory_space<semaphore_mem>>) src(%dma_wait3A_218 : memref<10000x64xf32, #tpu.memory_space<hbm>>) dst(%dma_wait3A_212 : memref<128x64xf32, #tpu.memory_space<vmem>>)
    %dma_start3A_219 = arith.constant 5 : i32
    %dma_start3A_220 = arith.constant 77 : i32
    %dma_start3A_221 = arith.constant 0 : i32
    %dma_start3A_222 = arith.constant 0 : i32
    %dma_start3A_223 = tpu.memref_slice %arg8[%dma_start3A_219, %dma_start3A_221, %dma_start3A_222] : memref<6x128x64xf32, #tpu.memory_space<vmem>> -> memref<1x128x64xf32, #tpu.memory_space<vmem>>
    %dma_start3A_224 = tpu.memref_squeeze %dma_start3A_223 : memref<1x128x64xf32, #tpu.memory_space<vmem>> -> memref<128x64xf32, #tpu.memory_space<vmem>>
    %dma_start3A_225 = arith.constant 0 : i32
    %dma_start3A_226 = tpu.memref_slice %arg7[%dma_start3A_220, %dma_start3A_225] : memref<79x128xi32, #tpu.memory_space<vmem>> -> memref<1x128xi32, #tpu.memory_space<vmem>>
    %dma_start3A_227 = tpu.memref_squeeze %dma_start3A_226 : memref<1x128xi32, #tpu.memory_space<vmem>> -> memref<128xi32, #tpu.memory_space<vmem>>
    %dma_start3A_228 = arith.constant 0 : i32
    %dma_start3A_229 = arith.constant 0 : i32
    %dma_start3A_230 = tpu.memref_slice %arg9[%dma_start3A_228, %dma_start3A_229] : memref<10000x64xf32, #tpu.memory_space<vmem_shared>> -> memref<10000x64xf32, #tpu.memory_space<vmem_shared>>
    tpu.enqueue_indirect_dma source(%dma_start3A_224 : memref<128x64xf32, #tpu.memory_space<vmem>>) target(%dma_start3A_230 : memref<10000x64xf32, #tpu.memory_space<vmem_shared>>) offsets(%dma_start3A_227 : memref<128xi32, #tpu.memory_space<vmem>>) semaphore(%arg21 : memref<!tpu.dma_semaphore, #tpu.memory_space<semaphore_mem>>) {add = true}
    %dma_wait3A_231 = arith.constant 0 : i32
    %dma_wait3A_232 = arith.constant 72 : i32
    %dma_wait3A_233 = arith.constant 0 : i32
    %dma_wait3A_234 = arith.constant 0 : i32
    %dma_wait3A_235 = tpu.memref_slice %arg8[%dma_wait3A_231, %dma_wait3A_233, %dma_wait3A_234] : memref<6x128x64xf32, #tpu.memory_space<vmem>> -> memref<1x128x64xf32, #tpu.memory_space<vmem>>
    %dma_wait3A_236 = tpu.memref_squeeze %dma_wait3A_235 : memref<1x128x64xf32, #tpu.memory_space<vmem>> -> memref<128x64xf32, #tpu.memory_space<vmem>>
    %dma_wait3A_237 = arith.constant 0 : i32
    %dma_wait3A_238 = tpu.memref_slice %arg7[%dma_wait3A_232, %dma_wait3A_237] : memref<79x128xi32, #tpu.memory_space<vmem>> -> memref<1x128xi32, #tpu.memory_space<vmem>>
    %dma_wait3A_239 = tpu.memref_squeeze %dma_wait3A_238 : memref<1x128xi32, #tpu.memory_space<vmem>> -> memref<128xi32, #tpu.memory_space<vmem>>
    %dma_wait3A_240 = arith.constant 0 : i32
    %dma_wait3A_241 = arith.constant 0 : i32
    %dma_wait3A_242 = tpu.memref_slice %arg9[%dma_wait3A_240, %dma_wait3A_241] : memref<10000x64xf32, #tpu.memory_space<vmem_shared>> -> memref<10000x64xf32, #tpu.memory_space<vmem_shared>>
    tpu.wait_indirect_dma semaphore(%arg16 : memref<!tpu.dma_semaphore, #tpu.memory_space<semaphore_mem>>) src(%dma_wait3A_236 : memref<128x64xf32, #tpu.memory_space<vmem>>) dst(%dma_wait3A_242 : memref<10000x64xf32, #tpu.memory_space<vmem_shared>>)
    %dma_wait3A_243 = arith.constant 1 : i32
    %dma_wait3A_244 = arith.constant 73 : i32
    %dma_wait3A_245 = arith.constant 0 : i32
    %dma_wait3A_246 = arith.constant 0 : i32
    %dma_wait3A_247 = tpu.memref_slice %arg8[%dma_wait3A_243, %dma_wait3A_245, %dma_wait3A_246] : memref<6x128x64xf32, #tpu.memory_space<vmem>> -> memref<1x128x64xf32, #tpu.memory_space<vmem>>
    %dma_wait3A_248 = tpu.memref_squeeze %dma_wait3A_247 : memref<1x128x64xf32, #tpu.memory_space<vmem>> -> memref<128x64xf32, #tpu.memory_space<vmem>>
    %dma_wait3A_249 = arith.constant 0 : i32
    %dma_wait3A_250 = tpu.memref_slice %arg7[%dma_wait3A_244, %dma_wait3A_249] : memref<79x128xi32, #tpu.memory_space<vmem>> -> memref<1x128xi32, #tpu.memory_space<vmem>>
    %dma_wait3A_251 = tpu.memref_squeeze %dma_wait3A_250 : memref<1x128xi32, #tpu.memory_space<vmem>> -> memref<128xi32, #tpu.memory_space<vmem>>
    %dma_wait3A_252 = arith.constant 0 : i32
    %dma_wait3A_253 = arith.constant 0 : i32
    %dma_wait3A_254 = tpu.memref_slice %arg9[%dma_wait3A_252, %dma_wait3A_253] : memref<10000x64xf32, #tpu.memory_space<vmem_shared>> -> memref<10000x64xf32, #tpu.memory_space<vmem_shared>>
    tpu.wait_indirect_dma semaphore(%arg17 : memref<!tpu.dma_semaphore, #tpu.memory_space<semaphore_mem>>) src(%dma_wait3A_248 : memref<128x64xf32, #tpu.memory_space<vmem>>) dst(%dma_wait3A_254 : memref<10000x64xf32, #tpu.memory_space<vmem_shared>>)
    %dma_wait3A_255 = arith.constant 2 : i32
    %dma_wait3A_256 = arith.constant 74 : i32
    %dma_wait3A_257 = arith.constant 0 : i32
    %dma_wait3A_258 = arith.constant 0 : i32
    %dma_wait3A_259 = tpu.memref_slice %arg8[%dma_wait3A_255, %dma_wait3A_257, %dma_wait3A_258] : memref<6x128x64xf32, #tpu.memory_space<vmem>> -> memref<1x128x64xf32, #tpu.memory_space<vmem>>
    %dma_wait3A_260 = tpu.memref_squeeze %dma_wait3A_259 : memref<1x128x64xf32, #tpu.memory_space<vmem>> -> memref<128x64xf32, #tpu.memory_space<vmem>>
    %dma_wait3A_261 = arith.constant 0 : i32
    %dma_wait3A_262 = tpu.memref_slice %arg7[%dma_wait3A_256, %dma_wait3A_261] : memref<79x128xi32, #tpu.memory_space<vmem>> -> memref<1x128xi32, #tpu.memory_space<vmem>>
    %dma_wait3A_263 = tpu.memref_squeeze %dma_wait3A_262 : memref<1x128xi32, #tpu.memory_space<vmem>> -> memref<128xi32, #tpu.memory_space<vmem>>
    %dma_wait3A_264 = arith.constant 0 : i32
    %dma_wait3A_265 = arith.constant 0 : i32
    %dma_wait3A_266 = tpu.memref_slice %arg9[%dma_wait3A_264, %dma_wait3A_265] : memref<10000x64xf32, #tpu.memory_space<vmem_shared>> -> memref<10000x64xf32, #tpu.memory_space<vmem_shared>>
    tpu.wait_indirect_dma semaphore(%arg18 : memref<!tpu.dma_semaphore, #tpu.memory_space<semaphore_mem>>) src(%dma_wait3A_260 : memref<128x64xf32, #tpu.memory_space<vmem>>) dst(%dma_wait3A_266 : memref<10000x64xf32, #tpu.memory_space<vmem_shared>>)
    %dma_wait3A_267 = arith.constant 3 : i32
    %dma_wait3A_268 = arith.constant 75 : i32
    %dma_wait3A_269 = arith.constant 0 : i32
    %dma_wait3A_270 = arith.constant 0 : i32
    %dma_wait3A_271 = tpu.memref_slice %arg8[%dma_wait3A_267, %dma_wait3A_269, %dma_wait3A_270] : memref<6x128x64xf32, #tpu.memory_space<vmem>> -> memref<1x128x64xf32, #tpu.memory_space<vmem>>
    %dma_wait3A_272 = tpu.memref_squeeze %dma_wait3A_271 : memref<1x128x64xf32, #tpu.memory_space<vmem>> -> memref<128x64xf32, #tpu.memory_space<vmem>>
    %dma_wait3A_273 = arith.constant 0 : i32
    %dma_wait3A_274 = tpu.memref_slice %arg7[%dma_wait3A_268, %dma_wait3A_273] : memref<79x128xi32, #tpu.memory_space<vmem>> -> memref<1x128xi32, #tpu.memory_space<vmem>>
    %dma_wait3A_275 = tpu.memref_squeeze %dma_wait3A_274 : memref<1x128xi32, #tpu.memory_space<vmem>> -> memref<128xi32, #tpu.memory_space<vmem>>
    %dma_wait3A_276 = arith.constant 0 : i32
    %dma_wait3A_277 = arith.constant 0 : i32
    %dma_wait3A_278 = tpu.memref_slice %arg9[%dma_wait3A_276, %dma_wait3A_277] : memref<10000x64xf32, #tpu.memory_space<vmem_shared>> -> memref<10000x64xf32, #tpu.memory_space<vmem_shared>>
    tpu.wait_indirect_dma semaphore(%arg19 : memref<!tpu.dma_semaphore, #tpu.memory_space<semaphore_mem>>) src(%dma_wait3A_272 : memref<128x64xf32, #tpu.memory_space<vmem>>) dst(%dma_wait3A_278 : memref<10000x64xf32, #tpu.memory_space<vmem_shared>>)
    %dma_wait3A_279 = arith.constant 4 : i32
    %dma_wait3A_280 = arith.constant 76 : i32
    %dma_wait3A_281 = arith.constant 0 : i32
    %dma_wait3A_282 = arith.constant 0 : i32
    %dma_wait3A_283 = tpu.memref_slice %arg8[%dma_wait3A_279, %dma_wait3A_281, %dma_wait3A_282] : memref<6x128x64xf32, #tpu.memory_space<vmem>> -> memref<1x128x64xf32, #tpu.memory_space<vmem>>
    %dma_wait3A_284 = tpu.memref_squeeze %dma_wait3A_283 : memref<1x128x64xf32, #tpu.memory_space<vmem>> -> memref<128x64xf32, #tpu.memory_space<vmem>>
    %dma_wait3A_285 = arith.constant 0 : i32
    %dma_wait3A_286 = tpu.memref_slice %arg7[%dma_wait3A_280, %dma_wait3A_285] : memref<79x128xi32, #tpu.memory_space<vmem>> -> memref<1x128xi32, #tpu.memory_space<vmem>>
    %dma_wait3A_287 = tpu.memref_squeeze %dma_wait3A_286 : memref<1x128xi32, #tpu.memory_space<vmem>> -> memref<128xi32, #tpu.memory_space<vmem>>
    %dma_wait3A_288 = arith.constant 0 : i32
    %dma_wait3A_289 = arith.constant 0 : i32
    %dma_wait3A_290 = tpu.memref_slice %arg9[%dma_wait3A_288, %dma_wait3A_289] : memref<10000x64xf32, #tpu.memory_space<vmem_shared>> -> memref<10000x64xf32, #tpu.memory_space<vmem_shared>>
    tpu.wait_indirect_dma semaphore(%arg20 : memref<!tpu.dma_semaphore, #tpu.memory_space<semaphore_mem>>) src(%dma_wait3A_284 : memref<128x64xf32, #tpu.memory_space<vmem>>) dst(%dma_wait3A_290 : memref<10000x64xf32, #tpu.memory_space<vmem_shared>>)
    %dma_wait3A_291 = arith.constant 5 : i32
    %dma_wait3A_292 = arith.constant 77 : i32
    %dma_wait3A_293 = arith.constant 0 : i32
    %dma_wait3A_294 = arith.constant 0 : i32
    %dma_wait3A_295 = tpu.memref_slice %arg8[%dma_wait3A_291, %dma_wait3A_293, %dma_wait3A_294] : memref<6x128x64xf32, #tpu.memory_space<vmem>> -> memref<1x128x64xf32, #tpu.memory_space<vmem>>
    %dma_wait3A_296 = tpu.memref_squeeze %dma_wait3A_295 : memref<1x128x64xf32, #tpu.memory_space<vmem>> -> memref<128x64xf32, #tpu.memory_space<vmem>>
    %dma_wait3A_297 = arith.constant 0 : i32
    %dma_wait3A_298 = tpu.memref_slice %arg7[%dma_wait3A_292, %dma_wait3A_297] : memref<79x128xi32, #tpu.memory_space<vmem>> -> memref<1x128xi32, #tpu.memory_space<vmem>>
    %dma_wait3A_299 = tpu.memref_squeeze %dma_wait3A_298 : memref<1x128xi32, #tpu.memory_space<vmem>> -> memref<128xi32, #tpu.memory_space<vmem>>
    %dma_wait3A_300 = arith.constant 0 : i32
    %dma_wait3A_301 = arith.constant 0 : i32
    %dma_wait3A_302 = tpu.memref_slice %arg9[%dma_wait3A_300, %dma_wait3A_301] : memref<10000x64xf32, #tpu.memory_space<vmem_shared>> -> memref<10000x64xf32, #tpu.memory_space<vmem_shared>>
    tpu.wait_indirect_dma semaphore(%arg21 : memref<!tpu.dma_semaphore, #tpu.memory_space<semaphore_mem>>) src(%dma_wait3A_296 : memref<128x64xf32, #tpu.memory_space<vmem>>) dst(%dma_wait3A_302 : memref<10000x64xf32, #tpu.memory_space<vmem_shared>>)
    %lt3A_303 = arith.constant 4 : i32
    %lt3A_304 = arith.cmpi slt, %add3A, %lt3A_303 : i32
    %convert_element_type3A_305 = arith.extui %lt3A_304 : i1 to i32
    %cond3A_306 = arith.constant 0 : i32
    %cond3A_307 = arith.cmpi ne, %convert_element_type3A_305, %cond3A_306 : i32
    scf.if %cond3A_307 {
      %dma_start3A_318 = arith.constant 78 : i32
      %dma_start3A_319 = arith.constant 0 : i32
      %dma_start3A_320 = arith.constant 0 : i32
      %dma_start3A_321 = arith.constant 0 : i32
      %dma_start3A_322 = tpu.memref_slice %arg8[%dma_start3A_319, %dma_start3A_320, %dma_start3A_321] : memref<6x128x64xf32, #tpu.memory_space<vmem>> -> memref<1x128x64xf32, #tpu.memory_space<vmem>>
      %dma_start3A_323 = tpu.memref_squeeze %dma_start3A_322 : memref<1x128x64xf32, #tpu.memory_space<vmem>> -> memref<128x64xf32, #tpu.memory_space<vmem>>
      %dma_start3A_324 = arith.constant 0 : i32
      %dma_start3A_325 = tpu.memref_slice %arg6[%dma_start3A_318, %dma_start3A_324] : memref<79x128xi32, #tpu.memory_space<vmem>> -> memref<1x128xi32, #tpu.memory_space<vmem>>
      %dma_start3A_326 = tpu.memref_squeeze %dma_start3A_325 : memref<1x128xi32, #tpu.memory_space<vmem>> -> memref<128xi32, #tpu.memory_space<vmem>>
      %dma_start3A_327 = arith.constant 0 : i32
      %dma_start3A_328 = arith.constant 0 : i32
      %dma_start3A_329 = tpu.memref_slice %arg2[%dma_start3A_327, %dma_start3A_328] : memref<10000x64xf32, #tpu.memory_space<hbm>> -> memref<10000x64xf32, #tpu.memory_space<hbm>>
      tpu.enqueue_indirect_dma source(%dma_start3A_329 : memref<10000x64xf32, #tpu.memory_space<hbm>>) target(%dma_start3A_323 : memref<128x64xf32, #tpu.memory_space<vmem>>) offsets(%dma_start3A_326 : memref<128xi32, #tpu.memory_space<vmem>>) semaphore(%arg10 : memref<!tpu.dma_semaphore, #tpu.memory_space<semaphore_mem>>)
      %dma_wait3A_330 = arith.constant 78 : i32
      %dma_wait3A_331 = arith.constant 0 : i32
      %dma_wait3A_332 = arith.constant 0 : i32
      %dma_wait3A_333 = arith.constant 0 : i32
      %dma_wait3A_334 = tpu.memref_slice %arg8[%dma_wait3A_331, %dma_wait3A_332, %dma_wait3A_333] : memref<6x128x64xf32, #tpu.memory_space<vmem>> -> memref<1x128x64xf32, #tpu.memory_space<vmem>>
      %dma_wait3A_335 = tpu.memref_squeeze %dma_wait3A_334 : memref<1x128x64xf32, #tpu.memory_space<vmem>> -> memref<128x64xf32, #tpu.memory_space<vmem>>
      %dma_wait3A_336 = arith.constant 0 : i32
      %dma_wait3A_337 = tpu.memref_slice %arg6[%dma_wait3A_330, %dma_wait3A_336] : memref<79x128xi32, #tpu.memory_space<vmem>> -> memref<1x128xi32, #tpu.memory_space<vmem>>
      %dma_wait3A_338 = tpu.memref_squeeze %dma_wait3A_337 : memref<1x128xi32, #tpu.memory_space<vmem>> -> memref<128xi32, #tpu.memory_space<vmem>>
      %dma_wait3A_339 = arith.constant 0 : i32
      %dma_wait3A_340 = arith.constant 0 : i32
      %dma_wait3A_341 = tpu.memref_slice %arg2[%dma_wait3A_339, %dma_wait3A_340] : memref<10000x64xf32, #tpu.memory_space<hbm>> -> memref<10000x64xf32, #tpu.memory_space<hbm>>
      tpu.wait_indirect_dma semaphore(%arg10 : memref<!tpu.dma_semaphore, #tpu.memory_space<semaphore_mem>>) src(%dma_wait3A_341 : memref<10000x64xf32, #tpu.memory_space<hbm>>) dst(%dma_wait3A_335 : memref<128x64xf32, #tpu.memory_space<vmem>>)
      %run_scoped3A_342 = arith.constant 0 : i32
      %run_scoped3A_343 = arith.constant 78 : i32
      "tpu.region"() ({
        %run_scoped3A_344 = tpu.sem_alloc : memref<!tpu.dma_semaphore, #tpu.memory_space<semaphore_mem>>
        %dma_start3A_345 = arith.constant 0 : i32
        %dma_start3A_346 = arith.constant 0 : i32
        %dma_start3A_347 = tpu.memref_slice %arg8[%run_scoped3A_342, %dma_start3A_345, %dma_start3A_346] : memref<6x128x64xf32, #tpu.memory_space<vmem>> -> memref<1x128x64xf32, #tpu.memory_space<vmem>>
        %dma_start3A_348 = tpu.memref_squeeze %dma_start3A_347 : memref<1x128x64xf32, #tpu.memory_space<vmem>> -> memref<128x64xf32, #tpu.memory_space<vmem>>
        %dma_start3A_349 = arith.constant 0 : i32
        %dma_start3A_350 = tpu.memref_slice %arg7[%run_scoped3A_343, %dma_start3A_349] : memref<79x128xi32, #tpu.memory_space<vmem>> -> memref<1x128xi32, #tpu.memory_space<vmem>>
        %dma_start3A_351 = tpu.memref_squeeze %dma_start3A_350 : memref<1x128xi32, #tpu.memory_space<vmem>> -> memref<128xi32, #tpu.memory_space<vmem>>
        %dma_start3A_352 = arith.constant 0 : i32
        %dma_start3A_353 = arith.constant 0 : i32
        %dma_start3A_354 = tpu.memref_slice %arg9[%dma_start3A_352, %dma_start3A_353] : memref<10000x64xf32, #tpu.memory_space<vmem_shared>> -> memref<10000x64xf32, #tpu.memory_space<vmem_shared>>
        tpu.enqueue_indirect_dma source(%dma_start3A_348 : memref<128x64xf32, #tpu.memory_space<vmem>>) target(%dma_start3A_354 : memref<10000x64xf32, #tpu.memory_space<vmem_shared>>) offsets(%dma_start3A_351 : memref<128xi32, #tpu.memory_space<vmem>>) semaphore(%run_scoped3A_344 : memref<!tpu.dma_semaphore, #tpu.memory_space<semaphore_mem>>) {add = true}
        %dma_wait3A_355 = arith.constant 0 : i32
        %dma_wait3A_356 = arith.constant 0 : i32
        %dma_wait3A_357 = tpu.memref_slice %arg8[%run_scoped3A_342, %dma_wait3A_355, %dma_wait3A_356] : memref<6x128x64xf32, #tpu.memory_space<vmem>> -> memref<1x128x64xf32, #tpu.memory_space<vmem>>
        %dma_wait3A_358 = tpu.memref_squeeze %dma_wait3A_357 : memref<1x128x64xf32, #tpu.memory_space<vmem>> -> memref<128x64xf32, #tpu.memory_space<vmem>>
        %dma_wait3A_359 = arith.constant 0 : i32
        %dma_wait3A_360 = tpu.memref_slice %arg7[%run_scoped3A_343, %dma_wait3A_359] : memref<79x128xi32, #tpu.memory_space<vmem>> -> memref<1x128xi32, #tpu.memory_space<vmem>>
        %dma_wait3A_361 = tpu.memref_squeeze %dma_wait3A_360 : memref<1x128xi32, #tpu.memory_space<vmem>> -> memref<128xi32, #tpu.memory_space<vmem>>
        %dma_wait3A_362 = arith.constant 0 : i32
        %dma_wait3A_363 = arith.constant 0 : i32
        %dma_wait3A_364 = tpu.memref_slice %arg9[%dma_wait3A_362, %dma_wait3A_363] : memref<10000x64xf32, #tpu.memory_space<vmem_shared>> -> memref<10000x64xf32, #tpu.memory_space<vmem_shared>>
        tpu.wait_indirect_dma semaphore(%run_scoped3A_344 : memref<!tpu.dma_semaphore, #tpu.memory_space<semaphore_mem>>) src(%dma_wait3A_358 : memref<128x64xf32, #tpu.memory_space<vmem>>) dst(%dma_wait3A_364 : memref<10000x64xf32, #tpu.memory_space<vmem_shared>>)
        tpu.yield
      }) : () -> ()
    } else {
    }
    %barrier3A_308 = arith.constant 0 : index
    tpu.barrier barrier_id(%barrier3A_308)
    %mul3A_309 = arith.constant 624 : i32
    %mul3A_310 = arith.muli %arg1, %mul3A_309 : i32
    %mul3A_311 = arith.constant 624 : i32
    %mul3A_312 = arith.muli %arg1, %mul3A_311 : i32
    "tpu.region"() ({
      %run_scoped3A_318 = tpu.sem_alloc : memref<!tpu.dma_semaphore, #tpu.memory_space<semaphore_mem>>
      %dma_start3A_319 = arith.constant 0 : i32
      %dma_start3A_320 = tpu.memref_slice %arg5[%arg0, %mul3A_312, %dma_start3A_319] : memref<2x10000x64xf32, #tpu.memory_space<hbm>> -> memref<1x624x64xf32, #tpu.memory_space<hbm>>
      %dma_start3A_321 = tpu.memref_squeeze %dma_start3A_320 : memref<1x624x64xf32, #tpu.memory_space<hbm>> -> memref<624x64xf32, #tpu.memory_space<hbm>>
      %dma_start3A_322 = arith.constant 0 : i32
      %dma_start3A_323 = tpu.memref_slice %arg9[%mul3A_310, %dma_start3A_322] : memref<10000x64xf32, #tpu.memory_space<vmem_shared>> -> memref<624x64xf32, #tpu.memory_space<vmem_shared>>
      tpu.enqueue_dma source(%dma_start3A_323 : memref<624x64xf32, #tpu.memory_space<vmem_shared>>) target(%dma_start3A_321 : memref<624x64xf32, #tpu.memory_space<hbm>>) target_semaphore(%run_scoped3A_318 : memref<!tpu.dma_semaphore, #tpu.memory_space<semaphore_mem>>)
      %dma_wait3A_324 = arith.constant 0 : i32
      %dma_wait3A_325 = tpu.memref_slice %arg5[%arg0, %mul3A_312, %dma_wait3A_324] : memref<2x10000x64xf32, #tpu.memory_space<hbm>> -> memref<1x624x64xf32, #tpu.memory_space<hbm>>
      %dma_wait3A_326 = tpu.memref_squeeze %dma_wait3A_325 : memref<1x624x64xf32, #tpu.memory_space<hbm>> -> memref<624x64xf32, #tpu.memory_space<hbm>>
      %dma_wait3A_327 = arith.constant 0 : i32
      %dma_wait3A_328 = tpu.memref_slice %arg9[%mul3A_310, %dma_wait3A_327] : memref<10000x64xf32, #tpu.memory_space<vmem_shared>> -> memref<624x64xf32, #tpu.memory_space<vmem_shared>>
      tpu.wait_dma2 semaphore(%run_scoped3A_318 : memref<!tpu.dma_semaphore, #tpu.memory_space<semaphore_mem>>) src(%dma_wait3A_328 : memref<624x64xf32, #tpu.memory_space<vmem_shared>>) dst(%dma_wait3A_326 : memref<624x64xf32, #tpu.memory_space<hbm>>)
      tpu.yield
    }) : () -> ()
    %eq3A_313 = arith.constant 0 : i32
    %eq3A_314 = arith.cmpi eq, %arg1, %eq3A_313 : i32
    %convert_element_type3A_315 = arith.extui %eq3A_314 : i1 to i32
    %cond3A_316 = arith.constant 0 : i32
    %cond3A_317 = arith.cmpi ne, %convert_element_type3A_315, %cond3A_316 : i32
    scf.if %cond3A_317 {
      "tpu.region"() ({
        %run_scoped3A_318 = tpu.sem_alloc : memref<!tpu.dma_semaphore, #tpu.memory_space<semaphore_mem>>
        %dma_start3A_319 = arith.constant 9984 : i32
        %dma_start3A_320 = arith.constant 0 : i32
        %dma_start3A_321 = tpu.memref_slice %arg5[%arg0, %dma_start3A_319, %dma_start3A_320] : memref<2x10000x64xf32, #tpu.memory_space<hbm>> -> memref<1x16x64xf32, #tpu.memory_space<hbm>>
        %dma_start3A_322 = tpu.memref_squeeze %dma_start3A_321 : memref<1x16x64xf32, #tpu.memory_space<hbm>> -> memref<16x64xf32, #tpu.memory_space<hbm>>
        %dma_start3A_323 = arith.constant 9984 : i32
        %dma_start3A_324 = arith.constant 0 : i32
        %dma_start3A_325 = tpu.memref_slice %arg9[%dma_start3A_323, %dma_start3A_324] : memref<10000x64xf32, #tpu.memory_space<vmem_shared>> -> memref<16x64xf32, #tpu.memory_space<vmem_shared>>
        tpu.enqueue_dma source(%dma_start3A_325 : memref<16x64xf32, #tpu.memory_space<vmem_shared>>) target(%dma_start3A_322 : memref<16x64xf32, #tpu.memory_space<hbm>>) target_semaphore(%run_scoped3A_318 : memref<!tpu.dma_semaphore, #tpu.memory_space<semaphore_mem>>)
        %dma_wait3A_326 = arith.constant 9984 : i32
        %dma_wait3A_327 = arith.constant 0 : i32
        %dma_wait3A_328 = tpu.memref_slice %arg5[%arg0, %dma_wait3A_326, %dma_wait3A_327] : memref<2x10000x64xf32, #tpu.memory_space<hbm>> -> memref<1x16x64xf32, #tpu.memory_space<hbm>>
        %dma_wait3A_329 = tpu.memref_squeeze %dma_wait3A_328 : memref<1x16x64xf32, #tpu.memory_space<hbm>> -> memref<16x64xf32, #tpu.memory_space<hbm>>
        %dma_wait3A_330 = arith.constant 9984 : i32
        %dma_wait3A_331 = arith.constant 0 : i32
        %dma_wait3A_332 = tpu.memref_slice %arg9[%dma_wait3A_330, %dma_wait3A_331] : memref<10000x64xf32, #tpu.memory_space<vmem_shared>> -> memref<16x64xf32, #tpu.memory_space<vmem_shared>>
        tpu.wait_dma2 semaphore(%run_scoped3A_318 : memref<!tpu.dma_semaphore, #tpu.memory_space<semaphore_mem>>) src(%dma_wait3A_332 : memref<16x64xf32, #tpu.memory_space<vmem_shared>>) dst(%dma_wait3A_329 : memref<16x64xf32, #tpu.memory_space<hbm>>)
        tpu.yield
      }) : () -> ()
    } else {
    }
    return
  }
}

#map = affine_map<(d0, d1) -> (0, 0)>
#map1 = affine_map<(d0, d1) -> (0, 0, 0)>
module attributes {stable_mosaic.version = 14 : i64} {
  func.func @run(%arg0: i32, %arg1: i32, %arg2: memref<10000x64xf32, #tpu.memory_space<hbm>>, %arg3: memref<2x2500x128xi32, #tpu.memory_space<hbm>>, %arg4: memref<624x64xf32, #tpu.memory_space<hbm>>, %arg5: memref<624x8xf32, #tpu.memory_space<hbm>>, %arg6: memref<128x8xf32, #tpu.memory_space<hbm>>, %arg7: memref<2x10000x64xf32, #tpu.memory_space<hbm>>, %arg8: memref<2x10000x8xf32, #tpu.memory_space<hbm>>, %arg9: memref<79x128xi32, #tpu.memory_space<vmem>>, %arg10: memref<79x128xi32, #tpu.memory_space<vmem>>, %arg11: memref<6x128x64xf32, #tpu.memory_space<vmem>>, %arg12: memref<128x8xf32, #tpu.memory_space<vmem>>, %arg13: memref<10000x64xf32, #tpu.memory_space<vmem_shared>>, %arg14: memref<10000x8xf32, #tpu.memory_space<vmem_shared>>, %arg15: memref<!tpu.dma_semaphore, #tpu.memory_space<semaphore_mem>>, %arg16: memref<!tpu.dma_semaphore, #tpu.memory_space<semaphore_mem>>, %arg17: memref<!tpu.dma_semaphore, #tpu.memory_space<semaphore_mem>>, %arg18: memref<!tpu.dma_semaphore, #tpu.memory_space<semaphore_mem>>, %arg19: memref<!tpu.dma_semaphore, #tpu.memory_space<semaphore_mem>>, %arg20: memref<!tpu.dma_semaphore, #tpu.memory_space<semaphore_mem>>, %arg21: memref<!tpu.dma_semaphore, #tpu.memory_space<semaphore_mem>>, %arg22: memref<!tpu.dma_semaphore, #tpu.memory_space<semaphore_mem>>, %arg23: memref<!tpu.dma_semaphore, #tpu.memory_space<semaphore_mem>>, %arg24: memref<!tpu.dma_semaphore, #tpu.memory_space<semaphore_mem>>, %arg25: memref<!tpu.dma_semaphore, #tpu.memory_space<semaphore_mem>>, %arg26: memref<!tpu.dma_semaphore, #tpu.memory_space<semaphore_mem>>, %arg27: memref<!tpu.dma_semaphore, #tpu.memory_space<semaphore_mem>>, %arg28: memref<!tpu.dma_semaphore, #tpu.memory_space<semaphore_mem>>, %arg29: memref<!tpu.dma_semaphore, #tpu.memory_space<semaphore_mem>>, %arg30: memref<!tpu.dma_semaphore, #tpu.memory_space<semaphore_mem>>, %arg31: memref<!tpu.dma_semaphore, #tpu.memory_space<semaphore_mem>>, %arg32: memref<!tpu.dma_semaphore, #tpu.memory_space<semaphore_mem>>) attributes {dimension_semantics = [#tpu.dimension_semantics<core_parallel>, #tpu.dimension_semantics<subcore_parallel>], iteration_bounds = array<i64: 2, 16>, scalar_prefetch = 0 : i64, scratch_operands = 24 : i64, tpu.core_type = #tpu.core_type<sc_vector_subcore>, window_params = [{transform_indices = #map}, {transform_indices = #map1}, {transform_indices = #map}, {transform_indices = #map}, {transform_indices = #map}, {transform_indices = #map1}, {transform_indices = #map1}]} {
    %mul3A = arith.constant 16 : i32
    %mul3A_0 = arith.muli %arg0, %mul3A : i32
    %add3A = arith.addi %mul3A_0, %arg1 : i32
    "tpu.region"() ({
      %run_scoped3A_421 = tpu.sem_alloc : memref<!tpu.dma_semaphore, #tpu.memory_space<semaphore_mem>>
      tpu.enqueue_dma source(%arg6 : memref<128x8xf32, #tpu.memory_space<hbm>>) target(%arg12 : memref<128x8xf32, #tpu.memory_space<vmem>>) target_semaphore(%run_scoped3A_421 : memref<!tpu.dma_semaphore, #tpu.memory_space<semaphore_mem>>)
      tpu.wait_dma2 semaphore(%run_scoped3A_421 : memref<!tpu.dma_semaphore, #tpu.memory_space<semaphore_mem>>) src(%arg6 : memref<128x8xf32, #tpu.memory_space<hbm>>) dst(%arg12 : memref<128x8xf32, #tpu.memory_space<vmem>>)
      tpu.yield
    }) : () -> ()
    %mul3A_1 = arith.constant 624 : i32
    %mul3A_2 = arith.muli %arg1, %mul3A_1 : i32
    "tpu.region"() ({
      %run_scoped3A_421 = tpu.sem_alloc : memref<!tpu.dma_semaphore, #tpu.memory_space<semaphore_mem>>
      %dma_start3A_422 = arith.constant 0 : i32
      %dma_start3A_423 = tpu.memref_slice %arg13[%mul3A_2, %dma_start3A_422] : memref<10000x64xf32, #tpu.memory_space<vmem_shared>> -> memref<624x64xf32, #tpu.memory_space<vmem_shared>>
      tpu.enqueue_dma source(%arg4 : memref<624x64xf32, #tpu.memory_space<hbm>>) target(%dma_start3A_423 : memref<624x64xf32, #tpu.memory_space<vmem_shared>>) target_semaphore(%run_scoped3A_421 : memref<!tpu.dma_semaphore, #tpu.memory_space<semaphore_mem>>)
      %dma_wait3A_424 = arith.constant 0 : i32
      %dma_wait3A_425 = tpu.memref_slice %arg13[%mul3A_2, %dma_wait3A_424] : memref<10000x64xf32, #tpu.memory_space<vmem_shared>> -> memref<624x64xf32, #tpu.memory_space<vmem_shared>>
      tpu.wait_dma2 semaphore(%run_scoped3A_421 : memref<!tpu.dma_semaphore, #tpu.memory_space<semaphore_mem>>) src(%arg4 : memref<624x64xf32, #tpu.memory_space<hbm>>) dst(%dma_wait3A_425 : memref<624x64xf32, #tpu.memory_space<vmem_shared>>)
      tpu.yield
    }) : () -> ()
    %eq3A = arith.constant 0 : i32
    %eq3A_3 = arith.cmpi eq, %arg1, %eq3A : i32
    %convert_element_type3A = arith.extui %eq3A_3 : i1 to i32
    %cond3A = arith.constant 0 : i32
    %cond3A_4 = arith.cmpi ne, %convert_element_type3A, %cond3A : i32
    scf.if %cond3A_4 {
      "tpu.region"() ({
        %run_scoped3A_421 = tpu.sem_alloc : memref<!tpu.dma_semaphore, #tpu.memory_space<semaphore_mem>>
        %dma_start3A_422 = arith.constant 9984 : i32
        %dma_start3A_423 = arith.constant 0 : i32
        %dma_start3A_424 = tpu.memref_slice %arg13[%dma_start3A_422, %dma_start3A_423] : memref<10000x64xf32, #tpu.memory_space<vmem_shared>> -> memref<16x64xf32, #tpu.memory_space<vmem_shared>>
        %dma_start3A_425 = arith.constant 0 : i32
        %dma_start3A_426 = arith.constant 0 : i32
        %dma_start3A_427 = tpu.memref_slice %arg4[%dma_start3A_425, %dma_start3A_426] : memref<624x64xf32, #tpu.memory_space<hbm>> -> memref<16x64xf32, #tpu.memory_space<hbm>>
        tpu.enqueue_dma source(%dma_start3A_427 : memref<16x64xf32, #tpu.memory_space<hbm>>) target(%dma_start3A_424 : memref<16x64xf32, #tpu.memory_space<vmem_shared>>) target_semaphore(%run_scoped3A_421 : memref<!tpu.dma_semaphore, #tpu.memory_space<semaphore_mem>>)
        %dma_wait3A_428 = arith.constant 9984 : i32
        %dma_wait3A_429 = arith.constant 0 : i32
        %dma_wait3A_430 = tpu.memref_slice %arg13[%dma_wait3A_428, %dma_wait3A_429] : memref<10000x64xf32, #tpu.memory_space<vmem_shared>> -> memref<16x64xf32, #tpu.memory_space<vmem_shared>>
        %dma_wait3A_431 = arith.constant 0 : i32
        %dma_wait3A_432 = arith.constant 0 : i32
        %dma_wait3A_433 = tpu.memref_slice %arg4[%dma_wait3A_431, %dma_wait3A_432] : memref<624x64xf32, #tpu.memory_space<hbm>> -> memref<16x64xf32, #tpu.memory_space<hbm>>
        tpu.wait_dma2 semaphore(%run_scoped3A_421 : memref<!tpu.dma_semaphore, #tpu.memory_space<semaphore_mem>>) src(%dma_wait3A_433 : memref<16x64xf32, #tpu.memory_space<hbm>>) dst(%dma_wait3A_430 : memref<16x64xf32, #tpu.memory_space<vmem_shared>>)
        tpu.yield
      }) : () -> ()
    } else {
    }
    %mul3A_5 = arith.constant 624 : i32
    %mul3A_6 = arith.muli %arg1, %mul3A_5 : i32
    "tpu.region"() ({
      %run_scoped3A_421 = tpu.sem_alloc : memref<!tpu.dma_semaphore, #tpu.memory_space<semaphore_mem>>
      %dma_start3A_422 = arith.constant 0 : i32
      %dma_start3A_423 = tpu.memref_slice %arg14[%mul3A_6, %dma_start3A_422] : memref<10000x8xf32, #tpu.memory_space<vmem_shared>> -> memref<624x8xf32, #tpu.memory_space<vmem_shared>>
      tpu.enqueue_dma source(%arg5 : memref<624x8xf32, #tpu.memory_space<hbm>>) target(%dma_start3A_423 : memref<624x8xf32, #tpu.memory_space<vmem_shared>>) target_semaphore(%run_scoped3A_421 : memref<!tpu.dma_semaphore, #tpu.memory_space<semaphore_mem>>)
      %dma_wait3A_424 = arith.constant 0 : i32
      %dma_wait3A_425 = tpu.memref_slice %arg14[%mul3A_6, %dma_wait3A_424] : memref<10000x8xf32, #tpu.memory_space<vmem_shared>> -> memref<624x8xf32, #tpu.memory_space<vmem_shared>>
      tpu.wait_dma2 semaphore(%run_scoped3A_421 : memref<!tpu.dma_semaphore, #tpu.memory_space<semaphore_mem>>) src(%arg5 : memref<624x8xf32, #tpu.memory_space<hbm>>) dst(%dma_wait3A_425 : memref<624x8xf32, #tpu.memory_space<vmem_shared>>)
      tpu.yield
    }) : () -> ()
    %eq3A_7 = arith.constant 0 : i32
    %eq3A_8 = arith.cmpi eq, %arg1, %eq3A_7 : i32
    %convert_element_type3A_9 = arith.extui %eq3A_8 : i1 to i32
    %cond3A_10 = arith.constant 0 : i32
    %cond3A_11 = arith.cmpi ne, %convert_element_type3A_9, %cond3A_10 : i32
    scf.if %cond3A_11 {
      "tpu.region"() ({
        %run_scoped3A_421 = tpu.sem_alloc : memref<!tpu.dma_semaphore, #tpu.memory_space<semaphore_mem>>
        %dma_start3A_422 = arith.constant 9984 : i32
        %dma_start3A_423 = arith.constant 0 : i32
        %dma_start3A_424 = tpu.memref_slice %arg14[%dma_start3A_422, %dma_start3A_423] : memref<10000x8xf32, #tpu.memory_space<vmem_shared>> -> memref<16x8xf32, #tpu.memory_space<vmem_shared>>
        %dma_start3A_425 = arith.constant 0 : i32
        %dma_start3A_426 = arith.constant 0 : i32
        %dma_start3A_427 = tpu.memref_slice %arg5[%dma_start3A_425, %dma_start3A_426] : memref<624x8xf32, #tpu.memory_space<hbm>> -> memref<16x8xf32, #tpu.memory_space<hbm>>
        tpu.enqueue_dma source(%dma_start3A_427 : memref<16x8xf32, #tpu.memory_space<hbm>>) target(%dma_start3A_424 : memref<16x8xf32, #tpu.memory_space<vmem_shared>>) target_semaphore(%run_scoped3A_421 : memref<!tpu.dma_semaphore, #tpu.memory_space<semaphore_mem>>)
        %dma_wait3A_428 = arith.constant 9984 : i32
        %dma_wait3A_429 = arith.constant 0 : i32
        %dma_wait3A_430 = tpu.memref_slice %arg14[%dma_wait3A_428, %dma_wait3A_429] : memref<10000x8xf32, #tpu.memory_space<vmem_shared>> -> memref<16x8xf32, #tpu.memory_space<vmem_shared>>
        %dma_wait3A_431 = arith.constant 0 : i32
        %dma_wait3A_432 = arith.constant 0 : i32
        %dma_wait3A_433 = tpu.memref_slice %arg5[%dma_wait3A_431, %dma_wait3A_432] : memref<624x8xf32, #tpu.memory_space<hbm>> -> memref<16x8xf32, #tpu.memory_space<hbm>>
        tpu.wait_dma2 semaphore(%run_scoped3A_421 : memref<!tpu.dma_semaphore, #tpu.memory_space<semaphore_mem>>) src(%dma_wait3A_433 : memref<16x8xf32, #tpu.memory_space<hbm>>) dst(%dma_wait3A_430 : memref<16x8xf32, #tpu.memory_space<vmem_shared>>)
        tpu.yield
      }) : () -> ()
    } else {
    }
    %barrier3A = arith.constant 0 : index
    tpu.barrier barrier_id(%barrier3A)
    %mul3A_12 = arith.constant 16 : i32
    %mul3A_13 = arith.muli %arg0, %mul3A_12 : i32
    %add3A_14 = arith.addi %mul3A_13, %arg1 : i32
    %mul3A_15 = arith.constant 78 : i32
    %mul3A_16 = arith.muli %add3A_14, %mul3A_15 : i32
    %run_scoped3A = arith.constant 0 : i32
    "tpu.region"() ({
      %run_scoped3A_421 = tpu.sem_alloc : memref<!tpu.dma_semaphore, #tpu.memory_space<semaphore_mem>>
      %dma_start3A_422 = arith.constant 0 : i32
      %dma_start3A_423 = arith.constant 0 : i32
      %dma_start3A_424 = tpu.memref_slice %arg9[%dma_start3A_422, %dma_start3A_423] : memref<79x128xi32, #tpu.memory_space<vmem>> -> memref<78x128xi32, #tpu.memory_space<vmem>>
      %dma_start3A_425 = arith.constant 0 : i32
      %dma_start3A_426 = tpu.memref_slice %arg3[%run_scoped3A, %mul3A_16, %dma_start3A_425] : memref<2x2500x128xi32, #tpu.memory_space<hbm>> -> memref<1x78x128xi32, #tpu.memory_space<hbm>>
      %dma_start3A_427 = tpu.memref_squeeze %dma_start3A_426 : memref<1x78x128xi32, #tpu.memory_space<hbm>> -> memref<78x128xi32, #tpu.memory_space<hbm>>
      %dma_start3A_428 = arith.constant 0 : i32
      %dma_start3A_429 = arith.constant 0 : i32
      %dma_start3A_430 = tpu.memref_slice %arg9[%dma_start3A_428, %dma_start3A_429] : memref<79x128xi32, #tpu.memory_space<vmem>> -> memref<78x128xi32, #tpu.memory_space<vmem>>
      %dma_start3A_431 = arith.constant 0 : i32
      %dma_start3A_432 = tpu.memref_slice %arg3[%run_scoped3A, %mul3A_16, %dma_start3A_431] : memref<2x2500x128xi32, #tpu.memory_space<hbm>> -> memref<1x78x128xi32, #tpu.memory_space<hbm>>
      %dma_start3A_433 = tpu.memref_squeeze %dma_start3A_432 : memref<1x78x128xi32, #tpu.memory_space<hbm>> -> memref<78x128xi32, #tpu.memory_space<hbm>>
      tpu.enqueue_dma source(%dma_start3A_433 : memref<78x128xi32, #tpu.memory_space<hbm>>) target(%dma_start3A_430 : memref<78x128xi32, #tpu.memory_space<vmem>>) target_semaphore(%run_scoped3A_421 : memref<!tpu.dma_semaphore, #tpu.memory_space<semaphore_mem>>)
      %dma_wait3A_434 = arith.constant 0 : i32
      %dma_wait3A_435 = arith.constant 0 : i32
      %dma_wait3A_436 = tpu.memref_slice %arg9[%dma_wait3A_434, %dma_wait3A_435] : memref<79x128xi32, #tpu.memory_space<vmem>> -> memref<78x128xi32, #tpu.memory_space<vmem>>
      %dma_wait3A_437 = arith.constant 0 : i32
      %dma_wait3A_438 = tpu.memref_slice %arg3[%run_scoped3A, %mul3A_16, %dma_wait3A_437] : memref<2x2500x128xi32, #tpu.memory_space<hbm>> -> memref<1x78x128xi32, #tpu.memory_space<hbm>>
      %dma_wait3A_439 = tpu.memref_squeeze %dma_wait3A_438 : memref<1x78x128xi32, #tpu.memory_space<hbm>> -> memref<78x128xi32, #tpu.memory_space<hbm>>
      %dma_wait3A_440 = arith.constant 0 : i32
      %dma_wait3A_441 = arith.constant 0 : i32
      %dma_wait3A_442 = tpu.memref_slice %arg9[%dma_wait3A_440, %dma_wait3A_441] : memref<79x128xi32, #tpu.memory_space<vmem>> -> memref<78x128xi32, #tpu.memory_space<vmem>>
      %dma_wait3A_443 = arith.constant 0 : i32
      %dma_wait3A_444 = tpu.memref_slice %arg3[%run_scoped3A, %mul3A_16, %dma_wait3A_443] : memref<2x2500x128xi32, #tpu.memory_space<hbm>> -> memref<1x78x128xi32, #tpu.memory_space<hbm>>
      %dma_wait3A_445 = tpu.memref_squeeze %dma_wait3A_444 : memref<1x78x128xi32, #tpu.memory_space<hbm>> -> memref<78x128xi32, #tpu.memory_space<hbm>>
      tpu.wait_dma2 semaphore(%run_scoped3A_421 : memref<!tpu.dma_semaphore, #tpu.memory_space<semaphore_mem>>) src(%dma_wait3A_445 : memref<78x128xi32, #tpu.memory_space<hbm>>) dst(%dma_wait3A_442 : memref<78x128xi32, #tpu.memory_space<vmem>>)
      tpu.yield
    }) : () -> ()
    %run_scoped3A_17 = arith.constant 1 : i32
    "tpu.region"() ({
      %run_scoped3A_421 = tpu.sem_alloc : memref<!tpu.dma_semaphore, #tpu.memory_space<semaphore_mem>>
      %dma_start3A_422 = arith.constant 0 : i32
      %dma_start3A_423 = arith.constant 0 : i32
      %dma_start3A_424 = tpu.memref_slice %arg10[%dma_start3A_422, %dma_start3A_423] : memref<79x128xi32, #tpu.memory_space<vmem>> -> memref<78x128xi32, #tpu.memory_space<vmem>>
      %dma_start3A_425 = arith.constant 0 : i32
      %dma_start3A_426 = tpu.memref_slice %arg3[%run_scoped3A_17, %mul3A_16, %dma_start3A_425] : memref<2x2500x128xi32, #tpu.memory_space<hbm>> -> memref<1x78x128xi32, #tpu.memory_space<hbm>>
      %dma_start3A_427 = tpu.memref_squeeze %dma_start3A_426 : memref<1x78x128xi32, #tpu.memory_space<hbm>> -> memref<78x128xi32, #tpu.memory_space<hbm>>
      %dma_start3A_428 = arith.constant 0 : i32
      %dma_start3A_429 = arith.constant 0 : i32
      %dma_start3A_430 = tpu.memref_slice %arg10[%dma_start3A_428, %dma_start3A_429] : memref<79x128xi32, #tpu.memory_space<vmem>> -> memref<78x128xi32, #tpu.memory_space<vmem>>
      %dma_start3A_431 = arith.constant 0 : i32
      %dma_start3A_432 = tpu.memref_slice %arg3[%run_scoped3A_17, %mul3A_16, %dma_start3A_431] : memref<2x2500x128xi32, #tpu.memory_space<hbm>> -> memref<1x78x128xi32, #tpu.memory_space<hbm>>
      %dma_start3A_433 = tpu.memref_squeeze %dma_start3A_432 : memref<1x78x128xi32, #tpu.memory_space<hbm>> -> memref<78x128xi32, #tpu.memory_space<hbm>>
      tpu.enqueue_dma source(%dma_start3A_433 : memref<78x128xi32, #tpu.memory_space<hbm>>) target(%dma_start3A_430 : memref<78x128xi32, #tpu.memory_space<vmem>>) target_semaphore(%run_scoped3A_421 : memref<!tpu.dma_semaphore, #tpu.memory_space<semaphore_mem>>)
      %dma_wait3A_434 = arith.constant 0 : i32
      %dma_wait3A_435 = arith.constant 0 : i32
      %dma_wait3A_436 = tpu.memref_slice %arg10[%dma_wait3A_434, %dma_wait3A_435] : memref<79x128xi32, #tpu.memory_space<vmem>> -> memref<78x128xi32, #tpu.memory_space<vmem>>
      %dma_wait3A_437 = arith.constant 0 : i32
      %dma_wait3A_438 = tpu.memref_slice %arg3[%run_scoped3A_17, %mul3A_16, %dma_wait3A_437] : memref<2x2500x128xi32, #tpu.memory_space<hbm>> -> memref<1x78x128xi32, #tpu.memory_space<hbm>>
      %dma_wait3A_439 = tpu.memref_squeeze %dma_wait3A_438 : memref<1x78x128xi32, #tpu.memory_space<hbm>> -> memref<78x128xi32, #tpu.memory_space<hbm>>
      %dma_wait3A_440 = arith.constant 0 : i32
      %dma_wait3A_441 = arith.constant 0 : i32
      %dma_wait3A_442 = tpu.memref_slice %arg10[%dma_wait3A_440, %dma_wait3A_441] : memref<79x128xi32, #tpu.memory_space<vmem>> -> memref<78x128xi32, #tpu.memory_space<vmem>>
      %dma_wait3A_443 = arith.constant 0 : i32
      %dma_wait3A_444 = tpu.memref_slice %arg3[%run_scoped3A_17, %mul3A_16, %dma_wait3A_443] : memref<2x2500x128xi32, #tpu.memory_space<hbm>> -> memref<1x78x128xi32, #tpu.memory_space<hbm>>
      %dma_wait3A_445 = tpu.memref_squeeze %dma_wait3A_444 : memref<1x78x128xi32, #tpu.memory_space<hbm>> -> memref<78x128xi32, #tpu.memory_space<hbm>>
      tpu.wait_dma2 semaphore(%run_scoped3A_421 : memref<!tpu.dma_semaphore, #tpu.memory_space<semaphore_mem>>) src(%dma_wait3A_445 : memref<78x128xi32, #tpu.memory_space<hbm>>) dst(%dma_wait3A_442 : memref<78x128xi32, #tpu.memory_space<vmem>>)
      tpu.yield
    }) : () -> ()
    %lt3A = arith.constant 4 : i32
    %lt3A_18 = arith.cmpi slt, %add3A_14, %lt3A : i32
    %convert_element_type3A_19 = arith.extui %lt3A_18 : i1 to i32
    %cond3A_20 = arith.constant 0 : i32
    %cond3A_21 = arith.cmpi ne, %convert_element_type3A_19, %cond3A_20 : i32
    scf.if %cond3A_21 {
      %add3A_421 = arith.constant 2496 : i32
      %add3A_422 = arith.addi %add3A_421, %add3A_14 : i32
      %run_scoped3A_423 = arith.constant 0 : i32
      "tpu.region"() ({
        %run_scoped3A_427 = tpu.sem_alloc : memref<!tpu.dma_semaphore, #tpu.memory_space<semaphore_mem>>
        %dma_start3A_428 = arith.constant 78 : i32
        %dma_start3A_429 = arith.constant 0 : i32
        %dma_start3A_430 = tpu.memref_slice %arg9[%dma_start3A_428, %dma_start3A_429] : memref<79x128xi32, #tpu.memory_space<vmem>> -> memref<1x128xi32, #tpu.memory_space<vmem>>
        %dma_start3A_431 = arith.constant 0 : i32
        %dma_start3A_432 = tpu.memref_slice %arg3[%run_scoped3A_423, %add3A_422, %dma_start3A_431] : memref<2x2500x128xi32, #tpu.memory_space<hbm>> -> memref<1x1x128xi32, #tpu.memory_space<hbm>>
        %dma_start3A_433 = tpu.memref_squeeze %dma_start3A_432 : memref<1x1x128xi32, #tpu.memory_space<hbm>> -> memref<1x128xi32, #tpu.memory_space<hbm>>
        %dma_start3A_434 = arith.constant 78 : i32
        %dma_start3A_435 = arith.constant 0 : i32
        %dma_start3A_436 = tpu.memref_slice %arg9[%dma_start3A_434, %dma_start3A_435] : memref<79x128xi32, #tpu.memory_space<vmem>> -> memref<1x128xi32, #tpu.memory_space<vmem>>
        %dma_start3A_437 = arith.constant 0 : i32
        %dma_start3A_438 = tpu.memref_slice %arg3[%run_scoped3A_423, %add3A_422, %dma_start3A_437] : memref<2x2500x128xi32, #tpu.memory_space<hbm>> -> memref<1x1x128xi32, #tpu.memory_space<hbm>>
        %dma_start3A_439 = tpu.memref_squeeze %dma_start3A_438 : memref<1x1x128xi32, #tpu.memory_space<hbm>> -> memref<1x128xi32, #tpu.memory_space<hbm>>
        tpu.enqueue_dma source(%dma_start3A_439 : memref<1x128xi32, #tpu.memory_space<hbm>>) target(%dma_start3A_436 : memref<1x128xi32, #tpu.memory_space<vmem>>) target_semaphore(%run_scoped3A_427 : memref<!tpu.dma_semaphore, #tpu.memory_space<semaphore_mem>>)
        %dma_wait3A_440 = arith.constant 78 : i32
        %dma_wait3A_441 = arith.constant 0 : i32
        %dma_wait3A_442 = tpu.memref_slice %arg9[%dma_wait3A_440, %dma_wait3A_441] : memref<79x128xi32, #tpu.memory_space<vmem>> -> memref<1x128xi32, #tpu.memory_space<vmem>>
        %dma_wait3A_443 = arith.constant 0 : i32
        %dma_wait3A_444 = tpu.memref_slice %arg3[%run_scoped3A_423, %add3A_422, %dma_wait3A_443] : memref<2x2500x128xi32, #tpu.memory_space<hbm>> -> memref<1x1x128xi32, #tpu.memory_space<hbm>>
        %dma_wait3A_445 = tpu.memref_squeeze %dma_wait3A_444 : memref<1x1x128xi32, #tpu.memory_space<hbm>> -> memref<1x128xi32, #tpu.memory_space<hbm>>
        %dma_wait3A_446 = arith.constant 78 : i32
        %dma_wait3A_447 = arith.constant 0 : i32
        %dma_wait3A_448 = tpu.memref_slice %arg9[%dma_wait3A_446, %dma_wait3A_447] : memref<79x128xi32, #tpu.memory_space<vmem>> -> memref<1x128xi32, #tpu.memory_space<vmem>>
        %dma_wait3A_449 = arith.constant 0 : i32
        %dma_wait3A_450 = tpu.memref_slice %arg3[%run_scoped3A_423, %add3A_422, %dma_wait3A_449] : memref<2x2500x128xi32, #tpu.memory_space<hbm>> -> memref<1x1x128xi32, #tpu.memory_space<hbm>>
        %dma_wait3A_451 = tpu.memref_squeeze %dma_wait3A_450 : memref<1x1x128xi32, #tpu.memory_space<hbm>> -> memref<1x128xi32, #tpu.memory_space<hbm>>
        tpu.wait_dma2 semaphore(%run_scoped3A_427 : memref<!tpu.dma_semaphore, #tpu.memory_space<semaphore_mem>>) src(%dma_wait3A_451 : memref<1x128xi32, #tpu.memory_space<hbm>>) dst(%dma_wait3A_448 : memref<1x128xi32, #tpu.memory_space<vmem>>)
        tpu.yield
      }) : () -> ()
      %add3A_424 = arith.constant 2496 : i32
      %add3A_425 = arith.addi %add3A_424, %add3A_14 : i32
      %run_scoped3A_426 = arith.constant 1 : i32
      "tpu.region"() ({
        %run_scoped3A_427 = tpu.sem_alloc : memref<!tpu.dma_semaphore, #tpu.memory_space<semaphore_mem>>
        %dma_start3A_428 = arith.constant 78 : i32
        %dma_start3A_429 = arith.constant 0 : i32
        %dma_start3A_430 = tpu.memref_slice %arg10[%dma_start3A_428, %dma_start3A_429] : memref<79x128xi32, #tpu.memory_space<vmem>> -> memref<1x128xi32, #tpu.memory_space<vmem>>
        %dma_start3A_431 = arith.constant 0 : i32
        %dma_start3A_432 = tpu.memref_slice %arg3[%run_scoped3A_426, %add3A_425, %dma_start3A_431] : memref<2x2500x128xi32, #tpu.memory_space<hbm>> -> memref<1x1x128xi32, #tpu.memory_space<hbm>>
        %dma_start3A_433 = tpu.memref_squeeze %dma_start3A_432 : memref<1x1x128xi32, #tpu.memory_space<hbm>> -> memref<1x128xi32, #tpu.memory_space<hbm>>
        %dma_start3A_434 = arith.constant 78 : i32
        %dma_start3A_435 = arith.constant 0 : i32
        %dma_start3A_436 = tpu.memref_slice %arg10[%dma_start3A_434, %dma_start3A_435] : memref<79x128xi32, #tpu.memory_space<vmem>> -> memref<1x128xi32, #tpu.memory_space<vmem>>
        %dma_start3A_437 = arith.constant 0 : i32
        %dma_start3A_438 = tpu.memref_slice %arg3[%run_scoped3A_426, %add3A_425, %dma_start3A_437] : memref<2x2500x128xi32, #tpu.memory_space<hbm>> -> memref<1x1x128xi32, #tpu.memory_space<hbm>>
        %dma_start3A_439 = tpu.memref_squeeze %dma_start3A_438 : memref<1x1x128xi32, #tpu.memory_space<hbm>> -> memref<1x128xi32, #tpu.memory_space<hbm>>
        tpu.enqueue_dma source(%dma_start3A_439 : memref<1x128xi32, #tpu.memory_space<hbm>>) target(%dma_start3A_436 : memref<1x128xi32, #tpu.memory_space<vmem>>) target_semaphore(%run_scoped3A_427 : memref<!tpu.dma_semaphore, #tpu.memory_space<semaphore_mem>>)
        %dma_wait3A_440 = arith.constant 78 : i32
        %dma_wait3A_441 = arith.constant 0 : i32
        %dma_wait3A_442 = tpu.memref_slice %arg10[%dma_wait3A_440, %dma_wait3A_441] : memref<79x128xi32, #tpu.memory_space<vmem>> -> memref<1x128xi32, #tpu.memory_space<vmem>>
        %dma_wait3A_443 = arith.constant 0 : i32
        %dma_wait3A_444 = tpu.memref_slice %arg3[%run_scoped3A_426, %add3A_425, %dma_wait3A_443] : memref<2x2500x128xi32, #tpu.memory_space<hbm>> -> memref<1x1x128xi32, #tpu.memory_space<hbm>>
        %dma_wait3A_445 = tpu.memref_squeeze %dma_wait3A_444 : memref<1x1x128xi32, #tpu.memory_space<hbm>> -> memref<1x128xi32, #tpu.memory_space<hbm>>
        %dma_wait3A_446 = arith.constant 78 : i32
        %dma_wait3A_447 = arith.constant 0 : i32
        %dma_wait3A_448 = tpu.memref_slice %arg10[%dma_wait3A_446, %dma_wait3A_447] : memref<79x128xi32, #tpu.memory_space<vmem>> -> memref<1x128xi32, #tpu.memory_space<vmem>>
        %dma_wait3A_449 = arith.constant 0 : i32
        %dma_wait3A_450 = tpu.memref_slice %arg3[%run_scoped3A_426, %add3A_425, %dma_wait3A_449] : memref<2x2500x128xi32, #tpu.memory_space<hbm>> -> memref<1x1x128xi32, #tpu.memory_space<hbm>>
        %dma_wait3A_451 = tpu.memref_squeeze %dma_wait3A_450 : memref<1x1x128xi32, #tpu.memory_space<hbm>> -> memref<1x128xi32, #tpu.memory_space<hbm>>
        tpu.wait_dma2 semaphore(%run_scoped3A_427 : memref<!tpu.dma_semaphore, #tpu.memory_space<semaphore_mem>>) src(%dma_wait3A_451 : memref<1x128xi32, #tpu.memory_space<hbm>>) dst(%dma_wait3A_448 : memref<1x128xi32, #tpu.memory_space<vmem>>)
        tpu.yield
      }) : () -> ()
    } else {
    }
    %dma_start3A = arith.constant 0 : i32
    %dma_start3A_22 = arith.constant 0 : i32
    %dma_start3A_23 = arith.constant 0 : i32
    %dma_start3A_24 = arith.constant 0 : i32
    %dma_start3A_25 = tpu.memref_slice %arg11[%dma_start3A_22, %dma_start3A_23, %dma_start3A_24] : memref<6x128x64xf32, #tpu.memory_space<vmem>> -> memref<1x128x64xf32, #tpu.memory_space<vmem>>
    %dma_start3A_26 = tpu.memref_squeeze %dma_start3A_25 : memref<1x128x64xf32, #tpu.memory_space<vmem>> -> memref<128x64xf32, #tpu.memory_space<vmem>>
    %dma_start3A_27 = arith.constant 0 : i32
    %dma_start3A_28 = tpu.memref_slice %arg9[%dma_start3A, %dma_start3A_27] : memref<79x128xi32, #tpu.memory_space<vmem>> -> memref<1x128xi32, #tpu.memory_space<vmem>>
    %dma_start3A_29 = tpu.memref_squeeze %dma_start3A_28 : memref<1x128xi32, #tpu.memory_space<vmem>> -> memref<128xi32, #tpu.memory_space<vmem>>
    %dma_start3A_30 = arith.constant 0 : i32
    %dma_start3A_31 = arith.constant 0 : i32
    %dma_start3A_32 = tpu.memref_slice %arg2[%dma_start3A_30, %dma_start3A_31] : memref<10000x64xf32, #tpu.memory_space<hbm>> -> memref<10000x64xf32, #tpu.memory_space<hbm>>
    tpu.enqueue_indirect_dma source(%dma_start3A_32 : memref<10000x64xf32, #tpu.memory_space<hbm>>) target(%dma_start3A_26 : memref<128x64xf32, #tpu.memory_space<vmem>>) offsets(%dma_start3A_29 : memref<128xi32, #tpu.memory_space<vmem>>) semaphore(%arg15 : memref<!tpu.dma_semaphore, #tpu.memory_space<semaphore_mem>>)
    %dma_start3A_33 = arith.constant 1 : i32
    %dma_start3A_34 = arith.constant 1 : i32
    %dma_start3A_35 = arith.constant 0 : i32
    %dma_start3A_36 = arith.constant 0 : i32
    %dma_start3A_37 = tpu.memref_slice %arg11[%dma_start3A_34, %dma_start3A_35, %dma_start3A_36] : memref<6x128x64xf32, #tpu.memory_space<vmem>> -> memref<1x128x64xf32, #tpu.memory_space<vmem>>
    %dma_start3A_38 = tpu.memref_squeeze %dma_start3A_37 : memref<1x128x64xf32, #tpu.memory_space<vmem>> -> memref<128x64xf32, #tpu.memory_space<vmem>>
    %dma_start3A_39 = arith.constant 0 : i32
    %dma_start3A_40 = tpu.memref_slice %arg9[%dma_start3A_33, %dma_start3A_39] : memref<79x128xi32, #tpu.memory_space<vmem>> -> memref<1x128xi32, #tpu.memory_space<vmem>>
    %dma_start3A_41 = tpu.memref_squeeze %dma_start3A_40 : memref<1x128xi32, #tpu.memory_space<vmem>> -> memref<128xi32, #tpu.memory_space<vmem>>
    %dma_start3A_42 = arith.constant 0 : i32
    %dma_start3A_43 = arith.constant 0 : i32
    %dma_start3A_44 = tpu.memref_slice %arg2[%dma_start3A_42, %dma_start3A_43] : memref<10000x64xf32, #tpu.memory_space<hbm>> -> memref<10000x64xf32, #tpu.memory_space<hbm>>
    tpu.enqueue_indirect_dma source(%dma_start3A_44 : memref<10000x64xf32, #tpu.memory_space<hbm>>) target(%dma_start3A_38 : memref<128x64xf32, #tpu.memory_space<vmem>>) offsets(%dma_start3A_41 : memref<128xi32, #tpu.memory_space<vmem>>) semaphore(%arg16 : memref<!tpu.dma_semaphore, #tpu.memory_space<semaphore_mem>>)
    %dma_start3A_45 = arith.constant 2 : i32
    %dma_start3A_46 = arith.constant 2 : i32
    %dma_start3A_47 = arith.constant 0 : i32
    %dma_start3A_48 = arith.constant 0 : i32
    %dma_start3A_49 = tpu.memref_slice %arg11[%dma_start3A_46, %dma_start3A_47, %dma_start3A_48] : memref<6x128x64xf32, #tpu.memory_space<vmem>> -> memref<1x128x64xf32, #tpu.memory_space<vmem>>
    %dma_start3A_50 = tpu.memref_squeeze %dma_start3A_49 : memref<1x128x64xf32, #tpu.memory_space<vmem>> -> memref<128x64xf32, #tpu.memory_space<vmem>>
    %dma_start3A_51 = arith.constant 0 : i32
    %dma_start3A_52 = tpu.memref_slice %arg9[%dma_start3A_45, %dma_start3A_51] : memref<79x128xi32, #tpu.memory_space<vmem>> -> memref<1x128xi32, #tpu.memory_space<vmem>>
    %dma_start3A_53 = tpu.memref_squeeze %dma_start3A_52 : memref<1x128xi32, #tpu.memory_space<vmem>> -> memref<128xi32, #tpu.memory_space<vmem>>
    %dma_start3A_54 = arith.constant 0 : i32
    %dma_start3A_55 = arith.constant 0 : i32
    %dma_start3A_56 = tpu.memref_slice %arg2[%dma_start3A_54, %dma_start3A_55] : memref<10000x64xf32, #tpu.memory_space<hbm>> -> memref<10000x64xf32, #tpu.memory_space<hbm>>
    tpu.enqueue_indirect_dma source(%dma_start3A_56 : memref<10000x64xf32, #tpu.memory_space<hbm>>) target(%dma_start3A_50 : memref<128x64xf32, #tpu.memory_space<vmem>>) offsets(%dma_start3A_53 : memref<128xi32, #tpu.memory_space<vmem>>) semaphore(%arg17 : memref<!tpu.dma_semaphore, #tpu.memory_space<semaphore_mem>>)
    %dma_start3A_57 = arith.constant 3 : i32
    %dma_start3A_58 = arith.constant 3 : i32
    %dma_start3A_59 = arith.constant 0 : i32
    %dma_start3A_60 = arith.constant 0 : i32
    %dma_start3A_61 = tpu.memref_slice %arg11[%dma_start3A_58, %dma_start3A_59, %dma_start3A_60] : memref<6x128x64xf32, #tpu.memory_space<vmem>> -> memref<1x128x64xf32, #tpu.memory_space<vmem>>
    %dma_start3A_62 = tpu.memref_squeeze %dma_start3A_61 : memref<1x128x64xf32, #tpu.memory_space<vmem>> -> memref<128x64xf32, #tpu.memory_space<vmem>>
    %dma_start3A_63 = arith.constant 0 : i32
    %dma_start3A_64 = tpu.memref_slice %arg9[%dma_start3A_57, %dma_start3A_63] : memref<79x128xi32, #tpu.memory_space<vmem>> -> memref<1x128xi32, #tpu.memory_space<vmem>>
    %dma_start3A_65 = tpu.memref_squeeze %dma_start3A_64 : memref<1x128xi32, #tpu.memory_space<vmem>> -> memref<128xi32, #tpu.memory_space<vmem>>
    %dma_start3A_66 = arith.constant 0 : i32
    %dma_start3A_67 = arith.constant 0 : i32
    %dma_start3A_68 = tpu.memref_slice %arg2[%dma_start3A_66, %dma_start3A_67] : memref<10000x64xf32, #tpu.memory_space<hbm>> -> memref<10000x64xf32, #tpu.memory_space<hbm>>
    tpu.enqueue_indirect_dma source(%dma_start3A_68 : memref<10000x64xf32, #tpu.memory_space<hbm>>) target(%dma_start3A_62 : memref<128x64xf32, #tpu.memory_space<vmem>>) offsets(%dma_start3A_65 : memref<128xi32, #tpu.memory_space<vmem>>) semaphore(%arg18 : memref<!tpu.dma_semaphore, #tpu.memory_space<semaphore_mem>>)
    %dma_start3A_69 = arith.constant 4 : i32
    %dma_start3A_70 = arith.constant 4 : i32
    %dma_start3A_71 = arith.constant 0 : i32
    %dma_start3A_72 = arith.constant 0 : i32
    %dma_start3A_73 = tpu.memref_slice %arg11[%dma_start3A_70, %dma_start3A_71, %dma_start3A_72] : memref<6x128x64xf32, #tpu.memory_space<vmem>> -> memref<1x128x64xf32, #tpu.memory_space<vmem>>
    %dma_start3A_74 = tpu.memref_squeeze %dma_start3A_73 : memref<1x128x64xf32, #tpu.memory_space<vmem>> -> memref<128x64xf32, #tpu.memory_space<vmem>>
    %dma_start3A_75 = arith.constant 0 : i32
    %dma_start3A_76 = tpu.memref_slice %arg9[%dma_start3A_69, %dma_start3A_75] : memref<79x128xi32, #tpu.memory_space<vmem>> -> memref<1x128xi32, #tpu.memory_space<vmem>>
    %dma_start3A_77 = tpu.memref_squeeze %dma_start3A_76 : memref<1x128xi32, #tpu.memory_space<vmem>> -> memref<128xi32, #tpu.memory_space<vmem>>
    %dma_start3A_78 = arith.constant 0 : i32
    %dma_start3A_79 = arith.constant 0 : i32
    %dma_start3A_80 = tpu.memref_slice %arg2[%dma_start3A_78, %dma_start3A_79] : memref<10000x64xf32, #tpu.memory_space<hbm>> -> memref<10000x64xf32, #tpu.memory_space<hbm>>
    tpu.enqueue_indirect_dma source(%dma_start3A_80 : memref<10000x64xf32, #tpu.memory_space<hbm>>) target(%dma_start3A_74 : memref<128x64xf32, #tpu.memory_space<vmem>>) offsets(%dma_start3A_77 : memref<128xi32, #tpu.memory_space<vmem>>) semaphore(%arg19 : memref<!tpu.dma_semaphore, #tpu.memory_space<semaphore_mem>>)
    %dma_start3A_81 = arith.constant 5 : i32
    %dma_start3A_82 = arith.constant 5 : i32
    %dma_start3A_83 = arith.constant 0 : i32
    %dma_start3A_84 = arith.constant 0 : i32
    %dma_start3A_85 = tpu.memref_slice %arg11[%dma_start3A_82, %dma_start3A_83, %dma_start3A_84] : memref<6x128x64xf32, #tpu.memory_space<vmem>> -> memref<1x128x64xf32, #tpu.memory_space<vmem>>
    %dma_start3A_86 = tpu.memref_squeeze %dma_start3A_85 : memref<1x128x64xf32, #tpu.memory_space<vmem>> -> memref<128x64xf32, #tpu.memory_space<vmem>>
    %dma_start3A_87 = arith.constant 0 : i32
    %dma_start3A_88 = tpu.memref_slice %arg9[%dma_start3A_81, %dma_start3A_87] : memref<79x128xi32, #tpu.memory_space<vmem>> -> memref<1x128xi32, #tpu.memory_space<vmem>>
    %dma_start3A_89 = tpu.memref_squeeze %dma_start3A_88 : memref<1x128xi32, #tpu.memory_space<vmem>> -> memref<128xi32, #tpu.memory_space<vmem>>
    %dma_start3A_90 = arith.constant 0 : i32
    %dma_start3A_91 = arith.constant 0 : i32
    %dma_start3A_92 = tpu.memref_slice %arg2[%dma_start3A_90, %dma_start3A_91] : memref<10000x64xf32, #tpu.memory_space<hbm>> -> memref<10000x64xf32, #tpu.memory_space<hbm>>
    tpu.enqueue_indirect_dma source(%dma_start3A_92 : memref<10000x64xf32, #tpu.memory_space<hbm>>) target(%dma_start3A_86 : memref<128x64xf32, #tpu.memory_space<vmem>>) offsets(%dma_start3A_89 : memref<128xi32, #tpu.memory_space<vmem>>) semaphore(%arg20 : memref<!tpu.dma_semaphore, #tpu.memory_space<semaphore_mem>>)
    %scan3A = arith.constant 0 : i32
    %scan3A_93 = arith.constant 0 : i32
    %scan3A_94 = arith.constant 12 : i32
    %scan3A_95 = arith.addi %scan3A_93, %scan3A_94 : i32
    %scan3A_96 = arith.constant 1 : i32
    scf.for %scan3A_421 = %scan3A_93 to %scan3A_95 step %scan3A_96  : i32 {
      %mul3A_422 = arith.constant 6 : i32
      %mul3A_423 = arith.muli %scan3A_421, %mul3A_422 : i32
      %add3A_424 = arith.constant 0 : i32
      %add3A_425 = arith.addi %mul3A_423, %add3A_424 : i32
      %dma_wait3A_426 = arith.constant 0 : i32
      %dma_wait3A_427 = arith.constant 0 : i32
      %dma_wait3A_428 = arith.constant 0 : i32
      %dma_wait3A_429 = tpu.memref_slice %arg11[%dma_wait3A_426, %dma_wait3A_427, %dma_wait3A_428] : memref<6x128x64xf32, #tpu.memory_space<vmem>> -> memref<1x128x64xf32, #tpu.memory_space<vmem>>
      %dma_wait3A_430 = tpu.memref_squeeze %dma_wait3A_429 : memref<1x128x64xf32, #tpu.memory_space<vmem>> -> memref<128x64xf32, #tpu.memory_space<vmem>>
      %dma_wait3A_431 = arith.constant 0 : i32
      %dma_wait3A_432 = tpu.memref_slice %arg9[%add3A_425, %dma_wait3A_431] : memref<79x128xi32, #tpu.memory_space<vmem>> -> memref<1x128xi32, #tpu.memory_space<vmem>>
      %dma_wait3A_433 = tpu.memref_squeeze %dma_wait3A_432 : memref<1x128xi32, #tpu.memory_space<vmem>> -> memref<128xi32, #tpu.memory_space<vmem>>
      %dma_wait3A_434 = arith.constant 0 : i32
      %dma_wait3A_435 = arith.constant 0 : i32
      %dma_wait3A_436 = tpu.memref_slice %arg2[%dma_wait3A_434, %dma_wait3A_435] : memref<10000x64xf32, #tpu.memory_space<hbm>> -> memref<10000x64xf32, #tpu.memory_space<hbm>>
      tpu.wait_indirect_dma semaphore(%arg15 : memref<!tpu.dma_semaphore, #tpu.memory_space<semaphore_mem>>) src(%dma_wait3A_436 : memref<10000x64xf32, #tpu.memory_space<hbm>>) dst(%dma_wait3A_430 : memref<128x64xf32, #tpu.memory_space<vmem>>)
      %add3A_437 = arith.constant 0 : i32
      %add3A_438 = arith.addi %mul3A_423, %add3A_437 : i32
      %dma_start3A_439 = arith.constant 0 : i32
      %dma_start3A_440 = arith.constant 0 : i32
      %dma_start3A_441 = arith.constant 0 : i32
      %dma_start3A_442 = tpu.memref_slice %arg11[%dma_start3A_439, %dma_start3A_440, %dma_start3A_441] : memref<6x128x64xf32, #tpu.memory_space<vmem>> -> memref<1x128x64xf32, #tpu.memory_space<vmem>>
      %dma_start3A_443 = tpu.memref_squeeze %dma_start3A_442 : memref<1x128x64xf32, #tpu.memory_space<vmem>> -> memref<128x64xf32, #tpu.memory_space<vmem>>
      %dma_start3A_444 = arith.constant 0 : i32
      %dma_start3A_445 = tpu.memref_slice %arg10[%add3A_438, %dma_start3A_444] : memref<79x128xi32, #tpu.memory_space<vmem>> -> memref<1x128xi32, #tpu.memory_space<vmem>>
      %dma_start3A_446 = tpu.memref_squeeze %dma_start3A_445 : memref<1x128xi32, #tpu.memory_space<vmem>> -> memref<128xi32, #tpu.memory_space<vmem>>
      %dma_start3A_447 = arith.constant 0 : i32
      %dma_start3A_448 = arith.constant 0 : i32
      %dma_start3A_449 = tpu.memref_slice %arg13[%dma_start3A_447, %dma_start3A_448] : memref<10000x64xf32, #tpu.memory_space<vmem_shared>> -> memref<10000x64xf32, #tpu.memory_space<vmem_shared>>
      tpu.enqueue_indirect_dma source(%dma_start3A_443 : memref<128x64xf32, #tpu.memory_space<vmem>>) target(%dma_start3A_449 : memref<10000x64xf32, #tpu.memory_space<vmem_shared>>) offsets(%dma_start3A_446 : memref<128xi32, #tpu.memory_space<vmem>>) semaphore(%arg21 : memref<!tpu.dma_semaphore, #tpu.memory_space<semaphore_mem>>) {add = true}
      %add3A_450 = arith.constant 0 : i32
      %add3A_451 = arith.addi %mul3A_423, %add3A_450 : i32
      %dma_start3A_452 = arith.constant 0 : i32
      %dma_start3A_453 = tpu.memref_slice %arg10[%add3A_451, %dma_start3A_452] : memref<79x128xi32, #tpu.memory_space<vmem>> -> memref<1x128xi32, #tpu.memory_space<vmem>>
      %dma_start3A_454 = tpu.memref_squeeze %dma_start3A_453 : memref<1x128xi32, #tpu.memory_space<vmem>> -> memref<128xi32, #tpu.memory_space<vmem>>
      %dma_start3A_455 = arith.constant 0 : i32
      %dma_start3A_456 = arith.constant 0 : i32
      %dma_start3A_457 = tpu.memref_slice %arg14[%dma_start3A_455, %dma_start3A_456] : memref<10000x8xf32, #tpu.memory_space<vmem_shared>> -> memref<10000x8xf32, #tpu.memory_space<vmem_shared>>
      tpu.enqueue_indirect_dma source(%arg12 : memref<128x8xf32, #tpu.memory_space<vmem>>) target(%dma_start3A_457 : memref<10000x8xf32, #tpu.memory_space<vmem_shared>>) offsets(%dma_start3A_454 : memref<128xi32, #tpu.memory_space<vmem>>) semaphore(%arg27 : memref<!tpu.dma_semaphore, #tpu.memory_space<semaphore_mem>>) {add = true}
      %add3A_458 = arith.constant 1 : i32
      %add3A_459 = arith.addi %mul3A_423, %add3A_458 : i32
      %dma_wait3A_460 = arith.constant 1 : i32
      %dma_wait3A_461 = arith.constant 0 : i32
      %dma_wait3A_462 = arith.constant 0 : i32
      %dma_wait3A_463 = tpu.memref_slice %arg11[%dma_wait3A_460, %dma_wait3A_461, %dma_wait3A_462] : memref<6x128x64xf32, #tpu.memory_space<vmem>> -> memref<1x128x64xf32, #tpu.memory_space<vmem>>
      %dma_wait3A_464 = tpu.memref_squeeze %dma_wait3A_463 : memref<1x128x64xf32, #tpu.memory_space<vmem>> -> memref<128x64xf32, #tpu.memory_space<vmem>>
      %dma_wait3A_465 = arith.constant 0 : i32
      %dma_wait3A_466 = tpu.memref_slice %arg9[%add3A_459, %dma_wait3A_465] : memref<79x128xi32, #tpu.memory_space<vmem>> -> memref<1x128xi32, #tpu.memory_space<vmem>>
      %dma_wait3A_467 = tpu.memref_squeeze %dma_wait3A_466 : memref<1x128xi32, #tpu.memory_space<vmem>> -> memref<128xi32, #tpu.memory_space<vmem>>
      %dma_wait3A_468 = arith.constant 0 : i32
      %dma_wait3A_469 = arith.constant 0 : i32
      %dma_wait3A_470 = tpu.memref_slice %arg2[%dma_wait3A_468, %dma_wait3A_469] : memref<10000x64xf32, #tpu.memory_space<hbm>> -> memref<10000x64xf32, #tpu.memory_space<hbm>>
      tpu.wait_indirect_dma semaphore(%arg16 : memref<!tpu.dma_semaphore, #tpu.memory_space<semaphore_mem>>) src(%dma_wait3A_470 : memref<10000x64xf32, #tpu.memory_space<hbm>>) dst(%dma_wait3A_464 : memref<128x64xf32, #tpu.memory_space<vmem>>)
      %add3A_471 = arith.constant 1 : i32
      %add3A_472 = arith.addi %mul3A_423, %add3A_471 : i32
      %dma_start3A_473 = arith.constant 1 : i32
      %dma_start3A_474 = arith.constant 0 : i32
      %dma_start3A_475 = arith.constant 0 : i32
      %dma_start3A_476 = tpu.memref_slice %arg11[%dma_start3A_473, %dma_start3A_474, %dma_start3A_475] : memref<6x128x64xf32, #tpu.memory_space<vmem>> -> memref<1x128x64xf32, #tpu.memory_space<vmem>>
      %dma_start3A_477 = tpu.memref_squeeze %dma_start3A_476 : memref<1x128x64xf32, #tpu.memory_space<vmem>> -> memref<128x64xf32, #tpu.memory_space<vmem>>
      %dma_start3A_478 = arith.constant 0 : i32
      %dma_start3A_479 = tpu.memref_slice %arg10[%add3A_472, %dma_start3A_478] : memref<79x128xi32, #tpu.memory_space<vmem>> -> memref<1x128xi32, #tpu.memory_space<vmem>>
      %dma_start3A_480 = tpu.memref_squeeze %dma_start3A_479 : memref<1x128xi32, #tpu.memory_space<vmem>> -> memref<128xi32, #tpu.memory_space<vmem>>
      %dma_start3A_481 = arith.constant 0 : i32
      %dma_start3A_482 = arith.constant 0 : i32
      %dma_start3A_483 = tpu.memref_slice %arg13[%dma_start3A_481, %dma_start3A_482] : memref<10000x64xf32, #tpu.memory_space<vmem_shared>> -> memref<10000x64xf32, #tpu.memory_space<vmem_shared>>
      tpu.enqueue_indirect_dma source(%dma_start3A_477 : memref<128x64xf32, #tpu.memory_space<vmem>>) target(%dma_start3A_483 : memref<10000x64xf32, #tpu.memory_space<vmem_shared>>) offsets(%dma_start3A_480 : memref<128xi32, #tpu.memory_space<vmem>>) semaphore(%arg22 : memref<!tpu.dma_semaphore, #tpu.memory_space<semaphore_mem>>) {add = true}
      %add3A_484 = arith.constant 1 : i32
      %add3A_485 = arith.addi %mul3A_423, %add3A_484 : i32
      %dma_start3A_486 = arith.constant 0 : i32
      %dma_start3A_487 = tpu.memref_slice %arg10[%add3A_485, %dma_start3A_486] : memref<79x128xi32, #tpu.memory_space<vmem>> -> memref<1x128xi32, #tpu.memory_space<vmem>>
      %dma_start3A_488 = tpu.memref_squeeze %dma_start3A_487 : memref<1x128xi32, #tpu.memory_space<vmem>> -> memref<128xi32, #tpu.memory_space<vmem>>
      %dma_start3A_489 = arith.constant 0 : i32
      %dma_start3A_490 = arith.constant 0 : i32
      %dma_start3A_491 = tpu.memref_slice %arg14[%dma_start3A_489, %dma_start3A_490] : memref<10000x8xf32, #tpu.memory_space<vmem_shared>> -> memref<10000x8xf32, #tpu.memory_space<vmem_shared>>
      tpu.enqueue_indirect_dma source(%arg12 : memref<128x8xf32, #tpu.memory_space<vmem>>) target(%dma_start3A_491 : memref<10000x8xf32, #tpu.memory_space<vmem_shared>>) offsets(%dma_start3A_488 : memref<128xi32, #tpu.memory_space<vmem>>) semaphore(%arg28 : memref<!tpu.dma_semaphore, #tpu.memory_space<semaphore_mem>>) {add = true}
      %add3A_492 = arith.constant 2 : i32
      %add3A_493 = arith.addi %mul3A_423, %add3A_492 : i32
      %dma_wait3A_494 = arith.constant 2 : i32
      %dma_wait3A_495 = arith.constant 0 : i32
      %dma_wait3A_496 = arith.constant 0 : i32
      %dma_wait3A_497 = tpu.memref_slice %arg11[%dma_wait3A_494, %dma_wait3A_495, %dma_wait3A_496] : memref<6x128x64xf32, #tpu.memory_space<vmem>> -> memref<1x128x64xf32, #tpu.memory_space<vmem>>
      %dma_wait3A_498 = tpu.memref_squeeze %dma_wait3A_497 : memref<1x128x64xf32, #tpu.memory_space<vmem>> -> memref<128x64xf32, #tpu.memory_space<vmem>>
      %dma_wait3A_499 = arith.constant 0 : i32
      %dma_wait3A_500 = tpu.memref_slice %arg9[%add3A_493, %dma_wait3A_499] : memref<79x128xi32, #tpu.memory_space<vmem>> -> memref<1x128xi32, #tpu.memory_space<vmem>>
      %dma_wait3A_501 = tpu.memref_squeeze %dma_wait3A_500 : memref<1x128xi32, #tpu.memory_space<vmem>> -> memref<128xi32, #tpu.memory_space<vmem>>
      %dma_wait3A_502 = arith.constant 0 : i32
      %dma_wait3A_503 = arith.constant 0 : i32
      %dma_wait3A_504 = tpu.memref_slice %arg2[%dma_wait3A_502, %dma_wait3A_503] : memref<10000x64xf32, #tpu.memory_space<hbm>> -> memref<10000x64xf32, #tpu.memory_space<hbm>>
      tpu.wait_indirect_dma semaphore(%arg17 : memref<!tpu.dma_semaphore, #tpu.memory_space<semaphore_mem>>) src(%dma_wait3A_504 : memref<10000x64xf32, #tpu.memory_space<hbm>>) dst(%dma_wait3A_498 : memref<128x64xf32, #tpu.memory_space<vmem>>)
      %add3A_505 = arith.constant 2 : i32
      %add3A_506 = arith.addi %mul3A_423, %add3A_505 : i32
      %dma_start3A_507 = arith.constant 2 : i32
      %dma_start3A_508 = arith.constant 0 : i32
      %dma_start3A_509 = arith.constant 0 : i32
      %dma_start3A_510 = tpu.memref_slice %arg11[%dma_start3A_507, %dma_start3A_508, %dma_start3A_509] : memref<6x128x64xf32, #tpu.memory_space<vmem>> -> memref<1x128x64xf32, #tpu.memory_space<vmem>>
      %dma_start3A_511 = tpu.memref_squeeze %dma_start3A_510 : memref<1x128x64xf32, #tpu.memory_space<vmem>> -> memref<128x64xf32, #tpu.memory_space<vmem>>
      %dma_start3A_512 = arith.constant 0 : i32
      %dma_start3A_513 = tpu.memref_slice %arg10[%add3A_506, %dma_start3A_512] : memref<79x128xi32, #tpu.memory_space<vmem>> -> memref<1x128xi32, #tpu.memory_space<vmem>>
      %dma_start3A_514 = tpu.memref_squeeze %dma_start3A_513 : memref<1x128xi32, #tpu.memory_space<vmem>> -> memref<128xi32, #tpu.memory_space<vmem>>
      %dma_start3A_515 = arith.constant 0 : i32
      %dma_start3A_516 = arith.constant 0 : i32
      %dma_start3A_517 = tpu.memref_slice %arg13[%dma_start3A_515, %dma_start3A_516] : memref<10000x64xf32, #tpu.memory_space<vmem_shared>> -> memref<10000x64xf32, #tpu.memory_space<vmem_shared>>
      tpu.enqueue_indirect_dma source(%dma_start3A_511 : memref<128x64xf32, #tpu.memory_space<vmem>>) target(%dma_start3A_517 : memref<10000x64xf32, #tpu.memory_space<vmem_shared>>) offsets(%dma_start3A_514 : memref<128xi32, #tpu.memory_space<vmem>>) semaphore(%arg23 : memref<!tpu.dma_semaphore, #tpu.memory_space<semaphore_mem>>) {add = true}
      %add3A_518 = arith.constant 2 : i32
      %add3A_519 = arith.addi %mul3A_423, %add3A_518 : i32
      %dma_start3A_520 = arith.constant 0 : i32
      %dma_start3A_521 = tpu.memref_slice %arg10[%add3A_519, %dma_start3A_520] : memref<79x128xi32, #tpu.memory_space<vmem>> -> memref<1x128xi32, #tpu.memory_space<vmem>>
      %dma_start3A_522 = tpu.memref_squeeze %dma_start3A_521 : memref<1x128xi32, #tpu.memory_space<vmem>> -> memref<128xi32, #tpu.memory_space<vmem>>
      %dma_start3A_523 = arith.constant 0 : i32
      %dma_start3A_524 = arith.constant 0 : i32
      %dma_start3A_525 = tpu.memref_slice %arg14[%dma_start3A_523, %dma_start3A_524] : memref<10000x8xf32, #tpu.memory_space<vmem_shared>> -> memref<10000x8xf32, #tpu.memory_space<vmem_shared>>
      tpu.enqueue_indirect_dma source(%arg12 : memref<128x8xf32, #tpu.memory_space<vmem>>) target(%dma_start3A_525 : memref<10000x8xf32, #tpu.memory_space<vmem_shared>>) offsets(%dma_start3A_522 : memref<128xi32, #tpu.memory_space<vmem>>) semaphore(%arg29 : memref<!tpu.dma_semaphore, #tpu.memory_space<semaphore_mem>>) {add = true}
      %add3A_526 = arith.constant 3 : i32
      %add3A_527 = arith.addi %mul3A_423, %add3A_526 : i32
      %dma_wait3A_528 = arith.constant 3 : i32
      %dma_wait3A_529 = arith.constant 0 : i32
      %dma_wait3A_530 = arith.constant 0 : i32
      %dma_wait3A_531 = tpu.memref_slice %arg11[%dma_wait3A_528, %dma_wait3A_529, %dma_wait3A_530] : memref<6x128x64xf32, #tpu.memory_space<vmem>> -> memref<1x128x64xf32, #tpu.memory_space<vmem>>
      %dma_wait3A_532 = tpu.memref_squeeze %dma_wait3A_531 : memref<1x128x64xf32, #tpu.memory_space<vmem>> -> memref<128x64xf32, #tpu.memory_space<vmem>>
      %dma_wait3A_533 = arith.constant 0 : i32
      %dma_wait3A_534 = tpu.memref_slice %arg9[%add3A_527, %dma_wait3A_533] : memref<79x128xi32, #tpu.memory_space<vmem>> -> memref<1x128xi32, #tpu.memory_space<vmem>>
      %dma_wait3A_535 = tpu.memref_squeeze %dma_wait3A_534 : memref<1x128xi32, #tpu.memory_space<vmem>> -> memref<128xi32, #tpu.memory_space<vmem>>
      %dma_wait3A_536 = arith.constant 0 : i32
      %dma_wait3A_537 = arith.constant 0 : i32
      %dma_wait3A_538 = tpu.memref_slice %arg2[%dma_wait3A_536, %dma_wait3A_537] : memref<10000x64xf32, #tpu.memory_space<hbm>> -> memref<10000x64xf32, #tpu.memory_space<hbm>>
      tpu.wait_indirect_dma semaphore(%arg18 : memref<!tpu.dma_semaphore, #tpu.memory_space<semaphore_mem>>) src(%dma_wait3A_538 : memref<10000x64xf32, #tpu.memory_space<hbm>>) dst(%dma_wait3A_532 : memref<128x64xf32, #tpu.memory_space<vmem>>)
      %add3A_539 = arith.constant 3 : i32
      %add3A_540 = arith.addi %mul3A_423, %add3A_539 : i32
      %dma_start3A_541 = arith.constant 3 : i32
      %dma_start3A_542 = arith.constant 0 : i32
      %dma_start3A_543 = arith.constant 0 : i32
      %dma_start3A_544 = tpu.memref_slice %arg11[%dma_start3A_541, %dma_start3A_542, %dma_start3A_543] : memref<6x128x64xf32, #tpu.memory_space<vmem>> -> memref<1x128x64xf32, #tpu.memory_space<vmem>>
      %dma_start3A_545 = tpu.memref_squeeze %dma_start3A_544 : memref<1x128x64xf32, #tpu.memory_space<vmem>> -> memref<128x64xf32, #tpu.memory_space<vmem>>
      %dma_start3A_546 = arith.constant 0 : i32
      %dma_start3A_547 = tpu.memref_slice %arg10[%add3A_540, %dma_start3A_546] : memref<79x128xi32, #tpu.memory_space<vmem>> -> memref<1x128xi32, #tpu.memory_space<vmem>>
      %dma_start3A_548 = tpu.memref_squeeze %dma_start3A_547 : memref<1x128xi32, #tpu.memory_space<vmem>> -> memref<128xi32, #tpu.memory_space<vmem>>
      %dma_start3A_549 = arith.constant 0 : i32
      %dma_start3A_550 = arith.constant 0 : i32
      %dma_start3A_551 = tpu.memref_slice %arg13[%dma_start3A_549, %dma_start3A_550] : memref<10000x64xf32, #tpu.memory_space<vmem_shared>> -> memref<10000x64xf32, #tpu.memory_space<vmem_shared>>
      tpu.enqueue_indirect_dma source(%dma_start3A_545 : memref<128x64xf32, #tpu.memory_space<vmem>>) target(%dma_start3A_551 : memref<10000x64xf32, #tpu.memory_space<vmem_shared>>) offsets(%dma_start3A_548 : memref<128xi32, #tpu.memory_space<vmem>>) semaphore(%arg24 : memref<!tpu.dma_semaphore, #tpu.memory_space<semaphore_mem>>) {add = true}
      %add3A_552 = arith.constant 3 : i32
      %add3A_553 = arith.addi %mul3A_423, %add3A_552 : i32
      %dma_start3A_554 = arith.constant 0 : i32
      %dma_start3A_555 = tpu.memref_slice %arg10[%add3A_553, %dma_start3A_554] : memref<79x128xi32, #tpu.memory_space<vmem>> -> memref<1x128xi32, #tpu.memory_space<vmem>>
      %dma_start3A_556 = tpu.memref_squeeze %dma_start3A_555 : memref<1x128xi32, #tpu.memory_space<vmem>> -> memref<128xi32, #tpu.memory_space<vmem>>
      %dma_start3A_557 = arith.constant 0 : i32
      %dma_start3A_558 = arith.constant 0 : i32
      %dma_start3A_559 = tpu.memref_slice %arg14[%dma_start3A_557, %dma_start3A_558] : memref<10000x8xf32, #tpu.memory_space<vmem_shared>> -> memref<10000x8xf32, #tpu.memory_space<vmem_shared>>
      tpu.enqueue_indirect_dma source(%arg12 : memref<128x8xf32, #tpu.memory_space<vmem>>) target(%dma_start3A_559 : memref<10000x8xf32, #tpu.memory_space<vmem_shared>>) offsets(%dma_start3A_556 : memref<128xi32, #tpu.memory_space<vmem>>) semaphore(%arg30 : memref<!tpu.dma_semaphore, #tpu.memory_space<semaphore_mem>>) {add = true}
      %add3A_560 = arith.constant 4 : i32
      %add3A_561 = arith.addi %mul3A_423, %add3A_560 : i32
      %dma_wait3A_562 = arith.constant 4 : i32
      %dma_wait3A_563 = arith.constant 0 : i32
      %dma_wait3A_564 = arith.constant 0 : i32
      %dma_wait3A_565 = tpu.memref_slice %arg11[%dma_wait3A_562, %dma_wait3A_563, %dma_wait3A_564] : memref<6x128x64xf32, #tpu.memory_space<vmem>> -> memref<1x128x64xf32, #tpu.memory_space<vmem>>
      %dma_wait3A_566 = tpu.memref_squeeze %dma_wait3A_565 : memref<1x128x64xf32, #tpu.memory_space<vmem>> -> memref<128x64xf32, #tpu.memory_space<vmem>>
      %dma_wait3A_567 = arith.constant 0 : i32
      %dma_wait3A_568 = tpu.memref_slice %arg9[%add3A_561, %dma_wait3A_567] : memref<79x128xi32, #tpu.memory_space<vmem>> -> memref<1x128xi32, #tpu.memory_space<vmem>>
      %dma_wait3A_569 = tpu.memref_squeeze %dma_wait3A_568 : memref<1x128xi32, #tpu.memory_space<vmem>> -> memref<128xi32, #tpu.memory_space<vmem>>
      %dma_wait3A_570 = arith.constant 0 : i32
      %dma_wait3A_571 = arith.constant 0 : i32
      %dma_wait3A_572 = tpu.memref_slice %arg2[%dma_wait3A_570, %dma_wait3A_571] : memref<10000x64xf32, #tpu.memory_space<hbm>> -> memref<10000x64xf32, #tpu.memory_space<hbm>>
      tpu.wait_indirect_dma semaphore(%arg19 : memref<!tpu.dma_semaphore, #tpu.memory_space<semaphore_mem>>) src(%dma_wait3A_572 : memref<10000x64xf32, #tpu.memory_space<hbm>>) dst(%dma_wait3A_566 : memref<128x64xf32, #tpu.memory_space<vmem>>)
      %add3A_573 = arith.constant 4 : i32
      %add3A_574 = arith.addi %mul3A_423, %add3A_573 : i32
      %dma_start3A_575 = arith.constant 4 : i32
      %dma_start3A_576 = arith.constant 0 : i32
      %dma_start3A_577 = arith.constant 0 : i32
      %dma_start3A_578 = tpu.memref_slice %arg11[%dma_start3A_575, %dma_start3A_576, %dma_start3A_577] : memref<6x128x64xf32, #tpu.memory_space<vmem>> -> memref<1x128x64xf32, #tpu.memory_space<vmem>>
      %dma_start3A_579 = tpu.memref_squeeze %dma_start3A_578 : memref<1x128x64xf32, #tpu.memory_space<vmem>> -> memref<128x64xf32, #tpu.memory_space<vmem>>
      %dma_start3A_580 = arith.constant 0 : i32
      %dma_start3A_581 = tpu.memref_slice %arg10[%add3A_574, %dma_start3A_580] : memref<79x128xi32, #tpu.memory_space<vmem>> -> memref<1x128xi32, #tpu.memory_space<vmem>>
      %dma_start3A_582 = tpu.memref_squeeze %dma_start3A_581 : memref<1x128xi32, #tpu.memory_space<vmem>> -> memref<128xi32, #tpu.memory_space<vmem>>
      %dma_start3A_583 = arith.constant 0 : i32
      %dma_start3A_584 = arith.constant 0 : i32
      %dma_start3A_585 = tpu.memref_slice %arg13[%dma_start3A_583, %dma_start3A_584] : memref<10000x64xf32, #tpu.memory_space<vmem_shared>> -> memref<10000x64xf32, #tpu.memory_space<vmem_shared>>
      tpu.enqueue_indirect_dma source(%dma_start3A_579 : memref<128x64xf32, #tpu.memory_space<vmem>>) target(%dma_start3A_585 : memref<10000x64xf32, #tpu.memory_space<vmem_shared>>) offsets(%dma_start3A_582 : memref<128xi32, #tpu.memory_space<vmem>>) semaphore(%arg25 : memref<!tpu.dma_semaphore, #tpu.memory_space<semaphore_mem>>) {add = true}
      %add3A_586 = arith.constant 4 : i32
      %add3A_587 = arith.addi %mul3A_423, %add3A_586 : i32
      %dma_start3A_588 = arith.constant 0 : i32
      %dma_start3A_589 = tpu.memref_slice %arg10[%add3A_587, %dma_start3A_588] : memref<79x128xi32, #tpu.memory_space<vmem>> -> memref<1x128xi32, #tpu.memory_space<vmem>>
      %dma_start3A_590 = tpu.memref_squeeze %dma_start3A_589 : memref<1x128xi32, #tpu.memory_space<vmem>> -> memref<128xi32, #tpu.memory_space<vmem>>
      %dma_start3A_591 = arith.constant 0 : i32
      %dma_start3A_592 = arith.constant 0 : i32
      %dma_start3A_593 = tpu.memref_slice %arg14[%dma_start3A_591, %dma_start3A_592] : memref<10000x8xf32, #tpu.memory_space<vmem_shared>> -> memref<10000x8xf32, #tpu.memory_space<vmem_shared>>
      tpu.enqueue_indirect_dma source(%arg12 : memref<128x8xf32, #tpu.memory_space<vmem>>) target(%dma_start3A_593 : memref<10000x8xf32, #tpu.memory_space<vmem_shared>>) offsets(%dma_start3A_590 : memref<128xi32, #tpu.memory_space<vmem>>) semaphore(%arg31 : memref<!tpu.dma_semaphore, #tpu.memory_space<semaphore_mem>>) {add = true}
      %add3A_594 = arith.constant 5 : i32
      %add3A_595 = arith.addi %mul3A_423, %add3A_594 : i32
      %dma_wait3A_596 = arith.constant 5 : i32
      %dma_wait3A_597 = arith.constant 0 : i32
      %dma_wait3A_598 = arith.constant 0 : i32
      %dma_wait3A_599 = tpu.memref_slice %arg11[%dma_wait3A_596, %dma_wait3A_597, %dma_wait3A_598] : memref<6x128x64xf32, #tpu.memory_space<vmem>> -> memref<1x128x64xf32, #tpu.memory_space<vmem>>
      %dma_wait3A_600 = tpu.memref_squeeze %dma_wait3A_599 : memref<1x128x64xf32, #tpu.memory_space<vmem>> -> memref<128x64xf32, #tpu.memory_space<vmem>>
      %dma_wait3A_601 = arith.constant 0 : i32
      %dma_wait3A_602 = tpu.memref_slice %arg9[%add3A_595, %dma_wait3A_601] : memref<79x128xi32, #tpu.memory_space<vmem>> -> memref<1x128xi32, #tpu.memory_space<vmem>>
      %dma_wait3A_603 = tpu.memref_squeeze %dma_wait3A_602 : memref<1x128xi32, #tpu.memory_space<vmem>> -> memref<128xi32, #tpu.memory_space<vmem>>
      %dma_wait3A_604 = arith.constant 0 : i32
      %dma_wait3A_605 = arith.constant 0 : i32
      %dma_wait3A_606 = tpu.memref_slice %arg2[%dma_wait3A_604, %dma_wait3A_605] : memref<10000x64xf32, #tpu.memory_space<hbm>> -> memref<10000x64xf32, #tpu.memory_space<hbm>>
      tpu.wait_indirect_dma semaphore(%arg20 : memref<!tpu.dma_semaphore, #tpu.memory_space<semaphore_mem>>) src(%dma_wait3A_606 : memref<10000x64xf32, #tpu.memory_space<hbm>>) dst(%dma_wait3A_600 : memref<128x64xf32, #tpu.memory_space<vmem>>)
      %add3A_607 = arith.constant 5 : i32
      %add3A_608 = arith.addi %mul3A_423, %add3A_607 : i32
      %dma_start3A_609 = arith.constant 5 : i32
      %dma_start3A_610 = arith.constant 0 : i32
      %dma_start3A_611 = arith.constant 0 : i32
      %dma_start3A_612 = tpu.memref_slice %arg11[%dma_start3A_609, %dma_start3A_610, %dma_start3A_611] : memref<6x128x64xf32, #tpu.memory_space<vmem>> -> memref<1x128x64xf32, #tpu.memory_space<vmem>>
      %dma_start3A_613 = tpu.memref_squeeze %dma_start3A_612 : memref<1x128x64xf32, #tpu.memory_space<vmem>> -> memref<128x64xf32, #tpu.memory_space<vmem>>
      %dma_start3A_614 = arith.constant 0 : i32
      %dma_start3A_615 = tpu.memref_slice %arg10[%add3A_608, %dma_start3A_614] : memref<79x128xi32, #tpu.memory_space<vmem>> -> memref<1x128xi32, #tpu.memory_space<vmem>>
      %dma_start3A_616 = tpu.memref_squeeze %dma_start3A_615 : memref<1x128xi32, #tpu.memory_space<vmem>> -> memref<128xi32, #tpu.memory_space<vmem>>
      %dma_start3A_617 = arith.constant 0 : i32
      %dma_start3A_618 = arith.constant 0 : i32
      %dma_start3A_619 = tpu.memref_slice %arg13[%dma_start3A_617, %dma_start3A_618] : memref<10000x64xf32, #tpu.memory_space<vmem_shared>> -> memref<10000x64xf32, #tpu.memory_space<vmem_shared>>
      tpu.enqueue_indirect_dma source(%dma_start3A_613 : memref<128x64xf32, #tpu.memory_space<vmem>>) target(%dma_start3A_619 : memref<10000x64xf32, #tpu.memory_space<vmem_shared>>) offsets(%dma_start3A_616 : memref<128xi32, #tpu.memory_space<vmem>>) semaphore(%arg26 : memref<!tpu.dma_semaphore, #tpu.memory_space<semaphore_mem>>) {add = true}
      %add3A_620 = arith.constant 5 : i32
      %add3A_621 = arith.addi %mul3A_423, %add3A_620 : i32
      %dma_start3A_622 = arith.constant 0 : i32
      %dma_start3A_623 = tpu.memref_slice %arg10[%add3A_621, %dma_start3A_622] : memref<79x128xi32, #tpu.memory_space<vmem>> -> memref<1x128xi32, #tpu.memory_space<vmem>>
      %dma_start3A_624 = tpu.memref_squeeze %dma_start3A_623 : memref<1x128xi32, #tpu.memory_space<vmem>> -> memref<128xi32, #tpu.memory_space<vmem>>
      %dma_start3A_625 = arith.constant 0 : i32
      %dma_start3A_626 = arith.constant 0 : i32
      %dma_start3A_627 = tpu.memref_slice %arg14[%dma_start3A_625, %dma_start3A_626] : memref<10000x8xf32, #tpu.memory_space<vmem_shared>> -> memref<10000x8xf32, #tpu.memory_space<vmem_shared>>
      tpu.enqueue_indirect_dma source(%arg12 : memref<128x8xf32, #tpu.memory_space<vmem>>) target(%dma_start3A_627 : memref<10000x8xf32, #tpu.memory_space<vmem_shared>>) offsets(%dma_start3A_624 : memref<128xi32, #tpu.memory_space<vmem>>) semaphore(%arg32 : memref<!tpu.dma_semaphore, #tpu.memory_space<semaphore_mem>>) {add = true}
      %add3A_628 = arith.constant 0 : i32
      %add3A_629 = arith.addi %mul3A_423, %add3A_628 : i32
      %dma_wait3A_630 = arith.constant 0 : i32
      %dma_wait3A_631 = arith.constant 0 : i32
      %dma_wait3A_632 = arith.constant 0 : i32
      %dma_wait3A_633 = tpu.memref_slice %arg11[%dma_wait3A_630, %dma_wait3A_631, %dma_wait3A_632] : memref<6x128x64xf32, #tpu.memory_space<vmem>> -> memref<1x128x64xf32, #tpu.memory_space<vmem>>
      %dma_wait3A_634 = tpu.memref_squeeze %dma_wait3A_633 : memref<1x128x64xf32, #tpu.memory_space<vmem>> -> memref<128x64xf32, #tpu.memory_space<vmem>>
      %dma_wait3A_635 = arith.constant 0 : i32
      %dma_wait3A_636 = tpu.memref_slice %arg10[%add3A_629, %dma_wait3A_635] : memref<79x128xi32, #tpu.memory_space<vmem>> -> memref<1x128xi32, #tpu.memory_space<vmem>>
      %dma_wait3A_637 = tpu.memref_squeeze %dma_wait3A_636 : memref<1x128xi32, #tpu.memory_space<vmem>> -> memref<128xi32, #tpu.memory_space<vmem>>
      %dma_wait3A_638 = arith.constant 0 : i32
      %dma_wait3A_639 = arith.constant 0 : i32
      %dma_wait3A_640 = tpu.memref_slice %arg13[%dma_wait3A_638, %dma_wait3A_639] : memref<10000x64xf32, #tpu.memory_space<vmem_shared>> -> memref<10000x64xf32, #tpu.memory_space<vmem_shared>>
      tpu.wait_indirect_dma semaphore(%arg21 : memref<!tpu.dma_semaphore, #tpu.memory_space<semaphore_mem>>) src(%dma_wait3A_634 : memref<128x64xf32, #tpu.memory_space<vmem>>) dst(%dma_wait3A_640 : memref<10000x64xf32, #tpu.memory_space<vmem_shared>>)
      %add3A_641 = arith.constant 0 : i32
      %add3A_642 = arith.addi %mul3A_423, %add3A_641 : i32
      %dma_wait3A_643 = arith.constant 0 : i32
      %dma_wait3A_644 = tpu.memref_slice %arg10[%add3A_642, %dma_wait3A_643] : memref<79x128xi32, #tpu.memory_space<vmem>> -> memref<1x128xi32, #tpu.memory_space<vmem>>
      %dma_wait3A_645 = tpu.memref_squeeze %dma_wait3A_644 : memref<1x128xi32, #tpu.memory_space<vmem>> -> memref<128xi32, #tpu.memory_space<vmem>>
      %dma_wait3A_646 = arith.constant 0 : i32
      %dma_wait3A_647 = arith.constant 0 : i32
      %dma_wait3A_648 = tpu.memref_slice %arg14[%dma_wait3A_646, %dma_wait3A_647] : memref<10000x8xf32, #tpu.memory_space<vmem_shared>> -> memref<10000x8xf32, #tpu.memory_space<vmem_shared>>
      tpu.wait_indirect_dma semaphore(%arg27 : memref<!tpu.dma_semaphore, #tpu.memory_space<semaphore_mem>>) src(%arg12 : memref<128x8xf32, #tpu.memory_space<vmem>>) dst(%dma_wait3A_648 : memref<10000x8xf32, #tpu.memory_space<vmem_shared>>)
      %add3A_649 = arith.constant 6 : i32
      %add3A_650 = arith.addi %mul3A_423, %add3A_649 : i32
      %add3A_651 = arith.constant 0 : i32
      %add3A_652 = arith.addi %add3A_650, %add3A_651 : i32
      %dma_start3A_653 = arith.constant 0 : i32
      %dma_start3A_654 = arith.constant 0 : i32
      %dma_start3A_655 = arith.constant 0 : i32
      %dma_start3A_656 = tpu.memref_slice %arg11[%dma_start3A_653, %dma_start3A_654, %dma_start3A_655] : memref<6x128x64xf32, #tpu.memory_space<vmem>> -> memref<1x128x64xf32, #tpu.memory_space<vmem>>
      %dma_start3A_657 = tpu.memref_squeeze %dma_start3A_656 : memref<1x128x64xf32, #tpu.memory_space<vmem>> -> memref<128x64xf32, #tpu.memory_space<vmem>>
      %dma_start3A_658 = arith.constant 0 : i32
      %dma_start3A_659 = tpu.memref_slice %arg9[%add3A_652, %dma_start3A_658] : memref<79x128xi32, #tpu.memory_space<vmem>> -> memref<1x128xi32, #tpu.memory_space<vmem>>
      %dma_start3A_660 = tpu.memref_squeeze %dma_start3A_659 : memref<1x128xi32, #tpu.memory_space<vmem>> -> memref<128xi32, #tpu.memory_space<vmem>>
      %dma_start3A_661 = arith.constant 0 : i32
      %dma_start3A_662 = arith.constant 0 : i32
      %dma_start3A_663 = tpu.memref_slice %arg2[%dma_start3A_661, %dma_start3A_662] : memref<10000x64xf32, #tpu.memory_space<hbm>> -> memref<10000x64xf32, #tpu.memory_space<hbm>>
      tpu.enqueue_indirect_dma source(%dma_start3A_663 : memref<10000x64xf32, #tpu.memory_space<hbm>>) target(%dma_start3A_657 : memref<128x64xf32, #tpu.memory_space<vmem>>) offsets(%dma_start3A_660 : memref<128xi32, #tpu.memory_space<vmem>>) semaphore(%arg15 : memref<!tpu.dma_semaphore, #tpu.memory_space<semaphore_mem>>)
      %add3A_664 = arith.constant 1 : i32
      %add3A_665 = arith.addi %mul3A_423, %add3A_664 : i32
      %dma_wait3A_666 = arith.constant 1 : i32
      %dma_wait3A_667 = arith.constant 0 : i32
      %dma_wait3A_668 = arith.constant 0 : i32
      %dma_wait3A_669 = tpu.memref_slice %arg11[%dma_wait3A_666, %dma_wait3A_667, %dma_wait3A_668] : memref<6x128x64xf32, #tpu.memory_space<vmem>> -> memref<1x128x64xf32, #tpu.memory_space<vmem>>
      %dma_wait3A_670 = tpu.memref_squeeze %dma_wait3A_669 : memref<1x128x64xf32, #tpu.memory_space<vmem>> -> memref<128x64xf32, #tpu.memory_space<vmem>>
      %dma_wait3A_671 = arith.constant 0 : i32
      %dma_wait3A_672 = tpu.memref_slice %arg10[%add3A_665, %dma_wait3A_671] : memref<79x128xi32, #tpu.memory_space<vmem>> -> memref<1x128xi32, #tpu.memory_space<vmem>>
      %dma_wait3A_673 = tpu.memref_squeeze %dma_wait3A_672 : memref<1x128xi32, #tpu.memory_space<vmem>> -> memref<128xi32, #tpu.memory_space<vmem>>
      %dma_wait3A_674 = arith.constant 0 : i32
      %dma_wait3A_675 = arith.constant 0 : i32
      %dma_wait3A_676 = tpu.memref_slice %arg13[%dma_wait3A_674, %dma_wait3A_675] : memref<10000x64xf32, #tpu.memory_space<vmem_shared>> -> memref<10000x64xf32, #tpu.memory_space<vmem_shared>>
      tpu.wait_indirect_dma semaphore(%arg22 : memref<!tpu.dma_semaphore, #tpu.memory_space<semaphore_mem>>) src(%dma_wait3A_670 : memref<128x64xf32, #tpu.memory_space<vmem>>) dst(%dma_wait3A_676 : memref<10000x64xf32, #tpu.memory_space<vmem_shared>>)
      %add3A_677 = arith.constant 1 : i32
      %add3A_678 = arith.addi %mul3A_423, %add3A_677 : i32
      %dma_wait3A_679 = arith.constant 0 : i32
      %dma_wait3A_680 = tpu.memref_slice %arg10[%add3A_678, %dma_wait3A_679] : memref<79x128xi32, #tpu.memory_space<vmem>> -> memref<1x128xi32, #tpu.memory_space<vmem>>
      %dma_wait3A_681 = tpu.memref_squeeze %dma_wait3A_680 : memref<1x128xi32, #tpu.memory_space<vmem>> -> memref<128xi32, #tpu.memory_space<vmem>>
      %dma_wait3A_682 = arith.constant 0 : i32
      %dma_wait3A_683 = arith.constant 0 : i32
      %dma_wait3A_684 = tpu.memref_slice %arg14[%dma_wait3A_682, %dma_wait3A_683] : memref<10000x8xf32, #tpu.memory_space<vmem_shared>> -> memref<10000x8xf32, #tpu.memory_space<vmem_shared>>
      tpu.wait_indirect_dma semaphore(%arg28 : memref<!tpu.dma_semaphore, #tpu.memory_space<semaphore_mem>>) src(%arg12 : memref<128x8xf32, #tpu.memory_space<vmem>>) dst(%dma_wait3A_684 : memref<10000x8xf32, #tpu.memory_space<vmem_shared>>)
      %add3A_685 = arith.constant 6 : i32
      %add3A_686 = arith.addi %mul3A_423, %add3A_685 : i32
      %add3A_687 = arith.constant 1 : i32
      %add3A_688 = arith.addi %add3A_686, %add3A_687 : i32
      %dma_start3A_689 = arith.constant 1 : i32
      %dma_start3A_690 = arith.constant 0 : i32
      %dma_start3A_691 = arith.constant 0 : i32
      %dma_start3A_692 = tpu.memref_slice %arg11[%dma_start3A_689, %dma_start3A_690, %dma_start3A_691] : memref<6x128x64xf32, #tpu.memory_space<vmem>> -> memref<1x128x64xf32, #tpu.memory_space<vmem>>
      %dma_start3A_693 = tpu.memref_squeeze %dma_start3A_692 : memref<1x128x64xf32, #tpu.memory_space<vmem>> -> memref<128x64xf32, #tpu.memory_space<vmem>>
      %dma_start3A_694 = arith.constant 0 : i32
      %dma_start3A_695 = tpu.memref_slice %arg9[%add3A_688, %dma_start3A_694] : memref<79x128xi32, #tpu.memory_space<vmem>> -> memref<1x128xi32, #tpu.memory_space<vmem>>
      %dma_start3A_696 = tpu.memref_squeeze %dma_start3A_695 : memref<1x128xi32, #tpu.memory_space<vmem>> -> memref<128xi32, #tpu.memory_space<vmem>>
      %dma_start3A_697 = arith.constant 0 : i32
      %dma_start3A_698 = arith.constant 0 : i32
      %dma_start3A_699 = tpu.memref_slice %arg2[%dma_start3A_697, %dma_start3A_698] : memref<10000x64xf32, #tpu.memory_space<hbm>> -> memref<10000x64xf32, #tpu.memory_space<hbm>>
      tpu.enqueue_indirect_dma source(%dma_start3A_699 : memref<10000x64xf32, #tpu.memory_space<hbm>>) target(%dma_start3A_693 : memref<128x64xf32, #tpu.memory_space<vmem>>) offsets(%dma_start3A_696 : memref<128xi32, #tpu.memory_space<vmem>>) semaphore(%arg16 : memref<!tpu.dma_semaphore, #tpu.memory_space<semaphore_mem>>)
      %add3A_700 = arith.constant 2 : i32
      %add3A_701 = arith.addi %mul3A_423, %add3A_700 : i32
      %dma_wait3A_702 = arith.constant 2 : i32
      %dma_wait3A_703 = arith.constant 0 : i32
      %dma_wait3A_704 = arith.constant 0 : i32
      %dma_wait3A_705 = tpu.memref_slice %arg11[%dma_wait3A_702, %dma_wait3A_703, %dma_wait3A_704] : memref<6x128x64xf32, #tpu.memory_space<vmem>> -> memref<1x128x64xf32, #tpu.memory_space<vmem>>
      %dma_wait3A_706 = tpu.memref_squeeze %dma_wait3A_705 : memref<1x128x64xf32, #tpu.memory_space<vmem>> -> memref<128x64xf32, #tpu.memory_space<vmem>>
      %dma_wait3A_707 = arith.constant 0 : i32
      %dma_wait3A_708 = tpu.memref_slice %arg10[%add3A_701, %dma_wait3A_707] : memref<79x128xi32, #tpu.memory_space<vmem>> -> memref<1x128xi32, #tpu.memory_space<vmem>>
      %dma_wait3A_709 = tpu.memref_squeeze %dma_wait3A_708 : memref<1x128xi32, #tpu.memory_space<vmem>> -> memref<128xi32, #tpu.memory_space<vmem>>
      %dma_wait3A_710 = arith.constant 0 : i32
      %dma_wait3A_711 = arith.constant 0 : i32
      %dma_wait3A_712 = tpu.memref_slice %arg13[%dma_wait3A_710, %dma_wait3A_711] : memref<10000x64xf32, #tpu.memory_space<vmem_shared>> -> memref<10000x64xf32, #tpu.memory_space<vmem_shared>>
      tpu.wait_indirect_dma semaphore(%arg23 : memref<!tpu.dma_semaphore, #tpu.memory_space<semaphore_mem>>) src(%dma_wait3A_706 : memref<128x64xf32, #tpu.memory_space<vmem>>) dst(%dma_wait3A_712 : memref<10000x64xf32, #tpu.memory_space<vmem_shared>>)
      %add3A_713 = arith.constant 2 : i32
      %add3A_714 = arith.addi %mul3A_423, %add3A_713 : i32
      %dma_wait3A_715 = arith.constant 0 : i32
      %dma_wait3A_716 = tpu.memref_slice %arg10[%add3A_714, %dma_wait3A_715] : memref<79x128xi32, #tpu.memory_space<vmem>> -> memref<1x128xi32, #tpu.memory_space<vmem>>
      %dma_wait3A_717 = tpu.memref_squeeze %dma_wait3A_716 : memref<1x128xi32, #tpu.memory_space<vmem>> -> memref<128xi32, #tpu.memory_space<vmem>>
      %dma_wait3A_718 = arith.constant 0 : i32
      %dma_wait3A_719 = arith.constant 0 : i32
      %dma_wait3A_720 = tpu.memref_slice %arg14[%dma_wait3A_718, %dma_wait3A_719] : memref<10000x8xf32, #tpu.memory_space<vmem_shared>> -> memref<10000x8xf32, #tpu.memory_space<vmem_shared>>
      tpu.wait_indirect_dma semaphore(%arg29 : memref<!tpu.dma_semaphore, #tpu.memory_space<semaphore_mem>>) src(%arg12 : memref<128x8xf32, #tpu.memory_space<vmem>>) dst(%dma_wait3A_720 : memref<10000x8xf32, #tpu.memory_space<vmem_shared>>)
      %add3A_721 = arith.constant 6 : i32
      %add3A_722 = arith.addi %mul3A_423, %add3A_721 : i32
      %add3A_723 = arith.constant 2 : i32
      %add3A_724 = arith.addi %add3A_722, %add3A_723 : i32
      %dma_start3A_725 = arith.constant 2 : i32
      %dma_start3A_726 = arith.constant 0 : i32
      %dma_start3A_727 = arith.constant 0 : i32
      %dma_start3A_728 = tpu.memref_slice %arg11[%dma_start3A_725, %dma_start3A_726, %dma_start3A_727] : memref<6x128x64xf32, #tpu.memory_space<vmem>> -> memref<1x128x64xf32, #tpu.memory_space<vmem>>
      %dma_start3A_729 = tpu.memref_squeeze %dma_start3A_728 : memref<1x128x64xf32, #tpu.memory_space<vmem>> -> memref<128x64xf32, #tpu.memory_space<vmem>>
      %dma_start3A_730 = arith.constant 0 : i32
      %dma_start3A_731 = tpu.memref_slice %arg9[%add3A_724, %dma_start3A_730] : memref<79x128xi32, #tpu.memory_space<vmem>> -> memref<1x128xi32, #tpu.memory_space<vmem>>
      %dma_start3A_732 = tpu.memref_squeeze %dma_start3A_731 : memref<1x128xi32, #tpu.memory_space<vmem>> -> memref<128xi32, #tpu.memory_space<vmem>>
      %dma_start3A_733 = arith.constant 0 : i32
      %dma_start3A_734 = arith.constant 0 : i32
      %dma_start3A_735 = tpu.memref_slice %arg2[%dma_start3A_733, %dma_start3A_734] : memref<10000x64xf32, #tpu.memory_space<hbm>> -> memref<10000x64xf32, #tpu.memory_space<hbm>>
      tpu.enqueue_indirect_dma source(%dma_start3A_735 : memref<10000x64xf32, #tpu.memory_space<hbm>>) target(%dma_start3A_729 : memref<128x64xf32, #tpu.memory_space<vmem>>) offsets(%dma_start3A_732 : memref<128xi32, #tpu.memory_space<vmem>>) semaphore(%arg17 : memref<!tpu.dma_semaphore, #tpu.memory_space<semaphore_mem>>)
      %add3A_736 = arith.constant 3 : i32
      %add3A_737 = arith.addi %mul3A_423, %add3A_736 : i32
      %dma_wait3A_738 = arith.constant 3 : i32
      %dma_wait3A_739 = arith.constant 0 : i32
      %dma_wait3A_740 = arith.constant 0 : i32
      %dma_wait3A_741 = tpu.memref_slice %arg11[%dma_wait3A_738, %dma_wait3A_739, %dma_wait3A_740] : memref<6x128x64xf32, #tpu.memory_space<vmem>> -> memref<1x128x64xf32, #tpu.memory_space<vmem>>
      %dma_wait3A_742 = tpu.memref_squeeze %dma_wait3A_741 : memref<1x128x64xf32, #tpu.memory_space<vmem>> -> memref<128x64xf32, #tpu.memory_space<vmem>>
      %dma_wait3A_743 = arith.constant 0 : i32
      %dma_wait3A_744 = tpu.memref_slice %arg10[%add3A_737, %dma_wait3A_743] : memref<79x128xi32, #tpu.memory_space<vmem>> -> memref<1x128xi32, #tpu.memory_space<vmem>>
      %dma_wait3A_745 = tpu.memref_squeeze %dma_wait3A_744 : memref<1x128xi32, #tpu.memory_space<vmem>> -> memref<128xi32, #tpu.memory_space<vmem>>
      %dma_wait3A_746 = arith.constant 0 : i32
      %dma_wait3A_747 = arith.constant 0 : i32
      %dma_wait3A_748 = tpu.memref_slice %arg13[%dma_wait3A_746, %dma_wait3A_747] : memref<10000x64xf32, #tpu.memory_space<vmem_shared>> -> memref<10000x64xf32, #tpu.memory_space<vmem_shared>>
      tpu.wait_indirect_dma semaphore(%arg24 : memref<!tpu.dma_semaphore, #tpu.memory_space<semaphore_mem>>) src(%dma_wait3A_742 : memref<128x64xf32, #tpu.memory_space<vmem>>) dst(%dma_wait3A_748 : memref<10000x64xf32, #tpu.memory_space<vmem_shared>>)
      %add3A_749 = arith.constant 3 : i32
      %add3A_750 = arith.addi %mul3A_423, %add3A_749 : i32
      %dma_wait3A_751 = arith.constant 0 : i32
      %dma_wait3A_752 = tpu.memref_slice %arg10[%add3A_750, %dma_wait3A_751] : memref<79x128xi32, #tpu.memory_space<vmem>> -> memref<1x128xi32, #tpu.memory_space<vmem>>
      %dma_wait3A_753 = tpu.memref_squeeze %dma_wait3A_752 : memref<1x128xi32, #tpu.memory_space<vmem>> -> memref<128xi32, #tpu.memory_space<vmem>>
      %dma_wait3A_754 = arith.constant 0 : i32
      %dma_wait3A_755 = arith.constant 0 : i32
      %dma_wait3A_756 = tpu.memref_slice %arg14[%dma_wait3A_754, %dma_wait3A_755] : memref<10000x8xf32, #tpu.memory_space<vmem_shared>> -> memref<10000x8xf32, #tpu.memory_space<vmem_shared>>
      tpu.wait_indirect_dma semaphore(%arg30 : memref<!tpu.dma_semaphore, #tpu.memory_space<semaphore_mem>>) src(%arg12 : memref<128x8xf32, #tpu.memory_space<vmem>>) dst(%dma_wait3A_756 : memref<10000x8xf32, #tpu.memory_space<vmem_shared>>)
      %add3A_757 = arith.constant 6 : i32
      %add3A_758 = arith.addi %mul3A_423, %add3A_757 : i32
      %add3A_759 = arith.constant 3 : i32
      %add3A_760 = arith.addi %add3A_758, %add3A_759 : i32
      %dma_start3A_761 = arith.constant 3 : i32
      %dma_start3A_762 = arith.constant 0 : i32
      %dma_start3A_763 = arith.constant 0 : i32
      %dma_start3A_764 = tpu.memref_slice %arg11[%dma_start3A_761, %dma_start3A_762, %dma_start3A_763] : memref<6x128x64xf32, #tpu.memory_space<vmem>> -> memref<1x128x64xf32, #tpu.memory_space<vmem>>
      %dma_start3A_765 = tpu.memref_squeeze %dma_start3A_764 : memref<1x128x64xf32, #tpu.memory_space<vmem>> -> memref<128x64xf32, #tpu.memory_space<vmem>>
      %dma_start3A_766 = arith.constant 0 : i32
      %dma_start3A_767 = tpu.memref_slice %arg9[%add3A_760, %dma_start3A_766] : memref<79x128xi32, #tpu.memory_space<vmem>> -> memref<1x128xi32, #tpu.memory_space<vmem>>
      %dma_start3A_768 = tpu.memref_squeeze %dma_start3A_767 : memref<1x128xi32, #tpu.memory_space<vmem>> -> memref<128xi32, #tpu.memory_space<vmem>>
      %dma_start3A_769 = arith.constant 0 : i32
      %dma_start3A_770 = arith.constant 0 : i32
      %dma_start3A_771 = tpu.memref_slice %arg2[%dma_start3A_769, %dma_start3A_770] : memref<10000x64xf32, #tpu.memory_space<hbm>> -> memref<10000x64xf32, #tpu.memory_space<hbm>>
      tpu.enqueue_indirect_dma source(%dma_start3A_771 : memref<10000x64xf32, #tpu.memory_space<hbm>>) target(%dma_start3A_765 : memref<128x64xf32, #tpu.memory_space<vmem>>) offsets(%dma_start3A_768 : memref<128xi32, #tpu.memory_space<vmem>>) semaphore(%arg18 : memref<!tpu.dma_semaphore, #tpu.memory_space<semaphore_mem>>)
      %add3A_772 = arith.constant 4 : i32
      %add3A_773 = arith.addi %mul3A_423, %add3A_772 : i32
      %dma_wait3A_774 = arith.constant 4 : i32
      %dma_wait3A_775 = arith.constant 0 : i32
      %dma_wait3A_776 = arith.constant 0 : i32
      %dma_wait3A_777 = tpu.memref_slice %arg11[%dma_wait3A_774, %dma_wait3A_775, %dma_wait3A_776] : memref<6x128x64xf32, #tpu.memory_space<vmem>> -> memref<1x128x64xf32, #tpu.memory_space<vmem>>
      %dma_wait3A_778 = tpu.memref_squeeze %dma_wait3A_777 : memref<1x128x64xf32, #tpu.memory_space<vmem>> -> memref<128x64xf32, #tpu.memory_space<vmem>>
      %dma_wait3A_779 = arith.constant 0 : i32
      %dma_wait3A_780 = tpu.memref_slice %arg10[%add3A_773, %dma_wait3A_779] : memref<79x128xi32, #tpu.memory_space<vmem>> -> memref<1x128xi32, #tpu.memory_space<vmem>>
      %dma_wait3A_781 = tpu.memref_squeeze %dma_wait3A_780 : memref<1x128xi32, #tpu.memory_space<vmem>> -> memref<128xi32, #tpu.memory_space<vmem>>
      %dma_wait3A_782 = arith.constant 0 : i32
      %dma_wait3A_783 = arith.constant 0 : i32
      %dma_wait3A_784 = tpu.memref_slice %arg13[%dma_wait3A_782, %dma_wait3A_783] : memref<10000x64xf32, #tpu.memory_space<vmem_shared>> -> memref<10000x64xf32, #tpu.memory_space<vmem_shared>>
      tpu.wait_indirect_dma semaphore(%arg25 : memref<!tpu.dma_semaphore, #tpu.memory_space<semaphore_mem>>) src(%dma_wait3A_778 : memref<128x64xf32, #tpu.memory_space<vmem>>) dst(%dma_wait3A_784 : memref<10000x64xf32, #tpu.memory_space<vmem_shared>>)
      %add3A_785 = arith.constant 4 : i32
      %add3A_786 = arith.addi %mul3A_423, %add3A_785 : i32
      %dma_wait3A_787 = arith.constant 0 : i32
      %dma_wait3A_788 = tpu.memref_slice %arg10[%add3A_786, %dma_wait3A_787] : memref<79x128xi32, #tpu.memory_space<vmem>> -> memref<1x128xi32, #tpu.memory_space<vmem>>
      %dma_wait3A_789 = tpu.memref_squeeze %dma_wait3A_788 : memref<1x128xi32, #tpu.memory_space<vmem>> -> memref<128xi32, #tpu.memory_space<vmem>>
      %dma_wait3A_790 = arith.constant 0 : i32
      %dma_wait3A_791 = arith.constant 0 : i32
      %dma_wait3A_792 = tpu.memref_slice %arg14[%dma_wait3A_790, %dma_wait3A_791] : memref<10000x8xf32, #tpu.memory_space<vmem_shared>> -> memref<10000x8xf32, #tpu.memory_space<vmem_shared>>
      tpu.wait_indirect_dma semaphore(%arg31 : memref<!tpu.dma_semaphore, #tpu.memory_space<semaphore_mem>>) src(%arg12 : memref<128x8xf32, #tpu.memory_space<vmem>>) dst(%dma_wait3A_792 : memref<10000x8xf32, #tpu.memory_space<vmem_shared>>)
      %add3A_793 = arith.constant 6 : i32
      %add3A_794 = arith.addi %mul3A_423, %add3A_793 : i32
      %add3A_795 = arith.constant 4 : i32
      %add3A_796 = arith.addi %add3A_794, %add3A_795 : i32
      %dma_start3A_797 = arith.constant 4 : i32
      %dma_start3A_798 = arith.constant 0 : i32
      %dma_start3A_799 = arith.constant 0 : i32
      %dma_start3A_800 = tpu.memref_slice %arg11[%dma_start3A_797, %dma_start3A_798, %dma_start3A_799] : memref<6x128x64xf32, #tpu.memory_space<vmem>> -> memref<1x128x64xf32, #tpu.memory_space<vmem>>
      %dma_start3A_801 = tpu.memref_squeeze %dma_start3A_800 : memref<1x128x64xf32, #tpu.memory_space<vmem>> -> memref<128x64xf32, #tpu.memory_space<vmem>>
      %dma_start3A_802 = arith.constant 0 : i32
      %dma_start3A_803 = tpu.memref_slice %arg9[%add3A_796, %dma_start3A_802] : memref<79x128xi32, #tpu.memory_space<vmem>> -> memref<1x128xi32, #tpu.memory_space<vmem>>
      %dma_start3A_804 = tpu.memref_squeeze %dma_start3A_803 : memref<1x128xi32, #tpu.memory_space<vmem>> -> memref<128xi32, #tpu.memory_space<vmem>>
      %dma_start3A_805 = arith.constant 0 : i32
      %dma_start3A_806 = arith.constant 0 : i32
      %dma_start3A_807 = tpu.memref_slice %arg2[%dma_start3A_805, %dma_start3A_806] : memref<10000x64xf32, #tpu.memory_space<hbm>> -> memref<10000x64xf32, #tpu.memory_space<hbm>>
      tpu.enqueue_indirect_dma source(%dma_start3A_807 : memref<10000x64xf32, #tpu.memory_space<hbm>>) target(%dma_start3A_801 : memref<128x64xf32, #tpu.memory_space<vmem>>) offsets(%dma_start3A_804 : memref<128xi32, #tpu.memory_space<vmem>>) semaphore(%arg19 : memref<!tpu.dma_semaphore, #tpu.memory_space<semaphore_mem>>)
      %add3A_808 = arith.constant 5 : i32
      %add3A_809 = arith.addi %mul3A_423, %add3A_808 : i32
      %dma_wait3A_810 = arith.constant 5 : i32
      %dma_wait3A_811 = arith.constant 0 : i32
      %dma_wait3A_812 = arith.constant 0 : i32
      %dma_wait3A_813 = tpu.memref_slice %arg11[%dma_wait3A_810, %dma_wait3A_811, %dma_wait3A_812] : memref<6x128x64xf32, #tpu.memory_space<vmem>> -> memref<1x128x64xf32, #tpu.memory_space<vmem>>
      %dma_wait3A_814 = tpu.memref_squeeze %dma_wait3A_813 : memref<1x128x64xf32, #tpu.memory_space<vmem>> -> memref<128x64xf32, #tpu.memory_space<vmem>>
      %dma_wait3A_815 = arith.constant 0 : i32
      %dma_wait3A_816 = tpu.memref_slice %arg10[%add3A_809, %dma_wait3A_815] : memref<79x128xi32, #tpu.memory_space<vmem>> -> memref<1x128xi32, #tpu.memory_space<vmem>>
      %dma_wait3A_817 = tpu.memref_squeeze %dma_wait3A_816 : memref<1x128xi32, #tpu.memory_space<vmem>> -> memref<128xi32, #tpu.memory_space<vmem>>
      %dma_wait3A_818 = arith.constant 0 : i32
      %dma_wait3A_819 = arith.constant 0 : i32
      %dma_wait3A_820 = tpu.memref_slice %arg13[%dma_wait3A_818, %dma_wait3A_819] : memref<10000x64xf32, #tpu.memory_space<vmem_shared>> -> memref<10000x64xf32, #tpu.memory_space<vmem_shared>>
      tpu.wait_indirect_dma semaphore(%arg26 : memref<!tpu.dma_semaphore, #tpu.memory_space<semaphore_mem>>) src(%dma_wait3A_814 : memref<128x64xf32, #tpu.memory_space<vmem>>) dst(%dma_wait3A_820 : memref<10000x64xf32, #tpu.memory_space<vmem_shared>>)
      %add3A_821 = arith.constant 5 : i32
      %add3A_822 = arith.addi %mul3A_423, %add3A_821 : i32
      %dma_wait3A_823 = arith.constant 0 : i32
      %dma_wait3A_824 = tpu.memref_slice %arg10[%add3A_822, %dma_wait3A_823] : memref<79x128xi32, #tpu.memory_space<vmem>> -> memref<1x128xi32, #tpu.memory_space<vmem>>
      %dma_wait3A_825 = tpu.memref_squeeze %dma_wait3A_824 : memref<1x128xi32, #tpu.memory_space<vmem>> -> memref<128xi32, #tpu.memory_space<vmem>>
      %dma_wait3A_826 = arith.constant 0 : i32
      %dma_wait3A_827 = arith.constant 0 : i32
      %dma_wait3A_828 = tpu.memref_slice %arg14[%dma_wait3A_826, %dma_wait3A_827] : memref<10000x8xf32, #tpu.memory_space<vmem_shared>> -> memref<10000x8xf32, #tpu.memory_space<vmem_shared>>
      tpu.wait_indirect_dma semaphore(%arg32 : memref<!tpu.dma_semaphore, #tpu.memory_space<semaphore_mem>>) src(%arg12 : memref<128x8xf32, #tpu.memory_space<vmem>>) dst(%dma_wait3A_828 : memref<10000x8xf32, #tpu.memory_space<vmem_shared>>)
      %add3A_829 = arith.constant 6 : i32
      %add3A_830 = arith.addi %mul3A_423, %add3A_829 : i32
      %add3A_831 = arith.constant 5 : i32
      %add3A_832 = arith.addi %add3A_830, %add3A_831 : i32
      %dma_start3A_833 = arith.constant 5 : i32
      %dma_start3A_834 = arith.constant 0 : i32
      %dma_start3A_835 = arith.constant 0 : i32
      %dma_start3A_836 = tpu.memref_slice %arg11[%dma_start3A_833, %dma_start3A_834, %dma_start3A_835] : memref<6x128x64xf32, #tpu.memory_space<vmem>> -> memref<1x128x64xf32, #tpu.memory_space<vmem>>
      %dma_start3A_837 = tpu.memref_squeeze %dma_start3A_836 : memref<1x128x64xf32, #tpu.memory_space<vmem>> -> memref<128x64xf32, #tpu.memory_space<vmem>>
      %dma_start3A_838 = arith.constant 0 : i32
      %dma_start3A_839 = tpu.memref_slice %arg9[%add3A_832, %dma_start3A_838] : memref<79x128xi32, #tpu.memory_space<vmem>> -> memref<1x128xi32, #tpu.memory_space<vmem>>
      %dma_start3A_840 = tpu.memref_squeeze %dma_start3A_839 : memref<1x128xi32, #tpu.memory_space<vmem>> -> memref<128xi32, #tpu.memory_space<vmem>>
      %dma_start3A_841 = arith.constant 0 : i32
      %dma_start3A_842 = arith.constant 0 : i32
      %dma_start3A_843 = tpu.memref_slice %arg2[%dma_start3A_841, %dma_start3A_842] : memref<10000x64xf32, #tpu.memory_space<hbm>> -> memref<10000x64xf32, #tpu.memory_space<hbm>>
      tpu.enqueue_indirect_dma source(%dma_start3A_843 : memref<10000x64xf32, #tpu.memory_space<hbm>>) target(%dma_start3A_837 : memref<128x64xf32, #tpu.memory_space<vmem>>) offsets(%dma_start3A_840 : memref<128xi32, #tpu.memory_space<vmem>>) semaphore(%arg20 : memref<!tpu.dma_semaphore, #tpu.memory_space<semaphore_mem>>)
    }
    %scan3A_97 = arith.constant 12 : i32
    %dma_wait3A = arith.constant 72 : i32
    %dma_wait3A_98 = arith.constant 0 : i32
    %dma_wait3A_99 = arith.constant 0 : i32
    %dma_wait3A_100 = arith.constant 0 : i32
    %dma_wait3A_101 = tpu.memref_slice %arg11[%dma_wait3A_98, %dma_wait3A_99, %dma_wait3A_100] : memref<6x128x64xf32, #tpu.memory_space<vmem>> -> memref<1x128x64xf32, #tpu.memory_space<vmem>>
    %dma_wait3A_102 = tpu.memref_squeeze %dma_wait3A_101 : memref<1x128x64xf32, #tpu.memory_space<vmem>> -> memref<128x64xf32, #tpu.memory_space<vmem>>
    %dma_wait3A_103 = arith.constant 0 : i32
    %dma_wait3A_104 = tpu.memref_slice %arg9[%dma_wait3A, %dma_wait3A_103] : memref<79x128xi32, #tpu.memory_space<vmem>> -> memref<1x128xi32, #tpu.memory_space<vmem>>
    %dma_wait3A_105 = tpu.memref_squeeze %dma_wait3A_104 : memref<1x128xi32, #tpu.memory_space<vmem>> -> memref<128xi32, #tpu.memory_space<vmem>>
    %dma_wait3A_106 = arith.constant 0 : i32
    %dma_wait3A_107 = arith.constant 0 : i32
    %dma_wait3A_108 = tpu.memref_slice %arg2[%dma_wait3A_106, %dma_wait3A_107] : memref<10000x64xf32, #tpu.memory_space<hbm>> -> memref<10000x64xf32, #tpu.memory_space<hbm>>
    tpu.wait_indirect_dma semaphore(%arg15 : memref<!tpu.dma_semaphore, #tpu.memory_space<semaphore_mem>>) src(%dma_wait3A_108 : memref<10000x64xf32, #tpu.memory_space<hbm>>) dst(%dma_wait3A_102 : memref<128x64xf32, #tpu.memory_space<vmem>>)
    %dma_start3A_109 = arith.constant 0 : i32
    %dma_start3A_110 = arith.constant 72 : i32
    %dma_start3A_111 = arith.constant 0 : i32
    %dma_start3A_112 = arith.constant 0 : i32
    %dma_start3A_113 = tpu.memref_slice %arg11[%dma_start3A_109, %dma_start3A_111, %dma_start3A_112] : memref<6x128x64xf32, #tpu.memory_space<vmem>> -> memref<1x128x64xf32, #tpu.memory_space<vmem>>
    %dma_start3A_114 = tpu.memref_squeeze %dma_start3A_113 : memref<1x128x64xf32, #tpu.memory_space<vmem>> -> memref<128x64xf32, #tpu.memory_space<vmem>>
    %dma_start3A_115 = arith.constant 0 : i32
    %dma_start3A_116 = tpu.memref_slice %arg10[%dma_start3A_110, %dma_start3A_115] : memref<79x128xi32, #tpu.memory_space<vmem>> -> memref<1x128xi32, #tpu.memory_space<vmem>>
    %dma_start3A_117 = tpu.memref_squeeze %dma_start3A_116 : memref<1x128xi32, #tpu.memory_space<vmem>> -> memref<128xi32, #tpu.memory_space<vmem>>
    %dma_start3A_118 = arith.constant 0 : i32
    %dma_start3A_119 = arith.constant 0 : i32
    %dma_start3A_120 = tpu.memref_slice %arg13[%dma_start3A_118, %dma_start3A_119] : memref<10000x64xf32, #tpu.memory_space<vmem_shared>> -> memref<10000x64xf32, #tpu.memory_space<vmem_shared>>
    tpu.enqueue_indirect_dma source(%dma_start3A_114 : memref<128x64xf32, #tpu.memory_space<vmem>>) target(%dma_start3A_120 : memref<10000x64xf32, #tpu.memory_space<vmem_shared>>) offsets(%dma_start3A_117 : memref<128xi32, #tpu.memory_space<vmem>>) semaphore(%arg21 : memref<!tpu.dma_semaphore, #tpu.memory_space<semaphore_mem>>) {add = true}
    %dma_start3A_121 = arith.constant 72 : i32
    %dma_start3A_122 = arith.constant 0 : i32
    %dma_start3A_123 = tpu.memref_slice %arg10[%dma_start3A_121, %dma_start3A_122] : memref<79x128xi32, #tpu.memory_space<vmem>> -> memref<1x128xi32, #tpu.memory_space<vmem>>
    %dma_start3A_124 = tpu.memref_squeeze %dma_start3A_123 : memref<1x128xi32, #tpu.memory_space<vmem>> -> memref<128xi32, #tpu.memory_space<vmem>>
    %dma_start3A_125 = arith.constant 0 : i32
    %dma_start3A_126 = arith.constant 0 : i32
    %dma_start3A_127 = tpu.memref_slice %arg14[%dma_start3A_125, %dma_start3A_126] : memref<10000x8xf32, #tpu.memory_space<vmem_shared>> -> memref<10000x8xf32, #tpu.memory_space<vmem_shared>>
    tpu.enqueue_indirect_dma source(%arg12 : memref<128x8xf32, #tpu.memory_space<vmem>>) target(%dma_start3A_127 : memref<10000x8xf32, #tpu.memory_space<vmem_shared>>) offsets(%dma_start3A_124 : memref<128xi32, #tpu.memory_space<vmem>>) semaphore(%arg27 : memref<!tpu.dma_semaphore, #tpu.memory_space<semaphore_mem>>) {add = true}
    %dma_wait3A_128 = arith.constant 73 : i32
    %dma_wait3A_129 = arith.constant 1 : i32
    %dma_wait3A_130 = arith.constant 0 : i32
    %dma_wait3A_131 = arith.constant 0 : i32
    %dma_wait3A_132 = tpu.memref_slice %arg11[%dma_wait3A_129, %dma_wait3A_130, %dma_wait3A_131] : memref<6x128x64xf32, #tpu.memory_space<vmem>> -> memref<1x128x64xf32, #tpu.memory_space<vmem>>
    %dma_wait3A_133 = tpu.memref_squeeze %dma_wait3A_132 : memref<1x128x64xf32, #tpu.memory_space<vmem>> -> memref<128x64xf32, #tpu.memory_space<vmem>>
    %dma_wait3A_134 = arith.constant 0 : i32
    %dma_wait3A_135 = tpu.memref_slice %arg9[%dma_wait3A_128, %dma_wait3A_134] : memref<79x128xi32, #tpu.memory_space<vmem>> -> memref<1x128xi32, #tpu.memory_space<vmem>>
    %dma_wait3A_136 = tpu.memref_squeeze %dma_wait3A_135 : memref<1x128xi32, #tpu.memory_space<vmem>> -> memref<128xi32, #tpu.memory_space<vmem>>
    %dma_wait3A_137 = arith.constant 0 : i32
    %dma_wait3A_138 = arith.constant 0 : i32
    %dma_wait3A_139 = tpu.memref_slice %arg2[%dma_wait3A_137, %dma_wait3A_138] : memref<10000x64xf32, #tpu.memory_space<hbm>> -> memref<10000x64xf32, #tpu.memory_space<hbm>>
    tpu.wait_indirect_dma semaphore(%arg16 : memref<!tpu.dma_semaphore, #tpu.memory_space<semaphore_mem>>) src(%dma_wait3A_139 : memref<10000x64xf32, #tpu.memory_space<hbm>>) dst(%dma_wait3A_133 : memref<128x64xf32, #tpu.memory_space<vmem>>)
    %dma_start3A_140 = arith.constant 1 : i32
    %dma_start3A_141 = arith.constant 73 : i32
    %dma_start3A_142 = arith.constant 0 : i32
    %dma_start3A_143 = arith.constant 0 : i32
    %dma_start3A_144 = tpu.memref_slice %arg11[%dma_start3A_140, %dma_start3A_142, %dma_start3A_143] : memref<6x128x64xf32, #tpu.memory_space<vmem>> -> memref<1x128x64xf32, #tpu.memory_space<vmem>>
    %dma_start3A_145 = tpu.memref_squeeze %dma_start3A_144 : memref<1x128x64xf32, #tpu.memory_space<vmem>> -> memref<128x64xf32, #tpu.memory_space<vmem>>
    %dma_start3A_146 = arith.constant 0 : i32
    %dma_start3A_147 = tpu.memref_slice %arg10[%dma_start3A_141, %dma_start3A_146] : memref<79x128xi32, #tpu.memory_space<vmem>> -> memref<1x128xi32, #tpu.memory_space<vmem>>
    %dma_start3A_148 = tpu.memref_squeeze %dma_start3A_147 : memref<1x128xi32, #tpu.memory_space<vmem>> -> memref<128xi32, #tpu.memory_space<vmem>>
    %dma_start3A_149 = arith.constant 0 : i32
    %dma_start3A_150 = arith.constant 0 : i32
    %dma_start3A_151 = tpu.memref_slice %arg13[%dma_start3A_149, %dma_start3A_150] : memref<10000x64xf32, #tpu.memory_space<vmem_shared>> -> memref<10000x64xf32, #tpu.memory_space<vmem_shared>>
    tpu.enqueue_indirect_dma source(%dma_start3A_145 : memref<128x64xf32, #tpu.memory_space<vmem>>) target(%dma_start3A_151 : memref<10000x64xf32, #tpu.memory_space<vmem_shared>>) offsets(%dma_start3A_148 : memref<128xi32, #tpu.memory_space<vmem>>) semaphore(%arg22 : memref<!tpu.dma_semaphore, #tpu.memory_space<semaphore_mem>>) {add = true}
    %dma_start3A_152 = arith.constant 73 : i32
    %dma_start3A_153 = arith.constant 0 : i32
    %dma_start3A_154 = tpu.memref_slice %arg10[%dma_start3A_152, %dma_start3A_153] : memref<79x128xi32, #tpu.memory_space<vmem>> -> memref<1x128xi32, #tpu.memory_space<vmem>>
    %dma_start3A_155 = tpu.memref_squeeze %dma_start3A_154 : memref<1x128xi32, #tpu.memory_space<vmem>> -> memref<128xi32, #tpu.memory_space<vmem>>
    %dma_start3A_156 = arith.constant 0 : i32
    %dma_start3A_157 = arith.constant 0 : i32
    %dma_start3A_158 = tpu.memref_slice %arg14[%dma_start3A_156, %dma_start3A_157] : memref<10000x8xf32, #tpu.memory_space<vmem_shared>> -> memref<10000x8xf32, #tpu.memory_space<vmem_shared>>
    tpu.enqueue_indirect_dma source(%arg12 : memref<128x8xf32, #tpu.memory_space<vmem>>) target(%dma_start3A_158 : memref<10000x8xf32, #tpu.memory_space<vmem_shared>>) offsets(%dma_start3A_155 : memref<128xi32, #tpu.memory_space<vmem>>) semaphore(%arg28 : memref<!tpu.dma_semaphore, #tpu.memory_space<semaphore_mem>>) {add = true}
    %dma_wait3A_159 = arith.constant 74 : i32
    %dma_wait3A_160 = arith.constant 2 : i32
    %dma_wait3A_161 = arith.constant 0 : i32
    %dma_wait3A_162 = arith.constant 0 : i32
    %dma_wait3A_163 = tpu.memref_slice %arg11[%dma_wait3A_160, %dma_wait3A_161, %dma_wait3A_162] : memref<6x128x64xf32, #tpu.memory_space<vmem>> -> memref<1x128x64xf32, #tpu.memory_space<vmem>>
    %dma_wait3A_164 = tpu.memref_squeeze %dma_wait3A_163 : memref<1x128x64xf32, #tpu.memory_space<vmem>> -> memref<128x64xf32, #tpu.memory_space<vmem>>
    %dma_wait3A_165 = arith.constant 0 : i32
    %dma_wait3A_166 = tpu.memref_slice %arg9[%dma_wait3A_159, %dma_wait3A_165] : memref<79x128xi32, #tpu.memory_space<vmem>> -> memref<1x128xi32, #tpu.memory_space<vmem>>
    %dma_wait3A_167 = tpu.memref_squeeze %dma_wait3A_166 : memref<1x128xi32, #tpu.memory_space<vmem>> -> memref<128xi32, #tpu.memory_space<vmem>>
    %dma_wait3A_168 = arith.constant 0 : i32
    %dma_wait3A_169 = arith.constant 0 : i32
    %dma_wait3A_170 = tpu.memref_slice %arg2[%dma_wait3A_168, %dma_wait3A_169] : memref<10000x64xf32, #tpu.memory_space<hbm>> -> memref<10000x64xf32, #tpu.memory_space<hbm>>
    tpu.wait_indirect_dma semaphore(%arg17 : memref<!tpu.dma_semaphore, #tpu.memory_space<semaphore_mem>>) src(%dma_wait3A_170 : memref<10000x64xf32, #tpu.memory_space<hbm>>) dst(%dma_wait3A_164 : memref<128x64xf32, #tpu.memory_space<vmem>>)
    %dma_start3A_171 = arith.constant 2 : i32
    %dma_start3A_172 = arith.constant 74 : i32
    %dma_start3A_173 = arith.constant 0 : i32
    %dma_start3A_174 = arith.constant 0 : i32
    %dma_start3A_175 = tpu.memref_slice %arg11[%dma_start3A_171, %dma_start3A_173, %dma_start3A_174] : memref<6x128x64xf32, #tpu.memory_space<vmem>> -> memref<1x128x64xf32, #tpu.memory_space<vmem>>
    %dma_start3A_176 = tpu.memref_squeeze %dma_start3A_175 : memref<1x128x64xf32, #tpu.memory_space<vmem>> -> memref<128x64xf32, #tpu.memory_space<vmem>>
    %dma_start3A_177 = arith.constant 0 : i32
    %dma_start3A_178 = tpu.memref_slice %arg10[%dma_start3A_172, %dma_start3A_177] : memref<79x128xi32, #tpu.memory_space<vmem>> -> memref<1x128xi32, #tpu.memory_space<vmem>>
    %dma_start3A_179 = tpu.memref_squeeze %dma_start3A_178 : memref<1x128xi32, #tpu.memory_space<vmem>> -> memref<128xi32, #tpu.memory_space<vmem>>
    %dma_start3A_180 = arith.constant 0 : i32
    %dma_start3A_181 = arith.constant 0 : i32
    %dma_start3A_182 = tpu.memref_slice %arg13[%dma_start3A_180, %dma_start3A_181] : memref<10000x64xf32, #tpu.memory_space<vmem_shared>> -> memref<10000x64xf32, #tpu.memory_space<vmem_shared>>
    tpu.enqueue_indirect_dma source(%dma_start3A_176 : memref<128x64xf32, #tpu.memory_space<vmem>>) target(%dma_start3A_182 : memref<10000x64xf32, #tpu.memory_space<vmem_shared>>) offsets(%dma_start3A_179 : memref<128xi32, #tpu.memory_space<vmem>>) semaphore(%arg23 : memref<!tpu.dma_semaphore, #tpu.memory_space<semaphore_mem>>) {add = true}
    %dma_start3A_183 = arith.constant 74 : i32
    %dma_start3A_184 = arith.constant 0 : i32
    %dma_start3A_185 = tpu.memref_slice %arg10[%dma_start3A_183, %dma_start3A_184] : memref<79x128xi32, #tpu.memory_space<vmem>> -> memref<1x128xi32, #tpu.memory_space<vmem>>
    %dma_start3A_186 = tpu.memref_squeeze %dma_start3A_185 : memref<1x128xi32, #tpu.memory_space<vmem>> -> memref<128xi32, #tpu.memory_space<vmem>>
    %dma_start3A_187 = arith.constant 0 : i32
    %dma_start3A_188 = arith.constant 0 : i32
    %dma_start3A_189 = tpu.memref_slice %arg14[%dma_start3A_187, %dma_start3A_188] : memref<10000x8xf32, #tpu.memory_space<vmem_shared>> -> memref<10000x8xf32, #tpu.memory_space<vmem_shared>>
    tpu.enqueue_indirect_dma source(%arg12 : memref<128x8xf32, #tpu.memory_space<vmem>>) target(%dma_start3A_189 : memref<10000x8xf32, #tpu.memory_space<vmem_shared>>) offsets(%dma_start3A_186 : memref<128xi32, #tpu.memory_space<vmem>>) semaphore(%arg29 : memref<!tpu.dma_semaphore, #tpu.memory_space<semaphore_mem>>) {add = true}
    %dma_wait3A_190 = arith.constant 75 : i32
    %dma_wait3A_191 = arith.constant 3 : i32
    %dma_wait3A_192 = arith.constant 0 : i32
    %dma_wait3A_193 = arith.constant 0 : i32
    %dma_wait3A_194 = tpu.memref_slice %arg11[%dma_wait3A_191, %dma_wait3A_192, %dma_wait3A_193] : memref<6x128x64xf32, #tpu.memory_space<vmem>> -> memref<1x128x64xf32, #tpu.memory_space<vmem>>
    %dma_wait3A_195 = tpu.memref_squeeze %dma_wait3A_194 : memref<1x128x64xf32, #tpu.memory_space<vmem>> -> memref<128x64xf32, #tpu.memory_space<vmem>>
    %dma_wait3A_196 = arith.constant 0 : i32
    %dma_wait3A_197 = tpu.memref_slice %arg9[%dma_wait3A_190, %dma_wait3A_196] : memref<79x128xi32, #tpu.memory_space<vmem>> -> memref<1x128xi32, #tpu.memory_space<vmem>>
    %dma_wait3A_198 = tpu.memref_squeeze %dma_wait3A_197 : memref<1x128xi32, #tpu.memory_space<vmem>> -> memref<128xi32, #tpu.memory_space<vmem>>
    %dma_wait3A_199 = arith.constant 0 : i32
    %dma_wait3A_200 = arith.constant 0 : i32
    %dma_wait3A_201 = tpu.memref_slice %arg2[%dma_wait3A_199, %dma_wait3A_200] : memref<10000x64xf32, #tpu.memory_space<hbm>> -> memref<10000x64xf32, #tpu.memory_space<hbm>>
    tpu.wait_indirect_dma semaphore(%arg18 : memref<!tpu.dma_semaphore, #tpu.memory_space<semaphore_mem>>) src(%dma_wait3A_201 : memref<10000x64xf32, #tpu.memory_space<hbm>>) dst(%dma_wait3A_195 : memref<128x64xf32, #tpu.memory_space<vmem>>)
    %dma_start3A_202 = arith.constant 3 : i32
    %dma_start3A_203 = arith.constant 75 : i32
    %dma_start3A_204 = arith.constant 0 : i32
    %dma_start3A_205 = arith.constant 0 : i32
    %dma_start3A_206 = tpu.memref_slice %arg11[%dma_start3A_202, %dma_start3A_204, %dma_start3A_205] : memref<6x128x64xf32, #tpu.memory_space<vmem>> -> memref<1x128x64xf32, #tpu.memory_space<vmem>>
    %dma_start3A_207 = tpu.memref_squeeze %dma_start3A_206 : memref<1x128x64xf32, #tpu.memory_space<vmem>> -> memref<128x64xf32, #tpu.memory_space<vmem>>
    %dma_start3A_208 = arith.constant 0 : i32
    %dma_start3A_209 = tpu.memref_slice %arg10[%dma_start3A_203, %dma_start3A_208] : memref<79x128xi32, #tpu.memory_space<vmem>> -> memref<1x128xi32, #tpu.memory_space<vmem>>
    %dma_start3A_210 = tpu.memref_squeeze %dma_start3A_209 : memref<1x128xi32, #tpu.memory_space<vmem>> -> memref<128xi32, #tpu.memory_space<vmem>>
    %dma_start3A_211 = arith.constant 0 : i32
    %dma_start3A_212 = arith.constant 0 : i32
    %dma_start3A_213 = tpu.memref_slice %arg13[%dma_start3A_211, %dma_start3A_212] : memref<10000x64xf32, #tpu.memory_space<vmem_shared>> -> memref<10000x64xf32, #tpu.memory_space<vmem_shared>>
    tpu.enqueue_indirect_dma source(%dma_start3A_207 : memref<128x64xf32, #tpu.memory_space<vmem>>) target(%dma_start3A_213 : memref<10000x64xf32, #tpu.memory_space<vmem_shared>>) offsets(%dma_start3A_210 : memref<128xi32, #tpu.memory_space<vmem>>) semaphore(%arg24 : memref<!tpu.dma_semaphore, #tpu.memory_space<semaphore_mem>>) {add = true}
    %dma_start3A_214 = arith.constant 75 : i32
    %dma_start3A_215 = arith.constant 0 : i32
    %dma_start3A_216 = tpu.memref_slice %arg10[%dma_start3A_214, %dma_start3A_215] : memref<79x128xi32, #tpu.memory_space<vmem>> -> memref<1x128xi32, #tpu.memory_space<vmem>>
    %dma_start3A_217 = tpu.memref_squeeze %dma_start3A_216 : memref<1x128xi32, #tpu.memory_space<vmem>> -> memref<128xi32, #tpu.memory_space<vmem>>
    %dma_start3A_218 = arith.constant 0 : i32
    %dma_start3A_219 = arith.constant 0 : i32
    %dma_start3A_220 = tpu.memref_slice %arg14[%dma_start3A_218, %dma_start3A_219] : memref<10000x8xf32, #tpu.memory_space<vmem_shared>> -> memref<10000x8xf32, #tpu.memory_space<vmem_shared>>
    tpu.enqueue_indirect_dma source(%arg12 : memref<128x8xf32, #tpu.memory_space<vmem>>) target(%dma_start3A_220 : memref<10000x8xf32, #tpu.memory_space<vmem_shared>>) offsets(%dma_start3A_217 : memref<128xi32, #tpu.memory_space<vmem>>) semaphore(%arg30 : memref<!tpu.dma_semaphore, #tpu.memory_space<semaphore_mem>>) {add = true}
    %dma_wait3A_221 = arith.constant 76 : i32
    %dma_wait3A_222 = arith.constant 4 : i32
    %dma_wait3A_223 = arith.constant 0 : i32
    %dma_wait3A_224 = arith.constant 0 : i32
    %dma_wait3A_225 = tpu.memref_slice %arg11[%dma_wait3A_222, %dma_wait3A_223, %dma_wait3A_224] : memref<6x128x64xf32, #tpu.memory_space<vmem>> -> memref<1x128x64xf32, #tpu.memory_space<vmem>>
    %dma_wait3A_226 = tpu.memref_squeeze %dma_wait3A_225 : memref<1x128x64xf32, #tpu.memory_space<vmem>> -> memref<128x64xf32, #tpu.memory_space<vmem>>
    %dma_wait3A_227 = arith.constant 0 : i32
    %dma_wait3A_228 = tpu.memref_slice %arg9[%dma_wait3A_221, %dma_wait3A_227] : memref<79x128xi32, #tpu.memory_space<vmem>> -> memref<1x128xi32, #tpu.memory_space<vmem>>
    %dma_wait3A_229 = tpu.memref_squeeze %dma_wait3A_228 : memref<1x128xi32, #tpu.memory_space<vmem>> -> memref<128xi32, #tpu.memory_space<vmem>>
    %dma_wait3A_230 = arith.constant 0 : i32
    %dma_wait3A_231 = arith.constant 0 : i32
    %dma_wait3A_232 = tpu.memref_slice %arg2[%dma_wait3A_230, %dma_wait3A_231] : memref<10000x64xf32, #tpu.memory_space<hbm>> -> memref<10000x64xf32, #tpu.memory_space<hbm>>
    tpu.wait_indirect_dma semaphore(%arg19 : memref<!tpu.dma_semaphore, #tpu.memory_space<semaphore_mem>>) src(%dma_wait3A_232 : memref<10000x64xf32, #tpu.memory_space<hbm>>) dst(%dma_wait3A_226 : memref<128x64xf32, #tpu.memory_space<vmem>>)
    %dma_start3A_233 = arith.constant 4 : i32
    %dma_start3A_234 = arith.constant 76 : i32
    %dma_start3A_235 = arith.constant 0 : i32
    %dma_start3A_236 = arith.constant 0 : i32
    %dma_start3A_237 = tpu.memref_slice %arg11[%dma_start3A_233, %dma_start3A_235, %dma_start3A_236] : memref<6x128x64xf32, #tpu.memory_space<vmem>> -> memref<1x128x64xf32, #tpu.memory_space<vmem>>
    %dma_start3A_238 = tpu.memref_squeeze %dma_start3A_237 : memref<1x128x64xf32, #tpu.memory_space<vmem>> -> memref<128x64xf32, #tpu.memory_space<vmem>>
    %dma_start3A_239 = arith.constant 0 : i32
    %dma_start3A_240 = tpu.memref_slice %arg10[%dma_start3A_234, %dma_start3A_239] : memref<79x128xi32, #tpu.memory_space<vmem>> -> memref<1x128xi32, #tpu.memory_space<vmem>>
    %dma_start3A_241 = tpu.memref_squeeze %dma_start3A_240 : memref<1x128xi32, #tpu.memory_space<vmem>> -> memref<128xi32, #tpu.memory_space<vmem>>
    %dma_start3A_242 = arith.constant 0 : i32
    %dma_start3A_243 = arith.constant 0 : i32
    %dma_start3A_244 = tpu.memref_slice %arg13[%dma_start3A_242, %dma_start3A_243] : memref<10000x64xf32, #tpu.memory_space<vmem_shared>> -> memref<10000x64xf32, #tpu.memory_space<vmem_shared>>
    tpu.enqueue_indirect_dma source(%dma_start3A_238 : memref<128x64xf32, #tpu.memory_space<vmem>>) target(%dma_start3A_244 : memref<10000x64xf32, #tpu.memory_space<vmem_shared>>) offsets(%dma_start3A_241 : memref<128xi32, #tpu.memory_space<vmem>>) semaphore(%arg25 : memref<!tpu.dma_semaphore, #tpu.memory_space<semaphore_mem>>) {add = true}
    %dma_start3A_245 = arith.constant 76 : i32
    %dma_start3A_246 = arith.constant 0 : i32
    %dma_start3A_247 = tpu.memref_slice %arg10[%dma_start3A_245, %dma_start3A_246] : memref<79x128xi32, #tpu.memory_space<vmem>> -> memref<1x128xi32, #tpu.memory_space<vmem>>
    %dma_start3A_248 = tpu.memref_squeeze %dma_start3A_247 : memref<1x128xi32, #tpu.memory_space<vmem>> -> memref<128xi32, #tpu.memory_space<vmem>>
    %dma_start3A_249 = arith.constant 0 : i32
    %dma_start3A_250 = arith.constant 0 : i32
    %dma_start3A_251 = tpu.memref_slice %arg14[%dma_start3A_249, %dma_start3A_250] : memref<10000x8xf32, #tpu.memory_space<vmem_shared>> -> memref<10000x8xf32, #tpu.memory_space<vmem_shared>>
    tpu.enqueue_indirect_dma source(%arg12 : memref<128x8xf32, #tpu.memory_space<vmem>>) target(%dma_start3A_251 : memref<10000x8xf32, #tpu.memory_space<vmem_shared>>) offsets(%dma_start3A_248 : memref<128xi32, #tpu.memory_space<vmem>>) semaphore(%arg31 : memref<!tpu.dma_semaphore, #tpu.memory_space<semaphore_mem>>) {add = true}
    %dma_wait3A_252 = arith.constant 77 : i32
    %dma_wait3A_253 = arith.constant 5 : i32
    %dma_wait3A_254 = arith.constant 0 : i32
    %dma_wait3A_255 = arith.constant 0 : i32
    %dma_wait3A_256 = tpu.memref_slice %arg11[%dma_wait3A_253, %dma_wait3A_254, %dma_wait3A_255] : memref<6x128x64xf32, #tpu.memory_space<vmem>> -> memref<1x128x64xf32, #tpu.memory_space<vmem>>
    %dma_wait3A_257 = tpu.memref_squeeze %dma_wait3A_256 : memref<1x128x64xf32, #tpu.memory_space<vmem>> -> memref<128x64xf32, #tpu.memory_space<vmem>>
    %dma_wait3A_258 = arith.constant 0 : i32
    %dma_wait3A_259 = tpu.memref_slice %arg9[%dma_wait3A_252, %dma_wait3A_258] : memref<79x128xi32, #tpu.memory_space<vmem>> -> memref<1x128xi32, #tpu.memory_space<vmem>>
    %dma_wait3A_260 = tpu.memref_squeeze %dma_wait3A_259 : memref<1x128xi32, #tpu.memory_space<vmem>> -> memref<128xi32, #tpu.memory_space<vmem>>
    %dma_wait3A_261 = arith.constant 0 : i32
    %dma_wait3A_262 = arith.constant 0 : i32
    %dma_wait3A_263 = tpu.memref_slice %arg2[%dma_wait3A_261, %dma_wait3A_262] : memref<10000x64xf32, #tpu.memory_space<hbm>> -> memref<10000x64xf32, #tpu.memory_space<hbm>>
    tpu.wait_indirect_dma semaphore(%arg20 : memref<!tpu.dma_semaphore, #tpu.memory_space<semaphore_mem>>) src(%dma_wait3A_263 : memref<10000x64xf32, #tpu.memory_space<hbm>>) dst(%dma_wait3A_257 : memref<128x64xf32, #tpu.memory_space<vmem>>)
    %dma_start3A_264 = arith.constant 5 : i32
    %dma_start3A_265 = arith.constant 77 : i32
    %dma_start3A_266 = arith.constant 0 : i32
    %dma_start3A_267 = arith.constant 0 : i32
    %dma_start3A_268 = tpu.memref_slice %arg11[%dma_start3A_264, %dma_start3A_266, %dma_start3A_267] : memref<6x128x64xf32, #tpu.memory_space<vmem>> -> memref<1x128x64xf32, #tpu.memory_space<vmem>>
    %dma_start3A_269 = tpu.memref_squeeze %dma_start3A_268 : memref<1x128x64xf32, #tpu.memory_space<vmem>> -> memref<128x64xf32, #tpu.memory_space<vmem>>
    %dma_start3A_270 = arith.constant 0 : i32
    %dma_start3A_271 = tpu.memref_slice %arg10[%dma_start3A_265, %dma_start3A_270] : memref<79x128xi32, #tpu.memory_space<vmem>> -> memref<1x128xi32, #tpu.memory_space<vmem>>
    %dma_start3A_272 = tpu.memref_squeeze %dma_start3A_271 : memref<1x128xi32, #tpu.memory_space<vmem>> -> memref<128xi32, #tpu.memory_space<vmem>>
    %dma_start3A_273 = arith.constant 0 : i32
    %dma_start3A_274 = arith.constant 0 : i32
    %dma_start3A_275 = tpu.memref_slice %arg13[%dma_start3A_273, %dma_start3A_274] : memref<10000x64xf32, #tpu.memory_space<vmem_shared>> -> memref<10000x64xf32, #tpu.memory_space<vmem_shared>>
    tpu.enqueue_indirect_dma source(%dma_start3A_269 : memref<128x64xf32, #tpu.memory_space<vmem>>) target(%dma_start3A_275 : memref<10000x64xf32, #tpu.memory_space<vmem_shared>>) offsets(%dma_start3A_272 : memref<128xi32, #tpu.memory_space<vmem>>) semaphore(%arg26 : memref<!tpu.dma_semaphore, #tpu.memory_space<semaphore_mem>>) {add = true}
    %dma_start3A_276 = arith.constant 77 : i32
    %dma_start3A_277 = arith.constant 0 : i32
    %dma_start3A_278 = tpu.memref_slice %arg10[%dma_start3A_276, %dma_start3A_277] : memref<79x128xi32, #tpu.memory_space<vmem>> -> memref<1x128xi32, #tpu.memory_space<vmem>>
    %dma_start3A_279 = tpu.memref_squeeze %dma_start3A_278 : memref<1x128xi32, #tpu.memory_space<vmem>> -> memref<128xi32, #tpu.memory_space<vmem>>
    %dma_start3A_280 = arith.constant 0 : i32
    %dma_start3A_281 = arith.constant 0 : i32
    %dma_start3A_282 = tpu.memref_slice %arg14[%dma_start3A_280, %dma_start3A_281] : memref<10000x8xf32, #tpu.memory_space<vmem_shared>> -> memref<10000x8xf32, #tpu.memory_space<vmem_shared>>
    tpu.enqueue_indirect_dma source(%arg12 : memref<128x8xf32, #tpu.memory_space<vmem>>) target(%dma_start3A_282 : memref<10000x8xf32, #tpu.memory_space<vmem_shared>>) offsets(%dma_start3A_279 : memref<128xi32, #tpu.memory_space<vmem>>) semaphore(%arg32 : memref<!tpu.dma_semaphore, #tpu.memory_space<semaphore_mem>>) {add = true}
    %dma_wait3A_283 = arith.constant 0 : i32
    %dma_wait3A_284 = arith.constant 72 : i32
    %dma_wait3A_285 = arith.constant 0 : i32
    %dma_wait3A_286 = arith.constant 0 : i32
    %dma_wait3A_287 = tpu.memref_slice %arg11[%dma_wait3A_283, %dma_wait3A_285, %dma_wait3A_286] : memref<6x128x64xf32, #tpu.memory_space<vmem>> -> memref<1x128x64xf32, #tpu.memory_space<vmem>>
    %dma_wait3A_288 = tpu.memref_squeeze %dma_wait3A_287 : memref<1x128x64xf32, #tpu.memory_space<vmem>> -> memref<128x64xf32, #tpu.memory_space<vmem>>
    %dma_wait3A_289 = arith.constant 0 : i32
    %dma_wait3A_290 = tpu.memref_slice %arg10[%dma_wait3A_284, %dma_wait3A_289] : memref<79x128xi32, #tpu.memory_space<vmem>> -> memref<1x128xi32, #tpu.memory_space<vmem>>
    %dma_wait3A_291 = tpu.memref_squeeze %dma_wait3A_290 : memref<1x128xi32, #tpu.memory_space<vmem>> -> memref<128xi32, #tpu.memory_space<vmem>>
    %dma_wait3A_292 = arith.constant 0 : i32
    %dma_wait3A_293 = arith.constant 0 : i32
    %dma_wait3A_294 = tpu.memref_slice %arg13[%dma_wait3A_292, %dma_wait3A_293] : memref<10000x64xf32, #tpu.memory_space<vmem_shared>> -> memref<10000x64xf32, #tpu.memory_space<vmem_shared>>
    tpu.wait_indirect_dma semaphore(%arg21 : memref<!tpu.dma_semaphore, #tpu.memory_space<semaphore_mem>>) src(%dma_wait3A_288 : memref<128x64xf32, #tpu.memory_space<vmem>>) dst(%dma_wait3A_294 : memref<10000x64xf32, #tpu.memory_space<vmem_shared>>)
    %dma_wait3A_295 = arith.constant 72 : i32
    %dma_wait3A_296 = arith.constant 0 : i32
    %dma_wait3A_297 = tpu.memref_slice %arg10[%dma_wait3A_295, %dma_wait3A_296] : memref<79x128xi32, #tpu.memory_space<vmem>> -> memref<1x128xi32, #tpu.memory_space<vmem>>
    %dma_wait3A_298 = tpu.memref_squeeze %dma_wait3A_297 : memref<1x128xi32, #tpu.memory_space<vmem>> -> memref<128xi32, #tpu.memory_space<vmem>>
    %dma_wait3A_299 = arith.constant 0 : i32
    %dma_wait3A_300 = arith.constant 0 : i32
    %dma_wait3A_301 = tpu.memref_slice %arg14[%dma_wait3A_299, %dma_wait3A_300] : memref<10000x8xf32, #tpu.memory_space<vmem_shared>> -> memref<10000x8xf32, #tpu.memory_space<vmem_shared>>
    tpu.wait_indirect_dma semaphore(%arg27 : memref<!tpu.dma_semaphore, #tpu.memory_space<semaphore_mem>>) src(%arg12 : memref<128x8xf32, #tpu.memory_space<vmem>>) dst(%dma_wait3A_301 : memref<10000x8xf32, #tpu.memory_space<vmem_shared>>)
    %dma_wait3A_302 = arith.constant 1 : i32
    %dma_wait3A_303 = arith.constant 73 : i32
    %dma_wait3A_304 = arith.constant 0 : i32
    %dma_wait3A_305 = arith.constant 0 : i32
    %dma_wait3A_306 = tpu.memref_slice %arg11[%dma_wait3A_302, %dma_wait3A_304, %dma_wait3A_305] : memref<6x128x64xf32, #tpu.memory_space<vmem>> -> memref<1x128x64xf32, #tpu.memory_space<vmem>>
    %dma_wait3A_307 = tpu.memref_squeeze %dma_wait3A_306 : memref<1x128x64xf32, #tpu.memory_space<vmem>> -> memref<128x64xf32, #tpu.memory_space<vmem>>
    %dma_wait3A_308 = arith.constant 0 : i32
    %dma_wait3A_309 = tpu.memref_slice %arg10[%dma_wait3A_303, %dma_wait3A_308] : memref<79x128xi32, #tpu.memory_space<vmem>> -> memref<1x128xi32, #tpu.memory_space<vmem>>
    %dma_wait3A_310 = tpu.memref_squeeze %dma_wait3A_309 : memref<1x128xi32, #tpu.memory_space<vmem>> -> memref<128xi32, #tpu.memory_space<vmem>>
    %dma_wait3A_311 = arith.constant 0 : i32
    %dma_wait3A_312 = arith.constant 0 : i32
    %dma_wait3A_313 = tpu.memref_slice %arg13[%dma_wait3A_311, %dma_wait3A_312] : memref<10000x64xf32, #tpu.memory_space<vmem_shared>> -> memref<10000x64xf32, #tpu.memory_space<vmem_shared>>
    tpu.wait_indirect_dma semaphore(%arg22 : memref<!tpu.dma_semaphore, #tpu.memory_space<semaphore_mem>>) src(%dma_wait3A_307 : memref<128x64xf32, #tpu.memory_space<vmem>>) dst(%dma_wait3A_313 : memref<10000x64xf32, #tpu.memory_space<vmem_shared>>)
    %dma_wait3A_314 = arith.constant 73 : i32
    %dma_wait3A_315 = arith.constant 0 : i32
    %dma_wait3A_316 = tpu.memref_slice %arg10[%dma_wait3A_314, %dma_wait3A_315] : memref<79x128xi32, #tpu.memory_space<vmem>> -> memref<1x128xi32, #tpu.memory_space<vmem>>
    %dma_wait3A_317 = tpu.memref_squeeze %dma_wait3A_316 : memref<1x128xi32, #tpu.memory_space<vmem>> -> memref<128xi32, #tpu.memory_space<vmem>>
    %dma_wait3A_318 = arith.constant 0 : i32
    %dma_wait3A_319 = arith.constant 0 : i32
    %dma_wait3A_320 = tpu.memref_slice %arg14[%dma_wait3A_318, %dma_wait3A_319] : memref<10000x8xf32, #tpu.memory_space<vmem_shared>> -> memref<10000x8xf32, #tpu.memory_space<vmem_shared>>
    tpu.wait_indirect_dma semaphore(%arg28 : memref<!tpu.dma_semaphore, #tpu.memory_space<semaphore_mem>>) src(%arg12 : memref<128x8xf32, #tpu.memory_space<vmem>>) dst(%dma_wait3A_320 : memref<10000x8xf32, #tpu.memory_space<vmem_shared>>)
    %dma_wait3A_321 = arith.constant 2 : i32
    %dma_wait3A_322 = arith.constant 74 : i32
    %dma_wait3A_323 = arith.constant 0 : i32
    %dma_wait3A_324 = arith.constant 0 : i32
    %dma_wait3A_325 = tpu.memref_slice %arg11[%dma_wait3A_321, %dma_wait3A_323, %dma_wait3A_324] : memref<6x128x64xf32, #tpu.memory_space<vmem>> -> memref<1x128x64xf32, #tpu.memory_space<vmem>>
    %dma_wait3A_326 = tpu.memref_squeeze %dma_wait3A_325 : memref<1x128x64xf32, #tpu.memory_space<vmem>> -> memref<128x64xf32, #tpu.memory_space<vmem>>
    %dma_wait3A_327 = arith.constant 0 : i32
    %dma_wait3A_328 = tpu.memref_slice %arg10[%dma_wait3A_322, %dma_wait3A_327] : memref<79x128xi32, #tpu.memory_space<vmem>> -> memref<1x128xi32, #tpu.memory_space<vmem>>
    %dma_wait3A_329 = tpu.memref_squeeze %dma_wait3A_328 : memref<1x128xi32, #tpu.memory_space<vmem>> -> memref<128xi32, #tpu.memory_space<vmem>>
    %dma_wait3A_330 = arith.constant 0 : i32
    %dma_wait3A_331 = arith.constant 0 : i32
    %dma_wait3A_332 = tpu.memref_slice %arg13[%dma_wait3A_330, %dma_wait3A_331] : memref<10000x64xf32, #tpu.memory_space<vmem_shared>> -> memref<10000x64xf32, #tpu.memory_space<vmem_shared>>
    tpu.wait_indirect_dma semaphore(%arg23 : memref<!tpu.dma_semaphore, #tpu.memory_space<semaphore_mem>>) src(%dma_wait3A_326 : memref<128x64xf32, #tpu.memory_space<vmem>>) dst(%dma_wait3A_332 : memref<10000x64xf32, #tpu.memory_space<vmem_shared>>)
    %dma_wait3A_333 = arith.constant 74 : i32
    %dma_wait3A_334 = arith.constant 0 : i32
    %dma_wait3A_335 = tpu.memref_slice %arg10[%dma_wait3A_333, %dma_wait3A_334] : memref<79x128xi32, #tpu.memory_space<vmem>> -> memref<1x128xi32, #tpu.memory_space<vmem>>
    %dma_wait3A_336 = tpu.memref_squeeze %dma_wait3A_335 : memref<1x128xi32, #tpu.memory_space<vmem>> -> memref<128xi32, #tpu.memory_space<vmem>>
    %dma_wait3A_337 = arith.constant 0 : i32
    %dma_wait3A_338 = arith.constant 0 : i32
    %dma_wait3A_339 = tpu.memref_slice %arg14[%dma_wait3A_337, %dma_wait3A_338] : memref<10000x8xf32, #tpu.memory_space<vmem_shared>> -> memref<10000x8xf32, #tpu.memory_space<vmem_shared>>
    tpu.wait_indirect_dma semaphore(%arg29 : memref<!tpu.dma_semaphore, #tpu.memory_space<semaphore_mem>>) src(%arg12 : memref<128x8xf32, #tpu.memory_space<vmem>>) dst(%dma_wait3A_339 : memref<10000x8xf32, #tpu.memory_space<vmem_shared>>)
    %dma_wait3A_340 = arith.constant 3 : i32
    %dma_wait3A_341 = arith.constant 75 : i32
    %dma_wait3A_342 = arith.constant 0 : i32
    %dma_wait3A_343 = arith.constant 0 : i32
    %dma_wait3A_344 = tpu.memref_slice %arg11[%dma_wait3A_340, %dma_wait3A_342, %dma_wait3A_343] : memref<6x128x64xf32, #tpu.memory_space<vmem>> -> memref<1x128x64xf32, #tpu.memory_space<vmem>>
    %dma_wait3A_345 = tpu.memref_squeeze %dma_wait3A_344 : memref<1x128x64xf32, #tpu.memory_space<vmem>> -> memref<128x64xf32, #tpu.memory_space<vmem>>
    %dma_wait3A_346 = arith.constant 0 : i32
    %dma_wait3A_347 = tpu.memref_slice %arg10[%dma_wait3A_341, %dma_wait3A_346] : memref<79x128xi32, #tpu.memory_space<vmem>> -> memref<1x128xi32, #tpu.memory_space<vmem>>
    %dma_wait3A_348 = tpu.memref_squeeze %dma_wait3A_347 : memref<1x128xi32, #tpu.memory_space<vmem>> -> memref<128xi32, #tpu.memory_space<vmem>>
    %dma_wait3A_349 = arith.constant 0 : i32
    %dma_wait3A_350 = arith.constant 0 : i32
    %dma_wait3A_351 = tpu.memref_slice %arg13[%dma_wait3A_349, %dma_wait3A_350] : memref<10000x64xf32, #tpu.memory_space<vmem_shared>> -> memref<10000x64xf32, #tpu.memory_space<vmem_shared>>
    tpu.wait_indirect_dma semaphore(%arg24 : memref<!tpu.dma_semaphore, #tpu.memory_space<semaphore_mem>>) src(%dma_wait3A_345 : memref<128x64xf32, #tpu.memory_space<vmem>>) dst(%dma_wait3A_351 : memref<10000x64xf32, #tpu.memory_space<vmem_shared>>)
    %dma_wait3A_352 = arith.constant 75 : i32
    %dma_wait3A_353 = arith.constant 0 : i32
    %dma_wait3A_354 = tpu.memref_slice %arg10[%dma_wait3A_352, %dma_wait3A_353] : memref<79x128xi32, #tpu.memory_space<vmem>> -> memref<1x128xi32, #tpu.memory_space<vmem>>
    %dma_wait3A_355 = tpu.memref_squeeze %dma_wait3A_354 : memref<1x128xi32, #tpu.memory_space<vmem>> -> memref<128xi32, #tpu.memory_space<vmem>>
    %dma_wait3A_356 = arith.constant 0 : i32
    %dma_wait3A_357 = arith.constant 0 : i32
    %dma_wait3A_358 = tpu.memref_slice %arg14[%dma_wait3A_356, %dma_wait3A_357] : memref<10000x8xf32, #tpu.memory_space<vmem_shared>> -> memref<10000x8xf32, #tpu.memory_space<vmem_shared>>
    tpu.wait_indirect_dma semaphore(%arg30 : memref<!tpu.dma_semaphore, #tpu.memory_space<semaphore_mem>>) src(%arg12 : memref<128x8xf32, #tpu.memory_space<vmem>>) dst(%dma_wait3A_358 : memref<10000x8xf32, #tpu.memory_space<vmem_shared>>)
    %dma_wait3A_359 = arith.constant 4 : i32
    %dma_wait3A_360 = arith.constant 76 : i32
    %dma_wait3A_361 = arith.constant 0 : i32
    %dma_wait3A_362 = arith.constant 0 : i32
    %dma_wait3A_363 = tpu.memref_slice %arg11[%dma_wait3A_359, %dma_wait3A_361, %dma_wait3A_362] : memref<6x128x64xf32, #tpu.memory_space<vmem>> -> memref<1x128x64xf32, #tpu.memory_space<vmem>>
    %dma_wait3A_364 = tpu.memref_squeeze %dma_wait3A_363 : memref<1x128x64xf32, #tpu.memory_space<vmem>> -> memref<128x64xf32, #tpu.memory_space<vmem>>
    %dma_wait3A_365 = arith.constant 0 : i32
    %dma_wait3A_366 = tpu.memref_slice %arg10[%dma_wait3A_360, %dma_wait3A_365] : memref<79x128xi32, #tpu.memory_space<vmem>> -> memref<1x128xi32, #tpu.memory_space<vmem>>
    %dma_wait3A_367 = tpu.memref_squeeze %dma_wait3A_366 : memref<1x128xi32, #tpu.memory_space<vmem>> -> memref<128xi32, #tpu.memory_space<vmem>>
    %dma_wait3A_368 = arith.constant 0 : i32
    %dma_wait3A_369 = arith.constant 0 : i32
    %dma_wait3A_370 = tpu.memref_slice %arg13[%dma_wait3A_368, %dma_wait3A_369] : memref<10000x64xf32, #tpu.memory_space<vmem_shared>> -> memref<10000x64xf32, #tpu.memory_space<vmem_shared>>
    tpu.wait_indirect_dma semaphore(%arg25 : memref<!tpu.dma_semaphore, #tpu.memory_space<semaphore_mem>>) src(%dma_wait3A_364 : memref<128x64xf32, #tpu.memory_space<vmem>>) dst(%dma_wait3A_370 : memref<10000x64xf32, #tpu.memory_space<vmem_shared>>)
    %dma_wait3A_371 = arith.constant 76 : i32
    %dma_wait3A_372 = arith.constant 0 : i32
    %dma_wait3A_373 = tpu.memref_slice %arg10[%dma_wait3A_371, %dma_wait3A_372] : memref<79x128xi32, #tpu.memory_space<vmem>> -> memref<1x128xi32, #tpu.memory_space<vmem>>
    %dma_wait3A_374 = tpu.memref_squeeze %dma_wait3A_373 : memref<1x128xi32, #tpu.memory_space<vmem>> -> memref<128xi32, #tpu.memory_space<vmem>>
    %dma_wait3A_375 = arith.constant 0 : i32
    %dma_wait3A_376 = arith.constant 0 : i32
    %dma_wait3A_377 = tpu.memref_slice %arg14[%dma_wait3A_375, %dma_wait3A_376] : memref<10000x8xf32, #tpu.memory_space<vmem_shared>> -> memref<10000x8xf32, #tpu.memory_space<vmem_shared>>
    tpu.wait_indirect_dma semaphore(%arg31 : memref<!tpu.dma_semaphore, #tpu.memory_space<semaphore_mem>>) src(%arg12 : memref<128x8xf32, #tpu.memory_space<vmem>>) dst(%dma_wait3A_377 : memref<10000x8xf32, #tpu.memory_space<vmem_shared>>)
    %dma_wait3A_378 = arith.constant 5 : i32
    %dma_wait3A_379 = arith.constant 77 : i32
    %dma_wait3A_380 = arith.constant 0 : i32
    %dma_wait3A_381 = arith.constant 0 : i32
    %dma_wait3A_382 = tpu.memref_slice %arg11[%dma_wait3A_378, %dma_wait3A_380, %dma_wait3A_381] : memref<6x128x64xf32, #tpu.memory_space<vmem>> -> memref<1x128x64xf32, #tpu.memory_space<vmem>>
    %dma_wait3A_383 = tpu.memref_squeeze %dma_wait3A_382 : memref<1x128x64xf32, #tpu.memory_space<vmem>> -> memref<128x64xf32, #tpu.memory_space<vmem>>
    %dma_wait3A_384 = arith.constant 0 : i32
    %dma_wait3A_385 = tpu.memref_slice %arg10[%dma_wait3A_379, %dma_wait3A_384] : memref<79x128xi32, #tpu.memory_space<vmem>> -> memref<1x128xi32, #tpu.memory_space<vmem>>
    %dma_wait3A_386 = tpu.memref_squeeze %dma_wait3A_385 : memref<1x128xi32, #tpu.memory_space<vmem>> -> memref<128xi32, #tpu.memory_space<vmem>>
    %dma_wait3A_387 = arith.constant 0 : i32
    %dma_wait3A_388 = arith.constant 0 : i32
    %dma_wait3A_389 = tpu.memref_slice %arg13[%dma_wait3A_387, %dma_wait3A_388] : memref<10000x64xf32, #tpu.memory_space<vmem_shared>> -> memref<10000x64xf32, #tpu.memory_space<vmem_shared>>
    tpu.wait_indirect_dma semaphore(%arg26 : memref<!tpu.dma_semaphore, #tpu.memory_space<semaphore_mem>>) src(%dma_wait3A_383 : memref<128x64xf32, #tpu.memory_space<vmem>>) dst(%dma_wait3A_389 : memref<10000x64xf32, #tpu.memory_space<vmem_shared>>)
    %dma_wait3A_390 = arith.constant 77 : i32
    %dma_wait3A_391 = arith.constant 0 : i32
    %dma_wait3A_392 = tpu.memref_slice %arg10[%dma_wait3A_390, %dma_wait3A_391] : memref<79x128xi32, #tpu.memory_space<vmem>> -> memref<1x128xi32, #tpu.memory_space<vmem>>
    %dma_wait3A_393 = tpu.memref_squeeze %dma_wait3A_392 : memref<1x128xi32, #tpu.memory_space<vmem>> -> memref<128xi32, #tpu.memory_space<vmem>>
    %dma_wait3A_394 = arith.constant 0 : i32
    %dma_wait3A_395 = arith.constant 0 : i32
    %dma_wait3A_396 = tpu.memref_slice %arg14[%dma_wait3A_394, %dma_wait3A_395] : memref<10000x8xf32, #tpu.memory_space<vmem_shared>> -> memref<10000x8xf32, #tpu.memory_space<vmem_shared>>
    tpu.wait_indirect_dma semaphore(%arg32 : memref<!tpu.dma_semaphore, #tpu.memory_space<semaphore_mem>>) src(%arg12 : memref<128x8xf32, #tpu.memory_space<vmem>>) dst(%dma_wait3A_396 : memref<10000x8xf32, #tpu.memory_space<vmem_shared>>)
    %lt3A_397 = arith.constant 4 : i32
    %lt3A_398 = arith.cmpi slt, %add3A_14, %lt3A_397 : i32
    %convert_element_type3A_399 = arith.extui %lt3A_398 : i1 to i32
    %cond3A_400 = arith.constant 0 : i32
    %cond3A_401 = arith.cmpi ne, %convert_element_type3A_399, %cond3A_400 : i32
    scf.if %cond3A_401 {
      %dma_start3A_421 = arith.constant 78 : i32
      %dma_start3A_422 = arith.constant 0 : i32
      %dma_start3A_423 = arith.constant 0 : i32
      %dma_start3A_424 = arith.constant 0 : i32
      %dma_start3A_425 = tpu.memref_slice %arg11[%dma_start3A_422, %dma_start3A_423, %dma_start3A_424] : memref<6x128x64xf32, #tpu.memory_space<vmem>> -> memref<1x128x64xf32, #tpu.memory_space<vmem>>
      %dma_start3A_426 = tpu.memref_squeeze %dma_start3A_425 : memref<1x128x64xf32, #tpu.memory_space<vmem>> -> memref<128x64xf32, #tpu.memory_space<vmem>>
      %dma_start3A_427 = arith.constant 0 : i32
      %dma_start3A_428 = tpu.memref_slice %arg9[%dma_start3A_421, %dma_start3A_427] : memref<79x128xi32, #tpu.memory_space<vmem>> -> memref<1x128xi32, #tpu.memory_space<vmem>>
      %dma_start3A_429 = tpu.memref_squeeze %dma_start3A_428 : memref<1x128xi32, #tpu.memory_space<vmem>> -> memref<128xi32, #tpu.memory_space<vmem>>
      %dma_start3A_430 = arith.constant 0 : i32
      %dma_start3A_431 = arith.constant 0 : i32
      %dma_start3A_432 = tpu.memref_slice %arg2[%dma_start3A_430, %dma_start3A_431] : memref<10000x64xf32, #tpu.memory_space<hbm>> -> memref<10000x64xf32, #tpu.memory_space<hbm>>
      tpu.enqueue_indirect_dma source(%dma_start3A_432 : memref<10000x64xf32, #tpu.memory_space<hbm>>) target(%dma_start3A_426 : memref<128x64xf32, #tpu.memory_space<vmem>>) offsets(%dma_start3A_429 : memref<128xi32, #tpu.memory_space<vmem>>) semaphore(%arg15 : memref<!tpu.dma_semaphore, #tpu.memory_space<semaphore_mem>>)
      %dma_wait3A_433 = arith.constant 78 : i32
      %dma_wait3A_434 = arith.constant 0 : i32
      %dma_wait3A_435 = arith.constant 0 : i32
      %dma_wait3A_436 = arith.constant 0 : i32
      %dma_wait3A_437 = tpu.memref_slice %arg11[%dma_wait3A_434, %dma_wait3A_435, %dma_wait3A_436] : memref<6x128x64xf32, #tpu.memory_space<vmem>> -> memref<1x128x64xf32, #tpu.memory_space<vmem>>
      %dma_wait3A_438 = tpu.memref_squeeze %dma_wait3A_437 : memref<1x128x64xf32, #tpu.memory_space<vmem>> -> memref<128x64xf32, #tpu.memory_space<vmem>>
      %dma_wait3A_439 = arith.constant 0 : i32
      %dma_wait3A_440 = tpu.memref_slice %arg9[%dma_wait3A_433, %dma_wait3A_439] : memref<79x128xi32, #tpu.memory_space<vmem>> -> memref<1x128xi32, #tpu.memory_space<vmem>>
      %dma_wait3A_441 = tpu.memref_squeeze %dma_wait3A_440 : memref<1x128xi32, #tpu.memory_space<vmem>> -> memref<128xi32, #tpu.memory_space<vmem>>
      %dma_wait3A_442 = arith.constant 0 : i32
      %dma_wait3A_443 = arith.constant 0 : i32
      %dma_wait3A_444 = tpu.memref_slice %arg2[%dma_wait3A_442, %dma_wait3A_443] : memref<10000x64xf32, #tpu.memory_space<hbm>> -> memref<10000x64xf32, #tpu.memory_space<hbm>>
      tpu.wait_indirect_dma semaphore(%arg15 : memref<!tpu.dma_semaphore, #tpu.memory_space<semaphore_mem>>) src(%dma_wait3A_444 : memref<10000x64xf32, #tpu.memory_space<hbm>>) dst(%dma_wait3A_438 : memref<128x64xf32, #tpu.memory_space<vmem>>)
      %run_scoped3A_445 = arith.constant 0 : i32
      %run_scoped3A_446 = arith.constant 78 : i32
      "tpu.region"() ({
        %run_scoped3A_448 = tpu.sem_alloc : memref<!tpu.dma_semaphore, #tpu.memory_space<semaphore_mem>>
        %dma_start3A_449 = arith.constant 0 : i32
        %dma_start3A_450 = arith.constant 0 : i32
        %dma_start3A_451 = tpu.memref_slice %arg11[%run_scoped3A_445, %dma_start3A_449, %dma_start3A_450] : memref<6x128x64xf32, #tpu.memory_space<vmem>> -> memref<1x128x64xf32, #tpu.memory_space<vmem>>
        %dma_start3A_452 = tpu.memref_squeeze %dma_start3A_451 : memref<1x128x64xf32, #tpu.memory_space<vmem>> -> memref<128x64xf32, #tpu.memory_space<vmem>>
        %dma_start3A_453 = arith.constant 0 : i32
        %dma_start3A_454 = tpu.memref_slice %arg10[%run_scoped3A_446, %dma_start3A_453] : memref<79x128xi32, #tpu.memory_space<vmem>> -> memref<1x128xi32, #tpu.memory_space<vmem>>
        %dma_start3A_455 = tpu.memref_squeeze %dma_start3A_454 : memref<1x128xi32, #tpu.memory_space<vmem>> -> memref<128xi32, #tpu.memory_space<vmem>>
        %dma_start3A_456 = arith.constant 0 : i32
        %dma_start3A_457 = arith.constant 0 : i32
        %dma_start3A_458 = tpu.memref_slice %arg13[%dma_start3A_456, %dma_start3A_457] : memref<10000x64xf32, #tpu.memory_space<vmem_shared>> -> memref<10000x64xf32, #tpu.memory_space<vmem_shared>>
        tpu.enqueue_indirect_dma source(%dma_start3A_452 : memref<128x64xf32, #tpu.memory_space<vmem>>) target(%dma_start3A_458 : memref<10000x64xf32, #tpu.memory_space<vmem_shared>>) offsets(%dma_start3A_455 : memref<128xi32, #tpu.memory_space<vmem>>) semaphore(%run_scoped3A_448 : memref<!tpu.dma_semaphore, #tpu.memory_space<semaphore_mem>>) {add = true}
        %dma_wait3A_459 = arith.constant 0 : i32
        %dma_wait3A_460 = arith.constant 0 : i32
        %dma_wait3A_461 = tpu.memref_slice %arg11[%run_scoped3A_445, %dma_wait3A_459, %dma_wait3A_460] : memref<6x128x64xf32, #tpu.memory_space<vmem>> -> memref<1x128x64xf32, #tpu.memory_space<vmem>>
        %dma_wait3A_462 = tpu.memref_squeeze %dma_wait3A_461 : memref<1x128x64xf32, #tpu.memory_space<vmem>> -> memref<128x64xf32, #tpu.memory_space<vmem>>
        %dma_wait3A_463 = arith.constant 0 : i32
        %dma_wait3A_464 = tpu.memref_slice %arg10[%run_scoped3A_446, %dma_wait3A_463] : memref<79x128xi32, #tpu.memory_space<vmem>> -> memref<1x128xi32, #tpu.memory_space<vmem>>
        %dma_wait3A_465 = tpu.memref_squeeze %dma_wait3A_464 : memref<1x128xi32, #tpu.memory_space<vmem>> -> memref<128xi32, #tpu.memory_space<vmem>>
        %dma_wait3A_466 = arith.constant 0 : i32
        %dma_wait3A_467 = arith.constant 0 : i32
        %dma_wait3A_468 = tpu.memref_slice %arg13[%dma_wait3A_466, %dma_wait3A_467] : memref<10000x64xf32, #tpu.memory_space<vmem_shared>> -> memref<10000x64xf32, #tpu.memory_space<vmem_shared>>
        tpu.wait_indirect_dma semaphore(%run_scoped3A_448 : memref<!tpu.dma_semaphore, #tpu.memory_space<semaphore_mem>>) src(%dma_wait3A_462 : memref<128x64xf32, #tpu.memory_space<vmem>>) dst(%dma_wait3A_468 : memref<10000x64xf32, #tpu.memory_space<vmem_shared>>)
        tpu.yield
      }) : () -> ()
      %run_scoped3A_447 = arith.constant 78 : i32
      "tpu.region"() ({
        %run_scoped3A_448 = tpu.sem_alloc : memref<!tpu.dma_semaphore, #tpu.memory_space<semaphore_mem>>
        %dma_start3A_449 = arith.constant 0 : i32
        %dma_start3A_450 = tpu.memref_slice %arg10[%run_scoped3A_447, %dma_start3A_449] : memref<79x128xi32, #tpu.memory_space<vmem>> -> memref<1x128xi32, #tpu.memory_space<vmem>>
        %dma_start3A_451 = tpu.memref_squeeze %dma_start3A_450 : memref<1x128xi32, #tpu.memory_space<vmem>> -> memref<128xi32, #tpu.memory_space<vmem>>
        %dma_start3A_452 = arith.constant 0 : i32
        %dma_start3A_453 = arith.constant 0 : i32
        %dma_start3A_454 = tpu.memref_slice %arg14[%dma_start3A_452, %dma_start3A_453] : memref<10000x8xf32, #tpu.memory_space<vmem_shared>> -> memref<10000x8xf32, #tpu.memory_space<vmem_shared>>
        tpu.enqueue_indirect_dma source(%arg12 : memref<128x8xf32, #tpu.memory_space<vmem>>) target(%dma_start3A_454 : memref<10000x8xf32, #tpu.memory_space<vmem_shared>>) offsets(%dma_start3A_451 : memref<128xi32, #tpu.memory_space<vmem>>) semaphore(%run_scoped3A_448 : memref<!tpu.dma_semaphore, #tpu.memory_space<semaphore_mem>>) {add = true}
        %dma_wait3A_455 = arith.constant 0 : i32
        %dma_wait3A_456 = tpu.memref_slice %arg10[%run_scoped3A_447, %dma_wait3A_455] : memref<79x128xi32, #tpu.memory_space<vmem>> -> memref<1x128xi32, #tpu.memory_space<vmem>>
        %dma_wait3A_457 = tpu.memref_squeeze %dma_wait3A_456 : memref<1x128xi32, #tpu.memory_space<vmem>> -> memref<128xi32, #tpu.memory_space<vmem>>
        %dma_wait3A_458 = arith.constant 0 : i32
        %dma_wait3A_459 = arith.constant 0 : i32
        %dma_wait3A_460 = tpu.memref_slice %arg14[%dma_wait3A_458, %dma_wait3A_459] : memref<10000x8xf32, #tpu.memory_space<vmem_shared>> -> memref<10000x8xf32, #tpu.memory_space<vmem_shared>>
        tpu.wait_indirect_dma semaphore(%run_scoped3A_448 : memref<!tpu.dma_semaphore, #tpu.memory_space<semaphore_mem>>) src(%arg12 : memref<128x8xf32, #tpu.memory_space<vmem>>) dst(%dma_wait3A_460 : memref<10000x8xf32, #tpu.memory_space<vmem_shared>>)
        tpu.yield
      }) : () -> ()
    } else {
    }
    %barrier3A_402 = arith.constant 0 : index
    tpu.barrier barrier_id(%barrier3A_402)
    %mul3A_403 = arith.constant 624 : i32
    %mul3A_404 = arith.muli %arg1, %mul3A_403 : i32
    %mul3A_405 = arith.constant 624 : i32
    %mul3A_406 = arith.muli %arg1, %mul3A_405 : i32
    "tpu.region"() ({
      %run_scoped3A_421 = tpu.sem_alloc : memref<!tpu.dma_semaphore, #tpu.memory_space<semaphore_mem>>
      %dma_start3A_422 = arith.constant 0 : i32
      %dma_start3A_423 = tpu.memref_slice %arg7[%arg0, %mul3A_406, %dma_start3A_422] : memref<2x10000x64xf32, #tpu.memory_space<hbm>> -> memref<1x624x64xf32, #tpu.memory_space<hbm>>
      %dma_start3A_424 = tpu.memref_squeeze %dma_start3A_423 : memref<1x624x64xf32, #tpu.memory_space<hbm>> -> memref<624x64xf32, #tpu.memory_space<hbm>>
      %dma_start3A_425 = arith.constant 0 : i32
      %dma_start3A_426 = tpu.memref_slice %arg13[%mul3A_404, %dma_start3A_425] : memref<10000x64xf32, #tpu.memory_space<vmem_shared>> -> memref<624x64xf32, #tpu.memory_space<vmem_shared>>
      tpu.enqueue_dma source(%dma_start3A_426 : memref<624x64xf32, #tpu.memory_space<vmem_shared>>) target(%dma_start3A_424 : memref<624x64xf32, #tpu.memory_space<hbm>>) target_semaphore(%run_scoped3A_421 : memref<!tpu.dma_semaphore, #tpu.memory_space<semaphore_mem>>)
      %dma_wait3A_427 = arith.constant 0 : i32
      %dma_wait3A_428 = tpu.memref_slice %arg7[%arg0, %mul3A_406, %dma_wait3A_427] : memref<2x10000x64xf32, #tpu.memory_space<hbm>> -> memref<1x624x64xf32, #tpu.memory_space<hbm>>
      %dma_wait3A_429 = tpu.memref_squeeze %dma_wait3A_428 : memref<1x624x64xf32, #tpu.memory_space<hbm>> -> memref<624x64xf32, #tpu.memory_space<hbm>>
      %dma_wait3A_430 = arith.constant 0 : i32
      %dma_wait3A_431 = tpu.memref_slice %arg13[%mul3A_404, %dma_wait3A_430] : memref<10000x64xf32, #tpu.memory_space<vmem_shared>> -> memref<624x64xf32, #tpu.memory_space<vmem_shared>>
      tpu.wait_dma2 semaphore(%run_scoped3A_421 : memref<!tpu.dma_semaphore, #tpu.memory_space<semaphore_mem>>) src(%dma_wait3A_431 : memref<624x64xf32, #tpu.memory_space<vmem_shared>>) dst(%dma_wait3A_429 : memref<624x64xf32, #tpu.memory_space<hbm>>)
      tpu.yield
    }) : () -> ()
    %eq3A_407 = arith.constant 0 : i32
    %eq3A_408 = arith.cmpi eq, %arg1, %eq3A_407 : i32
    %convert_element_type3A_409 = arith.extui %eq3A_408 : i1 to i32
    %cond3A_410 = arith.constant 0 : i32
    %cond3A_411 = arith.cmpi ne, %convert_element_type3A_409, %cond3A_410 : i32
    scf.if %cond3A_411 {
      "tpu.region"() ({
        %run_scoped3A_421 = tpu.sem_alloc : memref<!tpu.dma_semaphore, #tpu.memory_space<semaphore_mem>>
        %dma_start3A_422 = arith.constant 9984 : i32
        %dma_start3A_423 = arith.constant 0 : i32
        %dma_start3A_424 = tpu.memref_slice %arg7[%arg0, %dma_start3A_422, %dma_start3A_423] : memref<2x10000x64xf32, #tpu.memory_space<hbm>> -> memref<1x16x64xf32, #tpu.memory_space<hbm>>
        %dma_start3A_425 = tpu.memref_squeeze %dma_start3A_424 : memref<1x16x64xf32, #tpu.memory_space<hbm>> -> memref<16x64xf32, #tpu.memory_space<hbm>>
        %dma_start3A_426 = arith.constant 9984 : i32
        %dma_start3A_427 = arith.constant 0 : i32
        %dma_start3A_428 = tpu.memref_slice %arg13[%dma_start3A_426, %dma_start3A_427] : memref<10000x64xf32, #tpu.memory_space<vmem_shared>> -> memref<16x64xf32, #tpu.memory_space<vmem_shared>>
        tpu.enqueue_dma source(%dma_start3A_428 : memref<16x64xf32, #tpu.memory_space<vmem_shared>>) target(%dma_start3A_425 : memref<16x64xf32, #tpu.memory_space<hbm>>) target_semaphore(%run_scoped3A_421 : memref<!tpu.dma_semaphore, #tpu.memory_space<semaphore_mem>>)
        %dma_wait3A_429 = arith.constant 9984 : i32
        %dma_wait3A_430 = arith.constant 0 : i32
        %dma_wait3A_431 = tpu.memref_slice %arg7[%arg0, %dma_wait3A_429, %dma_wait3A_430] : memref<2x10000x64xf32, #tpu.memory_space<hbm>> -> memref<1x16x64xf32, #tpu.memory_space<hbm>>
        %dma_wait3A_432 = tpu.memref_squeeze %dma_wait3A_431 : memref<1x16x64xf32, #tpu.memory_space<hbm>> -> memref<16x64xf32, #tpu.memory_space<hbm>>
        %dma_wait3A_433 = arith.constant 9984 : i32
        %dma_wait3A_434 = arith.constant 0 : i32
        %dma_wait3A_435 = tpu.memref_slice %arg13[%dma_wait3A_433, %dma_wait3A_434] : memref<10000x64xf32, #tpu.memory_space<vmem_shared>> -> memref<16x64xf32, #tpu.memory_space<vmem_shared>>
        tpu.wait_dma2 semaphore(%run_scoped3A_421 : memref<!tpu.dma_semaphore, #tpu.memory_space<semaphore_mem>>) src(%dma_wait3A_435 : memref<16x64xf32, #tpu.memory_space<vmem_shared>>) dst(%dma_wait3A_432 : memref<16x64xf32, #tpu.memory_space<hbm>>)
        tpu.yield
      }) : () -> ()
    } else {
    }
    %mul3A_412 = arith.constant 624 : i32
    %mul3A_413 = arith.muli %arg1, %mul3A_412 : i32
    %mul3A_414 = arith.constant 624 : i32
    %mul3A_415 = arith.muli %arg1, %mul3A_414 : i32
    "tpu.region"() ({
      %run_scoped3A_421 = tpu.sem_alloc : memref<!tpu.dma_semaphore, #tpu.memory_space<semaphore_mem>>
      %dma_start3A_422 = arith.constant 0 : i32
      %dma_start3A_423 = tpu.memref_slice %arg8[%arg0, %mul3A_415, %dma_start3A_422] : memref<2x10000x8xf32, #tpu.memory_space<hbm>> -> memref<1x624x8xf32, #tpu.memory_space<hbm>>
      %dma_start3A_424 = tpu.memref_squeeze %dma_start3A_423 : memref<1x624x8xf32, #tpu.memory_space<hbm>> -> memref<624x8xf32, #tpu.memory_space<hbm>>
      %dma_start3A_425 = arith.constant 0 : i32
      %dma_start3A_426 = tpu.memref_slice %arg14[%mul3A_413, %dma_start3A_425] : memref<10000x8xf32, #tpu.memory_space<vmem_shared>> -> memref<624x8xf32, #tpu.memory_space<vmem_shared>>
      tpu.enqueue_dma source(%dma_start3A_426 : memref<624x8xf32, #tpu.memory_space<vmem_shared>>) target(%dma_start3A_424 : memref<624x8xf32, #tpu.memory_space<hbm>>) target_semaphore(%run_scoped3A_421 : memref<!tpu.dma_semaphore, #tpu.memory_space<semaphore_mem>>)
      %dma_wait3A_427 = arith.constant 0 : i32
      %dma_wait3A_428 = tpu.memref_slice %arg8[%arg0, %mul3A_415, %dma_wait3A_427] : memref<2x10000x8xf32, #tpu.memory_space<hbm>> -> memref<1x624x8xf32, #tpu.memory_space<hbm>>
      %dma_wait3A_429 = tpu.memref_squeeze %dma_wait3A_428 : memref<1x624x8xf32, #tpu.memory_space<hbm>> -> memref<624x8xf32, #tpu.memory_space<hbm>>
      %dma_wait3A_430 = arith.constant 0 : i32
      %dma_wait3A_431 = tpu.memref_slice %arg14[%mul3A_413, %dma_wait3A_430] : memref<10000x8xf32, #tpu.memory_space<vmem_shared>> -> memref<624x8xf32, #tpu.memory_space<vmem_shared>>
      tpu.wait_dma2 semaphore(%run_scoped3A_421 : memref<!tpu.dma_semaphore, #tpu.memory_space<semaphore_mem>>) src(%dma_wait3A_431 : memref<624x8xf32, #tpu.memory_space<vmem_shared>>) dst(%dma_wait3A_429 : memref<624x8xf32, #tpu.memory_space<hbm>>)
      tpu.yield
    }) : () -> ()
    %eq3A_416 = arith.constant 0 : i32
    %eq3A_417 = arith.cmpi eq, %arg1, %eq3A_416 : i32
    %convert_element_type3A_418 = arith.extui %eq3A_417 : i1 to i32
    %cond3A_419 = arith.constant 0 : i32
    %cond3A_420 = arith.cmpi ne, %convert_element_type3A_418, %cond3A_419 : i32
    scf.if %cond3A_420 {
      "tpu.region"() ({
        %run_scoped3A_421 = tpu.sem_alloc : memref<!tpu.dma_semaphore, #tpu.memory_space<semaphore_mem>>
        %dma_start3A_422 = arith.constant 9984 : i32
        %dma_start3A_423 = arith.constant 0 : i32
        %dma_start3A_424 = tpu.memref_slice %arg8[%arg0, %dma_start3A_422, %dma_start3A_423] : memref<2x10000x8xf32, #tpu.memory_space<hbm>> -> memref<1x16x8xf32, #tpu.memory_space<hbm>>
        %dma_start3A_425 = tpu.memref_squeeze %dma_start3A_424 : memref<1x16x8xf32, #tpu.memory_space<hbm>> -> memref<16x8xf32, #tpu.memory_space<hbm>>
        %dma_start3A_426 = arith.constant 9984 : i32
        %dma_start3A_427 = arith.constant 0 : i32
        %dma_start3A_428 = tpu.memref_slice %arg14[%dma_start3A_426, %dma_start3A_427] : memref<10000x8xf32, #tpu.memory_space<vmem_shared>> -> memref<16x8xf32, #tpu.memory_space<vmem_shared>>
        tpu.enqueue_dma source(%dma_start3A_428 : memref<16x8xf32, #tpu.memory_space<vmem_shared>>) target(%dma_start3A_425 : memref<16x8xf32, #tpu.memory_space<hbm>>) target_semaphore(%run_scoped3A_421 : memref<!tpu.dma_semaphore, #tpu.memory_space<semaphore_mem>>)
        %dma_wait3A_429 = arith.constant 9984 : i32
        %dma_wait3A_430 = arith.constant 0 : i32
        %dma_wait3A_431 = tpu.memref_slice %arg8[%arg0, %dma_wait3A_429, %dma_wait3A_430] : memref<2x10000x8xf32, #tpu.memory_space<hbm>> -> memref<1x16x8xf32, #tpu.memory_space<hbm>>
        %dma_wait3A_432 = tpu.memref_squeeze %dma_wait3A_431 : memref<1x16x8xf32, #tpu.memory_space<hbm>> -> memref<16x8xf32, #tpu.memory_space<hbm>>
        %dma_wait3A_433 = arith.constant 9984 : i32
        %dma_wait3A_434 = arith.constant 0 : i32
        %dma_wait3A_435 = tpu.memref_slice %arg14[%dma_wait3A_433, %dma_wait3A_434] : memref<10000x8xf32, #tpu.memory_space<vmem_shared>> -> memref<16x8xf32, #tpu.memory_space<vmem_shared>>
        tpu.wait_dma2 semaphore(%run_scoped3A_421 : memref<!tpu.dma_semaphore, #tpu.memory_space<semaphore_mem>>) src(%dma_wait3A_435 : memref<16x8xf32, #tpu.memory_space<vmem_shared>>) dst(%dma_wait3A_432 : memref<16x8xf32, #tpu.memory_space<hbm>>)
        tpu.yield
      }) : () -> ()
    } else {
    }
    return
  }
}

#map = affine_map<(d0, d1) -> (0, 0)>
#map1 = affine_map<(d0, d1) -> (0, 0, 0)>
module attributes {stable_mosaic.version = 14 : i64} {
  func.func @run(%arg0: i32, %arg1: i32, %arg2: memref<10000x64xf32, #tpu.memory_space<hbm>>, %arg3: memref<2x2500x128xi32, #tpu.memory_space<hbm>>, %arg4: memref<624x64xf32, #tpu.memory_space<hbm>>, %arg5: memref<2x10000x64xf32, #tpu.memory_space<hbm>>, %arg6: memref<79x128xi32, #tpu.memory_space<vmem>>, %arg7: memref<79x128xi32, #tpu.memory_space<vmem>>, %arg8: memref<6x128x64xf32, #tpu.memory_space<vmem>>, %arg9: memref<10000x64xf32, #tpu.memory_space<vmem_shared>>, %arg10: memref<!tpu.dma_semaphore, #tpu.memory_space<semaphore_mem>>, %arg11: memref<!tpu.dma_semaphore, #tpu.memory_space<semaphore_mem>>, %arg12: memref<!tpu.dma_semaphore, #tpu.memory_space<semaphore_mem>>, %arg13: memref<!tpu.dma_semaphore, #tpu.memory_space<semaphore_mem>>, %arg14: memref<!tpu.dma_semaphore, #tpu.memory_space<semaphore_mem>>, %arg15: memref<!tpu.dma_semaphore, #tpu.memory_space<semaphore_mem>>, %arg16: memref<!tpu.dma_semaphore, #tpu.memory_space<semaphore_mem>>, %arg17: memref<!tpu.dma_semaphore, #tpu.memory_space<semaphore_mem>>, %arg18: memref<!tpu.dma_semaphore, #tpu.memory_space<semaphore_mem>>, %arg19: memref<!tpu.dma_semaphore, #tpu.memory_space<semaphore_mem>>, %arg20: memref<!tpu.dma_semaphore, #tpu.memory_space<semaphore_mem>>, %arg21: memref<!tpu.dma_semaphore, #tpu.memory_space<semaphore_mem>>) attributes {dimension_semantics = [#tpu.dimension_semantics<core_parallel>, #tpu.dimension_semantics<subcore_parallel>], iteration_bounds = array<i64: 2, 16>, scalar_prefetch = 0 : i64, scratch_operands = 16 : i64, tpu.core_type = #tpu.core_type<sc_vector_subcore>, window_params = [{transform_indices = #map}, {transform_indices = #map1}, {transform_indices = #map}, {transform_indices = #map1}]} {
    %mul3A = arith.constant 624 : i32
    %mul3A_0 = arith.muli %arg1, %mul3A : i32
    "tpu.region"() ({
      %run_scoped3A_318 = tpu.sem_alloc : memref<!tpu.dma_semaphore, #tpu.memory_space<semaphore_mem>>
      %dma_start3A_319 = arith.constant 0 : i32
      %dma_start3A_320 = tpu.memref_slice %arg9[%mul3A_0, %dma_start3A_319] : memref<10000x64xf32, #tpu.memory_space<vmem_shared>> -> memref<624x64xf32, #tpu.memory_space<vmem_shared>>
      tpu.enqueue_dma source(%arg4 : memref<624x64xf32, #tpu.memory_space<hbm>>) target(%dma_start3A_320 : memref<624x64xf32, #tpu.memory_space<vmem_shared>>) target_semaphore(%run_scoped3A_318 : memref<!tpu.dma_semaphore, #tpu.memory_space<semaphore_mem>>)
      %dma_wait3A_321 = arith.constant 0 : i32
      %dma_wait3A_322 = tpu.memref_slice %arg9[%mul3A_0, %dma_wait3A_321] : memref<10000x64xf32, #tpu.memory_space<vmem_shared>> -> memref<624x64xf32, #tpu.memory_space<vmem_shared>>
      tpu.wait_dma2 semaphore(%run_scoped3A_318 : memref<!tpu.dma_semaphore, #tpu.memory_space<semaphore_mem>>) src(%arg4 : memref<624x64xf32, #tpu.memory_space<hbm>>) dst(%dma_wait3A_322 : memref<624x64xf32, #tpu.memory_space<vmem_shared>>)
      tpu.yield
    }) : () -> ()
    %eq3A = arith.constant 0 : i32
    %eq3A_1 = arith.cmpi eq, %arg1, %eq3A : i32
    %convert_element_type3A = arith.extui %eq3A_1 : i1 to i32
    %cond3A = arith.constant 0 : i32
    %cond3A_2 = arith.cmpi ne, %convert_element_type3A, %cond3A : i32
    scf.if %cond3A_2 {
      "tpu.region"() ({
        %run_scoped3A_318 = tpu.sem_alloc : memref<!tpu.dma_semaphore, #tpu.memory_space<semaphore_mem>>
        %dma_start3A_319 = arith.constant 9984 : i32
        %dma_start3A_320 = arith.constant 0 : i32
        %dma_start3A_321 = tpu.memref_slice %arg9[%dma_start3A_319, %dma_start3A_320] : memref<10000x64xf32, #tpu.memory_space<vmem_shared>> -> memref<16x64xf32, #tpu.memory_space<vmem_shared>>
        %dma_start3A_322 = arith.constant 0 : i32
        %dma_start3A_323 = arith.constant 0 : i32
        %dma_start3A_324 = tpu.memref_slice %arg4[%dma_start3A_322, %dma_start3A_323] : memref<624x64xf32, #tpu.memory_space<hbm>> -> memref<16x64xf32, #tpu.memory_space<hbm>>
        tpu.enqueue_dma source(%dma_start3A_324 : memref<16x64xf32, #tpu.memory_space<hbm>>) target(%dma_start3A_321 : memref<16x64xf32, #tpu.memory_space<vmem_shared>>) target_semaphore(%run_scoped3A_318 : memref<!tpu.dma_semaphore, #tpu.memory_space<semaphore_mem>>)
        %dma_wait3A_325 = arith.constant 9984 : i32
        %dma_wait3A_326 = arith.constant 0 : i32
        %dma_wait3A_327 = tpu.memref_slice %arg9[%dma_wait3A_325, %dma_wait3A_326] : memref<10000x64xf32, #tpu.memory_space<vmem_shared>> -> memref<16x64xf32, #tpu.memory_space<vmem_shared>>
        %dma_wait3A_328 = arith.constant 0 : i32
        %dma_wait3A_329 = arith.constant 0 : i32
        %dma_wait3A_330 = tpu.memref_slice %arg4[%dma_wait3A_328, %dma_wait3A_329] : memref<624x64xf32, #tpu.memory_space<hbm>> -> memref<16x64xf32, #tpu.memory_space<hbm>>
        tpu.wait_dma2 semaphore(%run_scoped3A_318 : memref<!tpu.dma_semaphore, #tpu.memory_space<semaphore_mem>>) src(%dma_wait3A_330 : memref<16x64xf32, #tpu.memory_space<hbm>>) dst(%dma_wait3A_327 : memref<16x64xf32, #tpu.memory_space<vmem_shared>>)
        tpu.yield
      }) : () -> ()
    } else {
    }
    %barrier3A = arith.constant 0 : index
    tpu.barrier barrier_id(%barrier3A)
    %mul3A_3 = arith.constant 16 : i32
    %mul3A_4 = arith.muli %arg0, %mul3A_3 : i32
    %add3A = arith.addi %mul3A_4, %arg1 : i32
    %mul3A_5 = arith.constant 78 : i32
    %mul3A_6 = arith.muli %add3A, %mul3A_5 : i32
    %run_scoped3A = arith.constant 0 : i32
    "tpu.region"() ({
      %run_scoped3A_318 = tpu.sem_alloc : memref<!tpu.dma_semaphore, #tpu.memory_space<semaphore_mem>>
      %dma_start3A_319 = arith.constant 0 : i32
      %dma_start3A_320 = arith.constant 0 : i32
      %dma_start3A_321 = tpu.memref_slice %arg6[%dma_start3A_319, %dma_start3A_320] : memref<79x128xi32, #tpu.memory_space<vmem>> -> memref<78x128xi32, #tpu.memory_space<vmem>>
      %dma_start3A_322 = arith.constant 0 : i32
      %dma_start3A_323 = tpu.memref_slice %arg3[%run_scoped3A, %mul3A_6, %dma_start3A_322] : memref<2x2500x128xi32, #tpu.memory_space<hbm>> -> memref<1x78x128xi32, #tpu.memory_space<hbm>>
      %dma_start3A_324 = tpu.memref_squeeze %dma_start3A_323 : memref<1x78x128xi32, #tpu.memory_space<hbm>> -> memref<78x128xi32, #tpu.memory_space<hbm>>
      %dma_start3A_325 = arith.constant 0 : i32
      %dma_start3A_326 = arith.constant 0 : i32
      %dma_start3A_327 = tpu.memref_slice %arg6[%dma_start3A_325, %dma_start3A_326] : memref<79x128xi32, #tpu.memory_space<vmem>> -> memref<78x128xi32, #tpu.memory_space<vmem>>
      %dma_start3A_328 = arith.constant 0 : i32
      %dma_start3A_329 = tpu.memref_slice %arg3[%run_scoped3A, %mul3A_6, %dma_start3A_328] : memref<2x2500x128xi32, #tpu.memory_space<hbm>> -> memref<1x78x128xi32, #tpu.memory_space<hbm>>
      %dma_start3A_330 = tpu.memref_squeeze %dma_start3A_329 : memref<1x78x128xi32, #tpu.memory_space<hbm>> -> memref<78x128xi32, #tpu.memory_space<hbm>>
      tpu.enqueue_dma source(%dma_start3A_330 : memref<78x128xi32, #tpu.memory_space<hbm>>) target(%dma_start3A_327 : memref<78x128xi32, #tpu.memory_space<vmem>>) target_semaphore(%run_scoped3A_318 : memref<!tpu.dma_semaphore, #tpu.memory_space<semaphore_mem>>)
      %dma_wait3A_331 = arith.constant 0 : i32
      %dma_wait3A_332 = arith.constant 0 : i32
      %dma_wait3A_333 = tpu.memref_slice %arg6[%dma_wait3A_331, %dma_wait3A_332] : memref<79x128xi32, #tpu.memory_space<vmem>> -> memref<78x128xi32, #tpu.memory_space<vmem>>
      %dma_wait3A_334 = arith.constant 0 : i32
      %dma_wait3A_335 = tpu.memref_slice %arg3[%run_scoped3A, %mul3A_6, %dma_wait3A_334] : memref<2x2500x128xi32, #tpu.memory_space<hbm>> -> memref<1x78x128xi32, #tpu.memory_space<hbm>>
      %dma_wait3A_336 = tpu.memref_squeeze %dma_wait3A_335 : memref<1x78x128xi32, #tpu.memory_space<hbm>> -> memref<78x128xi32, #tpu.memory_space<hbm>>
      %dma_wait3A_337 = arith.constant 0 : i32
      %dma_wait3A_338 = arith.constant 0 : i32
      %dma_wait3A_339 = tpu.memref_slice %arg6[%dma_wait3A_337, %dma_wait3A_338] : memref<79x128xi32, #tpu.memory_space<vmem>> -> memref<78x128xi32, #tpu.memory_space<vmem>>
      %dma_wait3A_340 = arith.constant 0 : i32
      %dma_wait3A_341 = tpu.memref_slice %arg3[%run_scoped3A, %mul3A_6, %dma_wait3A_340] : memref<2x2500x128xi32, #tpu.memory_space<hbm>> -> memref<1x78x128xi32, #tpu.memory_space<hbm>>
      %dma_wait3A_342 = tpu.memref_squeeze %dma_wait3A_341 : memref<1x78x128xi32, #tpu.memory_space<hbm>> -> memref<78x128xi32, #tpu.memory_space<hbm>>
      tpu.wait_dma2 semaphore(%run_scoped3A_318 : memref<!tpu.dma_semaphore, #tpu.memory_space<semaphore_mem>>) src(%dma_wait3A_342 : memref<78x128xi32, #tpu.memory_space<hbm>>) dst(%dma_wait3A_339 : memref<78x128xi32, #tpu.memory_space<vmem>>)
      tpu.yield
    }) : () -> ()
    %run_scoped3A_7 = arith.constant 1 : i32
    "tpu.region"() ({
      %run_scoped3A_318 = tpu.sem_alloc : memref<!tpu.dma_semaphore, #tpu.memory_space<semaphore_mem>>
      %dma_start3A_319 = arith.constant 0 : i32
      %dma_start3A_320 = arith.constant 0 : i32
      %dma_start3A_321 = tpu.memref_slice %arg7[%dma_start3A_319, %dma_start3A_320] : memref<79x128xi32, #tpu.memory_space<vmem>> -> memref<78x128xi32, #tpu.memory_space<vmem>>
      %dma_start3A_322 = arith.constant 0 : i32
      %dma_start3A_323 = tpu.memref_slice %arg3[%run_scoped3A_7, %mul3A_6, %dma_start3A_322] : memref<2x2500x128xi32, #tpu.memory_space<hbm>> -> memref<1x78x128xi32, #tpu.memory_space<hbm>>
      %dma_start3A_324 = tpu.memref_squeeze %dma_start3A_323 : memref<1x78x128xi32, #tpu.memory_space<hbm>> -> memref<78x128xi32, #tpu.memory_space<hbm>>
      %dma_start3A_325 = arith.constant 0 : i32
      %dma_start3A_326 = arith.constant 0 : i32
      %dma_start3A_327 = tpu.memref_slice %arg7[%dma_start3A_325, %dma_start3A_326] : memref<79x128xi32, #tpu.memory_space<vmem>> -> memref<78x128xi32, #tpu.memory_space<vmem>>
      %dma_start3A_328 = arith.constant 0 : i32
      %dma_start3A_329 = tpu.memref_slice %arg3[%run_scoped3A_7, %mul3A_6, %dma_start3A_328] : memref<2x2500x128xi32, #tpu.memory_space<hbm>> -> memref<1x78x128xi32, #tpu.memory_space<hbm>>
      %dma_start3A_330 = tpu.memref_squeeze %dma_start3A_329 : memref<1x78x128xi32, #tpu.memory_space<hbm>> -> memref<78x128xi32, #tpu.memory_space<hbm>>
      tpu.enqueue_dma source(%dma_start3A_330 : memref<78x128xi32, #tpu.memory_space<hbm>>) target(%dma_start3A_327 : memref<78x128xi32, #tpu.memory_space<vmem>>) target_semaphore(%run_scoped3A_318 : memref<!tpu.dma_semaphore, #tpu.memory_space<semaphore_mem>>)
      %dma_wait3A_331 = arith.constant 0 : i32
      %dma_wait3A_332 = arith.constant 0 : i32
      %dma_wait3A_333 = tpu.memref_slice %arg7[%dma_wait3A_331, %dma_wait3A_332] : memref<79x128xi32, #tpu.memory_space<vmem>> -> memref<78x128xi32, #tpu.memory_space<vmem>>
      %dma_wait3A_334 = arith.constant 0 : i32
      %dma_wait3A_335 = tpu.memref_slice %arg3[%run_scoped3A_7, %mul3A_6, %dma_wait3A_334] : memref<2x2500x128xi32, #tpu.memory_space<hbm>> -> memref<1x78x128xi32, #tpu.memory_space<hbm>>
      %dma_wait3A_336 = tpu.memref_squeeze %dma_wait3A_335 : memref<1x78x128xi32, #tpu.memory_space<hbm>> -> memref<78x128xi32, #tpu.memory_space<hbm>>
      %dma_wait3A_337 = arith.constant 0 : i32
      %dma_wait3A_338 = arith.constant 0 : i32
      %dma_wait3A_339 = tpu.memref_slice %arg7[%dma_wait3A_337, %dma_wait3A_338] : memref<79x128xi32, #tpu.memory_space<vmem>> -> memref<78x128xi32, #tpu.memory_space<vmem>>
      %dma_wait3A_340 = arith.constant 0 : i32
      %dma_wait3A_341 = tpu.memref_slice %arg3[%run_scoped3A_7, %mul3A_6, %dma_wait3A_340] : memref<2x2500x128xi32, #tpu.memory_space<hbm>> -> memref<1x78x128xi32, #tpu.memory_space<hbm>>
      %dma_wait3A_342 = tpu.memref_squeeze %dma_wait3A_341 : memref<1x78x128xi32, #tpu.memory_space<hbm>> -> memref<78x128xi32, #tpu.memory_space<hbm>>
      tpu.wait_dma2 semaphore(%run_scoped3A_318 : memref<!tpu.dma_semaphore, #tpu.memory_space<semaphore_mem>>) src(%dma_wait3A_342 : memref<78x128xi32, #tpu.memory_space<hbm>>) dst(%dma_wait3A_339 : memref<78x128xi32, #tpu.memory_space<vmem>>)
      tpu.yield
    }) : () -> ()
    %lt3A = arith.constant 4 : i32
    %lt3A_8 = arith.cmpi slt, %add3A, %lt3A : i32
    %convert_element_type3A_9 = arith.extui %lt3A_8 : i1 to i32
    %cond3A_10 = arith.constant 0 : i32
    %cond3A_11 = arith.cmpi ne, %convert_element_type3A_9, %cond3A_10 : i32
    scf.if %cond3A_11 {
      %add3A_318 = arith.constant 2496 : i32
      %add3A_319 = arith.addi %add3A_318, %add3A : i32
      %run_scoped3A_320 = arith.constant 0 : i32
      "tpu.region"() ({
        %run_scoped3A_324 = tpu.sem_alloc : memref<!tpu.dma_semaphore, #tpu.memory_space<semaphore_mem>>
        %dma_start3A_325 = arith.constant 78 : i32
        %dma_start3A_326 = arith.constant 0 : i32
        %dma_start3A_327 = tpu.memref_slice %arg6[%dma_start3A_325, %dma_start3A_326] : memref<79x128xi32, #tpu.memory_space<vmem>> -> memref<1x128xi32, #tpu.memory_space<vmem>>
        %dma_start3A_328 = arith.constant 0 : i32
        %dma_start3A_329 = tpu.memref_slice %arg3[%run_scoped3A_320, %add3A_319, %dma_start3A_328] : memref<2x2500x128xi32, #tpu.memory_space<hbm>> -> memref<1x1x128xi32, #tpu.memory_space<hbm>>
        %dma_start3A_330 = tpu.memref_squeeze %dma_start3A_329 : memref<1x1x128xi32, #tpu.memory_space<hbm>> -> memref<1x128xi32, #tpu.memory_space<hbm>>
        %dma_start3A_331 = arith.constant 78 : i32
        %dma_start3A_332 = arith.constant 0 : i32
        %dma_start3A_333 = tpu.memref_slice %arg6[%dma_start3A_331, %dma_start3A_332] : memref<79x128xi32, #tpu.memory_space<vmem>> -> memref<1x128xi32, #tpu.memory_space<vmem>>
        %dma_start3A_334 = arith.constant 0 : i32
        %dma_start3A_335 = tpu.memref_slice %arg3[%run_scoped3A_320, %add3A_319, %dma_start3A_334] : memref<2x2500x128xi32, #tpu.memory_space<hbm>> -> memref<1x1x128xi32, #tpu.memory_space<hbm>>
        %dma_start3A_336 = tpu.memref_squeeze %dma_start3A_335 : memref<1x1x128xi32, #tpu.memory_space<hbm>> -> memref<1x128xi32, #tpu.memory_space<hbm>>
        tpu.enqueue_dma source(%dma_start3A_336 : memref<1x128xi32, #tpu.memory_space<hbm>>) target(%dma_start3A_333 : memref<1x128xi32, #tpu.memory_space<vmem>>) target_semaphore(%run_scoped3A_324 : memref<!tpu.dma_semaphore, #tpu.memory_space<semaphore_mem>>)
        %dma_wait3A_337 = arith.constant 78 : i32
        %dma_wait3A_338 = arith.constant 0 : i32
        %dma_wait3A_339 = tpu.memref_slice %arg6[%dma_wait3A_337, %dma_wait3A_338] : memref<79x128xi32, #tpu.memory_space<vmem>> -> memref<1x128xi32, #tpu.memory_space<vmem>>
        %dma_wait3A_340 = arith.constant 0 : i32
        %dma_wait3A_341 = tpu.memref_slice %arg3[%run_scoped3A_320, %add3A_319, %dma_wait3A_340] : memref<2x2500x128xi32, #tpu.memory_space<hbm>> -> memref<1x1x128xi32, #tpu.memory_space<hbm>>
        %dma_wait3A_342 = tpu.memref_squeeze %dma_wait3A_341 : memref<1x1x128xi32, #tpu.memory_space<hbm>> -> memref<1x128xi32, #tpu.memory_space<hbm>>
        %dma_wait3A_343 = arith.constant 78 : i32
        %dma_wait3A_344 = arith.constant 0 : i32
        %dma_wait3A_345 = tpu.memref_slice %arg6[%dma_wait3A_343, %dma_wait3A_344] : memref<79x128xi32, #tpu.memory_space<vmem>> -> memref<1x128xi32, #tpu.memory_space<vmem>>
        %dma_wait3A_346 = arith.constant 0 : i32
        %dma_wait3A_347 = tpu.memref_slice %arg3[%run_scoped3A_320, %add3A_319, %dma_wait3A_346] : memref<2x2500x128xi32, #tpu.memory_space<hbm>> -> memref<1x1x128xi32, #tpu.memory_space<hbm>>
        %dma_wait3A_348 = tpu.memref_squeeze %dma_wait3A_347 : memref<1x1x128xi32, #tpu.memory_space<hbm>> -> memref<1x128xi32, #tpu.memory_space<hbm>>
        tpu.wait_dma2 semaphore(%run_scoped3A_324 : memref<!tpu.dma_semaphore, #tpu.memory_space<semaphore_mem>>) src(%dma_wait3A_348 : memref<1x128xi32, #tpu.memory_space<hbm>>) dst(%dma_wait3A_345 : memref<1x128xi32, #tpu.memory_space<vmem>>)
        tpu.yield
      }) : () -> ()
      %add3A_321 = arith.constant 2496 : i32
      %add3A_322 = arith.addi %add3A_321, %add3A : i32
      %run_scoped3A_323 = arith.constant 1 : i32
      "tpu.region"() ({
        %run_scoped3A_324 = tpu.sem_alloc : memref<!tpu.dma_semaphore, #tpu.memory_space<semaphore_mem>>
        %dma_start3A_325 = arith.constant 78 : i32
        %dma_start3A_326 = arith.constant 0 : i32
        %dma_start3A_327 = tpu.memref_slice %arg7[%dma_start3A_325, %dma_start3A_326] : memref<79x128xi32, #tpu.memory_space<vmem>> -> memref<1x128xi32, #tpu.memory_space<vmem>>
        %dma_start3A_328 = arith.constant 0 : i32
        %dma_start3A_329 = tpu.memref_slice %arg3[%run_scoped3A_323, %add3A_322, %dma_start3A_328] : memref<2x2500x128xi32, #tpu.memory_space<hbm>> -> memref<1x1x128xi32, #tpu.memory_space<hbm>>
        %dma_start3A_330 = tpu.memref_squeeze %dma_start3A_329 : memref<1x1x128xi32, #tpu.memory_space<hbm>> -> memref<1x128xi32, #tpu.memory_space<hbm>>
        %dma_start3A_331 = arith.constant 78 : i32
        %dma_start3A_332 = arith.constant 0 : i32
        %dma_start3A_333 = tpu.memref_slice %arg7[%dma_start3A_331, %dma_start3A_332] : memref<79x128xi32, #tpu.memory_space<vmem>> -> memref<1x128xi32, #tpu.memory_space<vmem>>
        %dma_start3A_334 = arith.constant 0 : i32
        %dma_start3A_335 = tpu.memref_slice %arg3[%run_scoped3A_323, %add3A_322, %dma_start3A_334] : memref<2x2500x128xi32, #tpu.memory_space<hbm>> -> memref<1x1x128xi32, #tpu.memory_space<hbm>>
        %dma_start3A_336 = tpu.memref_squeeze %dma_start3A_335 : memref<1x1x128xi32, #tpu.memory_space<hbm>> -> memref<1x128xi32, #tpu.memory_space<hbm>>
        tpu.enqueue_dma source(%dma_start3A_336 : memref<1x128xi32, #tpu.memory_space<hbm>>) target(%dma_start3A_333 : memref<1x128xi32, #tpu.memory_space<vmem>>) target_semaphore(%run_scoped3A_324 : memref<!tpu.dma_semaphore, #tpu.memory_space<semaphore_mem>>)
        %dma_wait3A_337 = arith.constant 78 : i32
        %dma_wait3A_338 = arith.constant 0 : i32
        %dma_wait3A_339 = tpu.memref_slice %arg7[%dma_wait3A_337, %dma_wait3A_338] : memref<79x128xi32, #tpu.memory_space<vmem>> -> memref<1x128xi32, #tpu.memory_space<vmem>>
        %dma_wait3A_340 = arith.constant 0 : i32
        %dma_wait3A_341 = tpu.memref_slice %arg3[%run_scoped3A_323, %add3A_322, %dma_wait3A_340] : memref<2x2500x128xi32, #tpu.memory_space<hbm>> -> memref<1x1x128xi32, #tpu.memory_space<hbm>>
        %dma_wait3A_342 = tpu.memref_squeeze %dma_wait3A_341 : memref<1x1x128xi32, #tpu.memory_space<hbm>> -> memref<1x128xi32, #tpu.memory_space<hbm>>
        %dma_wait3A_343 = arith.constant 78 : i32
        %dma_wait3A_344 = arith.constant 0 : i32
        %dma_wait3A_345 = tpu.memref_slice %arg7[%dma_wait3A_343, %dma_wait3A_344] : memref<79x128xi32, #tpu.memory_space<vmem>> -> memref<1x128xi32, #tpu.memory_space<vmem>>
        %dma_wait3A_346 = arith.constant 0 : i32
        %dma_wait3A_347 = tpu.memref_slice %arg3[%run_scoped3A_323, %add3A_322, %dma_wait3A_346] : memref<2x2500x128xi32, #tpu.memory_space<hbm>> -> memref<1x1x128xi32, #tpu.memory_space<hbm>>
        %dma_wait3A_348 = tpu.memref_squeeze %dma_wait3A_347 : memref<1x1x128xi32, #tpu.memory_space<hbm>> -> memref<1x128xi32, #tpu.memory_space<hbm>>
        tpu.wait_dma2 semaphore(%run_scoped3A_324 : memref<!tpu.dma_semaphore, #tpu.memory_space<semaphore_mem>>) src(%dma_wait3A_348 : memref<1x128xi32, #tpu.memory_space<hbm>>) dst(%dma_wait3A_345 : memref<1x128xi32, #tpu.memory_space<vmem>>)
        tpu.yield
      }) : () -> ()
    } else {
    }
    %dma_start3A = arith.constant 0 : i32
    %dma_start3A_12 = arith.constant 0 : i32
    %dma_start3A_13 = arith.constant 0 : i32
    %dma_start3A_14 = arith.constant 0 : i32
    %dma_start3A_15 = tpu.memref_slice %arg8[%dma_start3A_12, %dma_start3A_13, %dma_start3A_14] : memref<6x128x64xf32, #tpu.memory_space<vmem>> -> memref<1x128x64xf32, #tpu.memory_space<vmem>>
    %dma_start3A_16 = tpu.memref_squeeze %dma_start3A_15 : memref<1x128x64xf32, #tpu.memory_space<vmem>> -> memref<128x64xf32, #tpu.memory_space<vmem>>
    %dma_start3A_17 = arith.constant 0 : i32
    %dma_start3A_18 = tpu.memref_slice %arg6[%dma_start3A, %dma_start3A_17] : memref<79x128xi32, #tpu.memory_space<vmem>> -> memref<1x128xi32, #tpu.memory_space<vmem>>
    %dma_start3A_19 = tpu.memref_squeeze %dma_start3A_18 : memref<1x128xi32, #tpu.memory_space<vmem>> -> memref<128xi32, #tpu.memory_space<vmem>>
    %dma_start3A_20 = arith.constant 0 : i32
    %dma_start3A_21 = arith.constant 0 : i32
    %dma_start3A_22 = tpu.memref_slice %arg2[%dma_start3A_20, %dma_start3A_21] : memref<10000x64xf32, #tpu.memory_space<hbm>> -> memref<10000x64xf32, #tpu.memory_space<hbm>>
    tpu.enqueue_indirect_dma source(%dma_start3A_22 : memref<10000x64xf32, #tpu.memory_space<hbm>>) target(%dma_start3A_16 : memref<128x64xf32, #tpu.memory_space<vmem>>) offsets(%dma_start3A_19 : memref<128xi32, #tpu.memory_space<vmem>>) semaphore(%arg10 : memref<!tpu.dma_semaphore, #tpu.memory_space<semaphore_mem>>)
    %dma_start3A_23 = arith.constant 1 : i32
    %dma_start3A_24 = arith.constant 1 : i32
    %dma_start3A_25 = arith.constant 0 : i32
    %dma_start3A_26 = arith.constant 0 : i32
    %dma_start3A_27 = tpu.memref_slice %arg8[%dma_start3A_24, %dma_start3A_25, %dma_start3A_26] : memref<6x128x64xf32, #tpu.memory_space<vmem>> -> memref<1x128x64xf32, #tpu.memory_space<vmem>>
    %dma_start3A_28 = tpu.memref_squeeze %dma_start3A_27 : memref<1x128x64xf32, #tpu.memory_space<vmem>> -> memref<128x64xf32, #tpu.memory_space<vmem>>
    %dma_start3A_29 = arith.constant 0 : i32
    %dma_start3A_30 = tpu.memref_slice %arg6[%dma_start3A_23, %dma_start3A_29] : memref<79x128xi32, #tpu.memory_space<vmem>> -> memref<1x128xi32, #tpu.memory_space<vmem>>
    %dma_start3A_31 = tpu.memref_squeeze %dma_start3A_30 : memref<1x128xi32, #tpu.memory_space<vmem>> -> memref<128xi32, #tpu.memory_space<vmem>>
    %dma_start3A_32 = arith.constant 0 : i32
    %dma_start3A_33 = arith.constant 0 : i32
    %dma_start3A_34 = tpu.memref_slice %arg2[%dma_start3A_32, %dma_start3A_33] : memref<10000x64xf32, #tpu.memory_space<hbm>> -> memref<10000x64xf32, #tpu.memory_space<hbm>>
    tpu.enqueue_indirect_dma source(%dma_start3A_34 : memref<10000x64xf32, #tpu.memory_space<hbm>>) target(%dma_start3A_28 : memref<128x64xf32, #tpu.memory_space<vmem>>) offsets(%dma_start3A_31 : memref<128xi32, #tpu.memory_space<vmem>>) semaphore(%arg11 : memref<!tpu.dma_semaphore, #tpu.memory_space<semaphore_mem>>)
    %dma_start3A_35 = arith.constant 2 : i32
    %dma_start3A_36 = arith.constant 2 : i32
    %dma_start3A_37 = arith.constant 0 : i32
    %dma_start3A_38 = arith.constant 0 : i32
    %dma_start3A_39 = tpu.memref_slice %arg8[%dma_start3A_36, %dma_start3A_37, %dma_start3A_38] : memref<6x128x64xf32, #tpu.memory_space<vmem>> -> memref<1x128x64xf32, #tpu.memory_space<vmem>>
    %dma_start3A_40 = tpu.memref_squeeze %dma_start3A_39 : memref<1x128x64xf32, #tpu.memory_space<vmem>> -> memref<128x64xf32, #tpu.memory_space<vmem>>
    %dma_start3A_41 = arith.constant 0 : i32
    %dma_start3A_42 = tpu.memref_slice %arg6[%dma_start3A_35, %dma_start3A_41] : memref<79x128xi32, #tpu.memory_space<vmem>> -> memref<1x128xi32, #tpu.memory_space<vmem>>
    %dma_start3A_43 = tpu.memref_squeeze %dma_start3A_42 : memref<1x128xi32, #tpu.memory_space<vmem>> -> memref<128xi32, #tpu.memory_space<vmem>>
    %dma_start3A_44 = arith.constant 0 : i32
    %dma_start3A_45 = arith.constant 0 : i32
    %dma_start3A_46 = tpu.memref_slice %arg2[%dma_start3A_44, %dma_start3A_45] : memref<10000x64xf32, #tpu.memory_space<hbm>> -> memref<10000x64xf32, #tpu.memory_space<hbm>>
    tpu.enqueue_indirect_dma source(%dma_start3A_46 : memref<10000x64xf32, #tpu.memory_space<hbm>>) target(%dma_start3A_40 : memref<128x64xf32, #tpu.memory_space<vmem>>) offsets(%dma_start3A_43 : memref<128xi32, #tpu.memory_space<vmem>>) semaphore(%arg12 : memref<!tpu.dma_semaphore, #tpu.memory_space<semaphore_mem>>)
    %dma_start3A_47 = arith.constant 3 : i32
    %dma_start3A_48 = arith.constant 3 : i32
    %dma_start3A_49 = arith.constant 0 : i32
    %dma_start3A_50 = arith.constant 0 : i32
    %dma_start3A_51 = tpu.memref_slice %arg8[%dma_start3A_48, %dma_start3A_49, %dma_start3A_50] : memref<6x128x64xf32, #tpu.memory_space<vmem>> -> memref<1x128x64xf32, #tpu.memory_space<vmem>>
    %dma_start3A_52 = tpu.memref_squeeze %dma_start3A_51 : memref<1x128x64xf32, #tpu.memory_space<vmem>> -> memref<128x64xf32, #tpu.memory_space<vmem>>
    %dma_start3A_53 = arith.constant 0 : i32
    %dma_start3A_54 = tpu.memref_slice %arg6[%dma_start3A_47, %dma_start3A_53] : memref<79x128xi32, #tpu.memory_space<vmem>> -> memref<1x128xi32, #tpu.memory_space<vmem>>
    %dma_start3A_55 = tpu.memref_squeeze %dma_start3A_54 : memref<1x128xi32, #tpu.memory_space<vmem>> -> memref<128xi32, #tpu.memory_space<vmem>>
    %dma_start3A_56 = arith.constant 0 : i32
    %dma_start3A_57 = arith.constant 0 : i32
    %dma_start3A_58 = tpu.memref_slice %arg2[%dma_start3A_56, %dma_start3A_57] : memref<10000x64xf32, #tpu.memory_space<hbm>> -> memref<10000x64xf32, #tpu.memory_space<hbm>>
    tpu.enqueue_indirect_dma source(%dma_start3A_58 : memref<10000x64xf32, #tpu.memory_space<hbm>>) target(%dma_start3A_52 : memref<128x64xf32, #tpu.memory_space<vmem>>) offsets(%dma_start3A_55 : memref<128xi32, #tpu.memory_space<vmem>>) semaphore(%arg13 : memref<!tpu.dma_semaphore, #tpu.memory_space<semaphore_mem>>)
    %dma_start3A_59 = arith.constant 4 : i32
    %dma_start3A_60 = arith.constant 4 : i32
    %dma_start3A_61 = arith.constant 0 : i32
    %dma_start3A_62 = arith.constant 0 : i32
    %dma_start3A_63 = tpu.memref_slice %arg8[%dma_start3A_60, %dma_start3A_61, %dma_start3A_62] : memref<6x128x64xf32, #tpu.memory_space<vmem>> -> memref<1x128x64xf32, #tpu.memory_space<vmem>>
    %dma_start3A_64 = tpu.memref_squeeze %dma_start3A_63 : memref<1x128x64xf32, #tpu.memory_space<vmem>> -> memref<128x64xf32, #tpu.memory_space<vmem>>
    %dma_start3A_65 = arith.constant 0 : i32
    %dma_start3A_66 = tpu.memref_slice %arg6[%dma_start3A_59, %dma_start3A_65] : memref<79x128xi32, #tpu.memory_space<vmem>> -> memref<1x128xi32, #tpu.memory_space<vmem>>
    %dma_start3A_67 = tpu.memref_squeeze %dma_start3A_66 : memref<1x128xi32, #tpu.memory_space<vmem>> -> memref<128xi32, #tpu.memory_space<vmem>>
    %dma_start3A_68 = arith.constant 0 : i32
    %dma_start3A_69 = arith.constant 0 : i32
    %dma_start3A_70 = tpu.memref_slice %arg2[%dma_start3A_68, %dma_start3A_69] : memref<10000x64xf32, #tpu.memory_space<hbm>> -> memref<10000x64xf32, #tpu.memory_space<hbm>>
    tpu.enqueue_indirect_dma source(%dma_start3A_70 : memref<10000x64xf32, #tpu.memory_space<hbm>>) target(%dma_start3A_64 : memref<128x64xf32, #tpu.memory_space<vmem>>) offsets(%dma_start3A_67 : memref<128xi32, #tpu.memory_space<vmem>>) semaphore(%arg14 : memref<!tpu.dma_semaphore, #tpu.memory_space<semaphore_mem>>)
    %dma_start3A_71 = arith.constant 5 : i32
    %dma_start3A_72 = arith.constant 5 : i32
    %dma_start3A_73 = arith.constant 0 : i32
    %dma_start3A_74 = arith.constant 0 : i32
    %dma_start3A_75 = tpu.memref_slice %arg8[%dma_start3A_72, %dma_start3A_73, %dma_start3A_74] : memref<6x128x64xf32, #tpu.memory_space<vmem>> -> memref<1x128x64xf32, #tpu.memory_space<vmem>>
    %dma_start3A_76 = tpu.memref_squeeze %dma_start3A_75 : memref<1x128x64xf32, #tpu.memory_space<vmem>> -> memref<128x64xf32, #tpu.memory_space<vmem>>
    %dma_start3A_77 = arith.constant 0 : i32
    %dma_start3A_78 = tpu.memref_slice %arg6[%dma_start3A_71, %dma_start3A_77] : memref<79x128xi32, #tpu.memory_space<vmem>> -> memref<1x128xi32, #tpu.memory_space<vmem>>
    %dma_start3A_79 = tpu.memref_squeeze %dma_start3A_78 : memref<1x128xi32, #tpu.memory_space<vmem>> -> memref<128xi32, #tpu.memory_space<vmem>>
    %dma_start3A_80 = arith.constant 0 : i32
    %dma_start3A_81 = arith.constant 0 : i32
    %dma_start3A_82 = tpu.memref_slice %arg2[%dma_start3A_80, %dma_start3A_81] : memref<10000x64xf32, #tpu.memory_space<hbm>> -> memref<10000x64xf32, #tpu.memory_space<hbm>>
    tpu.enqueue_indirect_dma source(%dma_start3A_82 : memref<10000x64xf32, #tpu.memory_space<hbm>>) target(%dma_start3A_76 : memref<128x64xf32, #tpu.memory_space<vmem>>) offsets(%dma_start3A_79 : memref<128xi32, #tpu.memory_space<vmem>>) semaphore(%arg15 : memref<!tpu.dma_semaphore, #tpu.memory_space<semaphore_mem>>)
    %scan3A = arith.constant 0 : i32
    %scan3A_83 = arith.constant 0 : i32
    %scan3A_84 = arith.constant 12 : i32
    %scan3A_85 = arith.addi %scan3A_83, %scan3A_84 : i32
    %scan3A_86 = arith.constant 1 : i32
    scf.for %scan3A_318 = %scan3A_83 to %scan3A_85 step %scan3A_86  : i32 {
      %mul3A_319 = arith.constant 6 : i32
      %mul3A_320 = arith.muli %scan3A_318, %mul3A_319 : i32
      %add3A_321 = arith.constant 0 : i32
      %add3A_322 = arith.addi %mul3A_320, %add3A_321 : i32
      %dma_wait3A_323 = arith.constant 0 : i32
      %dma_wait3A_324 = arith.constant 0 : i32
      %dma_wait3A_325 = arith.constant 0 : i32
      %dma_wait3A_326 = tpu.memref_slice %arg8[%dma_wait3A_323, %dma_wait3A_324, %dma_wait3A_325] : memref<6x128x64xf32, #tpu.memory_space<vmem>> -> memref<1x128x64xf32, #tpu.memory_space<vmem>>
      %dma_wait3A_327 = tpu.memref_squeeze %dma_wait3A_326 : memref<1x128x64xf32, #tpu.memory_space<vmem>> -> memref<128x64xf32, #tpu.memory_space<vmem>>
      %dma_wait3A_328 = arith.constant 0 : i32
      %dma_wait3A_329 = tpu.memref_slice %arg6[%add3A_322, %dma_wait3A_328] : memref<79x128xi32, #tpu.memory_space<vmem>> -> memref<1x128xi32, #tpu.memory_space<vmem>>
      %dma_wait3A_330 = tpu.memref_squeeze %dma_wait3A_329 : memref<1x128xi32, #tpu.memory_space<vmem>> -> memref<128xi32, #tpu.memory_space<vmem>>
      %dma_wait3A_331 = arith.constant 0 : i32
      %dma_wait3A_332 = arith.constant 0 : i32
      %dma_wait3A_333 = tpu.memref_slice %arg2[%dma_wait3A_331, %dma_wait3A_332] : memref<10000x64xf32, #tpu.memory_space<hbm>> -> memref<10000x64xf32, #tpu.memory_space<hbm>>
      tpu.wait_indirect_dma semaphore(%arg10 : memref<!tpu.dma_semaphore, #tpu.memory_space<semaphore_mem>>) src(%dma_wait3A_333 : memref<10000x64xf32, #tpu.memory_space<hbm>>) dst(%dma_wait3A_327 : memref<128x64xf32, #tpu.memory_space<vmem>>)
      %add3A_334 = arith.constant 0 : i32
      %add3A_335 = arith.addi %mul3A_320, %add3A_334 : i32
      %dma_start3A_336 = arith.constant 0 : i32
      %dma_start3A_337 = arith.constant 0 : i32
      %dma_start3A_338 = arith.constant 0 : i32
      %dma_start3A_339 = tpu.memref_slice %arg8[%dma_start3A_336, %dma_start3A_337, %dma_start3A_338] : memref<6x128x64xf32, #tpu.memory_space<vmem>> -> memref<1x128x64xf32, #tpu.memory_space<vmem>>
      %dma_start3A_340 = tpu.memref_squeeze %dma_start3A_339 : memref<1x128x64xf32, #tpu.memory_space<vmem>> -> memref<128x64xf32, #tpu.memory_space<vmem>>
      %dma_start3A_341 = arith.constant 0 : i32
      %dma_start3A_342 = tpu.memref_slice %arg7[%add3A_335, %dma_start3A_341] : memref<79x128xi32, #tpu.memory_space<vmem>> -> memref<1x128xi32, #tpu.memory_space<vmem>>
      %dma_start3A_343 = tpu.memref_squeeze %dma_start3A_342 : memref<1x128xi32, #tpu.memory_space<vmem>> -> memref<128xi32, #tpu.memory_space<vmem>>
      %dma_start3A_344 = arith.constant 0 : i32
      %dma_start3A_345 = arith.constant 0 : i32
      %dma_start3A_346 = tpu.memref_slice %arg9[%dma_start3A_344, %dma_start3A_345] : memref<10000x64xf32, #tpu.memory_space<vmem_shared>> -> memref<10000x64xf32, #tpu.memory_space<vmem_shared>>
      tpu.enqueue_indirect_dma source(%dma_start3A_340 : memref<128x64xf32, #tpu.memory_space<vmem>>) target(%dma_start3A_346 : memref<10000x64xf32, #tpu.memory_space<vmem_shared>>) offsets(%dma_start3A_343 : memref<128xi32, #tpu.memory_space<vmem>>) semaphore(%arg16 : memref<!tpu.dma_semaphore, #tpu.memory_space<semaphore_mem>>) {add = true}
      %add3A_347 = arith.constant 1 : i32
      %add3A_348 = arith.addi %mul3A_320, %add3A_347 : i32
      %dma_wait3A_349 = arith.constant 1 : i32
      %dma_wait3A_350 = arith.constant 0 : i32
      %dma_wait3A_351 = arith.constant 0 : i32
      %dma_wait3A_352 = tpu.memref_slice %arg8[%dma_wait3A_349, %dma_wait3A_350, %dma_wait3A_351] : memref<6x128x64xf32, #tpu.memory_space<vmem>> -> memref<1x128x64xf32, #tpu.memory_space<vmem>>
      %dma_wait3A_353 = tpu.memref_squeeze %dma_wait3A_352 : memref<1x128x64xf32, #tpu.memory_space<vmem>> -> memref<128x64xf32, #tpu.memory_space<vmem>>
      %dma_wait3A_354 = arith.constant 0 : i32
      %dma_wait3A_355 = tpu.memref_slice %arg6[%add3A_348, %dma_wait3A_354] : memref<79x128xi32, #tpu.memory_space<vmem>> -> memref<1x128xi32, #tpu.memory_space<vmem>>
      %dma_wait3A_356 = tpu.memref_squeeze %dma_wait3A_355 : memref<1x128xi32, #tpu.memory_space<vmem>> -> memref<128xi32, #tpu.memory_space<vmem>>
      %dma_wait3A_357 = arith.constant 0 : i32
      %dma_wait3A_358 = arith.constant 0 : i32
      %dma_wait3A_359 = tpu.memref_slice %arg2[%dma_wait3A_357, %dma_wait3A_358] : memref<10000x64xf32, #tpu.memory_space<hbm>> -> memref<10000x64xf32, #tpu.memory_space<hbm>>
      tpu.wait_indirect_dma semaphore(%arg11 : memref<!tpu.dma_semaphore, #tpu.memory_space<semaphore_mem>>) src(%dma_wait3A_359 : memref<10000x64xf32, #tpu.memory_space<hbm>>) dst(%dma_wait3A_353 : memref<128x64xf32, #tpu.memory_space<vmem>>)
      %add3A_360 = arith.constant 1 : i32
      %add3A_361 = arith.addi %mul3A_320, %add3A_360 : i32
      %dma_start3A_362 = arith.constant 1 : i32
      %dma_start3A_363 = arith.constant 0 : i32
      %dma_start3A_364 = arith.constant 0 : i32
      %dma_start3A_365 = tpu.memref_slice %arg8[%dma_start3A_362, %dma_start3A_363, %dma_start3A_364] : memref<6x128x64xf32, #tpu.memory_space<vmem>> -> memref<1x128x64xf32, #tpu.memory_space<vmem>>
      %dma_start3A_366 = tpu.memref_squeeze %dma_start3A_365 : memref<1x128x64xf32, #tpu.memory_space<vmem>> -> memref<128x64xf32, #tpu.memory_space<vmem>>
      %dma_start3A_367 = arith.constant 0 : i32
      %dma_start3A_368 = tpu.memref_slice %arg7[%add3A_361, %dma_start3A_367] : memref<79x128xi32, #tpu.memory_space<vmem>> -> memref<1x128xi32, #tpu.memory_space<vmem>>
      %dma_start3A_369 = tpu.memref_squeeze %dma_start3A_368 : memref<1x128xi32, #tpu.memory_space<vmem>> -> memref<128xi32, #tpu.memory_space<vmem>>
      %dma_start3A_370 = arith.constant 0 : i32
      %dma_start3A_371 = arith.constant 0 : i32
      %dma_start3A_372 = tpu.memref_slice %arg9[%dma_start3A_370, %dma_start3A_371] : memref<10000x64xf32, #tpu.memory_space<vmem_shared>> -> memref<10000x64xf32, #tpu.memory_space<vmem_shared>>
      tpu.enqueue_indirect_dma source(%dma_start3A_366 : memref<128x64xf32, #tpu.memory_space<vmem>>) target(%dma_start3A_372 : memref<10000x64xf32, #tpu.memory_space<vmem_shared>>) offsets(%dma_start3A_369 : memref<128xi32, #tpu.memory_space<vmem>>) semaphore(%arg17 : memref<!tpu.dma_semaphore, #tpu.memory_space<semaphore_mem>>) {add = true}
      %add3A_373 = arith.constant 2 : i32
      %add3A_374 = arith.addi %mul3A_320, %add3A_373 : i32
      %dma_wait3A_375 = arith.constant 2 : i32
      %dma_wait3A_376 = arith.constant 0 : i32
      %dma_wait3A_377 = arith.constant 0 : i32
      %dma_wait3A_378 = tpu.memref_slice %arg8[%dma_wait3A_375, %dma_wait3A_376, %dma_wait3A_377] : memref<6x128x64xf32, #tpu.memory_space<vmem>> -> memref<1x128x64xf32, #tpu.memory_space<vmem>>
      %dma_wait3A_379 = tpu.memref_squeeze %dma_wait3A_378 : memref<1x128x64xf32, #tpu.memory_space<vmem>> -> memref<128x64xf32, #tpu.memory_space<vmem>>
      %dma_wait3A_380 = arith.constant 0 : i32
      %dma_wait3A_381 = tpu.memref_slice %arg6[%add3A_374, %dma_wait3A_380] : memref<79x128xi32, #tpu.memory_space<vmem>> -> memref<1x128xi32, #tpu.memory_space<vmem>>
      %dma_wait3A_382 = tpu.memref_squeeze %dma_wait3A_381 : memref<1x128xi32, #tpu.memory_space<vmem>> -> memref<128xi32, #tpu.memory_space<vmem>>
      %dma_wait3A_383 = arith.constant 0 : i32
      %dma_wait3A_384 = arith.constant 0 : i32
      %dma_wait3A_385 = tpu.memref_slice %arg2[%dma_wait3A_383, %dma_wait3A_384] : memref<10000x64xf32, #tpu.memory_space<hbm>> -> memref<10000x64xf32, #tpu.memory_space<hbm>>
      tpu.wait_indirect_dma semaphore(%arg12 : memref<!tpu.dma_semaphore, #tpu.memory_space<semaphore_mem>>) src(%dma_wait3A_385 : memref<10000x64xf32, #tpu.memory_space<hbm>>) dst(%dma_wait3A_379 : memref<128x64xf32, #tpu.memory_space<vmem>>)
      %add3A_386 = arith.constant 2 : i32
      %add3A_387 = arith.addi %mul3A_320, %add3A_386 : i32
      %dma_start3A_388 = arith.constant 2 : i32
      %dma_start3A_389 = arith.constant 0 : i32
      %dma_start3A_390 = arith.constant 0 : i32
      %dma_start3A_391 = tpu.memref_slice %arg8[%dma_start3A_388, %dma_start3A_389, %dma_start3A_390] : memref<6x128x64xf32, #tpu.memory_space<vmem>> -> memref<1x128x64xf32, #tpu.memory_space<vmem>>
      %dma_start3A_392 = tpu.memref_squeeze %dma_start3A_391 : memref<1x128x64xf32, #tpu.memory_space<vmem>> -> memref<128x64xf32, #tpu.memory_space<vmem>>
      %dma_start3A_393 = arith.constant 0 : i32
      %dma_start3A_394 = tpu.memref_slice %arg7[%add3A_387, %dma_start3A_393] : memref<79x128xi32, #tpu.memory_space<vmem>> -> memref<1x128xi32, #tpu.memory_space<vmem>>
      %dma_start3A_395 = tpu.memref_squeeze %dma_start3A_394 : memref<1x128xi32, #tpu.memory_space<vmem>> -> memref<128xi32, #tpu.memory_space<vmem>>
      %dma_start3A_396 = arith.constant 0 : i32
      %dma_start3A_397 = arith.constant 0 : i32
      %dma_start3A_398 = tpu.memref_slice %arg9[%dma_start3A_396, %dma_start3A_397] : memref<10000x64xf32, #tpu.memory_space<vmem_shared>> -> memref<10000x64xf32, #tpu.memory_space<vmem_shared>>
      tpu.enqueue_indirect_dma source(%dma_start3A_392 : memref<128x64xf32, #tpu.memory_space<vmem>>) target(%dma_start3A_398 : memref<10000x64xf32, #tpu.memory_space<vmem_shared>>) offsets(%dma_start3A_395 : memref<128xi32, #tpu.memory_space<vmem>>) semaphore(%arg18 : memref<!tpu.dma_semaphore, #tpu.memory_space<semaphore_mem>>) {add = true}
      %add3A_399 = arith.constant 3 : i32
      %add3A_400 = arith.addi %mul3A_320, %add3A_399 : i32
      %dma_wait3A_401 = arith.constant 3 : i32
      %dma_wait3A_402 = arith.constant 0 : i32
      %dma_wait3A_403 = arith.constant 0 : i32
      %dma_wait3A_404 = tpu.memref_slice %arg8[%dma_wait3A_401, %dma_wait3A_402, %dma_wait3A_403] : memref<6x128x64xf32, #tpu.memory_space<vmem>> -> memref<1x128x64xf32, #tpu.memory_space<vmem>>
      %dma_wait3A_405 = tpu.memref_squeeze %dma_wait3A_404 : memref<1x128x64xf32, #tpu.memory_space<vmem>> -> memref<128x64xf32, #tpu.memory_space<vmem>>
      %dma_wait3A_406 = arith.constant 0 : i32
      %dma_wait3A_407 = tpu.memref_slice %arg6[%add3A_400, %dma_wait3A_406] : memref<79x128xi32, #tpu.memory_space<vmem>> -> memref<1x128xi32, #tpu.memory_space<vmem>>
      %dma_wait3A_408 = tpu.memref_squeeze %dma_wait3A_407 : memref<1x128xi32, #tpu.memory_space<vmem>> -> memref<128xi32, #tpu.memory_space<vmem>>
      %dma_wait3A_409 = arith.constant 0 : i32
      %dma_wait3A_410 = arith.constant 0 : i32
      %dma_wait3A_411 = tpu.memref_slice %arg2[%dma_wait3A_409, %dma_wait3A_410] : memref<10000x64xf32, #tpu.memory_space<hbm>> -> memref<10000x64xf32, #tpu.memory_space<hbm>>
      tpu.wait_indirect_dma semaphore(%arg13 : memref<!tpu.dma_semaphore, #tpu.memory_space<semaphore_mem>>) src(%dma_wait3A_411 : memref<10000x64xf32, #tpu.memory_space<hbm>>) dst(%dma_wait3A_405 : memref<128x64xf32, #tpu.memory_space<vmem>>)
      %add3A_412 = arith.constant 3 : i32
      %add3A_413 = arith.addi %mul3A_320, %add3A_412 : i32
      %dma_start3A_414 = arith.constant 3 : i32
      %dma_start3A_415 = arith.constant 0 : i32
      %dma_start3A_416 = arith.constant 0 : i32
      %dma_start3A_417 = tpu.memref_slice %arg8[%dma_start3A_414, %dma_start3A_415, %dma_start3A_416] : memref<6x128x64xf32, #tpu.memory_space<vmem>> -> memref<1x128x64xf32, #tpu.memory_space<vmem>>
      %dma_start3A_418 = tpu.memref_squeeze %dma_start3A_417 : memref<1x128x64xf32, #tpu.memory_space<vmem>> -> memref<128x64xf32, #tpu.memory_space<vmem>>
      %dma_start3A_419 = arith.constant 0 : i32
      %dma_start3A_420 = tpu.memref_slice %arg7[%add3A_413, %dma_start3A_419] : memref<79x128xi32, #tpu.memory_space<vmem>> -> memref<1x128xi32, #tpu.memory_space<vmem>>
      %dma_start3A_421 = tpu.memref_squeeze %dma_start3A_420 : memref<1x128xi32, #tpu.memory_space<vmem>> -> memref<128xi32, #tpu.memory_space<vmem>>
      %dma_start3A_422 = arith.constant 0 : i32
      %dma_start3A_423 = arith.constant 0 : i32
      %dma_start3A_424 = tpu.memref_slice %arg9[%dma_start3A_422, %dma_start3A_423] : memref<10000x64xf32, #tpu.memory_space<vmem_shared>> -> memref<10000x64xf32, #tpu.memory_space<vmem_shared>>
      tpu.enqueue_indirect_dma source(%dma_start3A_418 : memref<128x64xf32, #tpu.memory_space<vmem>>) target(%dma_start3A_424 : memref<10000x64xf32, #tpu.memory_space<vmem_shared>>) offsets(%dma_start3A_421 : memref<128xi32, #tpu.memory_space<vmem>>) semaphore(%arg19 : memref<!tpu.dma_semaphore, #tpu.memory_space<semaphore_mem>>) {add = true}
      %add3A_425 = arith.constant 4 : i32
      %add3A_426 = arith.addi %mul3A_320, %add3A_425 : i32
      %dma_wait3A_427 = arith.constant 4 : i32
      %dma_wait3A_428 = arith.constant 0 : i32
      %dma_wait3A_429 = arith.constant 0 : i32
      %dma_wait3A_430 = tpu.memref_slice %arg8[%dma_wait3A_427, %dma_wait3A_428, %dma_wait3A_429] : memref<6x128x64xf32, #tpu.memory_space<vmem>> -> memref<1x128x64xf32, #tpu.memory_space<vmem>>
      %dma_wait3A_431 = tpu.memref_squeeze %dma_wait3A_430 : memref<1x128x64xf32, #tpu.memory_space<vmem>> -> memref<128x64xf32, #tpu.memory_space<vmem>>
      %dma_wait3A_432 = arith.constant 0 : i32
      %dma_wait3A_433 = tpu.memref_slice %arg6[%add3A_426, %dma_wait3A_432] : memref<79x128xi32, #tpu.memory_space<vmem>> -> memref<1x128xi32, #tpu.memory_space<vmem>>
      %dma_wait3A_434 = tpu.memref_squeeze %dma_wait3A_433 : memref<1x128xi32, #tpu.memory_space<vmem>> -> memref<128xi32, #tpu.memory_space<vmem>>
      %dma_wait3A_435 = arith.constant 0 : i32
      %dma_wait3A_436 = arith.constant 0 : i32
      %dma_wait3A_437 = tpu.memref_slice %arg2[%dma_wait3A_435, %dma_wait3A_436] : memref<10000x64xf32, #tpu.memory_space<hbm>> -> memref<10000x64xf32, #tpu.memory_space<hbm>>
      tpu.wait_indirect_dma semaphore(%arg14 : memref<!tpu.dma_semaphore, #tpu.memory_space<semaphore_mem>>) src(%dma_wait3A_437 : memref<10000x64xf32, #tpu.memory_space<hbm>>) dst(%dma_wait3A_431 : memref<128x64xf32, #tpu.memory_space<vmem>>)
      %add3A_438 = arith.constant 4 : i32
      %add3A_439 = arith.addi %mul3A_320, %add3A_438 : i32
      %dma_start3A_440 = arith.constant 4 : i32
      %dma_start3A_441 = arith.constant 0 : i32
      %dma_start3A_442 = arith.constant 0 : i32
      %dma_start3A_443 = tpu.memref_slice %arg8[%dma_start3A_440, %dma_start3A_441, %dma_start3A_442] : memref<6x128x64xf32, #tpu.memory_space<vmem>> -> memref<1x128x64xf32, #tpu.memory_space<vmem>>
      %dma_start3A_444 = tpu.memref_squeeze %dma_start3A_443 : memref<1x128x64xf32, #tpu.memory_space<vmem>> -> memref<128x64xf32, #tpu.memory_space<vmem>>
      %dma_start3A_445 = arith.constant 0 : i32
      %dma_start3A_446 = tpu.memref_slice %arg7[%add3A_439, %dma_start3A_445] : memref<79x128xi32, #tpu.memory_space<vmem>> -> memref<1x128xi32, #tpu.memory_space<vmem>>
      %dma_start3A_447 = tpu.memref_squeeze %dma_start3A_446 : memref<1x128xi32, #tpu.memory_space<vmem>> -> memref<128xi32, #tpu.memory_space<vmem>>
      %dma_start3A_448 = arith.constant 0 : i32
      %dma_start3A_449 = arith.constant 0 : i32
      %dma_start3A_450 = tpu.memref_slice %arg9[%dma_start3A_448, %dma_start3A_449] : memref<10000x64xf32, #tpu.memory_space<vmem_shared>> -> memref<10000x64xf32, #tpu.memory_space<vmem_shared>>
      tpu.enqueue_indirect_dma source(%dma_start3A_444 : memref<128x64xf32, #tpu.memory_space<vmem>>) target(%dma_start3A_450 : memref<10000x64xf32, #tpu.memory_space<vmem_shared>>) offsets(%dma_start3A_447 : memref<128xi32, #tpu.memory_space<vmem>>) semaphore(%arg20 : memref<!tpu.dma_semaphore, #tpu.memory_space<semaphore_mem>>) {add = true}
      %add3A_451 = arith.constant 5 : i32
      %add3A_452 = arith.addi %mul3A_320, %add3A_451 : i32
      %dma_wait3A_453 = arith.constant 5 : i32
      %dma_wait3A_454 = arith.constant 0 : i32
      %dma_wait3A_455 = arith.constant 0 : i32
      %dma_wait3A_456 = tpu.memref_slice %arg8[%dma_wait3A_453, %dma_wait3A_454, %dma_wait3A_455] : memref<6x128x64xf32, #tpu.memory_space<vmem>> -> memref<1x128x64xf32, #tpu.memory_space<vmem>>
      %dma_wait3A_457 = tpu.memref_squeeze %dma_wait3A_456 : memref<1x128x64xf32, #tpu.memory_space<vmem>> -> memref<128x64xf32, #tpu.memory_space<vmem>>
      %dma_wait3A_458 = arith.constant 0 : i32
      %dma_wait3A_459 = tpu.memref_slice %arg6[%add3A_452, %dma_wait3A_458] : memref<79x128xi32, #tpu.memory_space<vmem>> -> memref<1x128xi32, #tpu.memory_space<vmem>>
      %dma_wait3A_460 = tpu.memref_squeeze %dma_wait3A_459 : memref<1x128xi32, #tpu.memory_space<vmem>> -> memref<128xi32, #tpu.memory_space<vmem>>
      %dma_wait3A_461 = arith.constant 0 : i32
      %dma_wait3A_462 = arith.constant 0 : i32
      %dma_wait3A_463 = tpu.memref_slice %arg2[%dma_wait3A_461, %dma_wait3A_462] : memref<10000x64xf32, #tpu.memory_space<hbm>> -> memref<10000x64xf32, #tpu.memory_space<hbm>>
      tpu.wait_indirect_dma semaphore(%arg15 : memref<!tpu.dma_semaphore, #tpu.memory_space<semaphore_mem>>) src(%dma_wait3A_463 : memref<10000x64xf32, #tpu.memory_space<hbm>>) dst(%dma_wait3A_457 : memref<128x64xf32, #tpu.memory_space<vmem>>)
      %add3A_464 = arith.constant 5 : i32
      %add3A_465 = arith.addi %mul3A_320, %add3A_464 : i32
      %dma_start3A_466 = arith.constant 5 : i32
      %dma_start3A_467 = arith.constant 0 : i32
      %dma_start3A_468 = arith.constant 0 : i32
      %dma_start3A_469 = tpu.memref_slice %arg8[%dma_start3A_466, %dma_start3A_467, %dma_start3A_468] : memref<6x128x64xf32, #tpu.memory_space<vmem>> -> memref<1x128x64xf32, #tpu.memory_space<vmem>>
      %dma_start3A_470 = tpu.memref_squeeze %dma_start3A_469 : memref<1x128x64xf32, #tpu.memory_space<vmem>> -> memref<128x64xf32, #tpu.memory_space<vmem>>
      %dma_start3A_471 = arith.constant 0 : i32
      %dma_start3A_472 = tpu.memref_slice %arg7[%add3A_465, %dma_start3A_471] : memref<79x128xi32, #tpu.memory_space<vmem>> -> memref<1x128xi32, #tpu.memory_space<vmem>>
      %dma_start3A_473 = tpu.memref_squeeze %dma_start3A_472 : memref<1x128xi32, #tpu.memory_space<vmem>> -> memref<128xi32, #tpu.memory_space<vmem>>
      %dma_start3A_474 = arith.constant 0 : i32
      %dma_start3A_475 = arith.constant 0 : i32
      %dma_start3A_476 = tpu.memref_slice %arg9[%dma_start3A_474, %dma_start3A_475] : memref<10000x64xf32, #tpu.memory_space<vmem_shared>> -> memref<10000x64xf32, #tpu.memory_space<vmem_shared>>
      tpu.enqueue_indirect_dma source(%dma_start3A_470 : memref<128x64xf32, #tpu.memory_space<vmem>>) target(%dma_start3A_476 : memref<10000x64xf32, #tpu.memory_space<vmem_shared>>) offsets(%dma_start3A_473 : memref<128xi32, #tpu.memory_space<vmem>>) semaphore(%arg21 : memref<!tpu.dma_semaphore, #tpu.memory_space<semaphore_mem>>) {add = true}
      %add3A_477 = arith.constant 0 : i32
      %add3A_478 = arith.addi %mul3A_320, %add3A_477 : i32
      %dma_wait3A_479 = arith.constant 0 : i32
      %dma_wait3A_480 = arith.constant 0 : i32
      %dma_wait3A_481 = arith.constant 0 : i32
      %dma_wait3A_482 = tpu.memref_slice %arg8[%dma_wait3A_479, %dma_wait3A_480, %dma_wait3A_481] : memref<6x128x64xf32, #tpu.memory_space<vmem>> -> memref<1x128x64xf32, #tpu.memory_space<vmem>>
      %dma_wait3A_483 = tpu.memref_squeeze %dma_wait3A_482 : memref<1x128x64xf32, #tpu.memory_space<vmem>> -> memref<128x64xf32, #tpu.memory_space<vmem>>
      %dma_wait3A_484 = arith.constant 0 : i32
      %dma_wait3A_485 = tpu.memref_slice %arg7[%add3A_478, %dma_wait3A_484] : memref<79x128xi32, #tpu.memory_space<vmem>> -> memref<1x128xi32, #tpu.memory_space<vmem>>
      %dma_wait3A_486 = tpu.memref_squeeze %dma_wait3A_485 : memref<1x128xi32, #tpu.memory_space<vmem>> -> memref<128xi32, #tpu.memory_space<vmem>>
      %dma_wait3A_487 = arith.constant 0 : i32
      %dma_wait3A_488 = arith.constant 0 : i32
      %dma_wait3A_489 = tpu.memref_slice %arg9[%dma_wait3A_487, %dma_wait3A_488] : memref<10000x64xf32, #tpu.memory_space<vmem_shared>> -> memref<10000x64xf32, #tpu.memory_space<vmem_shared>>
      tpu.wait_indirect_dma semaphore(%arg16 : memref<!tpu.dma_semaphore, #tpu.memory_space<semaphore_mem>>) src(%dma_wait3A_483 : memref<128x64xf32, #tpu.memory_space<vmem>>) dst(%dma_wait3A_489 : memref<10000x64xf32, #tpu.memory_space<vmem_shared>>)
      %add3A_490 = arith.constant 6 : i32
      %add3A_491 = arith.addi %mul3A_320, %add3A_490 : i32
      %add3A_492 = arith.constant 0 : i32
      %add3A_493 = arith.addi %add3A_491, %add3A_492 : i32
      %dma_start3A_494 = arith.constant 0 : i32
      %dma_start3A_495 = arith.constant 0 : i32
      %dma_start3A_496 = arith.constant 0 : i32
      %dma_start3A_497 = tpu.memref_slice %arg8[%dma_start3A_494, %dma_start3A_495, %dma_start3A_496] : memref<6x128x64xf32, #tpu.memory_space<vmem>> -> memref<1x128x64xf32, #tpu.memory_space<vmem>>
      %dma_start3A_498 = tpu.memref_squeeze %dma_start3A_497 : memref<1x128x64xf32, #tpu.memory_space<vmem>> -> memref<128x64xf32, #tpu.memory_space<vmem>>
      %dma_start3A_499 = arith.constant 0 : i32
      %dma_start3A_500 = tpu.memref_slice %arg6[%add3A_493, %dma_start3A_499] : memref<79x128xi32, #tpu.memory_space<vmem>> -> memref<1x128xi32, #tpu.memory_space<vmem>>
      %dma_start3A_501 = tpu.memref_squeeze %dma_start3A_500 : memref<1x128xi32, #tpu.memory_space<vmem>> -> memref<128xi32, #tpu.memory_space<vmem>>
      %dma_start3A_502 = arith.constant 0 : i32
      %dma_start3A_503 = arith.constant 0 : i32
      %dma_start3A_504 = tpu.memref_slice %arg2[%dma_start3A_502, %dma_start3A_503] : memref<10000x64xf32, #tpu.memory_space<hbm>> -> memref<10000x64xf32, #tpu.memory_space<hbm>>
      tpu.enqueue_indirect_dma source(%dma_start3A_504 : memref<10000x64xf32, #tpu.memory_space<hbm>>) target(%dma_start3A_498 : memref<128x64xf32, #tpu.memory_space<vmem>>) offsets(%dma_start3A_501 : memref<128xi32, #tpu.memory_space<vmem>>) semaphore(%arg10 : memref<!tpu.dma_semaphore, #tpu.memory_space<semaphore_mem>>)
      %add3A_505 = arith.constant 1 : i32
      %add3A_506 = arith.addi %mul3A_320, %add3A_505 : i32
      %dma_wait3A_507 = arith.constant 1 : i32
      %dma_wait3A_508 = arith.constant 0 : i32
      %dma_wait3A_509 = arith.constant 0 : i32
      %dma_wait3A_510 = tpu.memref_slice %arg8[%dma_wait3A_507, %dma_wait3A_508, %dma_wait3A_509] : memref<6x128x64xf32, #tpu.memory_space<vmem>> -> memref<1x128x64xf32, #tpu.memory_space<vmem>>
      %dma_wait3A_511 = tpu.memref_squeeze %dma_wait3A_510 : memref<1x128x64xf32, #tpu.memory_space<vmem>> -> memref<128x64xf32, #tpu.memory_space<vmem>>
      %dma_wait3A_512 = arith.constant 0 : i32
      %dma_wait3A_513 = tpu.memref_slice %arg7[%add3A_506, %dma_wait3A_512] : memref<79x128xi32, #tpu.memory_space<vmem>> -> memref<1x128xi32, #tpu.memory_space<vmem>>
      %dma_wait3A_514 = tpu.memref_squeeze %dma_wait3A_513 : memref<1x128xi32, #tpu.memory_space<vmem>> -> memref<128xi32, #tpu.memory_space<vmem>>
      %dma_wait3A_515 = arith.constant 0 : i32
      %dma_wait3A_516 = arith.constant 0 : i32
      %dma_wait3A_517 = tpu.memref_slice %arg9[%dma_wait3A_515, %dma_wait3A_516] : memref<10000x64xf32, #tpu.memory_space<vmem_shared>> -> memref<10000x64xf32, #tpu.memory_space<vmem_shared>>
      tpu.wait_indirect_dma semaphore(%arg17 : memref<!tpu.dma_semaphore, #tpu.memory_space<semaphore_mem>>) src(%dma_wait3A_511 : memref<128x64xf32, #tpu.memory_space<vmem>>) dst(%dma_wait3A_517 : memref<10000x64xf32, #tpu.memory_space<vmem_shared>>)
      %add3A_518 = arith.constant 6 : i32
      %add3A_519 = arith.addi %mul3A_320, %add3A_518 : i32
      %add3A_520 = arith.constant 1 : i32
      %add3A_521 = arith.addi %add3A_519, %add3A_520 : i32
      %dma_start3A_522 = arith.constant 1 : i32
      %dma_start3A_523 = arith.constant 0 : i32
      %dma_start3A_524 = arith.constant 0 : i32
      %dma_start3A_525 = tpu.memref_slice %arg8[%dma_start3A_522, %dma_start3A_523, %dma_start3A_524] : memref<6x128x64xf32, #tpu.memory_space<vmem>> -> memref<1x128x64xf32, #tpu.memory_space<vmem>>
      %dma_start3A_526 = tpu.memref_squeeze %dma_start3A_525 : memref<1x128x64xf32, #tpu.memory_space<vmem>> -> memref<128x64xf32, #tpu.memory_space<vmem>>
      %dma_start3A_527 = arith.constant 0 : i32
      %dma_start3A_528 = tpu.memref_slice %arg6[%add3A_521, %dma_start3A_527] : memref<79x128xi32, #tpu.memory_space<vmem>> -> memref<1x128xi32, #tpu.memory_space<vmem>>
      %dma_start3A_529 = tpu.memref_squeeze %dma_start3A_528 : memref<1x128xi32, #tpu.memory_space<vmem>> -> memref<128xi32, #tpu.memory_space<vmem>>
      %dma_start3A_530 = arith.constant 0 : i32
      %dma_start3A_531 = arith.constant 0 : i32
      %dma_start3A_532 = tpu.memref_slice %arg2[%dma_start3A_530, %dma_start3A_531] : memref<10000x64xf32, #tpu.memory_space<hbm>> -> memref<10000x64xf32, #tpu.memory_space<hbm>>
      tpu.enqueue_indirect_dma source(%dma_start3A_532 : memref<10000x64xf32, #tpu.memory_space<hbm>>) target(%dma_start3A_526 : memref<128x64xf32, #tpu.memory_space<vmem>>) offsets(%dma_start3A_529 : memref<128xi32, #tpu.memory_space<vmem>>) semaphore(%arg11 : memref<!tpu.dma_semaphore, #tpu.memory_space<semaphore_mem>>)
      %add3A_533 = arith.constant 2 : i32
      %add3A_534 = arith.addi %mul3A_320, %add3A_533 : i32
      %dma_wait3A_535 = arith.constant 2 : i32
      %dma_wait3A_536 = arith.constant 0 : i32
      %dma_wait3A_537 = arith.constant 0 : i32
      %dma_wait3A_538 = tpu.memref_slice %arg8[%dma_wait3A_535, %dma_wait3A_536, %dma_wait3A_537] : memref<6x128x64xf32, #tpu.memory_space<vmem>> -> memref<1x128x64xf32, #tpu.memory_space<vmem>>
      %dma_wait3A_539 = tpu.memref_squeeze %dma_wait3A_538 : memref<1x128x64xf32, #tpu.memory_space<vmem>> -> memref<128x64xf32, #tpu.memory_space<vmem>>
      %dma_wait3A_540 = arith.constant 0 : i32
      %dma_wait3A_541 = tpu.memref_slice %arg7[%add3A_534, %dma_wait3A_540] : memref<79x128xi32, #tpu.memory_space<vmem>> -> memref<1x128xi32, #tpu.memory_space<vmem>>
      %dma_wait3A_542 = tpu.memref_squeeze %dma_wait3A_541 : memref<1x128xi32, #tpu.memory_space<vmem>> -> memref<128xi32, #tpu.memory_space<vmem>>
      %dma_wait3A_543 = arith.constant 0 : i32
      %dma_wait3A_544 = arith.constant 0 : i32
      %dma_wait3A_545 = tpu.memref_slice %arg9[%dma_wait3A_543, %dma_wait3A_544] : memref<10000x64xf32, #tpu.memory_space<vmem_shared>> -> memref<10000x64xf32, #tpu.memory_space<vmem_shared>>
      tpu.wait_indirect_dma semaphore(%arg18 : memref<!tpu.dma_semaphore, #tpu.memory_space<semaphore_mem>>) src(%dma_wait3A_539 : memref<128x64xf32, #tpu.memory_space<vmem>>) dst(%dma_wait3A_545 : memref<10000x64xf32, #tpu.memory_space<vmem_shared>>)
      %add3A_546 = arith.constant 6 : i32
      %add3A_547 = arith.addi %mul3A_320, %add3A_546 : i32
      %add3A_548 = arith.constant 2 : i32
      %add3A_549 = arith.addi %add3A_547, %add3A_548 : i32
      %dma_start3A_550 = arith.constant 2 : i32
      %dma_start3A_551 = arith.constant 0 : i32
      %dma_start3A_552 = arith.constant 0 : i32
      %dma_start3A_553 = tpu.memref_slice %arg8[%dma_start3A_550, %dma_start3A_551, %dma_start3A_552] : memref<6x128x64xf32, #tpu.memory_space<vmem>> -> memref<1x128x64xf32, #tpu.memory_space<vmem>>
      %dma_start3A_554 = tpu.memref_squeeze %dma_start3A_553 : memref<1x128x64xf32, #tpu.memory_space<vmem>> -> memref<128x64xf32, #tpu.memory_space<vmem>>
      %dma_start3A_555 = arith.constant 0 : i32
      %dma_start3A_556 = tpu.memref_slice %arg6[%add3A_549, %dma_start3A_555] : memref<79x128xi32, #tpu.memory_space<vmem>> -> memref<1x128xi32, #tpu.memory_space<vmem>>
      %dma_start3A_557 = tpu.memref_squeeze %dma_start3A_556 : memref<1x128xi32, #tpu.memory_space<vmem>> -> memref<128xi32, #tpu.memory_space<vmem>>
      %dma_start3A_558 = arith.constant 0 : i32
      %dma_start3A_559 = arith.constant 0 : i32
      %dma_start3A_560 = tpu.memref_slice %arg2[%dma_start3A_558, %dma_start3A_559] : memref<10000x64xf32, #tpu.memory_space<hbm>> -> memref<10000x64xf32, #tpu.memory_space<hbm>>
      tpu.enqueue_indirect_dma source(%dma_start3A_560 : memref<10000x64xf32, #tpu.memory_space<hbm>>) target(%dma_start3A_554 : memref<128x64xf32, #tpu.memory_space<vmem>>) offsets(%dma_start3A_557 : memref<128xi32, #tpu.memory_space<vmem>>) semaphore(%arg12 : memref<!tpu.dma_semaphore, #tpu.memory_space<semaphore_mem>>)
      %add3A_561 = arith.constant 3 : i32
      %add3A_562 = arith.addi %mul3A_320, %add3A_561 : i32
      %dma_wait3A_563 = arith.constant 3 : i32
      %dma_wait3A_564 = arith.constant 0 : i32
      %dma_wait3A_565 = arith.constant 0 : i32
      %dma_wait3A_566 = tpu.memref_slice %arg8[%dma_wait3A_563, %dma_wait3A_564, %dma_wait3A_565] : memref<6x128x64xf32, #tpu.memory_space<vmem>> -> memref<1x128x64xf32, #tpu.memory_space<vmem>>
      %dma_wait3A_567 = tpu.memref_squeeze %dma_wait3A_566 : memref<1x128x64xf32, #tpu.memory_space<vmem>> -> memref<128x64xf32, #tpu.memory_space<vmem>>
      %dma_wait3A_568 = arith.constant 0 : i32
      %dma_wait3A_569 = tpu.memref_slice %arg7[%add3A_562, %dma_wait3A_568] : memref<79x128xi32, #tpu.memory_space<vmem>> -> memref<1x128xi32, #tpu.memory_space<vmem>>
      %dma_wait3A_570 = tpu.memref_squeeze %dma_wait3A_569 : memref<1x128xi32, #tpu.memory_space<vmem>> -> memref<128xi32, #tpu.memory_space<vmem>>
      %dma_wait3A_571 = arith.constant 0 : i32
      %dma_wait3A_572 = arith.constant 0 : i32
      %dma_wait3A_573 = tpu.memref_slice %arg9[%dma_wait3A_571, %dma_wait3A_572] : memref<10000x64xf32, #tpu.memory_space<vmem_shared>> -> memref<10000x64xf32, #tpu.memory_space<vmem_shared>>
      tpu.wait_indirect_dma semaphore(%arg19 : memref<!tpu.dma_semaphore, #tpu.memory_space<semaphore_mem>>) src(%dma_wait3A_567 : memref<128x64xf32, #tpu.memory_space<vmem>>) dst(%dma_wait3A_573 : memref<10000x64xf32, #tpu.memory_space<vmem_shared>>)
      %add3A_574 = arith.constant 6 : i32
      %add3A_575 = arith.addi %mul3A_320, %add3A_574 : i32
      %add3A_576 = arith.constant 3 : i32
      %add3A_577 = arith.addi %add3A_575, %add3A_576 : i32
      %dma_start3A_578 = arith.constant 3 : i32
      %dma_start3A_579 = arith.constant 0 : i32
      %dma_start3A_580 = arith.constant 0 : i32
      %dma_start3A_581 = tpu.memref_slice %arg8[%dma_start3A_578, %dma_start3A_579, %dma_start3A_580] : memref<6x128x64xf32, #tpu.memory_space<vmem>> -> memref<1x128x64xf32, #tpu.memory_space<vmem>>
      %dma_start3A_582 = tpu.memref_squeeze %dma_start3A_581 : memref<1x128x64xf32, #tpu.memory_space<vmem>> -> memref<128x64xf32, #tpu.memory_space<vmem>>
      %dma_start3A_583 = arith.constant 0 : i32
      %dma_start3A_584 = tpu.memref_slice %arg6[%add3A_577, %dma_start3A_583] : memref<79x128xi32, #tpu.memory_space<vmem>> -> memref<1x128xi32, #tpu.memory_space<vmem>>
      %dma_start3A_585 = tpu.memref_squeeze %dma_start3A_584 : memref<1x128xi32, #tpu.memory_space<vmem>> -> memref<128xi32, #tpu.memory_space<vmem>>
      %dma_start3A_586 = arith.constant 0 : i32
      %dma_start3A_587 = arith.constant 0 : i32
      %dma_start3A_588 = tpu.memref_slice %arg2[%dma_start3A_586, %dma_start3A_587] : memref<10000x64xf32, #tpu.memory_space<hbm>> -> memref<10000x64xf32, #tpu.memory_space<hbm>>
      tpu.enqueue_indirect_dma source(%dma_start3A_588 : memref<10000x64xf32, #tpu.memory_space<hbm>>) target(%dma_start3A_582 : memref<128x64xf32, #tpu.memory_space<vmem>>) offsets(%dma_start3A_585 : memref<128xi32, #tpu.memory_space<vmem>>) semaphore(%arg13 : memref<!tpu.dma_semaphore, #tpu.memory_space<semaphore_mem>>)
      %add3A_589 = arith.constant 4 : i32
      %add3A_590 = arith.addi %mul3A_320, %add3A_589 : i32
      %dma_wait3A_591 = arith.constant 4 : i32
      %dma_wait3A_592 = arith.constant 0 : i32
      %dma_wait3A_593 = arith.constant 0 : i32
      %dma_wait3A_594 = tpu.memref_slice %arg8[%dma_wait3A_591, %dma_wait3A_592, %dma_wait3A_593] : memref<6x128x64xf32, #tpu.memory_space<vmem>> -> memref<1x128x64xf32, #tpu.memory_space<vmem>>
      %dma_wait3A_595 = tpu.memref_squeeze %dma_wait3A_594 : memref<1x128x64xf32, #tpu.memory_space<vmem>> -> memref<128x64xf32, #tpu.memory_space<vmem>>
      %dma_wait3A_596 = arith.constant 0 : i32
      %dma_wait3A_597 = tpu.memref_slice %arg7[%add3A_590, %dma_wait3A_596] : memref<79x128xi32, #tpu.memory_space<vmem>> -> memref<1x128xi32, #tpu.memory_space<vmem>>
      %dma_wait3A_598 = tpu.memref_squeeze %dma_wait3A_597 : memref<1x128xi32, #tpu.memory_space<vmem>> -> memref<128xi32, #tpu.memory_space<vmem>>
      %dma_wait3A_599 = arith.constant 0 : i32
      %dma_wait3A_600 = arith.constant 0 : i32
      %dma_wait3A_601 = tpu.memref_slice %arg9[%dma_wait3A_599, %dma_wait3A_600] : memref<10000x64xf32, #tpu.memory_space<vmem_shared>> -> memref<10000x64xf32, #tpu.memory_space<vmem_shared>>
      tpu.wait_indirect_dma semaphore(%arg20 : memref<!tpu.dma_semaphore, #tpu.memory_space<semaphore_mem>>) src(%dma_wait3A_595 : memref<128x64xf32, #tpu.memory_space<vmem>>) dst(%dma_wait3A_601 : memref<10000x64xf32, #tpu.memory_space<vmem_shared>>)
      %add3A_602 = arith.constant 6 : i32
      %add3A_603 = arith.addi %mul3A_320, %add3A_602 : i32
      %add3A_604 = arith.constant 4 : i32
      %add3A_605 = arith.addi %add3A_603, %add3A_604 : i32
      %dma_start3A_606 = arith.constant 4 : i32
      %dma_start3A_607 = arith.constant 0 : i32
      %dma_start3A_608 = arith.constant 0 : i32
      %dma_start3A_609 = tpu.memref_slice %arg8[%dma_start3A_606, %dma_start3A_607, %dma_start3A_608] : memref<6x128x64xf32, #tpu.memory_space<vmem>> -> memref<1x128x64xf32, #tpu.memory_space<vmem>>
      %dma_start3A_610 = tpu.memref_squeeze %dma_start3A_609 : memref<1x128x64xf32, #tpu.memory_space<vmem>> -> memref<128x64xf32, #tpu.memory_space<vmem>>
      %dma_start3A_611 = arith.constant 0 : i32
      %dma_start3A_612 = tpu.memref_slice %arg6[%add3A_605, %dma_start3A_611] : memref<79x128xi32, #tpu.memory_space<vmem>> -> memref<1x128xi32, #tpu.memory_space<vmem>>
      %dma_start3A_613 = tpu.memref_squeeze %dma_start3A_612 : memref<1x128xi32, #tpu.memory_space<vmem>> -> memref<128xi32, #tpu.memory_space<vmem>>
      %dma_start3A_614 = arith.constant 0 : i32
      %dma_start3A_615 = arith.constant 0 : i32
      %dma_start3A_616 = tpu.memref_slice %arg2[%dma_start3A_614, %dma_start3A_615] : memref<10000x64xf32, #tpu.memory_space<hbm>> -> memref<10000x64xf32, #tpu.memory_space<hbm>>
      tpu.enqueue_indirect_dma source(%dma_start3A_616 : memref<10000x64xf32, #tpu.memory_space<hbm>>) target(%dma_start3A_610 : memref<128x64xf32, #tpu.memory_space<vmem>>) offsets(%dma_start3A_613 : memref<128xi32, #tpu.memory_space<vmem>>) semaphore(%arg14 : memref<!tpu.dma_semaphore, #tpu.memory_space<semaphore_mem>>)
      %add3A_617 = arith.constant 5 : i32
      %add3A_618 = arith.addi %mul3A_320, %add3A_617 : i32
      %dma_wait3A_619 = arith.constant 5 : i32
      %dma_wait3A_620 = arith.constant 0 : i32
      %dma_wait3A_621 = arith.constant 0 : i32
      %dma_wait3A_622 = tpu.memref_slice %arg8[%dma_wait3A_619, %dma_wait3A_620, %dma_wait3A_621] : memref<6x128x64xf32, #tpu.memory_space<vmem>> -> memref<1x128x64xf32, #tpu.memory_space<vmem>>
      %dma_wait3A_623 = tpu.memref_squeeze %dma_wait3A_622 : memref<1x128x64xf32, #tpu.memory_space<vmem>> -> memref<128x64xf32, #tpu.memory_space<vmem>>
      %dma_wait3A_624 = arith.constant 0 : i32
      %dma_wait3A_625 = tpu.memref_slice %arg7[%add3A_618, %dma_wait3A_624] : memref<79x128xi32, #tpu.memory_space<vmem>> -> memref<1x128xi32, #tpu.memory_space<vmem>>
      %dma_wait3A_626 = tpu.memref_squeeze %dma_wait3A_625 : memref<1x128xi32, #tpu.memory_space<vmem>> -> memref<128xi32, #tpu.memory_space<vmem>>
      %dma_wait3A_627 = arith.constant 0 : i32
      %dma_wait3A_628 = arith.constant 0 : i32
      %dma_wait3A_629 = tpu.memref_slice %arg9[%dma_wait3A_627, %dma_wait3A_628] : memref<10000x64xf32, #tpu.memory_space<vmem_shared>> -> memref<10000x64xf32, #tpu.memory_space<vmem_shared>>
      tpu.wait_indirect_dma semaphore(%arg21 : memref<!tpu.dma_semaphore, #tpu.memory_space<semaphore_mem>>) src(%dma_wait3A_623 : memref<128x64xf32, #tpu.memory_space<vmem>>) dst(%dma_wait3A_629 : memref<10000x64xf32, #tpu.memory_space<vmem_shared>>)
      %add3A_630 = arith.constant 6 : i32
      %add3A_631 = arith.addi %mul3A_320, %add3A_630 : i32
      %add3A_632 = arith.constant 5 : i32
      %add3A_633 = arith.addi %add3A_631, %add3A_632 : i32
      %dma_start3A_634 = arith.constant 5 : i32
      %dma_start3A_635 = arith.constant 0 : i32
      %dma_start3A_636 = arith.constant 0 : i32
      %dma_start3A_637 = tpu.memref_slice %arg8[%dma_start3A_634, %dma_start3A_635, %dma_start3A_636] : memref<6x128x64xf32, #tpu.memory_space<vmem>> -> memref<1x128x64xf32, #tpu.memory_space<vmem>>
      %dma_start3A_638 = tpu.memref_squeeze %dma_start3A_637 : memref<1x128x64xf32, #tpu.memory_space<vmem>> -> memref<128x64xf32, #tpu.memory_space<vmem>>
      %dma_start3A_639 = arith.constant 0 : i32
      %dma_start3A_640 = tpu.memref_slice %arg6[%add3A_633, %dma_start3A_639] : memref<79x128xi32, #tpu.memory_space<vmem>> -> memref<1x128xi32, #tpu.memory_space<vmem>>
      %dma_start3A_641 = tpu.memref_squeeze %dma_start3A_640 : memref<1x128xi32, #tpu.memory_space<vmem>> -> memref<128xi32, #tpu.memory_space<vmem>>
      %dma_start3A_642 = arith.constant 0 : i32
      %dma_start3A_643 = arith.constant 0 : i32
      %dma_start3A_644 = tpu.memref_slice %arg2[%dma_start3A_642, %dma_start3A_643] : memref<10000x64xf32, #tpu.memory_space<hbm>> -> memref<10000x64xf32, #tpu.memory_space<hbm>>
      tpu.enqueue_indirect_dma source(%dma_start3A_644 : memref<10000x64xf32, #tpu.memory_space<hbm>>) target(%dma_start3A_638 : memref<128x64xf32, #tpu.memory_space<vmem>>) offsets(%dma_start3A_641 : memref<128xi32, #tpu.memory_space<vmem>>) semaphore(%arg15 : memref<!tpu.dma_semaphore, #tpu.memory_space<semaphore_mem>>)
    }
    %scan3A_87 = arith.constant 12 : i32
    %dma_wait3A = arith.constant 72 : i32
    %dma_wait3A_88 = arith.constant 0 : i32
    %dma_wait3A_89 = arith.constant 0 : i32
    %dma_wait3A_90 = arith.constant 0 : i32
    %dma_wait3A_91 = tpu.memref_slice %arg8[%dma_wait3A_88, %dma_wait3A_89, %dma_wait3A_90] : memref<6x128x64xf32, #tpu.memory_space<vmem>> -> memref<1x128x64xf32, #tpu.memory_space<vmem>>
    %dma_wait3A_92 = tpu.memref_squeeze %dma_wait3A_91 : memref<1x128x64xf32, #tpu.memory_space<vmem>> -> memref<128x64xf32, #tpu.memory_space<vmem>>
    %dma_wait3A_93 = arith.constant 0 : i32
    %dma_wait3A_94 = tpu.memref_slice %arg6[%dma_wait3A, %dma_wait3A_93] : memref<79x128xi32, #tpu.memory_space<vmem>> -> memref<1x128xi32, #tpu.memory_space<vmem>>
    %dma_wait3A_95 = tpu.memref_squeeze %dma_wait3A_94 : memref<1x128xi32, #tpu.memory_space<vmem>> -> memref<128xi32, #tpu.memory_space<vmem>>
    %dma_wait3A_96 = arith.constant 0 : i32
    %dma_wait3A_97 = arith.constant 0 : i32
    %dma_wait3A_98 = tpu.memref_slice %arg2[%dma_wait3A_96, %dma_wait3A_97] : memref<10000x64xf32, #tpu.memory_space<hbm>> -> memref<10000x64xf32, #tpu.memory_space<hbm>>
    tpu.wait_indirect_dma semaphore(%arg10 : memref<!tpu.dma_semaphore, #tpu.memory_space<semaphore_mem>>) src(%dma_wait3A_98 : memref<10000x64xf32, #tpu.memory_space<hbm>>) dst(%dma_wait3A_92 : memref<128x64xf32, #tpu.memory_space<vmem>>)
    %dma_start3A_99 = arith.constant 0 : i32
    %dma_start3A_100 = arith.constant 72 : i32
    %dma_start3A_101 = arith.constant 0 : i32
    %dma_start3A_102 = arith.constant 0 : i32
    %dma_start3A_103 = tpu.memref_slice %arg8[%dma_start3A_99, %dma_start3A_101, %dma_start3A_102] : memref<6x128x64xf32, #tpu.memory_space<vmem>> -> memref<1x128x64xf32, #tpu.memory_space<vmem>>
    %dma_start3A_104 = tpu.memref_squeeze %dma_start3A_103 : memref<1x128x64xf32, #tpu.memory_space<vmem>> -> memref<128x64xf32, #tpu.memory_space<vmem>>
    %dma_start3A_105 = arith.constant 0 : i32
    %dma_start3A_106 = tpu.memref_slice %arg7[%dma_start3A_100, %dma_start3A_105] : memref<79x128xi32, #tpu.memory_space<vmem>> -> memref<1x128xi32, #tpu.memory_space<vmem>>
    %dma_start3A_107 = tpu.memref_squeeze %dma_start3A_106 : memref<1x128xi32, #tpu.memory_space<vmem>> -> memref<128xi32, #tpu.memory_space<vmem>>
    %dma_start3A_108 = arith.constant 0 : i32
    %dma_start3A_109 = arith.constant 0 : i32
    %dma_start3A_110 = tpu.memref_slice %arg9[%dma_start3A_108, %dma_start3A_109] : memref<10000x64xf32, #tpu.memory_space<vmem_shared>> -> memref<10000x64xf32, #tpu.memory_space<vmem_shared>>
    tpu.enqueue_indirect_dma source(%dma_start3A_104 : memref<128x64xf32, #tpu.memory_space<vmem>>) target(%dma_start3A_110 : memref<10000x64xf32, #tpu.memory_space<vmem_shared>>) offsets(%dma_start3A_107 : memref<128xi32, #tpu.memory_space<vmem>>) semaphore(%arg16 : memref<!tpu.dma_semaphore, #tpu.memory_space<semaphore_mem>>) {add = true}
    %dma_wait3A_111 = arith.constant 73 : i32
    %dma_wait3A_112 = arith.constant 1 : i32
    %dma_wait3A_113 = arith.constant 0 : i32
    %dma_wait3A_114 = arith.constant 0 : i32
    %dma_wait3A_115 = tpu.memref_slice %arg8[%dma_wait3A_112, %dma_wait3A_113, %dma_wait3A_114] : memref<6x128x64xf32, #tpu.memory_space<vmem>> -> memref<1x128x64xf32, #tpu.memory_space<vmem>>
    %dma_wait3A_116 = tpu.memref_squeeze %dma_wait3A_115 : memref<1x128x64xf32, #tpu.memory_space<vmem>> -> memref<128x64xf32, #tpu.memory_space<vmem>>
    %dma_wait3A_117 = arith.constant 0 : i32
    %dma_wait3A_118 = tpu.memref_slice %arg6[%dma_wait3A_111, %dma_wait3A_117] : memref<79x128xi32, #tpu.memory_space<vmem>> -> memref<1x128xi32, #tpu.memory_space<vmem>>
    %dma_wait3A_119 = tpu.memref_squeeze %dma_wait3A_118 : memref<1x128xi32, #tpu.memory_space<vmem>> -> memref<128xi32, #tpu.memory_space<vmem>>
    %dma_wait3A_120 = arith.constant 0 : i32
    %dma_wait3A_121 = arith.constant 0 : i32
    %dma_wait3A_122 = tpu.memref_slice %arg2[%dma_wait3A_120, %dma_wait3A_121] : memref<10000x64xf32, #tpu.memory_space<hbm>> -> memref<10000x64xf32, #tpu.memory_space<hbm>>
    tpu.wait_indirect_dma semaphore(%arg11 : memref<!tpu.dma_semaphore, #tpu.memory_space<semaphore_mem>>) src(%dma_wait3A_122 : memref<10000x64xf32, #tpu.memory_space<hbm>>) dst(%dma_wait3A_116 : memref<128x64xf32, #tpu.memory_space<vmem>>)
    %dma_start3A_123 = arith.constant 1 : i32
    %dma_start3A_124 = arith.constant 73 : i32
    %dma_start3A_125 = arith.constant 0 : i32
    %dma_start3A_126 = arith.constant 0 : i32
    %dma_start3A_127 = tpu.memref_slice %arg8[%dma_start3A_123, %dma_start3A_125, %dma_start3A_126] : memref<6x128x64xf32, #tpu.memory_space<vmem>> -> memref<1x128x64xf32, #tpu.memory_space<vmem>>
    %dma_start3A_128 = tpu.memref_squeeze %dma_start3A_127 : memref<1x128x64xf32, #tpu.memory_space<vmem>> -> memref<128x64xf32, #tpu.memory_space<vmem>>
    %dma_start3A_129 = arith.constant 0 : i32
    %dma_start3A_130 = tpu.memref_slice %arg7[%dma_start3A_124, %dma_start3A_129] : memref<79x128xi32, #tpu.memory_space<vmem>> -> memref<1x128xi32, #tpu.memory_space<vmem>>
    %dma_start3A_131 = tpu.memref_squeeze %dma_start3A_130 : memref<1x128xi32, #tpu.memory_space<vmem>> -> memref<128xi32, #tpu.memory_space<vmem>>
    %dma_start3A_132 = arith.constant 0 : i32
    %dma_start3A_133 = arith.constant 0 : i32
    %dma_start3A_134 = tpu.memref_slice %arg9[%dma_start3A_132, %dma_start3A_133] : memref<10000x64xf32, #tpu.memory_space<vmem_shared>> -> memref<10000x64xf32, #tpu.memory_space<vmem_shared>>
    tpu.enqueue_indirect_dma source(%dma_start3A_128 : memref<128x64xf32, #tpu.memory_space<vmem>>) target(%dma_start3A_134 : memref<10000x64xf32, #tpu.memory_space<vmem_shared>>) offsets(%dma_start3A_131 : memref<128xi32, #tpu.memory_space<vmem>>) semaphore(%arg17 : memref<!tpu.dma_semaphore, #tpu.memory_space<semaphore_mem>>) {add = true}
    %dma_wait3A_135 = arith.constant 74 : i32
    %dma_wait3A_136 = arith.constant 2 : i32
    %dma_wait3A_137 = arith.constant 0 : i32
    %dma_wait3A_138 = arith.constant 0 : i32
    %dma_wait3A_139 = tpu.memref_slice %arg8[%dma_wait3A_136, %dma_wait3A_137, %dma_wait3A_138] : memref<6x128x64xf32, #tpu.memory_space<vmem>> -> memref<1x128x64xf32, #tpu.memory_space<vmem>>
    %dma_wait3A_140 = tpu.memref_squeeze %dma_wait3A_139 : memref<1x128x64xf32, #tpu.memory_space<vmem>> -> memref<128x64xf32, #tpu.memory_space<vmem>>
    %dma_wait3A_141 = arith.constant 0 : i32
    %dma_wait3A_142 = tpu.memref_slice %arg6[%dma_wait3A_135, %dma_wait3A_141] : memref<79x128xi32, #tpu.memory_space<vmem>> -> memref<1x128xi32, #tpu.memory_space<vmem>>
    %dma_wait3A_143 = tpu.memref_squeeze %dma_wait3A_142 : memref<1x128xi32, #tpu.memory_space<vmem>> -> memref<128xi32, #tpu.memory_space<vmem>>
    %dma_wait3A_144 = arith.constant 0 : i32
    %dma_wait3A_145 = arith.constant 0 : i32
    %dma_wait3A_146 = tpu.memref_slice %arg2[%dma_wait3A_144, %dma_wait3A_145] : memref<10000x64xf32, #tpu.memory_space<hbm>> -> memref<10000x64xf32, #tpu.memory_space<hbm>>
    tpu.wait_indirect_dma semaphore(%arg12 : memref<!tpu.dma_semaphore, #tpu.memory_space<semaphore_mem>>) src(%dma_wait3A_146 : memref<10000x64xf32, #tpu.memory_space<hbm>>) dst(%dma_wait3A_140 : memref<128x64xf32, #tpu.memory_space<vmem>>)
    %dma_start3A_147 = arith.constant 2 : i32
    %dma_start3A_148 = arith.constant 74 : i32
    %dma_start3A_149 = arith.constant 0 : i32
    %dma_start3A_150 = arith.constant 0 : i32
    %dma_start3A_151 = tpu.memref_slice %arg8[%dma_start3A_147, %dma_start3A_149, %dma_start3A_150] : memref<6x128x64xf32, #tpu.memory_space<vmem>> -> memref<1x128x64xf32, #tpu.memory_space<vmem>>
    %dma_start3A_152 = tpu.memref_squeeze %dma_start3A_151 : memref<1x128x64xf32, #tpu.memory_space<vmem>> -> memref<128x64xf32, #tpu.memory_space<vmem>>
    %dma_start3A_153 = arith.constant 0 : i32
    %dma_start3A_154 = tpu.memref_slice %arg7[%dma_start3A_148, %dma_start3A_153] : memref<79x128xi32, #tpu.memory_space<vmem>> -> memref<1x128xi32, #tpu.memory_space<vmem>>
    %dma_start3A_155 = tpu.memref_squeeze %dma_start3A_154 : memref<1x128xi32, #tpu.memory_space<vmem>> -> memref<128xi32, #tpu.memory_space<vmem>>
    %dma_start3A_156 = arith.constant 0 : i32
    %dma_start3A_157 = arith.constant 0 : i32
    %dma_start3A_158 = tpu.memref_slice %arg9[%dma_start3A_156, %dma_start3A_157] : memref<10000x64xf32, #tpu.memory_space<vmem_shared>> -> memref<10000x64xf32, #tpu.memory_space<vmem_shared>>
    tpu.enqueue_indirect_dma source(%dma_start3A_152 : memref<128x64xf32, #tpu.memory_space<vmem>>) target(%dma_start3A_158 : memref<10000x64xf32, #tpu.memory_space<vmem_shared>>) offsets(%dma_start3A_155 : memref<128xi32, #tpu.memory_space<vmem>>) semaphore(%arg18 : memref<!tpu.dma_semaphore, #tpu.memory_space<semaphore_mem>>) {add = true}
    %dma_wait3A_159 = arith.constant 75 : i32
    %dma_wait3A_160 = arith.constant 3 : i32
    %dma_wait3A_161 = arith.constant 0 : i32
    %dma_wait3A_162 = arith.constant 0 : i32
    %dma_wait3A_163 = tpu.memref_slice %arg8[%dma_wait3A_160, %dma_wait3A_161, %dma_wait3A_162] : memref<6x128x64xf32, #tpu.memory_space<vmem>> -> memref<1x128x64xf32, #tpu.memory_space<vmem>>
    %dma_wait3A_164 = tpu.memref_squeeze %dma_wait3A_163 : memref<1x128x64xf32, #tpu.memory_space<vmem>> -> memref<128x64xf32, #tpu.memory_space<vmem>>
    %dma_wait3A_165 = arith.constant 0 : i32
    %dma_wait3A_166 = tpu.memref_slice %arg6[%dma_wait3A_159, %dma_wait3A_165] : memref<79x128xi32, #tpu.memory_space<vmem>> -> memref<1x128xi32, #tpu.memory_space<vmem>>
    %dma_wait3A_167 = tpu.memref_squeeze %dma_wait3A_166 : memref<1x128xi32, #tpu.memory_space<vmem>> -> memref<128xi32, #tpu.memory_space<vmem>>
    %dma_wait3A_168 = arith.constant 0 : i32
    %dma_wait3A_169 = arith.constant 0 : i32
    %dma_wait3A_170 = tpu.memref_slice %arg2[%dma_wait3A_168, %dma_wait3A_169] : memref<10000x64xf32, #tpu.memory_space<hbm>> -> memref<10000x64xf32, #tpu.memory_space<hbm>>
    tpu.wait_indirect_dma semaphore(%arg13 : memref<!tpu.dma_semaphore, #tpu.memory_space<semaphore_mem>>) src(%dma_wait3A_170 : memref<10000x64xf32, #tpu.memory_space<hbm>>) dst(%dma_wait3A_164 : memref<128x64xf32, #tpu.memory_space<vmem>>)
    %dma_start3A_171 = arith.constant 3 : i32
    %dma_start3A_172 = arith.constant 75 : i32
    %dma_start3A_173 = arith.constant 0 : i32
    %dma_start3A_174 = arith.constant 0 : i32
    %dma_start3A_175 = tpu.memref_slice %arg8[%dma_start3A_171, %dma_start3A_173, %dma_start3A_174] : memref<6x128x64xf32, #tpu.memory_space<vmem>> -> memref<1x128x64xf32, #tpu.memory_space<vmem>>
    %dma_start3A_176 = tpu.memref_squeeze %dma_start3A_175 : memref<1x128x64xf32, #tpu.memory_space<vmem>> -> memref<128x64xf32, #tpu.memory_space<vmem>>
    %dma_start3A_177 = arith.constant 0 : i32
    %dma_start3A_178 = tpu.memref_slice %arg7[%dma_start3A_172, %dma_start3A_177] : memref<79x128xi32, #tpu.memory_space<vmem>> -> memref<1x128xi32, #tpu.memory_space<vmem>>
    %dma_start3A_179 = tpu.memref_squeeze %dma_start3A_178 : memref<1x128xi32, #tpu.memory_space<vmem>> -> memref<128xi32, #tpu.memory_space<vmem>>
    %dma_start3A_180 = arith.constant 0 : i32
    %dma_start3A_181 = arith.constant 0 : i32
    %dma_start3A_182 = tpu.memref_slice %arg9[%dma_start3A_180, %dma_start3A_181] : memref<10000x64xf32, #tpu.memory_space<vmem_shared>> -> memref<10000x64xf32, #tpu.memory_space<vmem_shared>>
    tpu.enqueue_indirect_dma source(%dma_start3A_176 : memref<128x64xf32, #tpu.memory_space<vmem>>) target(%dma_start3A_182 : memref<10000x64xf32, #tpu.memory_space<vmem_shared>>) offsets(%dma_start3A_179 : memref<128xi32, #tpu.memory_space<vmem>>) semaphore(%arg19 : memref<!tpu.dma_semaphore, #tpu.memory_space<semaphore_mem>>) {add = true}
    %dma_wait3A_183 = arith.constant 76 : i32
    %dma_wait3A_184 = arith.constant 4 : i32
    %dma_wait3A_185 = arith.constant 0 : i32
    %dma_wait3A_186 = arith.constant 0 : i32
    %dma_wait3A_187 = tpu.memref_slice %arg8[%dma_wait3A_184, %dma_wait3A_185, %dma_wait3A_186] : memref<6x128x64xf32, #tpu.memory_space<vmem>> -> memref<1x128x64xf32, #tpu.memory_space<vmem>>
    %dma_wait3A_188 = tpu.memref_squeeze %dma_wait3A_187 : memref<1x128x64xf32, #tpu.memory_space<vmem>> -> memref<128x64xf32, #tpu.memory_space<vmem>>
    %dma_wait3A_189 = arith.constant 0 : i32
    %dma_wait3A_190 = tpu.memref_slice %arg6[%dma_wait3A_183, %dma_wait3A_189] : memref<79x128xi32, #tpu.memory_space<vmem>> -> memref<1x128xi32, #tpu.memory_space<vmem>>
    %dma_wait3A_191 = tpu.memref_squeeze %dma_wait3A_190 : memref<1x128xi32, #tpu.memory_space<vmem>> -> memref<128xi32, #tpu.memory_space<vmem>>
    %dma_wait3A_192 = arith.constant 0 : i32
    %dma_wait3A_193 = arith.constant 0 : i32
    %dma_wait3A_194 = tpu.memref_slice %arg2[%dma_wait3A_192, %dma_wait3A_193] : memref<10000x64xf32, #tpu.memory_space<hbm>> -> memref<10000x64xf32, #tpu.memory_space<hbm>>
    tpu.wait_indirect_dma semaphore(%arg14 : memref<!tpu.dma_semaphore, #tpu.memory_space<semaphore_mem>>) src(%dma_wait3A_194 : memref<10000x64xf32, #tpu.memory_space<hbm>>) dst(%dma_wait3A_188 : memref<128x64xf32, #tpu.memory_space<vmem>>)
    %dma_start3A_195 = arith.constant 4 : i32
    %dma_start3A_196 = arith.constant 76 : i32
    %dma_start3A_197 = arith.constant 0 : i32
    %dma_start3A_198 = arith.constant 0 : i32
    %dma_start3A_199 = tpu.memref_slice %arg8[%dma_start3A_195, %dma_start3A_197, %dma_start3A_198] : memref<6x128x64xf32, #tpu.memory_space<vmem>> -> memref<1x128x64xf32, #tpu.memory_space<vmem>>
    %dma_start3A_200 = tpu.memref_squeeze %dma_start3A_199 : memref<1x128x64xf32, #tpu.memory_space<vmem>> -> memref<128x64xf32, #tpu.memory_space<vmem>>
    %dma_start3A_201 = arith.constant 0 : i32
    %dma_start3A_202 = tpu.memref_slice %arg7[%dma_start3A_196, %dma_start3A_201] : memref<79x128xi32, #tpu.memory_space<vmem>> -> memref<1x128xi32, #tpu.memory_space<vmem>>
    %dma_start3A_203 = tpu.memref_squeeze %dma_start3A_202 : memref<1x128xi32, #tpu.memory_space<vmem>> -> memref<128xi32, #tpu.memory_space<vmem>>
    %dma_start3A_204 = arith.constant 0 : i32
    %dma_start3A_205 = arith.constant 0 : i32
    %dma_start3A_206 = tpu.memref_slice %arg9[%dma_start3A_204, %dma_start3A_205] : memref<10000x64xf32, #tpu.memory_space<vmem_shared>> -> memref<10000x64xf32, #tpu.memory_space<vmem_shared>>
    tpu.enqueue_indirect_dma source(%dma_start3A_200 : memref<128x64xf32, #tpu.memory_space<vmem>>) target(%dma_start3A_206 : memref<10000x64xf32, #tpu.memory_space<vmem_shared>>) offsets(%dma_start3A_203 : memref<128xi32, #tpu.memory_space<vmem>>) semaphore(%arg20 : memref<!tpu.dma_semaphore, #tpu.memory_space<semaphore_mem>>) {add = true}
    %dma_wait3A_207 = arith.constant 77 : i32
    %dma_wait3A_208 = arith.constant 5 : i32
    %dma_wait3A_209 = arith.constant 0 : i32
    %dma_wait3A_210 = arith.constant 0 : i32
    %dma_wait3A_211 = tpu.memref_slice %arg8[%dma_wait3A_208, %dma_wait3A_209, %dma_wait3A_210] : memref<6x128x64xf32, #tpu.memory_space<vmem>> -> memref<1x128x64xf32, #tpu.memory_space<vmem>>
    %dma_wait3A_212 = tpu.memref_squeeze %dma_wait3A_211 : memref<1x128x64xf32, #tpu.memory_space<vmem>> -> memref<128x64xf32, #tpu.memory_space<vmem>>
    %dma_wait3A_213 = arith.constant 0 : i32
    %dma_wait3A_214 = tpu.memref_slice %arg6[%dma_wait3A_207, %dma_wait3A_213] : memref<79x128xi32, #tpu.memory_space<vmem>> -> memref<1x128xi32, #tpu.memory_space<vmem>>
    %dma_wait3A_215 = tpu.memref_squeeze %dma_wait3A_214 : memref<1x128xi32, #tpu.memory_space<vmem>> -> memref<128xi32, #tpu.memory_space<vmem>>
    %dma_wait3A_216 = arith.constant 0 : i32
    %dma_wait3A_217 = arith.constant 0 : i32
    %dma_wait3A_218 = tpu.memref_slice %arg2[%dma_wait3A_216, %dma_wait3A_217] : memref<10000x64xf32, #tpu.memory_space<hbm>> -> memref<10000x64xf32, #tpu.memory_space<hbm>>
    tpu.wait_indirect_dma semaphore(%arg15 : memref<!tpu.dma_semaphore, #tpu.memory_space<semaphore_mem>>) src(%dma_wait3A_218 : memref<10000x64xf32, #tpu.memory_space<hbm>>) dst(%dma_wait3A_212 : memref<128x64xf32, #tpu.memory_space<vmem>>)
    %dma_start3A_219 = arith.constant 5 : i32
    %dma_start3A_220 = arith.constant 77 : i32
    %dma_start3A_221 = arith.constant 0 : i32
    %dma_start3A_222 = arith.constant 0 : i32
    %dma_start3A_223 = tpu.memref_slice %arg8[%dma_start3A_219, %dma_start3A_221, %dma_start3A_222] : memref<6x128x64xf32, #tpu.memory_space<vmem>> -> memref<1x128x64xf32, #tpu.memory_space<vmem>>
    %dma_start3A_224 = tpu.memref_squeeze %dma_start3A_223 : memref<1x128x64xf32, #tpu.memory_space<vmem>> -> memref<128x64xf32, #tpu.memory_space<vmem>>
    %dma_start3A_225 = arith.constant 0 : i32
    %dma_start3A_226 = tpu.memref_slice %arg7[%dma_start3A_220, %dma_start3A_225] : memref<79x128xi32, #tpu.memory_space<vmem>> -> memref<1x128xi32, #tpu.memory_space<vmem>>
    %dma_start3A_227 = tpu.memref_squeeze %dma_start3A_226 : memref<1x128xi32, #tpu.memory_space<vmem>> -> memref<128xi32, #tpu.memory_space<vmem>>
    %dma_start3A_228 = arith.constant 0 : i32
    %dma_start3A_229 = arith.constant 0 : i32
    %dma_start3A_230 = tpu.memref_slice %arg9[%dma_start3A_228, %dma_start3A_229] : memref<10000x64xf32, #tpu.memory_space<vmem_shared>> -> memref<10000x64xf32, #tpu.memory_space<vmem_shared>>
    tpu.enqueue_indirect_dma source(%dma_start3A_224 : memref<128x64xf32, #tpu.memory_space<vmem>>) target(%dma_start3A_230 : memref<10000x64xf32, #tpu.memory_space<vmem_shared>>) offsets(%dma_start3A_227 : memref<128xi32, #tpu.memory_space<vmem>>) semaphore(%arg21 : memref<!tpu.dma_semaphore, #tpu.memory_space<semaphore_mem>>) {add = true}
    %dma_wait3A_231 = arith.constant 0 : i32
    %dma_wait3A_232 = arith.constant 72 : i32
    %dma_wait3A_233 = arith.constant 0 : i32
    %dma_wait3A_234 = arith.constant 0 : i32
    %dma_wait3A_235 = tpu.memref_slice %arg8[%dma_wait3A_231, %dma_wait3A_233, %dma_wait3A_234] : memref<6x128x64xf32, #tpu.memory_space<vmem>> -> memref<1x128x64xf32, #tpu.memory_space<vmem>>
    %dma_wait3A_236 = tpu.memref_squeeze %dma_wait3A_235 : memref<1x128x64xf32, #tpu.memory_space<vmem>> -> memref<128x64xf32, #tpu.memory_space<vmem>>
    %dma_wait3A_237 = arith.constant 0 : i32
    %dma_wait3A_238 = tpu.memref_slice %arg7[%dma_wait3A_232, %dma_wait3A_237] : memref<79x128xi32, #tpu.memory_space<vmem>> -> memref<1x128xi32, #tpu.memory_space<vmem>>
    %dma_wait3A_239 = tpu.memref_squeeze %dma_wait3A_238 : memref<1x128xi32, #tpu.memory_space<vmem>> -> memref<128xi32, #tpu.memory_space<vmem>>
    %dma_wait3A_240 = arith.constant 0 : i32
    %dma_wait3A_241 = arith.constant 0 : i32
    %dma_wait3A_242 = tpu.memref_slice %arg9[%dma_wait3A_240, %dma_wait3A_241] : memref<10000x64xf32, #tpu.memory_space<vmem_shared>> -> memref<10000x64xf32, #tpu.memory_space<vmem_shared>>
    tpu.wait_indirect_dma semaphore(%arg16 : memref<!tpu.dma_semaphore, #tpu.memory_space<semaphore_mem>>) src(%dma_wait3A_236 : memref<128x64xf32, #tpu.memory_space<vmem>>) dst(%dma_wait3A_242 : memref<10000x64xf32, #tpu.memory_space<vmem_shared>>)
    %dma_wait3A_243 = arith.constant 1 : i32
    %dma_wait3A_244 = arith.constant 73 : i32
    %dma_wait3A_245 = arith.constant 0 : i32
    %dma_wait3A_246 = arith.constant 0 : i32
    %dma_wait3A_247 = tpu.memref_slice %arg8[%dma_wait3A_243, %dma_wait3A_245, %dma_wait3A_246] : memref<6x128x64xf32, #tpu.memory_space<vmem>> -> memref<1x128x64xf32, #tpu.memory_space<vmem>>
    %dma_wait3A_248 = tpu.memref_squeeze %dma_wait3A_247 : memref<1x128x64xf32, #tpu.memory_space<vmem>> -> memref<128x64xf32, #tpu.memory_space<vmem>>
    %dma_wait3A_249 = arith.constant 0 : i32
    %dma_wait3A_250 = tpu.memref_slice %arg7[%dma_wait3A_244, %dma_wait3A_249] : memref<79x128xi32, #tpu.memory_space<vmem>> -> memref<1x128xi32, #tpu.memory_space<vmem>>
    %dma_wait3A_251 = tpu.memref_squeeze %dma_wait3A_250 : memref<1x128xi32, #tpu.memory_space<vmem>> -> memref<128xi32, #tpu.memory_space<vmem>>
    %dma_wait3A_252 = arith.constant 0 : i32
    %dma_wait3A_253 = arith.constant 0 : i32
    %dma_wait3A_254 = tpu.memref_slice %arg9[%dma_wait3A_252, %dma_wait3A_253] : memref<10000x64xf32, #tpu.memory_space<vmem_shared>> -> memref<10000x64xf32, #tpu.memory_space<vmem_shared>>
    tpu.wait_indirect_dma semaphore(%arg17 : memref<!tpu.dma_semaphore, #tpu.memory_space<semaphore_mem>>) src(%dma_wait3A_248 : memref<128x64xf32, #tpu.memory_space<vmem>>) dst(%dma_wait3A_254 : memref<10000x64xf32, #tpu.memory_space<vmem_shared>>)
    %dma_wait3A_255 = arith.constant 2 : i32
    %dma_wait3A_256 = arith.constant 74 : i32
    %dma_wait3A_257 = arith.constant 0 : i32
    %dma_wait3A_258 = arith.constant 0 : i32
    %dma_wait3A_259 = tpu.memref_slice %arg8[%dma_wait3A_255, %dma_wait3A_257, %dma_wait3A_258] : memref<6x128x64xf32, #tpu.memory_space<vmem>> -> memref<1x128x64xf32, #tpu.memory_space<vmem>>
    %dma_wait3A_260 = tpu.memref_squeeze %dma_wait3A_259 : memref<1x128x64xf32, #tpu.memory_space<vmem>> -> memref<128x64xf32, #tpu.memory_space<vmem>>
    %dma_wait3A_261 = arith.constant 0 : i32
    %dma_wait3A_262 = tpu.memref_slice %arg7[%dma_wait3A_256, %dma_wait3A_261] : memref<79x128xi32, #tpu.memory_space<vmem>> -> memref<1x128xi32, #tpu.memory_space<vmem>>
    %dma_wait3A_263 = tpu.memref_squeeze %dma_wait3A_262 : memref<1x128xi32, #tpu.memory_space<vmem>> -> memref<128xi32, #tpu.memory_space<vmem>>
    %dma_wait3A_264 = arith.constant 0 : i32
    %dma_wait3A_265 = arith.constant 0 : i32
    %dma_wait3A_266 = tpu.memref_slice %arg9[%dma_wait3A_264, %dma_wait3A_265] : memref<10000x64xf32, #tpu.memory_space<vmem_shared>> -> memref<10000x64xf32, #tpu.memory_space<vmem_shared>>
    tpu.wait_indirect_dma semaphore(%arg18 : memref<!tpu.dma_semaphore, #tpu.memory_space<semaphore_mem>>) src(%dma_wait3A_260 : memref<128x64xf32, #tpu.memory_space<vmem>>) dst(%dma_wait3A_266 : memref<10000x64xf32, #tpu.memory_space<vmem_shared>>)
    %dma_wait3A_267 = arith.constant 3 : i32
    %dma_wait3A_268 = arith.constant 75 : i32
    %dma_wait3A_269 = arith.constant 0 : i32
    %dma_wait3A_270 = arith.constant 0 : i32
    %dma_wait3A_271 = tpu.memref_slice %arg8[%dma_wait3A_267, %dma_wait3A_269, %dma_wait3A_270] : memref<6x128x64xf32, #tpu.memory_space<vmem>> -> memref<1x128x64xf32, #tpu.memory_space<vmem>>
    %dma_wait3A_272 = tpu.memref_squeeze %dma_wait3A_271 : memref<1x128x64xf32, #tpu.memory_space<vmem>> -> memref<128x64xf32, #tpu.memory_space<vmem>>
    %dma_wait3A_273 = arith.constant 0 : i32
    %dma_wait3A_274 = tpu.memref_slice %arg7[%dma_wait3A_268, %dma_wait3A_273] : memref<79x128xi32, #tpu.memory_space<vmem>> -> memref<1x128xi32, #tpu.memory_space<vmem>>
    %dma_wait3A_275 = tpu.memref_squeeze %dma_wait3A_274 : memref<1x128xi32, #tpu.memory_space<vmem>> -> memref<128xi32, #tpu.memory_space<vmem>>
    %dma_wait3A_276 = arith.constant 0 : i32
    %dma_wait3A_277 = arith.constant 0 : i32
    %dma_wait3A_278 = tpu.memref_slice %arg9[%dma_wait3A_276, %dma_wait3A_277] : memref<10000x64xf32, #tpu.memory_space<vmem_shared>> -> memref<10000x64xf32, #tpu.memory_space<vmem_shared>>
    tpu.wait_indirect_dma semaphore(%arg19 : memref<!tpu.dma_semaphore, #tpu.memory_space<semaphore_mem>>) src(%dma_wait3A_272 : memref<128x64xf32, #tpu.memory_space<vmem>>) dst(%dma_wait3A_278 : memref<10000x64xf32, #tpu.memory_space<vmem_shared>>)
    %dma_wait3A_279 = arith.constant 4 : i32
    %dma_wait3A_280 = arith.constant 76 : i32
    %dma_wait3A_281 = arith.constant 0 : i32
    %dma_wait3A_282 = arith.constant 0 : i32
    %dma_wait3A_283 = tpu.memref_slice %arg8[%dma_wait3A_279, %dma_wait3A_281, %dma_wait3A_282] : memref<6x128x64xf32, #tpu.memory_space<vmem>> -> memref<1x128x64xf32, #tpu.memory_space<vmem>>
    %dma_wait3A_284 = tpu.memref_squeeze %dma_wait3A_283 : memref<1x128x64xf32, #tpu.memory_space<vmem>> -> memref<128x64xf32, #tpu.memory_space<vmem>>
    %dma_wait3A_285 = arith.constant 0 : i32
    %dma_wait3A_286 = tpu.memref_slice %arg7[%dma_wait3A_280, %dma_wait3A_285] : memref<79x128xi32, #tpu.memory_space<vmem>> -> memref<1x128xi32, #tpu.memory_space<vmem>>
    %dma_wait3A_287 = tpu.memref_squeeze %dma_wait3A_286 : memref<1x128xi32, #tpu.memory_space<vmem>> -> memref<128xi32, #tpu.memory_space<vmem>>
    %dma_wait3A_288 = arith.constant 0 : i32
    %dma_wait3A_289 = arith.constant 0 : i32
    %dma_wait3A_290 = tpu.memref_slice %arg9[%dma_wait3A_288, %dma_wait3A_289] : memref<10000x64xf32, #tpu.memory_space<vmem_shared>> -> memref<10000x64xf32, #tpu.memory_space<vmem_shared>>
    tpu.wait_indirect_dma semaphore(%arg20 : memref<!tpu.dma_semaphore, #tpu.memory_space<semaphore_mem>>) src(%dma_wait3A_284 : memref<128x64xf32, #tpu.memory_space<vmem>>) dst(%dma_wait3A_290 : memref<10000x64xf32, #tpu.memory_space<vmem_shared>>)
    %dma_wait3A_291 = arith.constant 5 : i32
    %dma_wait3A_292 = arith.constant 77 : i32
    %dma_wait3A_293 = arith.constant 0 : i32
    %dma_wait3A_294 = arith.constant 0 : i32
    %dma_wait3A_295 = tpu.memref_slice %arg8[%dma_wait3A_291, %dma_wait3A_293, %dma_wait3A_294] : memref<6x128x64xf32, #tpu.memory_space<vmem>> -> memref<1x128x64xf32, #tpu.memory_space<vmem>>
    %dma_wait3A_296 = tpu.memref_squeeze %dma_wait3A_295 : memref<1x128x64xf32, #tpu.memory_space<vmem>> -> memref<128x64xf32, #tpu.memory_space<vmem>>
    %dma_wait3A_297 = arith.constant 0 : i32
    %dma_wait3A_298 = tpu.memref_slice %arg7[%dma_wait3A_292, %dma_wait3A_297] : memref<79x128xi32, #tpu.memory_space<vmem>> -> memref<1x128xi32, #tpu.memory_space<vmem>>
    %dma_wait3A_299 = tpu.memref_squeeze %dma_wait3A_298 : memref<1x128xi32, #tpu.memory_space<vmem>> -> memref<128xi32, #tpu.memory_space<vmem>>
    %dma_wait3A_300 = arith.constant 0 : i32
    %dma_wait3A_301 = arith.constant 0 : i32
    %dma_wait3A_302 = tpu.memref_slice %arg9[%dma_wait3A_300, %dma_wait3A_301] : memref<10000x64xf32, #tpu.memory_space<vmem_shared>> -> memref<10000x64xf32, #tpu.memory_space<vmem_shared>>
    tpu.wait_indirect_dma semaphore(%arg21 : memref<!tpu.dma_semaphore, #tpu.memory_space<semaphore_mem>>) src(%dma_wait3A_296 : memref<128x64xf32, #tpu.memory_space<vmem>>) dst(%dma_wait3A_302 : memref<10000x64xf32, #tpu.memory_space<vmem_shared>>)
    %lt3A_303 = arith.constant 4 : i32
    %lt3A_304 = arith.cmpi slt, %add3A, %lt3A_303 : i32
    %convert_element_type3A_305 = arith.extui %lt3A_304 : i1 to i32
    %cond3A_306 = arith.constant 0 : i32
    %cond3A_307 = arith.cmpi ne, %convert_element_type3A_305, %cond3A_306 : i32
    scf.if %cond3A_307 {
      %dma_start3A_318 = arith.constant 78 : i32
      %dma_start3A_319 = arith.constant 0 : i32
      %dma_start3A_320 = arith.constant 0 : i32
      %dma_start3A_321 = arith.constant 0 : i32
      %dma_start3A_322 = tpu.memref_slice %arg8[%dma_start3A_319, %dma_start3A_320, %dma_start3A_321] : memref<6x128x64xf32, #tpu.memory_space<vmem>> -> memref<1x128x64xf32, #tpu.memory_space<vmem>>
      %dma_start3A_323 = tpu.memref_squeeze %dma_start3A_322 : memref<1x128x64xf32, #tpu.memory_space<vmem>> -> memref<128x64xf32, #tpu.memory_space<vmem>>
      %dma_start3A_324 = arith.constant 0 : i32
      %dma_start3A_325 = tpu.memref_slice %arg6[%dma_start3A_318, %dma_start3A_324] : memref<79x128xi32, #tpu.memory_space<vmem>> -> memref<1x128xi32, #tpu.memory_space<vmem>>
      %dma_start3A_326 = tpu.memref_squeeze %dma_start3A_325 : memref<1x128xi32, #tpu.memory_space<vmem>> -> memref<128xi32, #tpu.memory_space<vmem>>
      %dma_start3A_327 = arith.constant 0 : i32
      %dma_start3A_328 = arith.constant 0 : i32
      %dma_start3A_329 = tpu.memref_slice %arg2[%dma_start3A_327, %dma_start3A_328] : memref<10000x64xf32, #tpu.memory_space<hbm>> -> memref<10000x64xf32, #tpu.memory_space<hbm>>
      tpu.enqueue_indirect_dma source(%dma_start3A_329 : memref<10000x64xf32, #tpu.memory_space<hbm>>) target(%dma_start3A_323 : memref<128x64xf32, #tpu.memory_space<vmem>>) offsets(%dma_start3A_326 : memref<128xi32, #tpu.memory_space<vmem>>) semaphore(%arg10 : memref<!tpu.dma_semaphore, #tpu.memory_space<semaphore_mem>>)
      %dma_wait3A_330 = arith.constant 78 : i32
      %dma_wait3A_331 = arith.constant 0 : i32
      %dma_wait3A_332 = arith.constant 0 : i32
      %dma_wait3A_333 = arith.constant 0 : i32
      %dma_wait3A_334 = tpu.memref_slice %arg8[%dma_wait3A_331, %dma_wait3A_332, %dma_wait3A_333] : memref<6x128x64xf32, #tpu.memory_space<vmem>> -> memref<1x128x64xf32, #tpu.memory_space<vmem>>
      %dma_wait3A_335 = tpu.memref_squeeze %dma_wait3A_334 : memref<1x128x64xf32, #tpu.memory_space<vmem>> -> memref<128x64xf32, #tpu.memory_space<vmem>>
      %dma_wait3A_336 = arith.constant 0 : i32
      %dma_wait3A_337 = tpu.memref_slice %arg6[%dma_wait3A_330, %dma_wait3A_336] : memref<79x128xi32, #tpu.memory_space<vmem>> -> memref<1x128xi32, #tpu.memory_space<vmem>>
      %dma_wait3A_338 = tpu.memref_squeeze %dma_wait3A_337 : memref<1x128xi32, #tpu.memory_space<vmem>> -> memref<128xi32, #tpu.memory_space<vmem>>
      %dma_wait3A_339 = arith.constant 0 : i32
      %dma_wait3A_340 = arith.constant 0 : i32
      %dma_wait3A_341 = tpu.memref_slice %arg2[%dma_wait3A_339, %dma_wait3A_340] : memref<10000x64xf32, #tpu.memory_space<hbm>> -> memref<10000x64xf32, #tpu.memory_space<hbm>>
      tpu.wait_indirect_dma semaphore(%arg10 : memref<!tpu.dma_semaphore, #tpu.memory_space<semaphore_mem>>) src(%dma_wait3A_341 : memref<10000x64xf32, #tpu.memory_space<hbm>>) dst(%dma_wait3A_335 : memref<128x64xf32, #tpu.memory_space<vmem>>)
      %run_scoped3A_342 = arith.constant 0 : i32
      %run_scoped3A_343 = arith.constant 78 : i32
      "tpu.region"() ({
        %run_scoped3A_344 = tpu.sem_alloc : memref<!tpu.dma_semaphore, #tpu.memory_space<semaphore_mem>>
        %dma_start3A_345 = arith.constant 0 : i32
        %dma_start3A_346 = arith.constant 0 : i32
        %dma_start3A_347 = tpu.memref_slice %arg8[%run_scoped3A_342, %dma_start3A_345, %dma_start3A_346] : memref<6x128x64xf32, #tpu.memory_space<vmem>> -> memref<1x128x64xf32, #tpu.memory_space<vmem>>
        %dma_start3A_348 = tpu.memref_squeeze %dma_start3A_347 : memref<1x128x64xf32, #tpu.memory_space<vmem>> -> memref<128x64xf32, #tpu.memory_space<vmem>>
        %dma_start3A_349 = arith.constant 0 : i32
        %dma_start3A_350 = tpu.memref_slice %arg7[%run_scoped3A_343, %dma_start3A_349] : memref<79x128xi32, #tpu.memory_space<vmem>> -> memref<1x128xi32, #tpu.memory_space<vmem>>
        %dma_start3A_351 = tpu.memref_squeeze %dma_start3A_350 : memref<1x128xi32, #tpu.memory_space<vmem>> -> memref<128xi32, #tpu.memory_space<vmem>>
        %dma_start3A_352 = arith.constant 0 : i32
        %dma_start3A_353 = arith.constant 0 : i32
        %dma_start3A_354 = tpu.memref_slice %arg9[%dma_start3A_352, %dma_start3A_353] : memref<10000x64xf32, #tpu.memory_space<vmem_shared>> -> memref<10000x64xf32, #tpu.memory_space<vmem_shared>>
        tpu.enqueue_indirect_dma source(%dma_start3A_348 : memref<128x64xf32, #tpu.memory_space<vmem>>) target(%dma_start3A_354 : memref<10000x64xf32, #tpu.memory_space<vmem_shared>>) offsets(%dma_start3A_351 : memref<128xi32, #tpu.memory_space<vmem>>) semaphore(%run_scoped3A_344 : memref<!tpu.dma_semaphore, #tpu.memory_space<semaphore_mem>>) {add = true}
        %dma_wait3A_355 = arith.constant 0 : i32
        %dma_wait3A_356 = arith.constant 0 : i32
        %dma_wait3A_357 = tpu.memref_slice %arg8[%run_scoped3A_342, %dma_wait3A_355, %dma_wait3A_356] : memref<6x128x64xf32, #tpu.memory_space<vmem>> -> memref<1x128x64xf32, #tpu.memory_space<vmem>>
        %dma_wait3A_358 = tpu.memref_squeeze %dma_wait3A_357 : memref<1x128x64xf32, #tpu.memory_space<vmem>> -> memref<128x64xf32, #tpu.memory_space<vmem>>
        %dma_wait3A_359 = arith.constant 0 : i32
        %dma_wait3A_360 = tpu.memref_slice %arg7[%run_scoped3A_343, %dma_wait3A_359] : memref<79x128xi32, #tpu.memory_space<vmem>> -> memref<1x128xi32, #tpu.memory_space<vmem>>
        %dma_wait3A_361 = tpu.memref_squeeze %dma_wait3A_360 : memref<1x128xi32, #tpu.memory_space<vmem>> -> memref<128xi32, #tpu.memory_space<vmem>>
        %dma_wait3A_362 = arith.constant 0 : i32
        %dma_wait3A_363 = arith.constant 0 : i32
        %dma_wait3A_364 = tpu.memref_slice %arg9[%dma_wait3A_362, %dma_wait3A_363] : memref<10000x64xf32, #tpu.memory_space<vmem_shared>> -> memref<10000x64xf32, #tpu.memory_space<vmem_shared>>
        tpu.wait_indirect_dma semaphore(%run_scoped3A_344 : memref<!tpu.dma_semaphore, #tpu.memory_space<semaphore_mem>>) src(%dma_wait3A_358 : memref<128x64xf32, #tpu.memory_space<vmem>>) dst(%dma_wait3A_364 : memref<10000x64xf32, #tpu.memory_space<vmem_shared>>)
        tpu.yield
      }) : () -> ()
    } else {
    }
    %barrier3A_308 = arith.constant 0 : index
    tpu.barrier barrier_id(%barrier3A_308)
    %mul3A_309 = arith.constant 624 : i32
    %mul3A_310 = arith.muli %arg1, %mul3A_309 : i32
    %mul3A_311 = arith.constant 624 : i32
    %mul3A_312 = arith.muli %arg1, %mul3A_311 : i32
    "tpu.region"() ({
      %run_scoped3A_318 = tpu.sem_alloc : memref<!tpu.dma_semaphore, #tpu.memory_space<semaphore_mem>>
      %dma_start3A_319 = arith.constant 0 : i32
      %dma_start3A_320 = tpu.memref_slice %arg5[%arg0, %mul3A_312, %dma_start3A_319] : memref<2x10000x64xf32, #tpu.memory_space<hbm>> -> memref<1x624x64xf32, #tpu.memory_space<hbm>>
      %dma_start3A_321 = tpu.memref_squeeze %dma_start3A_320 : memref<1x624x64xf32, #tpu.memory_space<hbm>> -> memref<624x64xf32, #tpu.memory_space<hbm>>
      %dma_start3A_322 = arith.constant 0 : i32
      %dma_start3A_323 = tpu.memref_slice %arg9[%mul3A_310, %dma_start3A_322] : memref<10000x64xf32, #tpu.memory_space<vmem_shared>> -> memref<624x64xf32, #tpu.memory_space<vmem_shared>>
      tpu.enqueue_dma source(%dma_start3A_323 : memref<624x64xf32, #tpu.memory_space<vmem_shared>>) target(%dma_start3A_321 : memref<624x64xf32, #tpu.memory_space<hbm>>) target_semaphore(%run_scoped3A_318 : memref<!tpu.dma_semaphore, #tpu.memory_space<semaphore_mem>>)
      %dma_wait3A_324 = arith.constant 0 : i32
      %dma_wait3A_325 = tpu.memref_slice %arg5[%arg0, %mul3A_312, %dma_wait3A_324] : memref<2x10000x64xf32, #tpu.memory_space<hbm>> -> memref<1x624x64xf32, #tpu.memory_space<hbm>>
      %dma_wait3A_326 = tpu.memref_squeeze %dma_wait3A_325 : memref<1x624x64xf32, #tpu.memory_space<hbm>> -> memref<624x64xf32, #tpu.memory_space<hbm>>
      %dma_wait3A_327 = arith.constant 0 : i32
      %dma_wait3A_328 = tpu.memref_slice %arg9[%mul3A_310, %dma_wait3A_327] : memref<10000x64xf32, #tpu.memory_space<vmem_shared>> -> memref<624x64xf32, #tpu.memory_space<vmem_shared>>
      tpu.wait_dma2 semaphore(%run_scoped3A_318 : memref<!tpu.dma_semaphore, #tpu.memory_space<semaphore_mem>>) src(%dma_wait3A_328 : memref<624x64xf32, #tpu.memory_space<vmem_shared>>) dst(%dma_wait3A_326 : memref<624x64xf32, #tpu.memory_space<hbm>>)
      tpu.yield
    }) : () -> ()
    %eq3A_313 = arith.constant 0 : i32
    %eq3A_314 = arith.cmpi eq, %arg1, %eq3A_313 : i32
    %convert_element_type3A_315 = arith.extui %eq3A_314 : i1 to i32
    %cond3A_316 = arith.constant 0 : i32
    %cond3A_317 = arith.cmpi ne, %convert_element_type3A_315, %cond3A_316 : i32
    scf.if %cond3A_317 {
      "tpu.region"() ({
        %run_scoped3A_318 = tpu.sem_alloc : memref<!tpu.dma_semaphore, #tpu.memory_space<semaphore_mem>>
        %dma_start3A_319 = arith.constant 9984 : i32
        %dma_start3A_320 = arith.constant 0 : i32
        %dma_start3A_321 = tpu.memref_slice %arg5[%arg0, %dma_start3A_319, %dma_start3A_320] : memref<2x10000x64xf32, #tpu.memory_space<hbm>> -> memref<1x16x64xf32, #tpu.memory_space<hbm>>
        %dma_start3A_322 = tpu.memref_squeeze %dma_start3A_321 : memref<1x16x64xf32, #tpu.memory_space<hbm>> -> memref<16x64xf32, #tpu.memory_space<hbm>>
        %dma_start3A_323 = arith.constant 9984 : i32
        %dma_start3A_324 = arith.constant 0 : i32
        %dma_start3A_325 = tpu.memref_slice %arg9[%dma_start3A_323, %dma_start3A_324] : memref<10000x64xf32, #tpu.memory_space<vmem_shared>> -> memref<16x64xf32, #tpu.memory_space<vmem_shared>>
        tpu.enqueue_dma source(%dma_start3A_325 : memref<16x64xf32, #tpu.memory_space<vmem_shared>>) target(%dma_start3A_322 : memref<16x64xf32, #tpu.memory_space<hbm>>) target_semaphore(%run_scoped3A_318 : memref<!tpu.dma_semaphore, #tpu.memory_space<semaphore_mem>>)
        %dma_wait3A_326 = arith.constant 9984 : i32
        %dma_wait3A_327 = arith.constant 0 : i32
        %dma_wait3A_328 = tpu.memref_slice %arg5[%arg0, %dma_wait3A_326, %dma_wait3A_327] : memref<2x10000x64xf32, #tpu.memory_space<hbm>> -> memref<1x16x64xf32, #tpu.memory_space<hbm>>
        %dma_wait3A_329 = tpu.memref_squeeze %dma_wait3A_328 : memref<1x16x64xf32, #tpu.memory_space<hbm>> -> memref<16x64xf32, #tpu.memory_space<hbm>>
        %dma_wait3A_330 = arith.constant 9984 : i32
        %dma_wait3A_331 = arith.constant 0 : i32
        %dma_wait3A_332 = tpu.memref_slice %arg9[%dma_wait3A_330, %dma_wait3A_331] : memref<10000x64xf32, #tpu.memory_space<vmem_shared>> -> memref<16x64xf32, #tpu.memory_space<vmem_shared>>
        tpu.wait_dma2 semaphore(%run_scoped3A_318 : memref<!tpu.dma_semaphore, #tpu.memory_space<semaphore_mem>>) src(%dma_wait3A_332 : memref<16x64xf32, #tpu.memory_space<vmem_shared>>) dst(%dma_wait3A_329 : memref<16x64xf32, #tpu.memory_space<hbm>>)
        tpu.yield
      }) : () -> ()
    } else {
    }
    return
  }
}

module attributes {stable_mosaic.version = 14 : i64} {
  func.func @body(%arg0: i32, %arg1: memref<1000x256xf32, #tpu.memory_space<vmem>>, %arg2: memref<128x64xf32, #tpu.memory_space<vmem>>, %arg3: memref<1x64xf32, #tpu.memory_space<vmem>>, %arg4: memref<1000x128xf32, #tpu.memory_space<vmem>>) attributes {dimension_semantics = [#tpu.dimension_semantics<arbitrary>], iteration_bounds = array<i64: 5>, scalar_prefetch = 0 : i64, scratch_operands = 0 : i64, tpu.core_type = #tpu.core_type<tc>, window_params = [{transform_indices = @transform_0, window_bounds = array<i64: 1000, 256>}, {pipeline_mode = #tpu.pipeline_mode<synchronous>, transform_indices = @transform_1, window_bounds = array<i64: 128, 64>}, {pipeline_mode = #tpu.pipeline_mode<synchronous>, transform_indices = @transform_2, window_bounds = array<i64: 1, 64>}, {transform_indices = @transform_3, window_bounds = array<i64: 1000, 128>}]} {
    %get3A = arith.constant 0 : index
    %get3A_0 = arith.constant 0 : index
    %get3A_1 = vector.load %arg3[%get3A, %get3A_0] : memref<1x64xf32, #tpu.memory_space<vmem>>, vector<1x64xf32>
    %get3A_2 = arith.constant 0 : index
    %get3A_3 = arith.constant 0 : index
    %get3A_4 = vector.load %arg3[%get3A_2, %get3A_3] : memref<1x64xf32, #tpu.memory_space<vmem>>, vector<1x64xf32>
    %concatenate3A = tpu.concatenate %get3A_1, %get3A_4 in 1 : vector<1x64xf32>, vector<1x64xf32> -> vector<1x128xf32>
    %get3A_5 = arith.constant 0 : index
    %get3A_6 = arith.constant 0 : index
    %get3A_7 = vector.load %arg1[%get3A_5, %get3A_6] : memref<1000x256xf32, #tpu.memory_space<vmem>>, vector<1000x256xf32>
    %get3A_8 = arith.constant 0 : index
    %get3A_9 = arith.constant 0 : index
    %get3A_10 = vector.load %arg2[%get3A_8, %get3A_9] : memref<128x64xf32, #tpu.memory_space<vmem>>, vector<128x64xf32>
    %slice3A = vector.extract_strided_slice %get3A_7 {offsets = [0, 0], sizes = [1000, 128], strides = [1, 1]} : vector<1000x256xf32> to vector<1000x128xf32>
    %dot_general3A = arith.constant dense<0.000000e+00> : vector<1000x64xf32>
    %dot_general3A_11 = tpu.matmul %slice3A, %get3A_10, %dot_general3A {dimension_numbers = #tpu.dot_dimension_numbers<[1], [0], [0], [1], [0, 0, 1, 1], [], []>, transpose_lhs_hint = false} : vector<1000x128xf32>, vector<128x64xf32>, vector<1000x64xf32> -> vector<1000x64xf32>
    %slice3A_12 = vector.extract_strided_slice %get3A_7 {offsets = [0, 128], sizes = [1000, 128], strides = [1, 1]} : vector<1000x256xf32> to vector<1000x128xf32>
    %dot_general3A_13 = arith.constant dense<0.000000e+00> : vector<1000x64xf32>
    %dot_general3A_14 = tpu.matmul %slice3A_12, %get3A_10, %dot_general3A_13 {dimension_numbers = #tpu.dot_dimension_numbers<[1], [0], [0], [1], [0, 0, 1, 1], [], []>, transpose_lhs_hint = false} : vector<1000x128xf32>, vector<128x64xf32>, vector<1000x64xf32> -> vector<1000x64xf32>
    %concatenate3A_15 = tpu.concatenate %dot_general3A_11, %dot_general3A_14 in 1 : vector<1000x64xf32>, vector<1000x64xf32> -> vector<1000x128xf32>
    %add3A = vector.broadcast %concatenate3A : vector<1x128xf32> to vector<1000x128xf32>
    %add3A_16 = arith.addf %concatenate3A_15, %add3A : vector<1000x128xf32>
    %swap3A = arith.constant 0 : index
    %swap3A_17 = arith.constant 0 : index
    %swap3A_18 = vector.load %arg4[%swap3A, %swap3A_17] : memref<1000x128xf32, #tpu.memory_space<vmem>>, vector<1000x128xf32>
    tpu.vector_store %arg4[%swap3A, %swap3A_17], %add3A_16 {strides = array<i32>} : memref<1000x128xf32, #tpu.memory_space<vmem>>, vector<1000x128xf32>,
    return
  }
  func.func @transform_0(%arg0: i32) -> (i32, i32) {
    %c0_i32 = arith.constant 0 : i32
    %c0_i32_0 = arith.constant 0 : i32
    return %arg0, %c0_i32 : i32, i32
  }
  func.func @transform_1(%arg0: i32) -> (i32, i32) {
    %c0_i32 = arith.constant 0 : i32
    %c0_i32_0 = arith.constant 0 : i32
    %c0_i32_1 = arith.constant 0 : i32
    return %c0_i32, %c0_i32_0 : i32, i32
  }
  func.func @transform_2(%arg0: i32) -> (i32, i32) {
    %c0_i32 = arith.constant 0 : i32
    %c0_i32_0 = arith.constant 0 : i32
    %c0_i32_1 = arith.constant 0 : i32
    return %c0_i32, %c0_i32_0 : i32, i32
  }
  func.func @transform_3(%arg0: i32) -> (i32, i32) {
    %c0_i32 = arith.constant 0 : i32
    %c0_i32_0 = arith.constant 0 : i32
    return %arg0, %c0_i32 : i32, i32
  }
}

module attributes {stable_mosaic.version = 14 : i64} {
  func.func @body(%arg0: i32, %arg1: memref<2x625x128xf32, #tpu.memory_space<vmem>>, %arg2: memref<5000x128xf32, #tpu.memory_space<vmem>>) attributes {dimension_semantics = [#tpu.dimension_semantics<arbitrary>], iteration_bounds = array<i64: 1>, scalar_prefetch = 0 : i64, scratch_operands = 0 : i64, tpu.core_type = #tpu.core_type<tc>, window_params = [{pipeline_mode = #tpu.pipeline_mode<synchronous>, transform_indices = @transform_0, window_bounds = array<i64: 2, 625, 128>}, {pipeline_mode = #tpu.pipeline_mode<synchronous>, transform_indices = @transform_1, window_bounds = array<i64: 5000, 128>}]} {
    %get3A = arith.constant 0 : index
    %get3A_0 = arith.constant 0 : index
    %get3A_1 = arith.constant 0 : index
    %get3A_2 = vector.load %arg1[%get3A, %get3A_0, %get3A_1] : memref<2x625x128xf32, #tpu.memory_space<vmem>>, vector<1x625x128xf32>
    %get3A_3 = vector.shape_cast %get3A_2 : vector<1x625x128xf32> to vector<625x128xf32>
    %get3A_4 = arith.constant 1 : index
    %get3A_5 = arith.constant 0 : index
    %get3A_6 = arith.constant 0 : index
    %get3A_7 = vector.load %arg1[%get3A_4, %get3A_5, %get3A_6] : memref<2x625x128xf32, #tpu.memory_space<vmem>>, vector<1x625x128xf32>
    %get3A_8 = vector.shape_cast %get3A_7 : vector<1x625x128xf32> to vector<625x128xf32>
    %add3A = arith.addf %get3A_3, %get3A_8 : vector<625x128xf32>
    %max3A = arith.constant 1.000000e+00 : f32
    %max3A_9 = vector.broadcast %max3A : f32 to vector<625x128xf32>
    %max3A_10 = arith.maximumf %add3A, %max3A_9 : vector<625x128xf32>
    %div3A = arith.constant 1.000000e+00 : f32
    %div3A_11 = vector.broadcast %div3A : f32 to vector<625x128xf32>
    %div3A_12 = arith.divf %div3A_11, %max3A_10 : vector<625x128xf32>
    %iota3A = tpu.iota {dimensions = array<i32: 0>} : vector<128x128xi32>
    %iota3A_13 = tpu.iota {dimensions = array<i32: 1>} : vector<128x128xi32>
    %jit3A = arith.constant 64 : i32
    %div3A_14 = vector.broadcast %jit3A : i32 to vector<128x128xi32>
    %div3A_15 = arith.divsi %iota3A_13, %div3A_14 : vector<128x128xi32>
    %sign3A = arith.constant 0 : i32
    %sign3A_16 = vector.broadcast %sign3A : i32 to vector<128x128xi32>
    %sign3A_17 = arith.cmpi sgt, %iota3A_13, %sign3A_16 : vector<128x128xi32>
    %sign3A_18 = arith.extui %sign3A_17 : vector<128x128xi1> to vector<128x128xi32>
    %sign3A_19 = arith.constant 0 : i32
    %sign3A_20 = vector.broadcast %sign3A_19 : i32 to vector<128x128xi32>
    %sign3A_21 = arith.cmpi slt, %iota3A_13, %sign3A_20 : vector<128x128xi32>
    %sign3A_22 = arith.extui %sign3A_21 : vector<128x128xi1> to vector<128x128xi32>
    %sign3A_23 = arith.subi %sign3A_18, %sign3A_22 : vector<128x128xi32>
    %sign3A_24 = arith.constant 0 : i32
    %sign3A_25 = arith.cmpi sgt, %jit3A, %sign3A_24 : i32
    %sign3A_26 = arith.extui %sign3A_25 : i1 to i32
    %sign3A_27 = arith.constant 0 : i32
    %sign3A_28 = arith.cmpi slt, %jit3A, %sign3A_27 : i32
    %sign3A_29 = arith.extui %sign3A_28 : i1 to i32
    %sign3A_30 = arith.subi %sign3A_26, %sign3A_29 : i32
    %ne3A = vector.broadcast %sign3A_30 : i32 to vector<128x128xi32>
    %ne3A_31 = arith.cmpi ne, %sign3A_23, %ne3A : vector<128x128xi32>
    %rem3A = vector.broadcast %jit3A : i32 to vector<128x128xi32>
    %rem3A_32 = arith.remsi %iota3A_13, %rem3A : vector<128x128xi32>
    %ne3A_33 = arith.constant 0 : i32
    %ne3A_34 = vector.broadcast %ne3A_33 : i32 to vector<128x128xi32>
    %ne3A_35 = arith.cmpi ne, %rem3A_32, %ne3A_34 : vector<128x128xi32>
    %and3A = arith.andi %ne3A_31, %ne3A_35 : vector<128x128xi1>
    %sub3A = arith.constant 1 : i32
    %sub3A_36 = vector.broadcast %sub3A : i32 to vector<128x128xi32>
    %sub3A_37 = arith.subi %div3A_15, %sub3A_36 : vector<128x128xi32>
    %select_n3A = arith.select %and3A, %sub3A_37, %div3A_15 : vector<128x128xi1>, vector<128x128xi32>
    %mul3A = arith.constant 8 : i32
    %mul3A_38 = vector.broadcast %mul3A : i32 to vector<128x128xi32>
    %mul3A_39 = arith.muli %mul3A_38, %select_n3A : vector<128x128xi32>
    %add3A_40 = arith.constant 0 : i32
    %add3A_41 = vector.broadcast %add3A_40 : i32 to vector<128x128xi32>
    %add3A_42 = arith.addi %add3A_41, %mul3A_39 : vector<128x128xi32>
    %eq3A = arith.cmpi eq, %iota3A, %add3A_42 : vector<128x128xi32>
    %convert_element_type3A = arith.extui %eq3A : vector<128x128xi1> to vector<128x128xi32>
    %convert_element_type3A_43 = arith.sitofp %convert_element_type3A : vector<128x128xi32> to vector<128x128xf32>
    %dot_general3A = arith.constant dense<0.000000e+00> : vector<625x128xf32>
    %dot_general3A_44 = tpu.matmul %div3A_12, %convert_element_type3A_43, %dot_general3A {dimension_numbers = #tpu.dot_dimension_numbers<[1], [0], [0], [1], [0, 0, 1, 1], [], []>, transpose_lhs_hint = false} : vector<625x128xf32>, vector<128x128xf32>, vector<625x128xf32> -> vector<625x128xf32>
    %jit3A_45 = arith.constant 64 : i32
    %div3A_46 = vector.broadcast %jit3A_45 : i32 to vector<128x128xi32>
    %div3A_47 = arith.divsi %iota3A_13, %div3A_46 : vector<128x128xi32>
    %sign3A_48 = arith.constant 0 : i32
    %sign3A_49 = vector.broadcast %sign3A_48 : i32 to vector<128x128xi32>
    %sign3A_50 = arith.cmpi sgt, %iota3A_13, %sign3A_49 : vector<128x128xi32>
    %sign3A_51 = arith.extui %sign3A_50 : vector<128x128xi1> to vector<128x128xi32>
    %sign3A_52 = arith.constant 0 : i32
    %sign3A_53 = vector.broadcast %sign3A_52 : i32 to vector<128x128xi32>
    %sign3A_54 = arith.cmpi slt, %iota3A_13, %sign3A_53 : vector<128x128xi32>
    %sign3A_55 = arith.extui %sign3A_54 : vector<128x128xi1> to vector<128x128xi32>
    %sign3A_56 = arith.subi %sign3A_51, %sign3A_55 : vector<128x128xi32>
    %sign3A_57 = arith.constant 0 : i32
    %sign3A_58 = arith.cmpi sgt, %jit3A_45, %sign3A_57 : i32
    %sign3A_59 = arith.extui %sign3A_58 : i1 to i32
    %sign3A_60 = arith.constant 0 : i32
    %sign3A_61 = arith.cmpi slt, %jit3A_45, %sign3A_60 : i32
    %sign3A_62 = arith.extui %sign3A_61 : i1 to i32
    %sign3A_63 = arith.subi %sign3A_59, %sign3A_62 : i32
    %ne3A_64 = vector.broadcast %sign3A_63 : i32 to vector<128x128xi32>
    %ne3A_65 = arith.cmpi ne, %sign3A_56, %ne3A_64 : vector<128x128xi32>
    %rem3A_66 = vector.broadcast %jit3A_45 : i32 to vector<128x128xi32>
    %rem3A_67 = arith.remsi %iota3A_13, %rem3A_66 : vector<128x128xi32>
    %ne3A_68 = arith.constant 0 : i32
    %ne3A_69 = vector.broadcast %ne3A_68 : i32 to vector<128x128xi32>
    %ne3A_70 = arith.cmpi ne, %rem3A_67, %ne3A_69 : vector<128x128xi32>
    %and3A_71 = arith.andi %ne3A_65, %ne3A_70 : vector<128x128xi1>
    %sub3A_72 = arith.constant 1 : i32
    %sub3A_73 = vector.broadcast %sub3A_72 : i32 to vector<128x128xi32>
    %sub3A_74 = arith.subi %div3A_47, %sub3A_73 : vector<128x128xi32>
    %select_n3A_75 = arith.select %and3A_71, %sub3A_74, %div3A_47 : vector<128x128xi1>, vector<128x128xi32>
    %mul3A_76 = arith.constant 8 : i32
    %mul3A_77 = vector.broadcast %mul3A_76 : i32 to vector<128x128xi32>
    %mul3A_78 = arith.muli %mul3A_77, %select_n3A_75 : vector<128x128xi32>
    %add3A_79 = arith.constant 16 : i32
    %add3A_80 = vector.broadcast %add3A_79 : i32 to vector<128x128xi32>
    %add3A_81 = arith.addi %add3A_80, %mul3A_78 : vector<128x128xi32>
    %eq3A_82 = arith.cmpi eq, %iota3A, %add3A_81 : vector<128x128xi32>
    %convert_element_type3A_83 = arith.extui %eq3A_82 : vector<128x128xi1> to vector<128x128xi32>
    %convert_element_type3A_84 = arith.sitofp %convert_element_type3A_83 : vector<128x128xi32> to vector<128x128xf32>
    %dot_general3A_85 = arith.constant dense<0.000000e+00> : vector<625x128xf32>
    %dot_general3A_86 = tpu.matmul %div3A_12, %convert_element_type3A_84, %dot_general3A_85 {dimension_numbers = #tpu.dot_dimension_numbers<[1], [0], [0], [1], [0, 0, 1, 1], [], []>, transpose_lhs_hint = false} : vector<625x128xf32>, vector<128x128xf32>, vector<625x128xf32> -> vector<625x128xf32>
    %jit3A_87 = arith.constant 64 : i32
    %div3A_88 = vector.broadcast %jit3A_87 : i32 to vector<128x128xi32>
    %div3A_89 = arith.divsi %iota3A_13, %div3A_88 : vector<128x128xi32>
    %sign3A_90 = arith.constant 0 : i32
    %sign3A_91 = vector.broadcast %sign3A_90 : i32 to vector<128x128xi32>
    %sign3A_92 = arith.cmpi sgt, %iota3A_13, %sign3A_91 : vector<128x128xi32>
    %sign3A_93 = arith.extui %sign3A_92 : vector<128x128xi1> to vector<128x128xi32>
    %sign3A_94 = arith.constant 0 : i32
    %sign3A_95 = vector.broadcast %sign3A_94 : i32 to vector<128x128xi32>
    %sign3A_96 = arith.cmpi slt, %iota3A_13, %sign3A_95 : vector<128x128xi32>
    %sign3A_97 = arith.extui %sign3A_96 : vector<128x128xi1> to vector<128x128xi32>
    %sign3A_98 = arith.subi %sign3A_93, %sign3A_97 : vector<128x128xi32>
    %sign3A_99 = arith.constant 0 : i32
    %sign3A_100 = arith.cmpi sgt, %jit3A_87, %sign3A_99 : i32
    %sign3A_101 = arith.extui %sign3A_100 : i1 to i32
    %sign3A_102 = arith.constant 0 : i32
    %sign3A_103 = arith.cmpi slt, %jit3A_87, %sign3A_102 : i32
    %sign3A_104 = arith.extui %sign3A_103 : i1 to i32
    %sign3A_105 = arith.subi %sign3A_101, %sign3A_104 : i32
    %ne3A_106 = vector.broadcast %sign3A_105 : i32 to vector<128x128xi32>
    %ne3A_107 = arith.cmpi ne, %sign3A_98, %ne3A_106 : vector<128x128xi32>
    %rem3A_108 = vector.broadcast %jit3A_87 : i32 to vector<128x128xi32>
    %rem3A_109 = arith.remsi %iota3A_13, %rem3A_108 : vector<128x128xi32>
    %ne3A_110 = arith.constant 0 : i32
    %ne3A_111 = vector.broadcast %ne3A_110 : i32 to vector<128x128xi32>
    %ne3A_112 = arith.cmpi ne, %rem3A_109, %ne3A_111 : vector<128x128xi32>
    %and3A_113 = arith.andi %ne3A_107, %ne3A_112 : vector<128x128xi1>
    %sub3A_114 = arith.constant 1 : i32
    %sub3A_115 = vector.broadcast %sub3A_114 : i32 to vector<128x128xi32>
    %sub3A_116 = arith.subi %div3A_89, %sub3A_115 : vector<128x128xi32>
    %select_n3A_117 = arith.select %and3A_113, %sub3A_116, %div3A_89 : vector<128x128xi1>, vector<128x128xi32>
    %mul3A_118 = arith.constant 8 : i32
    %mul3A_119 = vector.broadcast %mul3A_118 : i32 to vector<128x128xi32>
    %mul3A_120 = arith.muli %mul3A_119, %select_n3A_117 : vector<128x128xi32>
    %add3A_121 = arith.constant 32 : i32
    %add3A_122 = vector.broadcast %add3A_121 : i32 to vector<128x128xi32>
    %add3A_123 = arith.addi %add3A_122, %mul3A_120 : vector<128x128xi32>
    %eq3A_124 = arith.cmpi eq, %iota3A, %add3A_123 : vector<128x128xi32>
    %convert_element_type3A_125 = arith.extui %eq3A_124 : vector<128x128xi1> to vector<128x128xi32>
    %convert_element_type3A_126 = arith.sitofp %convert_element_type3A_125 : vector<128x128xi32> to vector<128x128xf32>
    %dot_general3A_127 = arith.constant dense<0.000000e+00> : vector<625x128xf32>
    %dot_general3A_128 = tpu.matmul %div3A_12, %convert_element_type3A_126, %dot_general3A_127 {dimension_numbers = #tpu.dot_dimension_numbers<[1], [0], [0], [1], [0, 0, 1, 1], [], []>, transpose_lhs_hint = false} : vector<625x128xf32>, vector<128x128xf32>, vector<625x128xf32> -> vector<625x128xf32>
    %jit3A_129 = arith.constant 64 : i32
    %div3A_130 = vector.broadcast %jit3A_129 : i32 to vector<128x128xi32>
    %div3A_131 = arith.divsi %iota3A_13, %div3A_130 : vector<128x128xi32>
    %sign3A_132 = arith.constant 0 : i32
    %sign3A_133 = vector.broadcast %sign3A_132 : i32 to vector<128x128xi32>
    %sign3A_134 = arith.cmpi sgt, %iota3A_13, %sign3A_133 : vector<128x128xi32>
    %sign3A_135 = arith.extui %sign3A_134 : vector<128x128xi1> to vector<128x128xi32>
    %sign3A_136 = arith.constant 0 : i32
    %sign3A_137 = vector.broadcast %sign3A_136 : i32 to vector<128x128xi32>
    %sign3A_138 = arith.cmpi slt, %iota3A_13, %sign3A_137 : vector<128x128xi32>
    %sign3A_139 = arith.extui %sign3A_138 : vector<128x128xi1> to vector<128x128xi32>
    %sign3A_140 = arith.subi %sign3A_135, %sign3A_139 : vector<128x128xi32>
    %sign3A_141 = arith.constant 0 : i32
    %sign3A_142 = arith.cmpi sgt, %jit3A_129, %sign3A_141 : i32
    %sign3A_143 = arith.extui %sign3A_142 : i1 to i32
    %sign3A_144 = arith.constant 0 : i32
    %sign3A_145 = arith.cmpi slt, %jit3A_129, %sign3A_144 : i32
    %sign3A_146 = arith.extui %sign3A_145 : i1 to i32
    %sign3A_147 = arith.subi %sign3A_143, %sign3A_146 : i32
    %ne3A_148 = vector.broadcast %sign3A_147 : i32 to vector<128x128xi32>
    %ne3A_149 = arith.cmpi ne, %sign3A_140, %ne3A_148 : vector<128x128xi32>
    %rem3A_150 = vector.broadcast %jit3A_129 : i32 to vector<128x128xi32>
    %rem3A_151 = arith.remsi %iota3A_13, %rem3A_150 : vector<128x128xi32>
    %ne3A_152 = arith.constant 0 : i32
    %ne3A_153 = vector.broadcast %ne3A_152 : i32 to vector<128x128xi32>
    %ne3A_154 = arith.cmpi ne, %rem3A_151, %ne3A_153 : vector<128x128xi32>
    %and3A_155 = arith.andi %ne3A_149, %ne3A_154 : vector<128x128xi1>
    %sub3A_156 = arith.constant 1 : i32
    %sub3A_157 = vector.broadcast %sub3A_156 : i32 to vector<128x128xi32>
    %sub3A_158 = arith.subi %div3A_131, %sub3A_157 : vector<128x128xi32>
    %select_n3A_159 = arith.select %and3A_155, %sub3A_158, %div3A_131 : vector<128x128xi1>, vector<128x128xi32>
    %mul3A_160 = arith.constant 8 : i32
    %mul3A_161 = vector.broadcast %mul3A_160 : i32 to vector<128x128xi32>
    %mul3A_162 = arith.muli %mul3A_161, %select_n3A_159 : vector<128x128xi32>
    %add3A_163 = arith.constant 48 : i32
    %add3A_164 = vector.broadcast %add3A_163 : i32 to vector<128x128xi32>
    %add3A_165 = arith.addi %add3A_164, %mul3A_162 : vector<128x128xi32>
    %eq3A_166 = arith.cmpi eq, %iota3A, %add3A_165 : vector<128x128xi32>
    %convert_element_type3A_167 = arith.extui %eq3A_166 : vector<128x128xi1> to vector<128x128xi32>
    %convert_element_type3A_168 = arith.sitofp %convert_element_type3A_167 : vector<128x128xi32> to vector<128x128xf32>
    %dot_general3A_169 = arith.constant dense<0.000000e+00> : vector<625x128xf32>
    %dot_general3A_170 = tpu.matmul %div3A_12, %convert_element_type3A_168, %dot_general3A_169 {dimension_numbers = #tpu.dot_dimension_numbers<[1], [0], [0], [1], [0, 0, 1, 1], [], []>, transpose_lhs_hint = false} : vector<625x128xf32>, vector<128x128xf32>, vector<625x128xf32> -> vector<625x128xf32>
    %jit3A_171 = arith.constant 64 : i32
    %div3A_172 = vector.broadcast %jit3A_171 : i32 to vector<128x128xi32>
    %div3A_173 = arith.divsi %iota3A_13, %div3A_172 : vector<128x128xi32>
    %sign3A_174 = arith.constant 0 : i32
    %sign3A_175 = vector.broadcast %sign3A_174 : i32 to vector<128x128xi32>
    %sign3A_176 = arith.cmpi sgt, %iota3A_13, %sign3A_175 : vector<128x128xi32>
    %sign3A_177 = arith.extui %sign3A_176 : vector<128x128xi1> to vector<128x128xi32>
    %sign3A_178 = arith.constant 0 : i32
    %sign3A_179 = vector.broadcast %sign3A_178 : i32 to vector<128x128xi32>
    %sign3A_180 = arith.cmpi slt, %iota3A_13, %sign3A_179 : vector<128x128xi32>
    %sign3A_181 = arith.extui %sign3A_180 : vector<128x128xi1> to vector<128x128xi32>
    %sign3A_182 = arith.subi %sign3A_177, %sign3A_181 : vector<128x128xi32>
    %sign3A_183 = arith.constant 0 : i32
    %sign3A_184 = arith.cmpi sgt, %jit3A_171, %sign3A_183 : i32
    %sign3A_185 = arith.extui %sign3A_184 : i1 to i32
    %sign3A_186 = arith.constant 0 : i32
    %sign3A_187 = arith.cmpi slt, %jit3A_171, %sign3A_186 : i32
    %sign3A_188 = arith.extui %sign3A_187 : i1 to i32
    %sign3A_189 = arith.subi %sign3A_185, %sign3A_188 : i32
    %ne3A_190 = vector.broadcast %sign3A_189 : i32 to vector<128x128xi32>
    %ne3A_191 = arith.cmpi ne, %sign3A_182, %ne3A_190 : vector<128x128xi32>
    %rem3A_192 = vector.broadcast %jit3A_171 : i32 to vector<128x128xi32>
    %rem3A_193 = arith.remsi %iota3A_13, %rem3A_192 : vector<128x128xi32>
    %ne3A_194 = arith.constant 0 : i32
    %ne3A_195 = vector.broadcast %ne3A_194 : i32 to vector<128x128xi32>
    %ne3A_196 = arith.cmpi ne, %rem3A_193, %ne3A_195 : vector<128x128xi32>
    %and3A_197 = arith.andi %ne3A_191, %ne3A_196 : vector<128x128xi1>
    %sub3A_198 = arith.constant 1 : i32
    %sub3A_199 = vector.broadcast %sub3A_198 : i32 to vector<128x128xi32>
    %sub3A_200 = arith.subi %div3A_173, %sub3A_199 : vector<128x128xi32>
    %select_n3A_201 = arith.select %and3A_197, %sub3A_200, %div3A_173 : vector<128x128xi1>, vector<128x128xi32>
    %mul3A_202 = arith.constant 8 : i32
    %mul3A_203 = vector.broadcast %mul3A_202 : i32 to vector<128x128xi32>
    %mul3A_204 = arith.muli %mul3A_203, %select_n3A_201 : vector<128x128xi32>
    %add3A_205 = arith.constant 64 : i32
    %add3A_206 = vector.broadcast %add3A_205 : i32 to vector<128x128xi32>
    %add3A_207 = arith.addi %add3A_206, %mul3A_204 : vector<128x128xi32>
    %eq3A_208 = arith.cmpi eq, %iota3A, %add3A_207 : vector<128x128xi32>
    %convert_element_type3A_209 = arith.extui %eq3A_208 : vector<128x128xi1> to vector<128x128xi32>
    %convert_element_type3A_210 = arith.sitofp %convert_element_type3A_209 : vector<128x128xi32> to vector<128x128xf32>
    %dot_general3A_211 = arith.constant dense<0.000000e+00> : vector<625x128xf32>
    %dot_general3A_212 = tpu.matmul %div3A_12, %convert_element_type3A_210, %dot_general3A_211 {dimension_numbers = #tpu.dot_dimension_numbers<[1], [0], [0], [1], [0, 0, 1, 1], [], []>, transpose_lhs_hint = false} : vector<625x128xf32>, vector<128x128xf32>, vector<625x128xf32> -> vector<625x128xf32>
    %jit3A_213 = arith.constant 64 : i32
    %div3A_214 = vector.broadcast %jit3A_213 : i32 to vector<128x128xi32>
    %div3A_215 = arith.divsi %iota3A_13, %div3A_214 : vector<128x128xi32>
    %sign3A_216 = arith.constant 0 : i32
    %sign3A_217 = vector.broadcast %sign3A_216 : i32 to vector<128x128xi32>
    %sign3A_218 = arith.cmpi sgt, %iota3A_13, %sign3A_217 : vector<128x128xi32>
    %sign3A_219 = arith.extui %sign3A_218 : vector<128x128xi1> to vector<128x128xi32>
    %sign3A_220 = arith.constant 0 : i32
    %sign3A_221 = vector.broadcast %sign3A_220 : i32 to vector<128x128xi32>
    %sign3A_222 = arith.cmpi slt, %iota3A_13, %sign3A_221 : vector<128x128xi32>
    %sign3A_223 = arith.extui %sign3A_222 : vector<128x128xi1> to vector<128x128xi32>
    %sign3A_224 = arith.subi %sign3A_219, %sign3A_223 : vector<128x128xi32>
    %sign3A_225 = arith.constant 0 : i32
    %sign3A_226 = arith.cmpi sgt, %jit3A_213, %sign3A_225 : i32
    %sign3A_227 = arith.extui %sign3A_226 : i1 to i32
    %sign3A_228 = arith.constant 0 : i32
    %sign3A_229 = arith.cmpi slt, %jit3A_213, %sign3A_228 : i32
    %sign3A_230 = arith.extui %sign3A_229 : i1 to i32
    %sign3A_231 = arith.subi %sign3A_227, %sign3A_230 : i32
    %ne3A_232 = vector.broadcast %sign3A_231 : i32 to vector<128x128xi32>
    %ne3A_233 = arith.cmpi ne, %sign3A_224, %ne3A_232 : vector<128x128xi32>
    %rem3A_234 = vector.broadcast %jit3A_213 : i32 to vector<128x128xi32>
    %rem3A_235 = arith.remsi %iota3A_13, %rem3A_234 : vector<128x128xi32>
    %ne3A_236 = arith.constant 0 : i32
    %ne3A_237 = vector.broadcast %ne3A_236 : i32 to vector<128x128xi32>
    %ne3A_238 = arith.cmpi ne, %rem3A_235, %ne3A_237 : vector<128x128xi32>
    %and3A_239 = arith.andi %ne3A_233, %ne3A_238 : vector<128x128xi1>
    %sub3A_240 = arith.constant 1 : i32
    %sub3A_241 = vector.broadcast %sub3A_240 : i32 to vector<128x128xi32>
    %sub3A_242 = arith.subi %div3A_215, %sub3A_241 : vector<128x128xi32>
    %select_n3A_243 = arith.select %and3A_239, %sub3A_242, %div3A_215 : vector<128x128xi1>, vector<128x128xi32>
    %mul3A_244 = arith.constant 8 : i32
    %mul3A_245 = vector.broadcast %mul3A_244 : i32 to vector<128x128xi32>
    %mul3A_246 = arith.muli %mul3A_245, %select_n3A_243 : vector<128x128xi32>
    %add3A_247 = arith.constant 80 : i32
    %add3A_248 = vector.broadcast %add3A_247 : i32 to vector<128x128xi32>
    %add3A_249 = arith.addi %add3A_248, %mul3A_246 : vector<128x128xi32>
    %eq3A_250 = arith.cmpi eq, %iota3A, %add3A_249 : vector<128x128xi32>
    %convert_element_type3A_251 = arith.extui %eq3A_250 : vector<128x128xi1> to vector<128x128xi32>
    %convert_element_type3A_252 = arith.sitofp %convert_element_type3A_251 : vector<128x128xi32> to vector<128x128xf32>
    %dot_general3A_253 = arith.constant dense<0.000000e+00> : vector<625x128xf32>
    %dot_general3A_254 = tpu.matmul %div3A_12, %convert_element_type3A_252, %dot_general3A_253 {dimension_numbers = #tpu.dot_dimension_numbers<[1], [0], [0], [1], [0, 0, 1, 1], [], []>, transpose_lhs_hint = false} : vector<625x128xf32>, vector<128x128xf32>, vector<625x128xf32> -> vector<625x128xf32>
    %jit3A_255 = arith.constant 64 : i32
    %div3A_256 = vector.broadcast %jit3A_255 : i32 to vector<128x128xi32>
    %div3A_257 = arith.divsi %iota3A_13, %div3A_256 : vector<128x128xi32>
    %sign3A_258 = arith.constant 0 : i32
    %sign3A_259 = vector.broadcast %sign3A_258 : i32 to vector<128x128xi32>
    %sign3A_260 = arith.cmpi sgt, %iota3A_13, %sign3A_259 : vector<128x128xi32>
    %sign3A_261 = arith.extui %sign3A_260 : vector<128x128xi1> to vector<128x128xi32>
    %sign3A_262 = arith.constant 0 : i32
    %sign3A_263 = vector.broadcast %sign3A_262 : i32 to vector<128x128xi32>
    %sign3A_264 = arith.cmpi slt, %iota3A_13, %sign3A_263 : vector<128x128xi32>
    %sign3A_265 = arith.extui %sign3A_264 : vector<128x128xi1> to vector<128x128xi32>
    %sign3A_266 = arith.subi %sign3A_261, %sign3A_265 : vector<128x128xi32>
    %sign3A_267 = arith.constant 0 : i32
    %sign3A_268 = arith.cmpi sgt, %jit3A_255, %sign3A_267 : i32
    %sign3A_269 = arith.extui %sign3A_268 : i1 to i32
    %sign3A_270 = arith.constant 0 : i32
    %sign3A_271 = arith.cmpi slt, %jit3A_255, %sign3A_270 : i32
    %sign3A_272 = arith.extui %sign3A_271 : i1 to i32
    %sign3A_273 = arith.subi %sign3A_269, %sign3A_272 : i32
    %ne3A_274 = vector.broadcast %sign3A_273 : i32 to vector<128x128xi32>
    %ne3A_275 = arith.cmpi ne, %sign3A_266, %ne3A_274 : vector<128x128xi32>
    %rem3A_276 = vector.broadcast %jit3A_255 : i32 to vector<128x128xi32>
    %rem3A_277 = arith.remsi %iota3A_13, %rem3A_276 : vector<128x128xi32>
    %ne3A_278 = arith.constant 0 : i32
    %ne3A_279 = vector.broadcast %ne3A_278 : i32 to vector<128x128xi32>
    %ne3A_280 = arith.cmpi ne, %rem3A_277, %ne3A_279 : vector<128x128xi32>
    %and3A_281 = arith.andi %ne3A_275, %ne3A_280 : vector<128x128xi1>
    %sub3A_282 = arith.constant 1 : i32
    %sub3A_283 = vector.broadcast %sub3A_282 : i32 to vector<128x128xi32>
    %sub3A_284 = arith.subi %div3A_257, %sub3A_283 : vector<128x128xi32>
    %select_n3A_285 = arith.select %and3A_281, %sub3A_284, %div3A_257 : vector<128x128xi1>, vector<128x128xi32>
    %mul3A_286 = arith.constant 8 : i32
    %mul3A_287 = vector.broadcast %mul3A_286 : i32 to vector<128x128xi32>
    %mul3A_288 = arith.muli %mul3A_287, %select_n3A_285 : vector<128x128xi32>
    %add3A_289 = arith.constant 96 : i32
    %add3A_290 = vector.broadcast %add3A_289 : i32 to vector<128x128xi32>
    %add3A_291 = arith.addi %add3A_290, %mul3A_288 : vector<128x128xi32>
    %eq3A_292 = arith.cmpi eq, %iota3A, %add3A_291 : vector<128x128xi32>
    %convert_element_type3A_293 = arith.extui %eq3A_292 : vector<128x128xi1> to vector<128x128xi32>
    %convert_element_type3A_294 = arith.sitofp %convert_element_type3A_293 : vector<128x128xi32> to vector<128x128xf32>
    %dot_general3A_295 = arith.constant dense<0.000000e+00> : vector<625x128xf32>
    %dot_general3A_296 = tpu.matmul %div3A_12, %convert_element_type3A_294, %dot_general3A_295 {dimension_numbers = #tpu.dot_dimension_numbers<[1], [0], [0], [1], [0, 0, 1, 1], [], []>, transpose_lhs_hint = false} : vector<625x128xf32>, vector<128x128xf32>, vector<625x128xf32> -> vector<625x128xf32>
    %jit3A_297 = arith.constant 64 : i32
    %div3A_298 = vector.broadcast %jit3A_297 : i32 to vector<128x128xi32>
    %div3A_299 = arith.divsi %iota3A_13, %div3A_298 : vector<128x128xi32>
    %sign3A_300 = arith.constant 0 : i32
    %sign3A_301 = vector.broadcast %sign3A_300 : i32 to vector<128x128xi32>
    %sign3A_302 = arith.cmpi sgt, %iota3A_13, %sign3A_301 : vector<128x128xi32>
    %sign3A_303 = arith.extui %sign3A_302 : vector<128x128xi1> to vector<128x128xi32>
    %sign3A_304 = arith.constant 0 : i32
    %sign3A_305 = vector.broadcast %sign3A_304 : i32 to vector<128x128xi32>
    %sign3A_306 = arith.cmpi slt, %iota3A_13, %sign3A_305 : vector<128x128xi32>
    %sign3A_307 = arith.extui %sign3A_306 : vector<128x128xi1> to vector<128x128xi32>
    %sign3A_308 = arith.subi %sign3A_303, %sign3A_307 : vector<128x128xi32>
    %sign3A_309 = arith.constant 0 : i32
    %sign3A_310 = arith.cmpi sgt, %jit3A_297, %sign3A_309 : i32
    %sign3A_311 = arith.extui %sign3A_310 : i1 to i32
    %sign3A_312 = arith.constant 0 : i32
    %sign3A_313 = arith.cmpi slt, %jit3A_297, %sign3A_312 : i32
    %sign3A_314 = arith.extui %sign3A_313 : i1 to i32
    %sign3A_315 = arith.subi %sign3A_311, %sign3A_314 : i32
    %ne3A_316 = vector.broadcast %sign3A_315 : i32 to vector<128x128xi32>
    %ne3A_317 = arith.cmpi ne, %sign3A_308, %ne3A_316 : vector<128x128xi32>
    %rem3A_318 = vector.broadcast %jit3A_297 : i32 to vector<128x128xi32>
    %rem3A_319 = arith.remsi %iota3A_13, %rem3A_318 : vector<128x128xi32>
    %ne3A_320 = arith.constant 0 : i32
    %ne3A_321 = vector.broadcast %ne3A_320 : i32 to vector<128x128xi32>
    %ne3A_322 = arith.cmpi ne, %rem3A_319, %ne3A_321 : vector<128x128xi32>
    %and3A_323 = arith.andi %ne3A_317, %ne3A_322 : vector<128x128xi1>
    %sub3A_324 = arith.constant 1 : i32
    %sub3A_325 = vector.broadcast %sub3A_324 : i32 to vector<128x128xi32>
    %sub3A_326 = arith.subi %div3A_299, %sub3A_325 : vector<128x128xi32>
    %select_n3A_327 = arith.select %and3A_323, %sub3A_326, %div3A_299 : vector<128x128xi1>, vector<128x128xi32>
    %mul3A_328 = arith.constant 8 : i32
    %mul3A_329 = vector.broadcast %mul3A_328 : i32 to vector<128x128xi32>
    %mul3A_330 = arith.muli %mul3A_329, %select_n3A_327 : vector<128x128xi32>
    %add3A_331 = arith.constant 112 : i32
    %add3A_332 = vector.broadcast %add3A_331 : i32 to vector<128x128xi32>
    %add3A_333 = arith.addi %add3A_332, %mul3A_330 : vector<128x128xi32>
    %eq3A_334 = arith.cmpi eq, %iota3A, %add3A_333 : vector<128x128xi32>
    %convert_element_type3A_335 = arith.extui %eq3A_334 : vector<128x128xi1> to vector<128x128xi32>
    %convert_element_type3A_336 = arith.sitofp %convert_element_type3A_335 : vector<128x128xi32> to vector<128x128xf32>
    %dot_general3A_337 = arith.constant dense<0.000000e+00> : vector<625x128xf32>
    %dot_general3A_338 = tpu.matmul %div3A_12, %convert_element_type3A_336, %dot_general3A_337 {dimension_numbers = #tpu.dot_dimension_numbers<[1], [0], [0], [1], [0, 0, 1, 1], [], []>, transpose_lhs_hint = false} : vector<625x128xf32>, vector<128x128xf32>, vector<625x128xf32> -> vector<625x128xf32>
    %stack3A = vector.shape_cast %dot_general3A_44 : vector<625x128xf32> to vector<625x1x128xf32>
    %stack3A_339 = vector.shape_cast %dot_general3A_86 : vector<625x128xf32> to vector<625x1x128xf32>
    %stack3A_340 = vector.shape_cast %dot_general3A_128 : vector<625x128xf32> to vector<625x1x128xf32>
    %stack3A_341 = vector.shape_cast %dot_general3A_170 : vector<625x128xf32> to vector<625x1x128xf32>
    %stack3A_342 = vector.shape_cast %dot_general3A_212 : vector<625x128xf32> to vector<625x1x128xf32>
    %stack3A_343 = vector.shape_cast %dot_general3A_254 : vector<625x128xf32> to vector<625x1x128xf32>
    %stack3A_344 = vector.shape_cast %dot_general3A_296 : vector<625x128xf32> to vector<625x1x128xf32>
    %stack3A_345 = vector.shape_cast %dot_general3A_338 : vector<625x128xf32> to vector<625x1x128xf32>
    %stack3A_346 = tpu.concatenate %stack3A, %stack3A_339, %stack3A_340, %stack3A_341, %stack3A_342, %stack3A_343, %stack3A_344, %stack3A_345 in 1 : vector<625x1x128xf32>, vector<625x1x128xf32>, vector<625x1x128xf32>, vector<625x1x128xf32>, vector<625x1x128xf32>, vector<625x1x128xf32>, vector<625x1x128xf32>, vector<625x1x128xf32> -> vector<625x8x128xf32>
    %reshape3A = vector.shape_cast %stack3A_346 : vector<625x8x128xf32> to vector<5000x128xf32>
    %swap3A = arith.constant 0 : index
    %swap3A_347 = arith.constant 0 : index
    %swap3A_348 = vector.load %arg2[%swap3A, %swap3A_347] : memref<5000x128xf32, #tpu.memory_space<vmem>>, vector<5000x128xf32>
    tpu.vector_store %arg2[%swap3A, %swap3A_347], %reshape3A {strides = array<i32>} : memref<5000x128xf32, #tpu.memory_space<vmem>>, vector<5000x128xf32>,
    return
  }
  func.func @transform_0(%arg0: i32) -> (i32, i32, i32) {
    %c0_i32 = arith.constant 0 : i32
    %c0_i32_0 = arith.constant 0 : i32
    %c0_i32_1 = arith.constant 0 : i32
    %c0_i32_2 = arith.constant 0 : i32
    return %c0_i32, %c0_i32_0, %c0_i32_1 : i32, i32, i32
  }
  func.func @transform_1(%arg0: i32) -> (i32, i32) {
    %c0_i32 = arith.constant 0 : i32
    %c0_i32_0 = arith.constant 0 : i32
    %c0_i32_1 = arith.constant 0 : i32
    return %c0_i32, %c0_i32_0 : i32, i32
  }
}

module attributes {stable_mosaic.version = 14 : i64} {
  func.func @body(%arg0: i32, %arg1: memref<2x1000x128xf32, #tpu.memory_space<vmem>>, %arg2: memref<1000x128xf32, #tpu.memory_space<vmem>>, %arg3: memref<1000x128xf32, #tpu.memory_space<vmem>>, %arg4: memref<64x64xf32, #tpu.memory_space<vmem>>, %arg5: memref<64x64xf32, #tpu.memory_space<vmem>>, %arg6: memref<1x64xf32, #tpu.memory_space<vmem>>, %arg7: memref<1x64xf32, #tpu.memory_space<vmem>>, %arg8: memref<1000x128xf32, #tpu.memory_space<vmem>>) attributes {dimension_semantics = [#tpu.dimension_semantics<arbitrary>], iteration_bounds = array<i64: 5>, scalar_prefetch = 0 : i64, scratch_operands = 0 : i64, tpu.core_type = #tpu.core_type<tc>, window_params = [{transform_indices = @transform_0, window_bounds = array<i64: 2, 1000, 128>}, {transform_indices = @transform_1, window_bounds = array<i64: 1000, 128>}, {transform_indices = @transform_2, window_bounds = array<i64: 1000, 128>}, {pipeline_mode = #tpu.pipeline_mode<synchronous>, transform_indices = @transform_3, window_bounds = array<i64: 64, 64>}, {pipeline_mode = #tpu.pipeline_mode<synchronous>, transform_indices = @transform_4, window_bounds = array<i64: 64, 64>}, {pipeline_mode = #tpu.pipeline_mode<synchronous>, transform_indices = @transform_5, window_bounds = array<i64: 1, 64>}, {pipeline_mode = #tpu.pipeline_mode<synchronous>, transform_indices = @transform_6, window_bounds = array<i64: 1, 64>}, {transform_indices = @transform_7, window_bounds = array<i64: 1000, 128>}]} {
    %get3A = arith.constant 0 : index
    %get3A_0 = arith.constant 0 : index
    %get3A_1 = arith.constant 0 : index
    %get3A_2 = vector.load %arg1[%get3A, %get3A_0, %get3A_1] : memref<2x1000x128xf32, #tpu.memory_space<vmem>>, vector<1x1000x128xf32>
    %get3A_3 = vector.shape_cast %get3A_2 : vector<1x1000x128xf32> to vector<1000x128xf32>
    %get3A_4 = arith.constant 1 : index
    %get3A_5 = arith.constant 0 : index
    %get3A_6 = arith.constant 0 : index
    %get3A_7 = vector.load %arg1[%get3A_4, %get3A_5, %get3A_6] : memref<2x1000x128xf32, #tpu.memory_space<vmem>>, vector<1x1000x128xf32>
    %get3A_8 = vector.shape_cast %get3A_7 : vector<1x1000x128xf32> to vector<1000x128xf32>
    %add3A = arith.addf %get3A_3, %get3A_8 : vector<1000x128xf32>
    %get3A_9 = arith.constant 0 : index
    %get3A_10 = arith.constant 0 : index
    %get3A_11 = vector.load %arg2[%get3A_9, %get3A_10] : memref<1000x128xf32, #tpu.memory_space<vmem>>, vector<1000x128xf32>
    %mul3A = arith.mulf %add3A, %get3A_11 : vector<1000x128xf32>
    %get3A_12 = arith.constant 0 : index
    %get3A_13 = arith.constant 0 : index
    %get3A_14 = vector.load %arg4[%get3A_12, %get3A_13] : memref<64x64xf32, #tpu.memory_space<vmem>>, vector<64x64xf32>
    %slice3A = vector.extract_strided_slice %mul3A {offsets = [0, 0], sizes = [1000, 64], strides = [1, 1]} : vector<1000x128xf32> to vector<1000x64xf32>
    %dot_general3A = arith.constant dense<0.000000e+00> : vector<1000x64xf32>
    %dot_general3A_15 = tpu.matmul %slice3A, %get3A_14, %dot_general3A {dimension_numbers = #tpu.dot_dimension_numbers<[1], [0], [0], [1], [0, 0, 1, 1], [], []>, transpose_lhs_hint = false} : vector<1000x64xf32>, vector<64x64xf32>, vector<1000x64xf32> -> vector<1000x64xf32>
    %slice3A_16 = vector.extract_strided_slice %mul3A {offsets = [0, 64], sizes = [1000, 64], strides = [1, 1]} : vector<1000x128xf32> to vector<1000x64xf32>
    %dot_general3A_17 = arith.constant dense<0.000000e+00> : vector<1000x64xf32>
    %dot_general3A_18 = tpu.matmul %slice3A_16, %get3A_14, %dot_general3A_17 {dimension_numbers = #tpu.dot_dimension_numbers<[1], [0], [0], [1], [0, 0, 1, 1], [], []>, transpose_lhs_hint = false} : vector<1000x64xf32>, vector<64x64xf32>, vector<1000x64xf32> -> vector<1000x64xf32>
    %concatenate3A = tpu.concatenate %dot_general3A_15, %dot_general3A_18 in 1 : vector<1000x64xf32>, vector<1000x64xf32> -> vector<1000x128xf32>
    %get3A_19 = arith.constant 0 : index
    %get3A_20 = arith.constant 0 : index
    %get3A_21 = vector.load %arg3[%get3A_19, %get3A_20] : memref<1000x128xf32, #tpu.memory_space<vmem>>, vector<1000x128xf32>
    %get3A_22 = arith.constant 0 : index
    %get3A_23 = arith.constant 0 : index
    %get3A_24 = vector.load %arg5[%get3A_22, %get3A_23] : memref<64x64xf32, #tpu.memory_space<vmem>>, vector<64x64xf32>
    %slice3A_25 = vector.extract_strided_slice %get3A_21 {offsets = [0, 0], sizes = [1000, 64], strides = [1, 1]} : vector<1000x128xf32> to vector<1000x64xf32>
    %dot_general3A_26 = arith.constant dense<0.000000e+00> : vector<1000x64xf32>
    %dot_general3A_27 = tpu.matmul %slice3A_25, %get3A_24, %dot_general3A_26 {dimension_numbers = #tpu.dot_dimension_numbers<[1], [0], [0], [1], [0, 0, 1, 1], [], []>, transpose_lhs_hint = false} : vector<1000x64xf32>, vector<64x64xf32>, vector<1000x64xf32> -> vector<1000x64xf32>
    %slice3A_28 = vector.extract_strided_slice %get3A_21 {offsets = [0, 64], sizes = [1000, 64], strides = [1, 1]} : vector<1000x128xf32> to vector<1000x64xf32>
    %dot_general3A_29 = arith.constant dense<0.000000e+00> : vector<1000x64xf32>
    %dot_general3A_30 = tpu.matmul %slice3A_28, %get3A_24, %dot_general3A_29 {dimension_numbers = #tpu.dot_dimension_numbers<[1], [0], [0], [1], [0, 0, 1, 1], [], []>, transpose_lhs_hint = false} : vector<1000x64xf32>, vector<64x64xf32>, vector<1000x64xf32> -> vector<1000x64xf32>
    %concatenate3A_31 = tpu.concatenate %dot_general3A_27, %dot_general3A_30 in 1 : vector<1000x64xf32>, vector<1000x64xf32> -> vector<1000x128xf32>
    %add3A_32 = arith.addf %concatenate3A, %concatenate3A_31 : vector<1000x128xf32>
    %get3A_33 = arith.constant 0 : index
    %get3A_34 = arith.constant 0 : index
    %get3A_35 = vector.load %arg6[%get3A_33, %get3A_34] : memref<1x64xf32, #tpu.memory_space<vmem>>, vector<1x64xf32>
    %get3A_36 = arith.constant 0 : index
    %get3A_37 = arith.constant 0 : index
    %get3A_38 = vector.load %arg6[%get3A_36, %get3A_37] : memref<1x64xf32, #tpu.memory_space<vmem>>, vector<1x64xf32>
    %concatenate3A_39 = tpu.concatenate %get3A_35, %get3A_38 in 1 : vector<1x64xf32>, vector<1x64xf32> -> vector<1x128xf32>
    %get3A_40 = arith.constant 0 : index
    %get3A_41 = arith.constant 0 : index
    %get3A_42 = vector.load %arg7[%get3A_40, %get3A_41] : memref<1x64xf32, #tpu.memory_space<vmem>>, vector<1x64xf32>
    %get3A_43 = arith.constant 0 : index
    %get3A_44 = arith.constant 0 : index
    %get3A_45 = vector.load %arg7[%get3A_43, %get3A_44] : memref<1x64xf32, #tpu.memory_space<vmem>>, vector<1x64xf32>
    %concatenate3A_46 = tpu.concatenate %get3A_42, %get3A_45 in 1 : vector<1x64xf32>, vector<1x64xf32> -> vector<1x128xf32>
    %mul3A_47 = vector.broadcast %concatenate3A_39 : vector<1x128xf32> to vector<1000x128xf32>
    %mul3A_48 = arith.mulf %add3A_32, %mul3A_47 : vector<1000x128xf32>
    %add3A_49 = vector.broadcast %concatenate3A_46 : vector<1x128xf32> to vector<1000x128xf32>
    %add3A_50 = arith.addf %mul3A_48, %add3A_49 : vector<1000x128xf32>
    %max3A = arith.constant 0.000000e+00 : f32
    %max3A_51 = vector.broadcast %max3A : f32 to vector<1000x128xf32>
    %max3A_52 = arith.maximumf %add3A_50, %max3A_51 : vector<1000x128xf32>
    %swap3A = arith.constant 0 : index
    %swap3A_53 = arith.constant 0 : index
    %swap3A_54 = vector.load %arg8[%swap3A, %swap3A_53] : memref<1000x128xf32, #tpu.memory_space<vmem>>, vector<1000x128xf32>
    tpu.vector_store %arg8[%swap3A, %swap3A_53], %max3A_52 {strides = array<i32>} : memref<1000x128xf32, #tpu.memory_space<vmem>>, vector<1000x128xf32>,
    return
  }
  func.func @transform_0(%arg0: i32) -> (i32, i32, i32) {
    %c0_i32 = arith.constant 0 : i32
    %c0_i32_0 = arith.constant 0 : i32
    %c0_i32_1 = arith.constant 0 : i32
    return %c0_i32, %arg0, %c0_i32_0 : i32, i32, i32
  }
  func.func @transform_1(%arg0: i32) -> (i32, i32) {
    %c0_i32 = arith.constant 0 : i32
    %c0_i32_0 = arith.constant 0 : i32
    return %arg0, %c0_i32 : i32, i32
  }
  func.func @transform_2(%arg0: i32) -> (i32, i32) {
    %c0_i32 = arith.constant 0 : i32
    %c0_i32_0 = arith.constant 0 : i32
    return %arg0, %c0_i32 : i32, i32
  }
  func.func @transform_3(%arg0: i32) -> (i32, i32) {
    %c0_i32 = arith.constant 0 : i32
    %c0_i32_0 = arith.constant 0 : i32
    %c0_i32_1 = arith.constant 0 : i32
    return %c0_i32, %c0_i32_0 : i32, i32
  }
  func.func @transform_4(%arg0: i32) -> (i32, i32) {
    %c0_i32 = arith.constant 0 : i32
    %c0_i32_0 = arith.constant 0 : i32
    %c0_i32_1 = arith.constant 0 : i32
    return %c0_i32, %c0_i32_0 : i32, i32
  }
  func.func @transform_5(%arg0: i32) -> (i32, i32) {
    %c0_i32 = arith.constant 0 : i32
    %c0_i32_0 = arith.constant 0 : i32
    %c0_i32_1 = arith.constant 0 : i32
    return %c0_i32, %c0_i32_0 : i32, i32
  }
  func.func @transform_6(%arg0: i32) -> (i32, i32) {
    %c0_i32 = arith.constant 0 : i32
    %c0_i32_0 = arith.constant 0 : i32
    %c0_i32_1 = arith.constant 0 : i32
    return %c0_i32, %c0_i32_0 : i32, i32
  }
  func.func @transform_7(%arg0: i32) -> (i32, i32) {
    %c0_i32 = arith.constant 0 : i32
    %c0_i32_0 = arith.constant 0 : i32
    return %arg0, %c0_i32 : i32, i32
  }
}

module attributes {stable_mosaic.version = 14 : i64} {
  func.func @body(%arg0: i32, %arg1: memref<2x1000x128xf32, #tpu.memory_space<vmem>>, %arg2: memref<1000x128xf32, #tpu.memory_space<vmem>>, %arg3: memref<1000x128xf32, #tpu.memory_space<vmem>>, %arg4: memref<64x32xf32, #tpu.memory_space<vmem>>, %arg5: memref<64x32xf32, #tpu.memory_space<vmem>>, %arg6: memref<1x32xf32, #tpu.memory_space<vmem>>, %arg7: memref<1x32xf32, #tpu.memory_space<vmem>>, %arg8: memref<32x16xf32, #tpu.memory_space<vmem>>, %arg9: memref<1x16xf32, #tpu.memory_space<vmem>>, %arg10: memref<16x1xf32, #tpu.memory_space<vmem>>, %arg11: memref<1x1xf32, #tpu.memory_space<vmem>>, %arg12: memref<32x16xf32, #tpu.memory_space<vmem>>, %arg13: memref<1x16xf32, #tpu.memory_space<vmem>>, %arg14: memref<16x1xf32, #tpu.memory_space<vmem>>, %arg15: memref<1x1xf32, #tpu.memory_space<vmem>>, %arg16: memref<32x16xf32, #tpu.memory_space<vmem>>, %arg17: memref<1x16xf32, #tpu.memory_space<vmem>>, %arg18: memref<16x6xf32, #tpu.memory_space<vmem>>, %arg19: memref<1x6xf32, #tpu.memory_space<vmem>>, %arg20: memref<1000x64xf32, #tpu.memory_space<vmem>>, %arg21: memref<1x64xf32, #tpu.memory_space<vmem>>, %arg22: memref<1x1xf32, #tpu.memory_space<vmem>>, %arg23: memref<1x1xf32, #tpu.memory_space<vmem>>, %arg24: memref<1x6xf32, #tpu.memory_space<vmem>>) attributes {dimension_semantics = [#tpu.dimension_semantics<arbitrary>], iteration_bounds = array<i64: 5>, scalar_prefetch = 0 : i64, scratch_operands = 0 : i64, tpu.core_type = #tpu.core_type<tc>, window_params = [{transform_indices = @transform_0, window_bounds = array<i64: 2, 1000, 128>}, {transform_indices = @transform_1, window_bounds = array<i64: 1000, 128>}, {transform_indices = @transform_2, window_bounds = array<i64: 1000, 128>}, {pipeline_mode = #tpu.pipeline_mode<synchronous>, transform_indices = @transform_3, window_bounds = array<i64: 64, 32>}, {pipeline_mode = #tpu.pipeline_mode<synchronous>, transform_indices = @transform_4, window_bounds = array<i64: 64, 32>}, {pipeline_mode = #tpu.pipeline_mode<synchronous>, transform_indices = @transform_5, window_bounds = array<i64: 1, 32>}, {pipeline_mode = #tpu.pipeline_mode<synchronous>, transform_indices = @transform_6, window_bounds = array<i64: 1, 32>}, {pipeline_mode = #tpu.pipeline_mode<synchronous>, transform_indices = @transform_7, window_bounds = array<i64: 32, 16>}, {pipeline_mode = #tpu.pipeline_mode<synchronous>, transform_indices = @transform_8, window_bounds = array<i64: 1, 16>}, {pipeline_mode = #tpu.pipeline_mode<synchronous>, transform_indices = @transform_9, window_bounds = array<i64: 16, 1>}, {pipeline_mode = #tpu.pipeline_mode<synchronous>, transform_indices = @transform_10, window_bounds = array<i64: 1, 1>}, {pipeline_mode = #tpu.pipeline_mode<synchronous>, transform_indices = @transform_11, window_bounds = array<i64: 32, 16>}, {pipeline_mode = #tpu.pipeline_mode<synchronous>, transform_indices = @transform_12, window_bounds = array<i64: 1, 16>}, {pipeline_mode = #tpu.pipeline_mode<synchronous>, transform_indices = @transform_13, window_bounds = array<i64: 16, 1>}, {pipeline_mode = #tpu.pipeline_mode<synchronous>, transform_indices = @transform_14, window_bounds = array<i64: 1, 1>}, {pipeline_mode = #tpu.pipeline_mode<synchronous>, transform_indices = @transform_15, window_bounds = array<i64: 32, 16>}, {pipeline_mode = #tpu.pipeline_mode<synchronous>, transform_indices = @transform_16, window_bounds = array<i64: 1, 16>}, {pipeline_mode = #tpu.pipeline_mode<synchronous>, transform_indices = @transform_17, window_bounds = array<i64: 16, 6>}, {pipeline_mode = #tpu.pipeline_mode<synchronous>, transform_indices = @transform_18, window_bounds = array<i64: 1, 6>}, {transform_indices = @transform_19, window_bounds = array<i64: 1000, 64>}, {pipeline_mode = #tpu.pipeline_mode<synchronous>, transform_indices = @transform_20, window_bounds = array<i64: 1, 64>}, {pipeline_mode = #tpu.pipeline_mode<synchronous>, transform_indices = @transform_21, window_bounds = array<i64: 1, 1>}, {pipeline_mode = #tpu.pipeline_mode<synchronous>, transform_indices = @transform_22, window_bounds = array<i64: 1, 1>}, {pipeline_mode = #tpu.pipeline_mode<synchronous>, transform_indices = @transform_23, window_bounds = array<i64: 1, 6>}]} {
    %get3A = arith.constant 0 : index
    %get3A_0 = arith.constant 0 : index
    %get3A_1 = arith.constant 0 : index
    %get3A_2 = vector.load %arg1[%get3A, %get3A_0, %get3A_1] : memref<2x1000x128xf32, #tpu.memory_space<vmem>>, vector<1x1000x128xf32>
    %get3A_3 = vector.shape_cast %get3A_2 : vector<1x1000x128xf32> to vector<1000x128xf32>
    %get3A_4 = arith.constant 1 : index
    %get3A_5 = arith.constant 0 : index
    %get3A_6 = arith.constant 0 : index
    %get3A_7 = vector.load %arg1[%get3A_4, %get3A_5, %get3A_6] : memref<2x1000x128xf32, #tpu.memory_space<vmem>>, vector<1x1000x128xf32>
    %get3A_8 = vector.shape_cast %get3A_7 : vector<1x1000x128xf32> to vector<1000x128xf32>
    %add3A = arith.addf %get3A_3, %get3A_8 : vector<1000x128xf32>
    %get3A_9 = arith.constant 0 : index
    %get3A_10 = arith.constant 0 : index
    %get3A_11 = vector.load %arg2[%get3A_9, %get3A_10] : memref<1000x128xf32, #tpu.memory_space<vmem>>, vector<1000x128xf32>
    %mul3A = arith.mulf %add3A, %get3A_11 : vector<1000x128xf32>
    %get3A_12 = arith.constant 0 : index
    %get3A_13 = arith.constant 0 : index
    %get3A_14 = vector.load %arg4[%get3A_12, %get3A_13] : memref<64x32xf32, #tpu.memory_space<vmem>>, vector<64x32xf32>
    %slice3A = vector.extract_strided_slice %mul3A {offsets = [0, 0], sizes = [1000, 64], strides = [1, 1]} : vector<1000x128xf32> to vector<1000x64xf32>
    %dot_general3A = arith.constant dense<0.000000e+00> : vector<1000x32xf32>
    %dot_general3A_15 = tpu.matmul %slice3A, %get3A_14, %dot_general3A {dimension_numbers = #tpu.dot_dimension_numbers<[1], [0], [0], [1], [0, 0, 1, 1], [], []>, transpose_lhs_hint = false} : vector<1000x64xf32>, vector<64x32xf32>, vector<1000x32xf32> -> vector<1000x32xf32>
    %slice3A_16 = vector.extract_strided_slice %mul3A {offsets = [0, 64], sizes = [1000, 64], strides = [1, 1]} : vector<1000x128xf32> to vector<1000x64xf32>
    %dot_general3A_17 = arith.constant dense<0.000000e+00> : vector<1000x32xf32>
    %dot_general3A_18 = tpu.matmul %slice3A_16, %get3A_14, %dot_general3A_17 {dimension_numbers = #tpu.dot_dimension_numbers<[1], [0], [0], [1], [0, 0, 1, 1], [], []>, transpose_lhs_hint = false} : vector<1000x64xf32>, vector<64x32xf32>, vector<1000x32xf32> -> vector<1000x32xf32>
    %concatenate3A = tpu.concatenate %dot_general3A_15, %dot_general3A_18 in 1 : vector<1000x32xf32>, vector<1000x32xf32> -> vector<1000x64xf32>
    %get3A_19 = arith.constant 0 : index
    %get3A_20 = arith.constant 0 : index
    %get3A_21 = vector.load %arg3[%get3A_19, %get3A_20] : memref<1000x128xf32, #tpu.memory_space<vmem>>, vector<1000x128xf32>
    %get3A_22 = arith.constant 0 : index
    %get3A_23 = arith.constant 0 : index
    %get3A_24 = vector.load %arg5[%get3A_22, %get3A_23] : memref<64x32xf32, #tpu.memory_space<vmem>>, vector<64x32xf32>
    %slice3A_25 = vector.extract_strided_slice %get3A_21 {offsets = [0, 0], sizes = [1000, 64], strides = [1, 1]} : vector<1000x128xf32> to vector<1000x64xf32>
    %dot_general3A_26 = arith.constant dense<0.000000e+00> : vector<1000x32xf32>
    %dot_general3A_27 = tpu.matmul %slice3A_25, %get3A_24, %dot_general3A_26 {dimension_numbers = #tpu.dot_dimension_numbers<[1], [0], [0], [1], [0, 0, 1, 1], [], []>, transpose_lhs_hint = false} : vector<1000x64xf32>, vector<64x32xf32>, vector<1000x32xf32> -> vector<1000x32xf32>
    %slice3A_28 = vector.extract_strided_slice %get3A_21 {offsets = [0, 64], sizes = [1000, 64], strides = [1, 1]} : vector<1000x128xf32> to vector<1000x64xf32>
    %dot_general3A_29 = arith.constant dense<0.000000e+00> : vector<1000x32xf32>
    %dot_general3A_30 = tpu.matmul %slice3A_28, %get3A_24, %dot_general3A_29 {dimension_numbers = #tpu.dot_dimension_numbers<[1], [0], [0], [1], [0, 0, 1, 1], [], []>, transpose_lhs_hint = false} : vector<1000x64xf32>, vector<64x32xf32>, vector<1000x32xf32> -> vector<1000x32xf32>
    %concatenate3A_31 = tpu.concatenate %dot_general3A_27, %dot_general3A_30 in 1 : vector<1000x32xf32>, vector<1000x32xf32> -> vector<1000x64xf32>
    %add3A_32 = arith.addf %concatenate3A, %concatenate3A_31 : vector<1000x64xf32>
    %get3A_33 = arith.constant 0 : index
    %get3A_34 = arith.constant 0 : index
    %get3A_35 = vector.load %arg6[%get3A_33, %get3A_34] : memref<1x32xf32, #tpu.memory_space<vmem>>, vector<1x32xf32>
    %get3A_36 = arith.constant 0 : index
    %get3A_37 = arith.constant 0 : index
    %get3A_38 = vector.load %arg6[%get3A_36, %get3A_37] : memref<1x32xf32, #tpu.memory_space<vmem>>, vector<1x32xf32>
    %concatenate3A_39 = tpu.concatenate %get3A_35, %get3A_38 in 1 : vector<1x32xf32>, vector<1x32xf32> -> vector<1x64xf32>
    %get3A_40 = arith.constant 0 : index
    %get3A_41 = arith.constant 0 : index
    %get3A_42 = vector.load %arg7[%get3A_40, %get3A_41] : memref<1x32xf32, #tpu.memory_space<vmem>>, vector<1x32xf32>
    %get3A_43 = arith.constant 0 : index
    %get3A_44 = arith.constant 0 : index
    %get3A_45 = vector.load %arg7[%get3A_43, %get3A_44] : memref<1x32xf32, #tpu.memory_space<vmem>>, vector<1x32xf32>
    %concatenate3A_46 = tpu.concatenate %get3A_42, %get3A_45 in 1 : vector<1x32xf32>, vector<1x32xf32> -> vector<1x64xf32>
    %mul3A_47 = vector.broadcast %concatenate3A_39 : vector<1x64xf32> to vector<1000x64xf32>
    %mul3A_48 = arith.mulf %add3A_32, %mul3A_47 : vector<1000x64xf32>
    %add3A_49 = vector.broadcast %concatenate3A_46 : vector<1x64xf32> to vector<1000x64xf32>
    %add3A_50 = arith.addf %mul3A_48, %add3A_49 : vector<1000x64xf32>
    %swap3A = arith.constant 0 : index
    %swap3A_51 = arith.constant 0 : index
    %swap3A_52 = vector.load %arg20[%swap3A, %swap3A_51] : memref<1000x64xf32, #tpu.memory_space<vmem>>, vector<1000x64xf32>
    tpu.vector_store %arg20[%swap3A, %swap3A_51], %add3A_50 {strides = array<i32>} : memref<1000x64xf32, #tpu.memory_space<vmem>>, vector<1000x64xf32>,
    %reduce_sum3A = arith.constant dense<0.000000e+00> : vector<64xf32>
    %reduce_sum3A_53 = vector.multi_reduction <add>, %add3A_50, %reduce_sum3A [0] : vector<1000x64xf32> to vector<64xf32>
    %broadcast_in_dim3A = vector.shape_cast %reduce_sum3A_53 : vector<64xf32> to vector<1x64xf32>
    %eq3A = arith.constant 0 : i32
    %eq3A_54 = arith.cmpi eq, %arg0, %eq3A : i32
    %convert_element_type3A = arith.extui %eq3A_54 : i1 to i32
    %cond3A = arith.constant 0 : i32
    %cond3A_55 = arith.cmpi ne, %convert_element_type3A, %cond3A : i32
    scf.if %cond3A_55 {
      %swap3A_65 = arith.constant 0 : index
      %swap3A_66 = arith.constant 0 : index
      %swap3A_67 = vector.load %arg21[%swap3A_65, %swap3A_66] : memref<1x64xf32, #tpu.memory_space<vmem>>, vector<1x64xf32>
      tpu.vector_store %arg21[%swap3A_65, %swap3A_66], %broadcast_in_dim3A {strides = array<i32>} : memref<1x64xf32, #tpu.memory_space<vmem>>, vector<1x64xf32>,
    } else {
    }
    %gt3A = arith.constant 0 : i32
    %gt3A_56 = arith.cmpi sgt, %arg0, %gt3A : i32
    %convert_element_type3A_57 = arith.extui %gt3A_56 : i1 to i32
    %cond3A_58 = arith.constant 0 : i32
    %cond3A_59 = arith.cmpi ne, %convert_element_type3A_57, %cond3A_58 : i32
    scf.if %cond3A_59 {
      %get3A_65 = arith.constant 0 : index
      %get3A_66 = arith.constant 0 : index
      %get3A_67 = vector.load %arg21[%get3A_65, %get3A_66] : memref<1x64xf32, #tpu.memory_space<vmem>>, vector<1x64xf32>
      %add3A_68 = arith.addf %get3A_67, %broadcast_in_dim3A : vector<1x64xf32>
      %swap3A_69 = arith.constant 0 : index
      %swap3A_70 = arith.constant 0 : index
      %swap3A_71 = vector.load %arg21[%swap3A_69, %swap3A_70] : memref<1x64xf32, #tpu.memory_space<vmem>>, vector<1x64xf32>
      tpu.vector_store %arg21[%swap3A_69, %swap3A_70], %add3A_68 {strides = array<i32>} : memref<1x64xf32, #tpu.memory_space<vmem>>, vector<1x64xf32>,
    } else {
    }
    %eq3A_60 = arith.constant 4 : i32
    %eq3A_61 = arith.cmpi eq, %arg0, %eq3A_60 : i32
    %convert_element_type3A_62 = arith.extui %eq3A_61 : i1 to i32
    %cond3A_63 = arith.constant 0 : i32
    %cond3A_64 = arith.cmpi ne, %convert_element_type3A_62, %cond3A_63 : i32
    scf.if %cond3A_64 {
      %get3A_65 = arith.constant 0 : index
      %get3A_66 = arith.constant 0 : index
      %get3A_67 = vector.load %arg21[%get3A_65, %get3A_66] : memref<1x64xf32, #tpu.memory_space<vmem>>, vector<1x64xf32>
      %slice3A_68 = vector.extract_strided_slice %get3A_67 {offsets = [0, 0], sizes = [1, 32], strides = [1, 1]} : vector<1x64xf32> to vector<1x32xf32>
      %slice3A_69 = vector.extract_strided_slice %get3A_67 {offsets = [0, 32], sizes = [1, 32], strides = [1, 1]} : vector<1x64xf32> to vector<1x32xf32>
      %add3A_70 = arith.addf %slice3A_68, %slice3A_69 : vector<1x32xf32>
      %div3A = arith.constant 1.000000e+04 : f32
      %div3A_71 = vector.broadcast %div3A : f32 to vector<1x32xf32>
      %div3A_72 = arith.divf %add3A_70, %div3A_71 : vector<1x32xf32>
      %concatenate3A_73 = tpu.concatenate %div3A_72, %div3A_72 in 1 : vector<1x32xf32>, vector<1x32xf32> -> vector<1x64xf32>
      %swap3A_74 = arith.constant 0 : index
      %swap3A_75 = arith.constant 0 : index
      %swap3A_76 = vector.load %arg21[%swap3A_74, %swap3A_75] : memref<1x64xf32, #tpu.memory_space<vmem>>, vector<1x64xf32>
      tpu.vector_store %arg21[%swap3A_74, %swap3A_75], %concatenate3A_73 {strides = array<i32>} : memref<1x64xf32, #tpu.memory_space<vmem>>, vector<1x64xf32>,
      %get3A_77 = arith.constant 0 : index
      %get3A_78 = arith.constant 0 : index
      %get3A_79 = vector.load %arg8[%get3A_77, %get3A_78] : memref<32x16xf32, #tpu.memory_space<vmem>>, vector<32x16xf32>
      %dot_general3A_80 = arith.constant dense<0.000000e+00> : vector<1x16xf32>
      %dot_general3A_81 = tpu.matmul %div3A_72, %get3A_79, %dot_general3A_80 {dimension_numbers = #tpu.dot_dimension_numbers<[1], [0], [0], [1], [0, 0, 1, 1], [], []>, transpose_lhs_hint = false} : vector<1x32xf32>, vector<32x16xf32>, vector<1x16xf32> -> vector<1x16xf32>
      %get3A_82 = arith.constant 0 : index
      %get3A_83 = arith.constant 0 : index
      %get3A_84 = vector.load %arg9[%get3A_82, %get3A_83] : memref<1x16xf32, #tpu.memory_space<vmem>>, vector<1x16xf32>
      %add3A_85 = arith.addf %dot_general3A_81, %get3A_84 : vector<1x16xf32>
      %max3A = arith.constant 0.000000e+00 : f32
      %max3A_86 = vector.broadcast %max3A : f32 to vector<1x16xf32>
      %max3A_87 = arith.maximumf %add3A_85, %max3A_86 : vector<1x16xf32>
      %get3A_88 = arith.constant 0 : index
      %get3A_89 = arith.constant 0 : index
      %get3A_90 = vector.load %arg10[%get3A_88, %get3A_89] : memref<16x1xf32, #tpu.memory_space<vmem>>, vector<16x1xf32>
      %dot_general3A_91 = arith.constant dense<0.000000e+00> : vector<1x1xf32>
      %dot_general3A_92 = tpu.matmul %max3A_87, %get3A_90, %dot_general3A_91 {dimension_numbers = #tpu.dot_dimension_numbers<[1], [0], [0], [1], [0, 0, 1, 1], [], []>, transpose_lhs_hint = false} : vector<1x16xf32>, vector<16x1xf32>, vector<1x1xf32> -> vector<1x1xf32>
      %get3A_93 = arith.constant 0 : index
      %get3A_94 = arith.constant 0 : index
      %get3A_95 = vector.load %arg11[%get3A_93, %get3A_94] : memref<1x1xf32, #tpu.memory_space<vmem>>, vector<1x1xf32>
      %add3A_96 = arith.addf %dot_general3A_92, %get3A_95 : vector<1x1xf32>
      %logistic3A = arith.negf %add3A_96 : vector<1x1xf32>
      %logistic3A_97 = math.exp %logistic3A : vector<1x1xf32>
      %logistic3A_98 = arith.constant 1.000000e+00 : f32
      %logistic3A_99 = vector.broadcast %logistic3A_98 : f32 to vector<1x1xf32>
      %logistic3A_100 = arith.addf %logistic3A_99, %logistic3A_97 : vector<1x1xf32>
      %logistic3A_101 = arith.divf %logistic3A_99, %logistic3A_100 : vector<1x1xf32>
      %swap3A_102 = arith.constant 0 : index
      %swap3A_103 = arith.constant 0 : index
      %swap3A_104 = vector.load %arg22[%swap3A_102, %swap3A_103] : memref<1x1xf32, #tpu.memory_space<vmem>>, vector<1x1xf32>
      tpu.vector_store %arg22[%swap3A_102, %swap3A_103], %logistic3A_101 {strides = array<i32>} : memref<1x1xf32, #tpu.memory_space<vmem>>, vector<1x1xf32>,
      %get3A_105 = arith.constant 0 : index
      %get3A_106 = arith.constant 0 : index
      %get3A_107 = vector.load %arg12[%get3A_105, %get3A_106] : memref<32x16xf32, #tpu.memory_space<vmem>>, vector<32x16xf32>
      %dot_general3A_108 = arith.constant dense<0.000000e+00> : vector<1x16xf32>
      %dot_general3A_109 = tpu.matmul %div3A_72, %get3A_107, %dot_general3A_108 {dimension_numbers = #tpu.dot_dimension_numbers<[1], [0], [0], [1], [0, 0, 1, 1], [], []>, transpose_lhs_hint = false} : vector<1x32xf32>, vector<32x16xf32>, vector<1x16xf32> -> vector<1x16xf32>
      %get3A_110 = arith.constant 0 : index
      %get3A_111 = arith.constant 0 : index
      %get3A_112 = vector.load %arg13[%get3A_110, %get3A_111] : memref<1x16xf32, #tpu.memory_space<vmem>>, vector<1x16xf32>
      %add3A_113 = arith.addf %dot_general3A_109, %get3A_112 : vector<1x16xf32>
      %max3A_114 = arith.constant 0.000000e+00 : f32
      %max3A_115 = vector.broadcast %max3A_114 : f32 to vector<1x16xf32>
      %max3A_116 = arith.maximumf %add3A_113, %max3A_115 : vector<1x16xf32>
      %get3A_117 = arith.constant 0 : index
      %get3A_118 = arith.constant 0 : index
      %get3A_119 = vector.load %arg14[%get3A_117, %get3A_118] : memref<16x1xf32, #tpu.memory_space<vmem>>, vector<16x1xf32>
      %dot_general3A_120 = arith.constant dense<0.000000e+00> : vector<1x1xf32>
      %dot_general3A_121 = tpu.matmul %max3A_116, %get3A_119, %dot_general3A_120 {dimension_numbers = #tpu.dot_dimension_numbers<[1], [0], [0], [1], [0, 0, 1, 1], [], []>, transpose_lhs_hint = false} : vector<1x16xf32>, vector<16x1xf32>, vector<1x1xf32> -> vector<1x1xf32>
      %get3A_122 = arith.constant 0 : index
      %get3A_123 = arith.constant 0 : index
      %get3A_124 = vector.load %arg15[%get3A_122, %get3A_123] : memref<1x1xf32, #tpu.memory_space<vmem>>, vector<1x1xf32>
      %add3A_125 = arith.addf %dot_general3A_121, %get3A_124 : vector<1x1xf32>
      %logistic3A_126 = arith.negf %add3A_125 : vector<1x1xf32>
      %logistic3A_127 = math.exp %logistic3A_126 : vector<1x1xf32>
      %logistic3A_128 = arith.constant 1.000000e+00 : f32
      %logistic3A_129 = vector.broadcast %logistic3A_128 : f32 to vector<1x1xf32>
      %logistic3A_130 = arith.addf %logistic3A_129, %logistic3A_127 : vector<1x1xf32>
      %logistic3A_131 = arith.divf %logistic3A_129, %logistic3A_130 : vector<1x1xf32>
      %swap3A_132 = arith.constant 0 : index
      %swap3A_133 = arith.constant 0 : index
      %swap3A_134 = vector.load %arg23[%swap3A_132, %swap3A_133] : memref<1x1xf32, #tpu.memory_space<vmem>>, vector<1x1xf32>
      tpu.vector_store %arg23[%swap3A_132, %swap3A_133], %logistic3A_131 {strides = array<i32>} : memref<1x1xf32, #tpu.memory_space<vmem>>, vector<1x1xf32>,
      %get3A_135 = arith.constant 0 : index
      %get3A_136 = arith.constant 0 : index
      %get3A_137 = vector.load %arg16[%get3A_135, %get3A_136] : memref<32x16xf32, #tpu.memory_space<vmem>>, vector<32x16xf32>
      %dot_general3A_138 = arith.constant dense<0.000000e+00> : vector<1x16xf32>
      %dot_general3A_139 = tpu.matmul %div3A_72, %get3A_137, %dot_general3A_138 {dimension_numbers = #tpu.dot_dimension_numbers<[1], [0], [0], [1], [0, 0, 1, 1], [], []>, transpose_lhs_hint = false} : vector<1x32xf32>, vector<32x16xf32>, vector<1x16xf32> -> vector<1x16xf32>
      %get3A_140 = arith.constant 0 : index
      %get3A_141 = arith.constant 0 : index
      %get3A_142 = vector.load %arg17[%get3A_140, %get3A_141] : memref<1x16xf32, #tpu.memory_space<vmem>>, vector<1x16xf32>
      %add3A_143 = arith.addf %dot_general3A_139, %get3A_142 : vector<1x16xf32>
      %max3A_144 = arith.constant 0.000000e+00 : f32
      %max3A_145 = vector.broadcast %max3A_144 : f32 to vector<1x16xf32>
      %max3A_146 = arith.maximumf %add3A_143, %max3A_145 : vector<1x16xf32>
      %get3A_147 = arith.constant 0 : index
      %get3A_148 = arith.constant 0 : index
      %get3A_149 = vector.load %arg18[%get3A_147, %get3A_148] : memref<16x6xf32, #tpu.memory_space<vmem>>, vector<16x6xf32>
      %dot_general3A_150 = arith.constant dense<0.000000e+00> : vector<1x6xf32>
      %dot_general3A_151 = tpu.matmul %max3A_146, %get3A_149, %dot_general3A_150 {dimension_numbers = #tpu.dot_dimension_numbers<[1], [0], [0], [1], [0, 0, 1, 1], [], []>, transpose_lhs_hint = false} : vector<1x16xf32>, vector<16x6xf32>, vector<1x6xf32> -> vector<1x6xf32>
      %get3A_152 = arith.constant 0 : index
      %get3A_153 = arith.constant 0 : index
      %get3A_154 = vector.load %arg19[%get3A_152, %get3A_153] : memref<1x6xf32, #tpu.memory_space<vmem>>, vector<1x6xf32>
      %add3A_155 = arith.addf %dot_general3A_151, %get3A_154 : vector<1x6xf32>
      %swap3A_156 = arith.constant 0 : index
      %swap3A_157 = arith.constant 0 : index
      %swap3A_158 = vector.load %arg24[%swap3A_156, %swap3A_157] : memref<1x6xf32, #tpu.memory_space<vmem>>, vector<1x6xf32>
      tpu.vector_store %arg24[%swap3A_156, %swap3A_157], %add3A_155 {strides = array<i32>} : memref<1x6xf32, #tpu.memory_space<vmem>>, vector<1x6xf32>,
    } else {
    }
    return
  }
  func.func @transform_0(%arg0: i32) -> (i32, i32, i32) {
    %c0_i32 = arith.constant 0 : i32
    %c0_i32_0 = arith.constant 0 : i32
    %c0_i32_1 = arith.constant 0 : i32
    return %c0_i32, %arg0, %c0_i32_0 : i32, i32, i32
  }
  func.func @transform_1(%arg0: i32) -> (i32, i32) {
    %c0_i32 = arith.constant 0 : i32
    %c0_i32_0 = arith.constant 0 : i32
    return %arg0, %c0_i32 : i32, i32
  }
  func.func @transform_2(%arg0: i32) -> (i32, i32) {
    %c0_i32 = arith.constant 0 : i32
    %c0_i32_0 = arith.constant 0 : i32
    return %arg0, %c0_i32 : i32, i32
  }
  func.func @transform_3(%arg0: i32) -> (i32, i32) {
    %c0_i32 = arith.constant 0 : i32
    %c0_i32_0 = arith.constant 0 : i32
    %c0_i32_1 = arith.constant 0 : i32
    return %c0_i32, %c0_i32_0 : i32, i32
  }
  func.func @transform_4(%arg0: i32) -> (i32, i32) {
    %c0_i32 = arith.constant 0 : i32
    %c0_i32_0 = arith.constant 0 : i32
    %c0_i32_1 = arith.constant 0 : i32
    return %c0_i32, %c0_i32_0 : i32, i32
  }
  func.func @transform_5(%arg0: i32) -> (i32, i32) {
    %c0_i32 = arith.constant 0 : i32
    %c0_i32_0 = arith.constant 0 : i32
    %c0_i32_1 = arith.constant 0 : i32
    return %c0_i32, %c0_i32_0 : i32, i32
  }
  func.func @transform_6(%arg0: i32) -> (i32, i32) {
    %c0_i32 = arith.constant 0 : i32
    %c0_i32_0 = arith.constant 0 : i32
    %c0_i32_1 = arith.constant 0 : i32
    return %c0_i32, %c0_i32_0 : i32, i32
  }
  func.func @transform_7(%arg0: i32) -> (i32, i32) {
    %c0_i32 = arith.constant 0 : i32
    %c0_i32_0 = arith.constant 0 : i32
    %c0_i32_1 = arith.constant 0 : i32
    return %c0_i32, %c0_i32_0 : i32, i32
  }
  func.func @transform_8(%arg0: i32) -> (i32, i32) {
    %c0_i32 = arith.constant 0 : i32
    %c0_i32_0 = arith.constant 0 : i32
    %c0_i32_1 = arith.constant 0 : i32
    return %c0_i32, %c0_i32_0 : i32, i32
  }
  func.func @transform_9(%arg0: i32) -> (i32, i32) {
    %c0_i32 = arith.constant 0 : i32
    %c0_i32_0 = arith.constant 0 : i32
    %c0_i32_1 = arith.constant 0 : i32
    return %c0_i32, %c0_i32_0 : i32, i32
  }
  func.func @transform_10(%arg0: i32) -> (i32, i32) {
    %c0_i32 = arith.constant 0 : i32
    %c0_i32_0 = arith.constant 0 : i32
    %c0_i32_1 = arith.constant 0 : i32
    return %c0_i32, %c0_i32_0 : i32, i32
  }
  func.func @transform_11(%arg0: i32) -> (i32, i32) {
    %c0_i32 = arith.constant 0 : i32
    %c0_i32_0 = arith.constant 0 : i32
    %c0_i32_1 = arith.constant 0 : i32
    return %c0_i32, %c0_i32_0 : i32, i32
  }
  func.func @transform_12(%arg0: i32) -> (i32, i32) {
    %c0_i32 = arith.constant 0 : i32
    %c0_i32_0 = arith.constant 0 : i32
    %c0_i32_1 = arith.constant 0 : i32
    return %c0_i32, %c0_i32_0 : i32, i32
  }
  func.func @transform_13(%arg0: i32) -> (i32, i32) {
    %c0_i32 = arith.constant 0 : i32
    %c0_i32_0 = arith.constant 0 : i32
    %c0_i32_1 = arith.constant 0 : i32
    return %c0_i32, %c0_i32_0 : i32, i32
  }
  func.func @transform_14(%arg0: i32) -> (i32, i32) {
    %c0_i32 = arith.constant 0 : i32
    %c0_i32_0 = arith.constant 0 : i32
    %c0_i32_1 = arith.constant 0 : i32
    return %c0_i32, %c0_i32_0 : i32, i32
  }
  func.func @transform_15(%arg0: i32) -> (i32, i32) {
    %c0_i32 = arith.constant 0 : i32
    %c0_i32_0 = arith.constant 0 : i32
    %c0_i32_1 = arith.constant 0 : i32
    return %c0_i32, %c0_i32_0 : i32, i32
  }
  func.func @transform_16(%arg0: i32) -> (i32, i32) {
    %c0_i32 = arith.constant 0 : i32
    %c0_i32_0 = arith.constant 0 : i32
    %c0_i32_1 = arith.constant 0 : i32
    return %c0_i32, %c0_i32_0 : i32, i32
  }
  func.func @transform_17(%arg0: i32) -> (i32, i32) {
    %c0_i32 = arith.constant 0 : i32
    %c0_i32_0 = arith.constant 0 : i32
    %c0_i32_1 = arith.constant 0 : i32
    return %c0_i32, %c0_i32_0 : i32, i32
  }
  func.func @transform_18(%arg0: i32) -> (i32, i32) {
    %c0_i32 = arith.constant 0 : i32
    %c0_i32_0 = arith.constant 0 : i32
    %c0_i32_1 = arith.constant 0 : i32
    return %c0_i32, %c0_i32_0 : i32, i32
  }
  func.func @transform_19(%arg0: i32) -> (i32, i32) {
    %c0_i32 = arith.constant 0 : i32
    %c0_i32_0 = arith.constant 0 : i32
    return %arg0, %c0_i32 : i32, i32
  }
  func.func @transform_20(%arg0: i32) -> (i32, i32) {
    %c0_i32 = arith.constant 0 : i32
    %c0_i32_0 = arith.constant 0 : i32
    %c0_i32_1 = arith.constant 0 : i32
    return %c0_i32, %c0_i32_0 : i32, i32
  }
  func.func @transform_21(%arg0: i32) -> (i32, i32) {
    %c0_i32 = arith.constant 0 : i32
    %c0_i32_0 = arith.constant 0 : i32
    %c0_i32_1 = arith.constant 0 : i32
    return %c0_i32, %c0_i32_0 : i32, i32
  }
  func.func @transform_22(%arg0: i32) -> (i32, i32) {
    %c0_i32 = arith.constant 0 : i32
    %c0_i32_0 = arith.constant 0 : i32
    %c0_i32_1 = arith.constant 0 : i32
    return %c0_i32, %c0_i32_0 : i32, i32
  }
  func.func @transform_23(%arg0: i32) -> (i32, i32) {
    %c0_i32 = arith.constant 0 : i32
    %c0_i32_0 = arith.constant 0 : i32
    %c0_i32_1 = arith.constant 0 : i32
    return %c0_i32, %c0_i32_0 : i32, i32
  }
}

</mosaic_0001>

<sc_bundles>
// kernel: kernel.10.cloned.1.call-start
scs
__scs_entry_jumppad:
0x0: {  	(pc) =	sbr.rel $0x88, $3  }
0x1: {  	(tag) =	ssettag $0x0;
	lr =	simm.s32 $0x1  }
0x2: {  	[smem:$0x3F7C] =	sst lr;
	_ =	strace $0xD0000000  }
0x3: {  	_ = 	snop  }
0x4: {  	_ = 	snop  }
0x5: {  	_ = 	snop  }
0x6: {  	_ = 	snop  }
0x7: {  	_ = 	snop  }
__scs_overlays_trampoline_lowered:
0x8: {  	[smem:$0x3F8B] =	sst s0  }
0x9: {  	[smem:$0x3F8C] =	sst s1  }
0xa: {  	[smem:$0x3F8D] =	sst s2  }
0xb: {  	[smem:$0x3F8E] =	sst s3  }
0xc: {  	[smem:$0x3F8F] =	sst s4  }
0xd: {  	[smem:$0x3F90] =	sst s5  }
0xe: {  	[smem:$0x3F91] =	sst s6  }
0xf: {  	[smem:$0x3F92] =	sst s7  }
0x10: {  	[smem:$0x3F93] =	sst s8  }
0x11: {  	[smem:$0x3F94] =	sst s9;
	s0 =	simm.s32 @!p0 $0x0  }
0x12: {  	s1 =	sld [smem:$0x3F7A];
	s0 =	simm.s32 @p0 $0x1  }
0x13: {  	[smem:$0x3F95] =	sst s0;
	s0 =	simm.s32 @!p1 $0x0  }
0x14: {  	s2 =	sld [smem:$0x3F79];
	s0 =	simm.s32 @p1 $0x1  }
0x15: {  	[smem:$0x3F96] =	sst s0;
	s0 =	simm.s32 @!p2 $0x0  }
0x16: {  	s3 =	sld [smem:$0x3FDB];
	s0 =	simm.s32 @p2 $0x1  }
0x17: {  	s4 =	simm.s32 $0x1BF5;
	[smem:$0x3F98] =	sst s0  }
0x18: {  	s0 =	sld [smem:$0x3F7B];
	_ =	swait.ge [sflag:s4], $0x0  }
0x19: {  	s7 =	sld [smem:$0x3F7C]  }
0x1a: {  	s8 =	sadd.s32 $0xFFFFE003, lr  }
0x1b: {  	s9 =	sadd.s32 $0xFFFFFEF7, lr;
	s5 =	simm.s32 $0xFFFFFFFF;
	p2 =	slt.u32 s8, $0xFFFFF086  }
0x1c: {  	p1 =	slt.u32 s9, $0xF7A;
	s5 =	simm.s32 @!p2 $0x0  }
0x1d: {  	s5 =	simm.s32 @p1 $0x1;
	p0 =	seq.s32 s7, s2  }
0x1e: {  	s7 =	smul.u32 @!p0 $0xF7A, s2;
	p2 =	seq.s32 @!p0 s5, $0x0  }
0x1f: {  	s9 =	smul.u32 $0xF7A, s1;
	s8 =	simm.s32 @!p0 $0x1BF5;
	p2 =	por !p2, p0  }
0x20: {  	[sflag:s8] =	ssyncset.s32 @!p0 $0xFFFFF086;
	s6 =	sadd.s32 @!p0 s3, s7;
	s7 =	simm.s32 @!p0 $0x108  }
0x21: {  	s3 =	sadd.s32 s3, s9;
	s6 =	sadd.s32 @!p0 $0x88, s6;
	s7 =	simm.s32 @p2 $0x1082  }
0x22: {  	[simem:s7], [sflag:s8] =	dma.local @!p0 [hbm:s6], $0xF7A  }
0x23: {  	s9 =	sor.u32 $0xD0000000, s2;
	s6 =	simm.s32 $0x108;
	_ =	swait.ge @!p0 [sflag:s8], $0x0  }
0x24: {  	s3 =	sadd.s32 $0x88, s3;
	s6 =	simm.s32 @!p1 $0x1082;
	[sflag:s4] =	ssyncset.s32 $0xFFFFF086  }
0x25: {  	[simem:s6], [sflag:s4] =	dma.local [hbm:s3], $0xF7A  }
0x26: {  	[smem:$0x3F7C] =	sst s1;
	(tag) =	ssettag s2;
	_ =	strace s9  }
0x27: {  	s1 =	sld [smem:$0x3F8C]  }
0x28: {  	s2 =	sld [smem:$0x3F8D]  }
0x29: {  	s4 =	sld [smem:$0x3F8F]  }
0x2a: {  	p0 =	seq.s32 s5, $0x0;
	s5 =	sld [smem:$0x3F90]  }
0x2b: {  	s6 =	sld [smem:$0x3F91]  }
0x2c: {  	s7 =	sld [smem:$0x3F92]  }
0x2d: {  	s3 =	simm.s32 $0x108;
	s8 =	sld [smem:$0x3F93]  }
0x2e: {  	s3 =	simm.s32 @!p0 $0x1082;
	s9 =	sld [smem:$0x3F94]  }
0x2f: {  	lr =	sadd.s32 s0, s3;
	s0 =	sld [smem:$0x3F8B]  }
0x30: {  	s3 =	sld [smem:$0x3F8E]  }
0x31: {  	[smem:$0x3F97] =	sst s10  }
0x32: {  	s10 =	sld [smem:$0x3F95];
	_ =	sdelay $0x3  }
0x33: {  	p0 =	seq.s32 s10, $0x1;
	s10 =	sld [smem:$0x3F97];
	_ =	sdelay $0x3  }
0x34: {  	[smem:$0x3F97] =	sst s10  }
0x35: {  	s10 =	sld [smem:$0x3F96];
	_ =	sdelay $0x3  }
0x36: {  	p1 =	seq.s32 s10, $0x1;
	s10 =	sld [smem:$0x3F97];
	_ =	sdelay $0x3  }
0x37: {  	[smem:$0x3F97] =	sst s10  }
0x38: {  	s10 =	sld [smem:$0x3F98]  }
0x39: {  	_ = 	snop;
	(pc) =	sbr.ind lr, $3  }
0x3a: {  	_ = 	snop  }
0x3b: {  	_ = 	snop  }
0x3c: {  	p2 =	seq.s32 s10, $0x1;
	s10 =	sld [smem:$0x3F97]  }
0x3d: {  	_ =	shalt  }
0x3e: {  	_ =	shalt  }
0x3f: {  	_ =	shalt  }
0x40: {  	_ =	shalt  }
0x41: {  	_ =	shalt  }
0x42: {  	_ =	shalt  }
0x43: {  	_ =	shalt  }
0x44: {  	_ =	shalt  }
0x45: {  	_ =	shalt  }
0x46: {  	_ =	shalt  }
0x47: {  	_ =	shalt  }
0x48: {  	_ =	shalt  }
0x49: {  	_ =	shalt  }
0x4a: {  	_ =	shalt  }
0x4b: {  	_ =	shalt  }
0x4c: {  	_ =	shalt  }
0x4d: {  	_ =	shalt  }
0x4e: {  	_ =	shalt  }
0x4f: {  	_ =	shalt  }
0x50: {  	_ =	shalt  }
0x51: {  	_ =	shalt  }
0x52: {  	_ =	shalt  }
0x53: {  	_ =	shalt  }
0x54: {  	_ =	shalt  }
0x55: {  	_ =	shalt  }
0x56: {  	_ =	shalt  }
0x57: {  	_ =	shalt  }
0x58: {  	_ =	shalt  }
0x59: {  	_ =	shalt  }
0x5a: {  	_ =	shalt  }
0x5b: {  	_ =	shalt  }
0x5c: {  	_ =	shalt  }
0x5d: {  	_ =	shalt  }
0x5e: {  	_ =	shalt  }
0x5f: {  	_ =	shalt  }
0x60: {  	_ =	shalt  }
0x61: {  	_ =	shalt  }
0x62: {  	_ =	shalt  }
0x63: {  	_ =	shalt  }
0x64: {  	_ =	shalt  }
0x65: {  	_ =	shalt  }
0x66: {  	_ =	shalt  }
0x67: {  	_ =	shalt  }
0x68: {  	_ =	shalt  }
0x69: {  	_ =	shalt  }
0x6a: {  	_ =	shalt  }
0x6b: {  	_ =	shalt  }
0x6c: {  	_ =	shalt  }
0x6d: {  	_ =	shalt  }
0x6e: {  	_ =	shalt  }
0x6f: {  	_ =	shalt  }
0x70: {  	_ =	shalt  }
0x71: {  	_ =	shalt  }
0x72: {  	_ =	shalt  }
0x73: {  	_ =	shalt  }
0x74: {  	_ =	shalt  }
0x75: {  	_ =	shalt  }
0x76: {  	_ =	shalt  }
0x77: {  	_ =	shalt  }
0x78: {  	_ =	shalt  }
0x79: {  	_ =	shalt  }
0x7a: {  	_ =	shalt  }
0x7b: {  	_ =	shalt  }
0x7c: {  	_ =	shalt  }
0x7d: {  	_ =	shalt  }
0x7e: {  	_ =	shalt  }
0x7f: {  	_ =	shalt  }
0x80: {  	_ =	shalt  }
0x81: {  	_ =	shalt  }
0x82: {  	_ =	shalt  }
0x83: {  	_ =	shalt  }
0x84: {  	_ =	shalt  }
0x85: {  	_ =	shalt  }
0x86: {  	_ =	shalt  }
0x87: {  	_ =	shalt  }
.Lfunc_end0:
.L_simem_size_0:
called_computation_lowered:
.L_overlay_start_0:
0x88: {  	s2 =	sld [smem:$0x3FD9]  }
0x89: {  	s3 =	sld [smem:$0x3FFE];
	_ =	sdelay $0x1  }
0x8a: {  	s1 =	srdreg.scid  }
0x8b: {  	s0 =	sand.u32 $0x1, s1  }
0x8c: {  	s14 =	sshll.u32 s0, $0xA;
	s2 =	sadd.s32 s3, s2  }
0x8d: {  	s2 =	sadd.s32 s2, s14  }
0x8e: {  	[smem:$0x3FA3] =	sst s2  }
0x8f: {  	_ = 	snop  }
0x90: {  	s2 =	sld [smem:$0x3FD0];
	_ =	sdelay $0x2  }
0x91: {  	s15 =	simm.s32 $0xA;
	s4 =	simm.s32 $0x10  }
0x92: {  	[smem:s4], [sflag:s15] =	dma.local [hbm:s2], $0x1  }
0x93: {  	_ =	swait.eq [sflag:s15], $0x1  }
0x94: {  	[sflag:s15] =	ssyncset.done $0x0  }
0x95: {  	[sflag:s15] =	ssyncadd.s32 $0xFFFFFFFF  }
0x96: {  	s16 =	sld [smem:$0x10];
	(tm) =	ssettm $0x1  }
0x97: {  	s17 =	sld [smem:$0x3FFB];
	_ =	sdelay $0x3  }
0x98: {  	_ =	strace s17  }
0x99: {  	s3 =	sld [smem:$0x3FFC];
	_ =	sdelay $0x3  }
0x9a: {  	_ =	strace s3  }
0x9b: {  	s3 =	sld [smem:$0x3FFD];
	_ =	sdelay $0x3  }
0x9c: {  	_ =	strace s3  }
0x9d: {  	_ =	strace $0x8FFFFFFF  }
0x9e: {  	s18 =	sld [smem:$0x3FDB];
	_ =	sdelay $0x1  }
0x9f: {  	s19 =	simm.s32 $_scs_section_size  }
0xa0: {  	s5 =	simm.s32 $_size__tile_overlayer_lowered;
	s6 =	simm.s32 $_tile_overlayer_lowered  }
0xa1: {  	s22 =	simm.s32 $0x1BFF;
	s21 =	sshll.u32 s6, $0x1;
	s3 =	sadd.s32 s19, s18  }
0xa2: {  	s7 =	simm.s32 $0x0;
	s20 =	sshll.u32 s5, $0x1;
	s5 =	sadd.s32 s21, s3  }
0xa3: {  	[timem:s7], [sflag:s22] =	dma.local [hbm:s5], s20  }
0xa4: {  	_ =	swait.ge [sflag:s22], s20  }
0xa5: {  	s4 =	ssub.s32 $0x0, s20;
	[sflag:s22] =	ssyncset.done $0x0  }
0xa6: {  	[sflag:s22] =	ssyncadd.s32 s4;
	_ =	sdelay $0x1  }
0xa7: {  	s23 =	simm.s32 $0x1B8B  }
0xa8: {  	_ =	swait.ge [sflag:s23], $0x1  }
0xa9: {  	[sflag:s23] =	ssyncset.done $0x0  }
0xaa: {  	s25 =	simm.s32 $0x1B8E;
	s24 =	sld [smem:$0x3FFE];
	[sflag:s23] =	ssyncadd.s32 $0xFFFFFFFF  }
0xab: {  	s26 =	simm.s32 $execute0_lowered;
	[smem:$0x3FD2] =	sst s25  }
0xac: {  	s5 =	sshll.u32 s26, $0x1;
	_ =	strace $0x80000046;
	[dreg:$0x1] =	wrdreg $0xFFFFFFFF  }
0xad: {  	s28 =	simm.s32 $_size_execute0_lowered;
	s3 =	sadd.s32 s3, s5;
	[dreg:$0x0] =	wrdreg $0x0  }
0xae: {  	s5 =	sshll.u32 s28, $0x1;
	[dreg:$0x2] =	wrdreg s3  }
0xaf: {  	[dreg:$0x3] =	wrdreg s5  }
0xb0: {  	[dreg:$0x4] =	wrdreg $0xC0  }
0xb1: {  	_ =	task [dreg:s7], $0x5FFFF  }
0xb2: {  	[dreg:$0x1] =	wrdreg $0xFFFFFFFF  }
0xb3: {  	[dreg:$0x0] =	wrdreg $0x60  }
0xb4: {  	[dreg:$0x2] =	wrdreg s24  }
0xb5: {  	[dreg:$0x3] =	wrdreg s16  }
0xb6: {  	[dreg:$0x4] =	wrdreg $0x113000  }
0xb7: {  	[dreg:$0x5] =	wrdreg $0x1AF400  }
0xb8: {  	[dreg:$0x6] =	wrdreg $0x9  }
0xb9: {  	_ =	task.clear_ibuf [dreg:s7], $0x7FFFF;
	_ =	strace $0x90000046  }
0xba: {  	s29 =	simm.s32 $0x9;
	_ =	strace $0x80000048  }
0xbb: {  	_ =	swait.ge [sflag:s29], $0x1  }
0xbc: {  	[sflag:s29] =	ssyncadd.s32 $0xFFFFFFFF  }
0xbd: {  	_ =	strace $0x90000048  }
0xbe: {  	_ =	sfence  }
0xbf: {  	s30 =	sld [smem:$0x0];
	_ =	sdelay $0x2  }
0xc0: {  	s31 =	sshll.u32 s1, $0xD;
	s1 =	sshrl.u32 s1, $0x2  }
0xc1: {  	s3 =	sand.u32 $0x4000, s31;
	s1 =	sadd.s32 s1, s30  }
0xc2: {  	s0 =	sor.u32 s3, s0;
	s1 =	sshll.u32 s1, $0x11  }
0xc3: {  	s0 =	sor.u32 s1, s0  }
0xc4: {  	s0 =	sadd.s32 $0x8F2B, s0  }
0xc5: {  	[sflag:s0] =	ssyncadd.remote.s32 $0x1  }
0xc6: {  	_ =	sfence.sel $0xFFFF  }
0xc7: {  	[dreg:$0x0] =	wrdreg $0xFFFFFFFF;
	(pc) =	sbr.abs _section_cstart, $3  }
0xc8: {  	[dreg:$0x1] =	wrdreg $0xFFFFFFFF  }
0xc9: {  	_ =	task.clear_ibuf [dreg:s7], $0x2FFFF;
	_ =	strace $0x9FFFFFFF  }
0xca: {  	(tm) =	ssettm $0x7FFFFFFF  }
0xcb: {  	_ =	shalt  }
tec
execute0_lowered:
.L_overlay_start_1:
0x0: {  	(tag) =	ssettag $0x1  }
0x1: {  	s0 =	rddreg [dreg:$0x0]  }
0x2: {  	s3 =	rddreg [dreg:$0x1]  }
0x3: {  	s1 =	rddreg [dreg:$0x2]  }
0x4: {  	s2 =	rddreg [dreg:$0x3];
	s4 =	simm.s32 $0x0;
	s6 =	srdreg.scid  }
0x5: {  	s13 =	stileid.u32;
	s28 =	simm.s32 $0x13;
	s15 =	simm.s32 $0x7  }
0x6: {  	s16 =	simm.s32 $0xD;
	[smem:$0x7FF] =	sst s4;
	s4 =	sadd.s32 $0x1A800, s0  }
0x7: {  	s5 =	sadd.s32 $0x6E00, s0;
	s7 =	sadd.s32 $0x2E200, s0;
	s17 =	sadd.s32 $0x2F600, s0  }
0x8: {  	s6 =	sand.u32 $0x1, s6;
	s18 =	sadd.s32 $0x2FA00, s0;
	s9 =	smul.u32 $0x9C00, s13  }
0x9: {  	s0 =	sadd.s32 $0x2FC00, s0;
	_ =	strace $0x80000047;
	[dreg:$0x5] =	wrdreg s7  }
0xa: {  	s21 =	smul.u32 $0x1380, s13;
	s12 =	sadd.s32 $0x9C000, s1;
	[dreg:$0x6] =	wrdreg s17  }
0xb: {  	s23 =	sadd.s32 $0x13800, s2;
	s24 =	sshll.u32 s13, $0x4;
	[dreg:$0x7] =	wrdreg s18  }
0xc: {  	p0 =	sne.s32 s13, $0x0;
	s19 =	sshll.u32 s6, $0x4;
	[dreg:$0x9] =	wrdreg s12  }
0xd: {  	s8 =	ssub.s32 $0x2, s6;
	s22 =	smul.u32 $0x9C400, s6;
	[dreg:$0xb] =	wrdreg s23  }
0xe: {  	s6 =	smul.u32 $0x13880, s6;
	s23 =	simm.s32 $0x10F00;
	s12 =	simm.s32 $0x5  }
0xf: {  	s17 =	simm.s32 $0x8;
	s18 =	simm.s32 $0xB;
	s7 =	sor.u32 s13, s19  }
0x10: {  	s10 =	sshrl.u32 s8, $0x1;
	s20 =	sadd.s32 s9, s1;
	s14 =	sadd.s32 s21, s2  }
0x11: {  	s13 =	simm.s32 $0xE;
	s19 =	simm.s32 $0x9;
	[dreg:$0x8] =	wrdreg s20  }
0x12: {  	s11 =	smul.u32 $0x2700, s7;
	s8 =	ssub.s32 s8, s10;
	[dreg:$0xa] =	wrdreg s14  }
0x13: {  	s9 =	sadd.s32 s9, s22;
	s26 =	sadd.s32 s21, s6;
	s29 =	sshrl.u32 s22, $0x3  }
0x14: {  	s6 =	sshrl.u32 s6, $0x3;
	p1 =	sgt.u32 s7, $0x3;
	s7 =	simm.s32 $0x2  }
0x15: {  	s10 =	simm.s32 $0x4;
	s14 =	simm.s32 $0x6;
	s6 =	sadd.s32 s3, s6  }
0x16: {  	s9 =	sshrl.u32 s9, $0x3;
	s31 =	smax.u32 s8, $0x1;
	[dreg:$0x11] =	wrdreg s6  }
0x17: {  	s20 =	simm.s32 $0xF;
	s25 =	sadd.s32 s0, s9;
	[dreg:$0x15] =	wrdreg s31  }
0x18: {  	s11 =	sshrl.u32 s11, $0x3;
	s30 =	sadd.s32 $0x2700, s6;
	[dreg:$0x10] =	wrdreg s25  }
0x19: {  	s0 =	sadd.s32 s0, s29;
	s11 =	sadd.s32 s5, s11;
	[dreg:$0x14] =	wrdreg s30  }
0x1a: {  	s21 =	simm.s32 $0xA;
	s0 =	sadd.s32 $0x13800, s0;
	[dreg:$0xc] =	wrdreg s11  }
0x1b: {  	s5 =	sadd.s32 s24, s5;
	s11 =	sadd.s32 $0x9C40, s11;
	[dreg:$0x13] =	wrdreg s0  }
0x1c: {  	s22 =	simm.s32 $0x10;
	[dreg:$0xd] =	wrdreg s11;
	s11 =	sadd.s32 $0x9C00, s5  }
0x1d: {  	s9 =	simm.s32 $0x3;
	s5 =	sadd.s32 $0x13840, s5;
	[dreg:$0xe] =	wrdreg s11  }
0x1e: {  	s0 =	simm.s32 $0x0;
	[dreg:$0xf] =	wrdreg s5;
	s5 =	sshrl.u32 s26, $0x3  }
0x1f: {  	s26 =	simm.s32 $0x80;
	s11 =	simm.s32 $0x12;
	s3 =	sadd.s32 s3, s5  }
0x20: {  	s5 =	simm.s32 $0xC;
	[dreg:$0x12] =	wrdreg s3;
	s3 =	simm.s32 $0x11  }
.LBB2_1:
0x21: {  	[dreg:$0x16] =	wrdreg s0  }
0x22: {  	s25 =	simm.s32 $0x0;
	s6 =	rddreg [dreg:$0x7];
	s29 =	stileid.u32  }
0x23: {  	[tilespmem:s23], [sflag:$0x13] =	stream.linear.gather [hbm4b:s6+s25], $0x400, $0x38;
	[tilespmem:$0x1C2C8] =	vst v63  }
0x24: {  	s6 =	sshll.u32 s29, $0x6;
	_ =	swait.ge [sflag:s28], $0x400  }
0x25: {  	s0 =	sor.u32 $0x1C13, s6;
	s30 =	rddreg [dreg:$0x8]  }
0x26: {  	[sflag:s28] =	ssyncset.done $0x0;
	s6 =	rddreg [dreg:$0x5];
	s8 =	sshrl.u32 s30, $0x3  }
0x27: {  	[sflag:s28] =	ssyncadd.s32 $0xFFFFFC00;
	[dreg:$0x18] =	wrdreg s8  }
0x28: {  	[spmem:s8], [sflag:s0] =	dma.local [hbm:s6], $0x1380  }
0x29: {  	_ =	swait.ge [sflag:s28], $0x1380  }
0x2a: {  	s30 =	rddreg [dreg:$0xa]  }
0x2b: {  	[sflag:s28] =	ssyncset.done $0x0;
	s24 =	rddreg [dreg:$0x6];
	s8 =	sshrl.u32 @p0 s30, $0x3  }
0x2c: {  	[sflag:s28] =	ssyncadd.s32 $0xFFFFEC80;
	s28 =	simm.s32 @p0 $0x13;
	[dreg:$0x19] =	wrdreg s8  }
0x2d: {  	[spmem:s8], [sflag:s0] =	dma.local @p0 [hbm:s24], $0x270  }
0x2e: {  	_ =	swait.ge @p0 [sflag:s28], $0x270  }
0x2f: {  	[sflag:s28] =	ssyncset.done @p0 $0x0  }
0x30: {  	[sflag:s28] =	ssyncadd.s32 @p0 $0xFFFFFD90;
	s28 =	rddreg [dreg:$0x9]  }
0x31: {  	s8 =	sshrl.u32 @!p0 s28, $0x3  }
0x32: {  	[dreg:$0x1a] =	wrdreg s8  }
0x33: {  	[spmem:s8], [sflag:s0] =	dma.local @!p0 [hbm:s6], $0x80  }
0x34: {  	s6 =	simm.s32 @!p0 $0x13  }
0x35: {  	_ =	swait.ge @!p0 [sflag:s6], $0x80  }
0x36: {  	s8 =	sshrl.u32 @!p0 s30, $0x3;
	[sflag:s6] =	ssyncset.done @!p0 $0x0  }
0x37: {  	[dreg:$0x1b] =	wrdreg s8;
	[sflag:s6] =	ssyncadd.s32 @!p0 $0xFFFFFF80  }
0x38: {  	[spmem:s8], [sflag:s0] =	dma.local @!p0 [hbm:s24], $0x270  }
0x39: {  	_ =	swait.ge @!p0 [sflag:s6], $0x270  }
0x3a: {  	s28 =	rddreg [dreg:$0xb]  }
0x3b: {  	[dreg:$0x17] =	wrdreg s0;
	[sflag:s6] =	ssyncset.done @!p0 $0x0;
	s8 =	sshrl.u32 @!p0 s28, $0x3  }
0x3c: {  	[sflag:s6] =	ssyncadd.s32 @!p0 $0xFFFFFD90;
	[dreg:$0x1c] =	wrdreg s8  }
0x3d: {  	[spmem:s8], [sflag:s0] =	dma.local @!p0 [hbm:s24], $0x10  }
0x3e: {  	_ =	swait.ge @!p0 [sflag:s6], $0x10  }
0x3f: {  	[sflag:s6] =	ssyncset.done @!p0 $0x0  }
0x40: {  	[sflag:s6] =	ssyncadd.s32 @!p0 $0xFFFFFFF0  }
0x41: {  	[bflag:$0x0] =	sbarrier.arrive $0xFFFF  }
0x42: {  	s29 =	simm.s32 $0x13;
	s31 =	rddreg [dreg:$0xc]  }
0x43: {  	[tilespmem:s25], [sflag:$0x13] =	stream.linear.gather [hbm4b:s31+s25], $0x2700, $0x38;
	[tilespmem:$0x1C2C8] =	vst v63  }
0x44: {  	_ =	swait.ge [sflag:s29], $0x2700  }
0x45: {  	[sflag:s29] =	ssyncset.done $0x0  }
0x46: {  	s8 =	simm.s32 $0x2780;
	s0 =	rddreg [dreg:$0xd];
	[sflag:s29] =	ssyncadd.s32 $0xFFFFD900  }
0x47: {  	[tilespmem:s8], [sflag:$0x13] =	stream.linear.gather [hbm4b:s0+s25], $0x2700, $0x38;
	[tilespmem:$0x1C2C8] =	vst v63  }
0x48: {  	_ =	swait.ge [sflag:s29], $0x2700  }
0x49: {  	s24 =	simm.s32 @!p1 $0x2700;
	[sflag:s29] =	ssyncset.done $0x0  }
0x4a: {  	s0 =	simm.s32 @!p1 $0x0;
	s6 =	rddreg [dreg:$0xe];
	[sflag:s29] =	ssyncadd.s32 $0xFFFFD900  }
0x4b: {  	[tilespmem:s24], [sflag:$0x13] =	stream.linear.gather @!p1 [hbm4b:s6+s0], $0x80, $0x38;
	[tilespmem:$0x1C2C8] =	vst v63  }
0x4c: {  	s24 =	simm.s32 @!p1 $0x13  }
0x4d: {  	_ =	swait.ge @!p1 [sflag:s24], $0x80  }
0x4e: {  	[sflag:s24] =	ssyncset.done @!p1 $0x0  }
0x4f: {  	s6 =	simm.s32 @!p1 $0x4E80;
	s28 =	rddreg [dreg:$0xf];
	[sflag:s24] =	ssyncadd.s32 @!p1 $0xFFFFFF80  }
0x50: {  	[tilespmem:s6], [sflag:$0x13] =	stream.linear.gather @!p1 [hbm4b:s28+s0], $0x80, $0x38;
	[tilespmem:$0x1C2C8] =	vst v63  }
0x51: {  	_ =	swait.ge @!p1 [sflag:s24], $0x80  }
0x52: {  	[sflag:s24] =	ssyncset.done @!p1 $0x0  }
0x53: {  	[sflag:s24] =	ssyncadd.s32 @!p1 $0xFFFFFF80;
	s24 =	simm.s32 $0x4F00  }
0x54: {  	[tilespmem:s24], [sflag:$0x1] =	stream.indirect.gather [hbm4b:s4+s26], $0x40, s25, s26, $0xb8;
	[tilespmem:$0x1C2C8] =	vst v63  }
0x55: {  	s25 =	simm.s32 $0x6F00  }
0x56: {  	[tilespmem:s25], [sflag:$0x2] =	stream.indirect.gather [hbm4b:s4+s26], $0x40, s26, s26, $0xb8;
	[tilespmem:$0x1C2C8] =	vst v63  }
0x57: {  	s28 =	simm.s32 $0x100;
	s0 =	simm.s32 $0x8F00  }
0x58: {  	[tilespmem:s0], [sflag:$0x3] =	stream.indirect.gather [hbm4b:s4+s26], $0x40, s28, s26, $0xb8;
	[tilespmem:$0x1C2C8] =	vst v63  }
0x59: {  	s29 =	simm.s32 $0x180;
	s28 =	simm.s32 $0xAF00  }
0x5a: {  	[tilespmem:s28], [sflag:$0x4] =	stream.indirect.gather [hbm4b:s4+s26], $0x40, s29, s26, $0xb8;
	[tilespmem:$0x1C2C8] =	vst v63  }
0x5b: {  	s30 =	simm.s32 $0x200;
	s8 =	simm.s32 $0xCF00  }
0x5c: {  	[tilespmem:s8], [sflag:$0x5] =	stream.indirect.gather [hbm4b:s4+s26], $0x40, s30, s26, $0xb8;
	[tilespmem:$0x1C2C8] =	vst v63  }
0x5d: {  	s31 =	simm.s32 $0x280;
	s29 =	simm.s32 $0xEF00;
	s30 =	simm.s32 $0x1  }
0x5e: {  	[tilespmem:s29], [sflag:$0x6] =	stream.indirect.gather [hbm4b:s4+s26], $0x40, s31, s26, $0xb8;
	[tilespmem:$0x1C2C8] =	vst v63  }
0x5f: {  	_ =	swait.ge [sflag:s30], $0x2000  }
0x60: {  	[sflag:s30] =	ssyncset.done $0x0  }
0x61: {  	s31 =	simm.s32 $0x2780;
	[sflag:s30] =	ssyncadd.s32 $0xFFFFE000  }
0x62: {  	[spmem:s1] =	stream.indirect.scatter.add.f32 [tilespmem:s24], [sflag:$0x7], $0x40, s31, s26, $0xb8;
	[tilespmem:$0x1C2C8] =	vst v63  }
0x63: {  	_ = 	snop  }
0x64: {  	[spmem:s2] =	stream.indirect.scatter.add.f32 [tilespmem:s23], [sflag:$0xD], $0x8, s31, s26, $0xb8;
	[tilespmem:$0x1C2C8] =	vst v63  }
0x65: {  	_ =	swait.ge [sflag:s7], $0x2000  }
0x66: {  	[sflag:s7] =	ssyncset.done $0x0  }
0x67: {  	s30 =	simm.s32 $0x2800;
	[sflag:s7] =	ssyncadd.s32 $0xFFFFE000  }
0x68: {  	[spmem:s1] =	stream.indirect.scatter.add.f32 [tilespmem:s25], [sflag:$0x8], $0x40, s30, s26, $0xb8;
	[tilespmem:$0x1C2C8] =	vst v63  }
0x69: {  	_ = 	snop  }
0x6a: {  	[spmem:s2] =	stream.indirect.scatter.add.f32 [tilespmem:s23], [sflag:$0xE], $0x8, s30, s26, $0xb8;
	[tilespmem:$0x1C2C8] =	vst v63  }
0x6b: {  	_ =	swait.ge [sflag:s9], $0x2000  }
0x6c: {  	[sflag:s9] =	ssyncset.done $0x0  }
0x6d: {  	s31 =	simm.s32 $0x2880;
	[sflag:s9] =	ssyncadd.s32 $0xFFFFE000  }
0x6e: {  	[spmem:s1] =	stream.indirect.scatter.add.f32 [tilespmem:s0], [sflag:$0x9], $0x40, s31, s26, $0xb8;
	[tilespmem:$0x1C2C8] =	vst v63  }
0x6f: {  	_ = 	snop  }
0x70: {  	[spmem:s2] =	stream.indirect.scatter.add.f32 [tilespmem:s23], [sflag:$0xF], $0x8, s31, s26, $0xb8;
	[tilespmem:$0x1C2C8] =	vst v63  }
0x71: {  	_ =	swait.ge [sflag:s10], $0x2000  }
0x72: {  	[sflag:s10] =	ssyncset.done $0x0  }
0x73: {  	s30 =	simm.s32 $0x2900;
	[sflag:s10] =	ssyncadd.s32 $0xFFFFE000  }
0x74: {  	[spmem:s1] =	stream.indirect.scatter.add.f32 [tilespmem:s28], [sflag:$0xA], $0x40, s30, s26, $0xb8;
	[tilespmem:$0x1C2C8] =	vst v63  }
0x75: {  	_ = 	snop  }
0x76: {  	[spmem:s2] =	stream.indirect.scatter.add.f32 [tilespmem:s23], [sflag:$0x10], $0x8, s30, s26, $0xb8;
	[tilespmem:$0x1C2C8] =	vst v63  }
0x77: {  	_ =	swait.ge [sflag:s12], $0x2000  }
0x78: {  	[sflag:s12] =	ssyncset.done $0x0  }
0x79: {  	s31 =	simm.s32 $0x2980;
	[sflag:s12] =	ssyncadd.s32 $0xFFFFE000  }
0x7a: {  	[spmem:s1] =	stream.indirect.scatter.add.f32 [tilespmem:s8], [sflag:$0xB], $0x40, s31, s26, $0xb8;
	[tilespmem:$0x1C2C8] =	vst v63  }
0x7b: {  	_ = 	snop  }
0x7c: {  	[spmem:s2] =	stream.indirect.scatter.add.f32 [tilespmem:s23], [sflag:$0x11], $0x8, s31, s26, $0xb8;
	[tilespmem:$0x1C2C8] =	vst v63  }
0x7d: {  	_ =	swait.ge [sflag:s14], $0x2000  }
0x7e: {  	[sflag:s14] =	ssyncset.done $0x0  }
0x7f: {  	s30 =	simm.s32 $0x2A00;
	[sflag:s14] =	ssyncadd.s32 $0xFFFFE000  }
0x80: {  	[spmem:s1] =	stream.indirect.scatter.add.f32 [tilespmem:s29], [sflag:$0xC], $0x40, s30, s26, $0xb8;
	[tilespmem:$0x1C2C8] =	vst v63  }
0x81: {  	_ = 	snop  }
0x82: {  	[spmem:s2] =	stream.indirect.scatter.add.f32 [tilespmem:s23], [sflag:$0x12], $0x8, s30, s26, $0xb8;
	[tilespmem:$0x1C2C8] =	vst v63  }
0x83: {  	_ =	swait.ge [sflag:s15], $0x2000  }
0x84: {  	[sflag:s15] =	ssyncset.done $0x0  }
0x85: {  	[sflag:s15] =	ssyncadd.s32 $0xFFFFE000  }
0x86: {  	_ =	swait.ge [sflag:s16], $0x400  }
0x87: {  	[sflag:s16] =	ssyncset.done $0x0  }
0x88: {  	s31 =	simm.s32 $0x300;
	[sflag:s16] =	ssyncadd.s32 $0xFFFFFC00  }
0x89: {  	[tilespmem:s24], [sflag:$0x1] =	stream.indirect.gather [hbm4b:s4+s26], $0x40, s31, s26, $0xb8;
	[tilespmem:$0x1C2C8] =	vst v63  }
0x8a: {  	_ =	swait.ge [sflag:s17], $0x2000  }
0x8b: {  	[sflag:s17] =	ssyncset.done $0x0  }
0x8c: {  	[sflag:s17] =	ssyncadd.s32 $0xFFFFE000  }
0x8d: {  	_ =	swait.ge [sflag:s13], $0x400  }
0x8e: {  	[sflag:s13] =	ssyncset.done $0x0  }
0x8f: {  	s24 =	simm.s32 $0x380;
	[sflag:s13] =	ssyncadd.s32 $0xFFFFFC00  }
0x90: {  	[tilespmem:s25], [sflag:$0x2] =	stream.indirect.gather [hbm4b:s4+s26], $0x40, s24, s26, $0xb8;
	[tilespmem:$0x1C2C8] =	vst v63  }
0x91: {  	_ =	swait.ge [sflag:s19], $0x2000  }
0x92: {  	[sflag:s19] =	ssyncset.done $0x0  }
0x93: {  	[sflag:s19] =	ssyncadd.s32 $0xFFFFE000  }
0x94: {  	_ =	swait.ge [sflag:s20], $0x400  }
0x95: {  	[sflag:s20] =	ssyncset.done $0x0  }
0x96: {  	s29 =	simm.s32 $0x400;
	[sflag:s20] =	ssyncadd.s32 $0xFFFFFC00  }
0x97: {  	[tilespmem:s0], [sflag:$0x3] =	stream.indirect.gather [hbm4b:s4+s26], $0x40, s29, s26, $0xb8;
	[tilespmem:$0x1C2C8] =	vst v63  }
0x98: {  	_ =	swait.ge [sflag:s21], $0x2000  }
0x99: {  	[sflag:s21] =	ssyncset.done $0x0  }
0x9a: {  	[sflag:s21] =	ssyncadd.s32 $0xFFFFE000  }
0x9b: {  	_ =	swait.ge [sflag:s22], $0x400  }
0x9c: {  	[sflag:s22] =	ssyncset.done $0x0  }
0x9d: {  	s30 =	simm.s32 $0x480;
	[sflag:s22] =	ssyncadd.s32 $0xFFFFFC00  }
0x9e: {  	[tilespmem:s28], [sflag:$0x4] =	stream.indirect.gather [hbm4b:s4+s26], $0x40, s30, s26, $0xb8;
	[tilespmem:$0x1C2C8] =	vst v63  }
0x9f: {  	_ =	swait.ge [sflag:s18], $0x2000  }
0xa0: {  	[sflag:s18] =	ssyncset.done $0x0  }
0xa1: {  	[sflag:s18] =	ssyncadd.s32 $0xFFFFE000  }
0xa2: {  	_ =	swait.ge [sflag:s3], $0x400  }
0xa3: {  	[sflag:s3] =	ssyncset.done $0x0  }
0xa4: {  	s31 =	simm.s32 $0x500;
	[sflag:s3] =	ssyncadd.s32 $0xFFFFFC00  }
0xa5: {  	[tilespmem:s8], [sflag:$0x5] =	stream.indirect.gather [hbm4b:s4+s26], $0x40, s31, s26, $0xb8;
	[tilespmem:$0x1C2C8] =	vst v63  }
0xa6: {  	_ =	swait.ge [sflag:s5], $0x2000  }
0xa7: {  	[sflag:s5] =	ssyncset.done $0x0  }
0xa8: {  	[sflag:s5] =	ssyncadd.s32 $0xFFFFE000  }
0xa9: {  	_ =	swait.ge [sflag:s11], $0x400  }
0xaa: {  	[sflag:s11] =	ssyncset.done $0x0  }
0xab: {  	s6 =	simm.s32 $0xC00;
	s24 =	simm.s32 $0x580;
	[sflag:s11] =	ssyncadd.s32 $0xFFFFFC00  }
.LBB2_2:
0xac: {  	s29 =	simm.s32 $0xEF00  }
0xad: {  	[tilespmem:s29], [sflag:$0x6] =	stream.indirect.gather [hbm4b:s4+s26], $0x40, s24, s26, $0xb8;
	[tilespmem:$0x1C2C8] =	vst v63  }
0xae: {  	s0 =	simm.s32 $0x1;
	s24 =	smov.u32 s6  }
0xaf: {  	p2 =	sne.s32 s6, $0x8400;
	s6 =	sadd.s32 $0xC00, s6;
	_ =	swait.ge [sflag:s0], $0x2000  }
0xb0: {  	s24 =	sshra.s32 s24, $0x2;
	[sflag:s0] =	ssyncset.done $0x0  }
0xb1: {  	s31 =	simm.s32 $0x4F00;
	s28 =	sadd.s32 $0x2780, s24;
	[sflag:s0] =	ssyncadd.s32 $0xFFFFE000  }
0xb2: {  	[spmem:s1] =	stream.indirect.scatter.add.f32 [tilespmem:s31], [sflag:$0x7], $0x40, s28, s26, $0xb8;
	[tilespmem:$0x1C2C8] =	vst v63  }
0xb3: {  	_ = 	snop  }
0xb4: {  	[spmem:s2] =	stream.indirect.scatter.add.f32 [tilespmem:s23], [sflag:$0xD], $0x8, s28, s26, $0xb8;
	[tilespmem:$0x1C2C8] =	vst v63  }
0xb5: {  	_ =	swait.ge [sflag:s7], $0x2000  }
0xb6: {  	[sflag:s7] =	ssyncset.done $0x0  }
0xb7: {  	s25 =	simm.s32 $0x6F00;
	s28 =	sadd.s32 $0x2800, s24;
	[sflag:s7] =	ssyncadd.s32 $0xFFFFE000  }
0xb8: {  	[spmem:s1] =	stream.indirect.scatter.add.f32 [tilespmem:s25], [sflag:$0x8], $0x40, s28, s26, $0xb8;
	[tilespmem:$0x1C2C8] =	vst v63  }
0xb9: {  	_ = 	snop  }
0xba: {  	[spmem:s2] =	stream.indirect.scatter.add.f32 [tilespmem:s23], [sflag:$0xE], $0x8, s28, s26, $0xb8;
	[tilespmem:$0x1C2C8] =	vst v63  }
0xbb: {  	_ =	swait.ge [sflag:s9], $0x2000  }
0xbc: {  	[sflag:s9] =	ssyncset.done $0x0  }
0xbd: {  	s0 =	simm.s32 $0x8F00;
	s28 =	sadd.s32 $0x2880, s24;
	[sflag:s9] =	ssyncadd.s32 $0xFFFFE000  }
0xbe: {  	[spmem:s1] =	stream.indirect.scatter.add.f32 [tilespmem:s0], [sflag:$0x9], $0x40, s28, s26, $0xb8;
	[tilespmem:$0x1C2C8] =	vst v63  }
0xbf: {  	_ = 	snop  }
0xc0: {  	[spmem:s2] =	stream.indirect.scatter.add.f32 [tilespmem:s23], [sflag:$0xF], $0x8, s28, s26, $0xb8;
	[tilespmem:$0x1C2C8] =	vst v63  }
0xc1: {  	_ =	swait.ge [sflag:s10], $0x2000  }
0xc2: {  	[sflag:s10] =	ssyncset.done $0x0  }
0xc3: {  	s30 =	simm.s32 $0xAF00;
	s28 =	sadd.s32 $0x2900, s24;
	[sflag:s10] =	ssyncadd.s32 $0xFFFFE000  }
0xc4: {  	[spmem:s1] =	stream.indirect.scatter.add.f32 [tilespmem:s30], [sflag:$0xA], $0x40, s28, s26, $0xb8;
	[tilespmem:$0x1C2C8] =	vst v63  }
0xc5: {  	_ = 	snop  }
0xc6: {  	[spmem:s2] =	stream.indirect.scatter.add.f32 [tilespmem:s23], [sflag:$0x10], $0x8, s28, s26, $0xb8;
	[tilespmem:$0x1C2C8] =	vst v63  }
0xc7: {  	_ =	swait.ge [sflag:s12], $0x2000  }
0xc8: {  	[sflag:s12] =	ssyncset.done $0x0  }
0xc9: {  	s8 =	simm.s32 $0xCF00;
	s28 =	sadd.s32 $0x2980, s24;
	[sflag:s12] =	ssyncadd.s32 $0xFFFFE000  }
0xca: {  	[spmem:s1] =	stream.indirect.scatter.add.f32 [tilespmem:s8], [sflag:$0xB], $0x40, s28, s26, $0xb8;
	[tilespmem:$0x1C2C8] =	vst v63  }
0xcb: {  	_ = 	snop  }
0xcc: {  	[spmem:s2] =	stream.indirect.scatter.add.f32 [tilespmem:s23], [sflag:$0x11], $0x8, s28, s26, $0xb8;
	[tilespmem:$0x1C2C8] =	vst v63  }
0xcd: {  	_ =	swait.ge [sflag:s14], $0x2000  }
0xce: {  	[sflag:s14] =	ssyncset.done $0x0  }
0xcf: {  	s28 =	sadd.s32 $0x2A00, s24;
	[sflag:s14] =	ssyncadd.s32 $0xFFFFE000  }
0xd0: {  	[spmem:s1] =	stream.indirect.scatter.add.f32 [tilespmem:s29], [sflag:$0xC], $0x40, s28, s26, $0xb8;
	[tilespmem:$0x1C2C8] =	vst v63  }
0xd1: {  	_ = 	snop  }
0xd2: {  	[spmem:s2] =	stream.indirect.scatter.add.f32 [tilespmem:s23], [sflag:$0x12], $0x8, s28, s26, $0xb8;
	[tilespmem:$0x1C2C8] =	vst v63  }
0xd3: {  	_ =	swait.ge [sflag:s15], $0x2000  }
0xd4: {  	[sflag:s15] =	ssyncset.done $0x0  }
0xd5: {  	[sflag:s15] =	ssyncadd.s32 $0xFFFFE000  }
0xd6: {  	_ =	swait.ge [sflag:s16], $0x400  }
0xd7: {  	[sflag:s16] =	ssyncset.done $0x0  }
0xd8: {  	s29 =	simm.s32 $0x4F00;
	s28 =	sadd.s32 $0x300, s24;
	[sflag:s16] =	ssyncadd.s32 $0xFFFFFC00  }
0xd9: {  	[tilespmem:s31], [sflag:$0x1] =	stream.indirect.gather [hbm4b:s4+s26], $0x40, s28, s26, $0xb8;
	[tilespmem:$0x1C2C8] =	vst v63  }
0xda: {  	_ =	swait.ge [sflag:s17], $0x2000  }
0xdb: {  	[sflag:s17] =	ssyncset.done $0x0  }
0xdc: {  	[sflag:s17] =	ssyncadd.s32 $0xFFFFE000  }
0xdd: {  	_ =	swait.ge [sflag:s13], $0x400  }
0xde: {  	[sflag:s13] =	ssyncset.done $0x0  }
0xdf: {  	s28 =	sadd.s32 $0x380, s24;
	s31 =	simm.s32 $0x6F00;
	[sflag:s13] =	ssyncadd.s32 $0xFFFFFC00  }
0xe0: {  	[tilespmem:s25], [sflag:$0x2] =	stream.indirect.gather [hbm4b:s4+s26], $0x40, s28, s26, $0xb8;
	[tilespmem:$0x1C2C8] =	vst v63  }
0xe1: {  	_ =	swait.ge [sflag:s19], $0x2000  }
0xe2: {  	[sflag:s19] =	ssyncset.done $0x0  }
0xe3: {  	[sflag:s19] =	ssyncadd.s32 $0xFFFFE000  }
0xe4: {  	_ =	swait.ge [sflag:s20], $0x400  }
0xe5: {  	[sflag:s20] =	ssyncset.done $0x0  }
0xe6: {  	s28 =	sadd.s32 $0x400, s24;
	s25 =	simm.s32 $0x8F00;
	[sflag:s20] =	ssyncadd.s32 $0xFFFFFC00  }
0xe7: {  	[tilespmem:s0], [sflag:$0x3] =	stream.indirect.gather [hbm4b:s4+s26], $0x40, s28, s26, $0xb8;
	[tilespmem:$0x1C2C8] =	vst v63  }
0xe8: {  	_ =	swait.ge [sflag:s21], $0x2000  }
0xe9: {  	[sflag:s21] =	ssyncset.done $0x0  }
0xea: {  	[sflag:s21] =	ssyncadd.s32 $0xFFFFE000  }
0xeb: {  	_ =	swait.ge [sflag:s22], $0x400  }
0xec: {  	[sflag:s22] =	ssyncset.done $0x0  }
0xed: {  	s28 =	sadd.s32 $0x480, s24;
	s0 =	simm.s32 $0xAF00;
	[sflag:s22] =	ssyncadd.s32 $0xFFFFFC00  }
0xee: {  	[tilespmem:s30], [sflag:$0x4] =	stream.indirect.gather [hbm4b:s4+s26], $0x40, s28, s26, $0xb8;
	[tilespmem:$0x1C2C8] =	vst v63  }
0xef: {  	_ =	swait.ge [sflag:s18], $0x2000  }
0xf0: {  	[sflag:s18] =	ssyncset.done $0x0  }
0xf1: {  	[sflag:s18] =	ssyncadd.s32 $0xFFFFE000  }
0xf2: {  	_ =	swait.ge [sflag:s3], $0x400  }
0xf3: {  	[sflag:s3] =	ssyncset.done $0x0  }
0xf4: {  	s28 =	sadd.s32 $0x500, s24;
	s30 =	simm.s32 $0xCF00;
	[sflag:s3] =	ssyncadd.s32 $0xFFFFFC00  }
0xf5: {  	[tilespmem:s8], [sflag:$0x5] =	stream.indirect.gather [hbm4b:s4+s26], $0x40, s28, s26, $0xb8;
	[tilespmem:$0x1C2C8] =	vst v63  }
0xf6: {  	_ =	swait.ge [sflag:s5], $0x2000  }
.Ltmp0:
0xf7: {  	[sflag:s5] =	ssyncset.done $0x0;
	(pc) =	sbr.rel @p2 .LBB2_2-.Ltmp0, $4  }
0xf8: {  	[sflag:s5] =	ssyncadd.s32 $0xFFFFE000  }
0xf9: {  	_ =	swait.ge [sflag:s11], $0x400  }
0xfa: {  	[sflag:s11] =	ssyncset.done $0x0  }
0xfb: {  	s24 =	sadd.s32 $0x580, s24;
	[sflag:s11] =	ssyncadd.s32 $0xFFFFFC00  }
0xfc: {  	s6 =	simm.s32 $0xEF00;
	s8 =	simm.s32 $0x1  }
0xfd: {  	[tilespmem:s6], [sflag:$0x6] =	stream.indirect.gather [hbm4b:s4+s26], $0x40, s24, s26, $0xb8;
	[tilespmem:$0x1C2C8] =	vst v63  }
0xfe: {  	_ =	swait.ge [sflag:s8], $0x2000  }
0xff: {  	[sflag:s8] =	ssyncset.done $0x0  }
0x100: {  	s24 =	simm.s32 $0x4B80;
	[sflag:s8] =	ssyncadd.s32 $0xFFFFE000  }
0x101: {  	[spmem:s1] =	stream.indirect.scatter.add.f32 [tilespmem:s29], [sflag:$0x7], $0x40, s24, s26, $0xb8;
	[tilespmem:$0x1C2C8] =	vst v63  }
0x102: {  	_ = 	snop  }
0x103: {  	[spmem:s2] =	stream.indirect.scatter.add.f32 [tilespmem:s23], [sflag:$0xD], $0x8, s24, s26, $0xb8;
	[tilespmem:$0x1C2C8] =	vst v63  }
0x104: {  	_ =	swait.ge [sflag:s7], $0x2000  }
0x105: {  	[sflag:s7] =	ssyncset.done $0x0  }
0x106: {  	s24 =	simm.s32 $0x4C00;
	[sflag:s7] =	ssyncadd.s32 $0xFFFFE000  }
0x107: {  	[spmem:s1] =	stream.indirect.scatter.add.f32 [tilespmem:s31], [sflag:$0x8], $0x40, s24, s26, $0xb8;
	[tilespmem:$0x1C2C8] =	vst v63  }
0x108: {  	_ = 	snop  }
0x109: {  	[spmem:s2] =	stream.indirect.scatter.add.f32 [tilespmem:s23], [sflag:$0xE], $0x8, s24, s26, $0xb8;
	[tilespmem:$0x1C2C8] =	vst v63  }
0x10a: {  	_ =	swait.ge [sflag:s9], $0x2000  }
0x10b: {  	[sflag:s9] =	ssyncset.done $0x0  }
0x10c: {  	s29 =	simm.s32 $0x4C80;
	[sflag:s9] =	ssyncadd.s32 $0xFFFFE000  }
0x10d: {  	[spmem:s1] =	stream.indirect.scatter.add.f32 [tilespmem:s25], [sflag:$0x9], $0x40, s29, s26, $0xb8;
	[tilespmem:$0x1C2C8] =	vst v63  }
0x10e: {  	_ = 	snop  }
0x10f: {  	[spmem:s2] =	stream.indirect.scatter.add.f32 [tilespmem:s23], [sflag:$0xF], $0x8, s29, s26, $0xb8;
	[tilespmem:$0x1C2C8] =	vst v63  }
0x110: {  	_ =	swait.ge [sflag:s10], $0x2000  }
0x111: {  	[sflag:s10] =	ssyncset.done $0x0  }
0x112: {  	s31 =	simm.s32 $0x4D00;
	[sflag:s10] =	ssyncadd.s32 $0xFFFFE000  }
0x113: {  	[spmem:s1] =	stream.indirect.scatter.add.f32 [tilespmem:s0], [sflag:$0xA], $0x40, s31, s26, $0xb8;
	[tilespmem:$0x1C2C8] =	vst v63  }
0x114: {  	_ = 	snop  }
0x115: {  	[spmem:s2] =	stream.indirect.scatter.add.f32 [tilespmem:s23], [sflag:$0x10], $0x8, s31, s26, $0xb8;
	[tilespmem:$0x1C2C8] =	vst v63  }
0x116: {  	_ =	swait.ge [sflag:s12], $0x2000  }
0x117: {  	[sflag:s12] =	ssyncset.done $0x0  }
0x118: {  	s8 =	simm.s32 $0x4D80;
	[sflag:s12] =	ssyncadd.s32 $0xFFFFE000  }
0x119: {  	[spmem:s1] =	stream.indirect.scatter.add.f32 [tilespmem:s30], [sflag:$0xB], $0x40, s8, s26, $0xb8;
	[tilespmem:$0x1C2C8] =	vst v63  }
0x11a: {  	_ = 	snop  }
0x11b: {  	[spmem:s2] =	stream.indirect.scatter.add.f32 [tilespmem:s23], [sflag:$0x11], $0x8, s8, s26, $0xb8;
	[tilespmem:$0x1C2C8] =	vst v63  }
0x11c: {  	_ =	swait.ge [sflag:s14], $0x2000  }
0x11d: {  	[sflag:s14] =	ssyncset.done $0x0  }
0x11e: {  	s24 =	simm.s32 $0x4E00;
	[sflag:s14] =	ssyncadd.s32 $0xFFFFE000  }
0x11f: {  	[spmem:s1] =	stream.indirect.scatter.add.f32 [tilespmem:s6], [sflag:$0xC], $0x40, s24, s26, $0xb8;
	[tilespmem:$0x1C2C8] =	vst v63  }
0x120: {  	_ = 	snop  }
0x121: {  	[spmem:s2] =	stream.indirect.scatter.add.f32 [tilespmem:s23], [sflag:$0x12], $0x8, s24, s26, $0xb8;
	[tilespmem:$0x1C2C8] =	vst v63  }
0x122: {  	_ =	swait.ge [sflag:s15], $0x2000  }
0x123: {  	[sflag:s15] =	ssyncset.done $0x0  }
0x124: {  	[sflag:s15] =	ssyncadd.s32 $0xFFFFE000  }
0x125: {  	_ =	swait.ge [sflag:s16], $0x400  }
0x126: {  	[sflag:s16] =	ssyncset.done $0x0  }
0x127: {  	[sflag:s16] =	ssyncadd.s32 $0xFFFFFC00  }
0x128: {  	_ =	swait.ge [sflag:s17], $0x2000  }
0x129: {  	[sflag:s17] =	ssyncset.done $0x0  }
0x12a: {  	[sflag:s17] =	ssyncadd.s32 $0xFFFFE000  }
0x12b: {  	_ =	swait.ge [sflag:s13], $0x400  }
0x12c: {  	[sflag:s13] =	ssyncset.done $0x0  }
0x12d: {  	[sflag:s13] =	ssyncadd.s32 $0xFFFFFC00  }
0x12e: {  	_ =	swait.ge [sflag:s19], $0x2000  }
0x12f: {  	[sflag:s19] =	ssyncset.done $0x0  }
0x130: {  	[sflag:s19] =	ssyncadd.s32 $0xFFFFE000  }
0x131: {  	_ =	swait.ge [sflag:s20], $0x400  }
0x132: {  	[sflag:s20] =	ssyncset.done $0x0  }
0x133: {  	[sflag:s20] =	ssyncadd.s32 $0xFFFFFC00  }
0x134: {  	_ =	swait.ge [sflag:s21], $0x2000  }
0x135: {  	[sflag:s21] =	ssyncset.done $0x0  }
0x136: {  	[sflag:s21] =	ssyncadd.s32 $0xFFFFE000  }
0x137: {  	_ =	swait.ge [sflag:s22], $0x400  }
0x138: {  	[sflag:s22] =	ssyncset.done $0x0  }
0x139: {  	[sflag:s22] =	ssyncadd.s32 $0xFFFFFC00  }
0x13a: {  	_ =	swait.ge [sflag:s18], $0x2000  }
0x13b: {  	[sflag:s18] =	ssyncset.done $0x0  }
0x13c: {  	[sflag:s18] =	ssyncadd.s32 $0xFFFFE000  }
0x13d: {  	_ =	swait.ge [sflag:s3], $0x400  }
0x13e: {  	[sflag:s3] =	ssyncset.done $0x0  }
0x13f: {  	[sflag:s3] =	ssyncadd.s32 $0xFFFFFC00  }
0x140: {  	_ =	swait.ge [sflag:s5], $0x2000  }
0x141: {  	[sflag:s5] =	ssyncset.done $0x0  }
0x142: {  	[sflag:s5] =	ssyncadd.s32 $0xFFFFE000  }
0x143: {  	_ =	swait.ge [sflag:s11], $0x400  }
0x144: {  	s28 =	simm.s32 @!p1 $0x4F00;
	[sflag:s11] =	ssyncset.done $0x0  }
0x145: {  	s6 =	simm.s32 @!p1 $0x80;
	s24 =	simm.s32 @!p1 $0x2700;
	[sflag:s11] =	ssyncadd.s32 $0xFFFFFC00  }
0x146: {  	[tilespmem:s28], [sflag:$0x1] =	stream.indirect.gather @!p1 [hbm4b:s4+s6], $0x40, s24, s6, $0xb8;
	[tilespmem:$0x1C2C8] =	vst v63  }
0x147: {  	s24 =	simm.s32 @!p1 $0x1  }
0x148: {  	_ =	swait.ge @!p1 [sflag:s24], $0x2000  }
0x149: {  	[sflag:s24] =	ssyncset.done @!p1 $0x0  }
0x14a: {  	s0 =	simm.s32 @!p1 $0x4E80;
	[sflag:s24] =	ssyncadd.s32 @!p1 $0xFFFFE000  }
0x14b: {  	[spmem:s1] =	stream.indirect.scatter.add.f32 @!p1 [tilespmem:s28], [sflag:$0x13], $0x40, s0, s6, $0xb8;
	[tilespmem:$0x1C2C8] =	vst v63  }
0x14c: {  	s28 =	simm.s32 @!p1 $0x13  }
0x14d: {  	_ =	swait.ge @!p1 [sflag:s28], $0x2000  }
0x14e: {  	[sflag:s28] =	ssyncset.done @!p1 $0x0  }
0x14f: {  	s24 =	simm.s32 @!p1 $0x10F00;
	[sflag:s28] =	ssyncadd.s32 @!p1 $0xFFFFE000  }
0x150: {  	[spmem:s2] =	stream.indirect.scatter.add.f32 @!p1 [tilespmem:s24], [sflag:$0x13], $0x8, s0, s6, $0xb8;
	[tilespmem:$0x1C2C8] =	vst v63  }
0x151: {  	_ =	swait.ge @!p1 [sflag:s28], $0x400  }
0x152: {  	[sflag:s28] =	ssyncset.done @!p1 $0x0  }
0x153: {  	[sflag:s28] =	ssyncadd.s32 @!p1 $0xFFFFFC00  }
0x154: {  	[bflag:$0x0] =	sbarrier.arrive $0xFFFF  }
0x155: {  	s25 =	rddreg [dreg:$0x10]  }
0x156: {  	s0 =	rddreg [dreg:$0x17]  }
0x157: {  	s28 =	simm.s32 $0x13;
	s29 =	rddreg [dreg:$0x18]  }
0x158: {  	[hbm:s25], [sflag:s0] =	dma.local [spmem:s29], $0x1380  }
0x159: {  	_ =	swait.ge [sflag:s28], $0x1380  }
0x15a: {  	[sflag:s28] =	ssyncset.done $0x0;
	s6 =	rddreg [dreg:$0x12]  }
0x15b: {  	s8 =	rddreg [dreg:$0x19];
	[sflag:s28] =	ssyncadd.s32 $0xFFFFEC80  }
0x15c: {  	[hbm:s6], [sflag:s0] =	dma.local @p0 [spmem:s8], $0x270  }
0x15d: {  	s6 =	simm.s32 @p0 $0x13  }
0x15e: {  	_ =	swait.ge @p0 [sflag:s6], $0x270  }
0x15f: {  	[sflag:s6] =	ssyncset.done @p0 $0x0;
	s8 =	rddreg [dreg:$0x1a]  }
0x160: {  	[sflag:s6] =	ssyncadd.s32 @p0 $0xFFFFFD90;
	s6 =	rddreg [dreg:$0x13]  }
0x161: {  	[hbm:s6], [sflag:s0] =	dma.local @!p0 [spmem:s8], $0x80  }
0x162: {  	s6 =	simm.s32 @!p0 $0x13  }
0x163: {  	_ =	swait.ge @!p0 [sflag:s6], $0x80  }
0x164: {  	[sflag:s6] =	ssyncset.done @!p0 $0x0;
	s24 =	rddreg [dreg:$0x11]  }
0x165: {  	s8 =	rddreg [dreg:$0x1b];
	[sflag:s6] =	ssyncadd.s32 @!p0 $0xFFFFFF80  }
0x166: {  	[hbm:s24], [sflag:s0] =	dma.local @!p0 [spmem:s8], $0x270  }
0x167: {  	_ =	swait.ge @!p0 [sflag:s6], $0x270  }
0x168: {  	[sflag:s6] =	ssyncset.done @!p0 $0x0;
	s24 =	rddreg [dreg:$0x14]  }
0x169: {  	s8 =	rddreg [dreg:$0x1c];
	[sflag:s6] =	ssyncadd.s32 @!p0 $0xFFFFFD90  }
0x16a: {  	[hbm:s24], [sflag:s0] =	dma.local @!p0 [spmem:s8], $0x10  }
0x16b: {  	_ =	swait.ge @!p0 [sflag:s6], $0x10  }
0x16c: {  	s30 =	rddreg [dreg:$0x16]  }
0x16d: {  	s31 =	rddreg [dreg:$0x15];
	s0 =	sadd.s32 $0x1, s30  }
0x16e: {  	p2 =	sne.s32 s0, s31  }
.Ltmp1:
0x16f: {  	_ = 	snop;
	(pc) =	sbr.rel @p2 .LBB2_1-.Ltmp1, $3  }
0x170: {  	_ =	sdelay $0x1  }
0x171: {  	[sflag:s6] =	ssyncset.done @!p0 $0x0  }
0x172: {  	[sflag:s6] =	ssyncadd.s32 @!p0 $0xFFFFFFF0  }
0x173: {  	_ =	sfence.sel $0x180000  }
0x174: {  	[bflag:$0x0] =	sbarrier.arrive $0xFFFF  }
0x175: {  	_ =	strace $0x90000047  }
0x176: {  	[bflag:$0x2] =	sbarrier.arrive $0xFFFF  }
0x177: {  	s0 =	rddreg [dreg:$0x4]  }
0x178: {  	s0 =	sadd.s32 @!p0 $0x100000, s0  }
0x179: {  	[sflag:s0] =	ssyncadd.tile.s32 @!p0 $0x1;
	_ =	shalt  }
.Lfunc_end2:
_tile_overlayer_lowered:
.L_overlay_start_2:
0x17a: {  	(tag) =	ssettag $0x2  }
0x17b: {  	s0 =	rddreg [dreg:$0x0];
	s2 =	stileid.u32  }
0x17c: {  	s1 =	rddreg [dreg:$0x1];
	p0 =	sne.s32 s2, $0x0  }
0x17d: {  	s3 =	rddreg [dreg:$0x2];
	[bflag:$0x3] =	sbarrier.arrive $0xFFFF;
	s2 =	simm.s32 @!p0 $0x1C13  }
0x17e: {  	[timem:s3], [sflag:s2] =	dma.local @!p0 [hbm:s0], s1  }
0x17f: {  	s0 =	simm.s32 @!p0 $0x13  }
0x180: {  	_ =	swait.ge @!p0 [sflag:s0], s1  }
0x181: {  	s1 =	ssub.s32 @!p0 $0x0, s1;
	[sflag:s0] =	ssyncset.done @!p0 $0x0  }
0x182: {  	[sflag:s0] =	ssyncadd.s32 @!p0 s1  }
0x183: {  	[bflag:$0x3] =	sbarrier.arrive $0xFFFF  }
0x184: {  	_ =	shalt  }

// kernel: kernel.13.cloned.1.call-start
scs
__scs_entry_jumppad:
0x0: {  	(pc) =	sbr.rel $0x88, $3  }
0x1: {  	(tag) =	ssettag $0x0;
	lr =	simm.s32 $0x1  }
0x2: {  	[smem:$0x3F7C] =	sst lr;
	_ =	strace $0xD0000000  }
0x3: {  	_ = 	snop  }
0x4: {  	_ = 	snop  }
0x5: {  	_ = 	snop  }
0x6: {  	_ = 	snop  }
0x7: {  	_ = 	snop  }
__scs_overlays_trampoline_lowered:
0x8: {  	[smem:$0x3F8B] =	sst s0  }
0x9: {  	[smem:$0x3F8C] =	sst s1  }
0xa: {  	[smem:$0x3F8D] =	sst s2  }
0xb: {  	[smem:$0x3F8E] =	sst s3  }
0xc: {  	[smem:$0x3F8F] =	sst s4  }
0xd: {  	[smem:$0x3F90] =	sst s5  }
0xe: {  	[smem:$0x3F91] =	sst s6  }
0xf: {  	[smem:$0x3F92] =	sst s7  }
0x10: {  	[smem:$0x3F93] =	sst s8  }
0x11: {  	[smem:$0x3F94] =	sst s9;
	s0 =	simm.s32 @!p0 $0x0  }
0x12: {  	s1 =	sld [smem:$0x3F7A];
	s0 =	simm.s32 @p0 $0x1  }
0x13: {  	[smem:$0x3F95] =	sst s0;
	s0 =	simm.s32 @!p1 $0x0  }
0x14: {  	s2 =	sld [smem:$0x3F79];
	s0 =	simm.s32 @p1 $0x1  }
0x15: {  	[smem:$0x3F96] =	sst s0;
	s0 =	simm.s32 @!p2 $0x0  }
0x16: {  	s3 =	sld [smem:$0x3FDB];
	s0 =	simm.s32 @p2 $0x1  }
0x17: {  	s4 =	simm.s32 $0x1BF5;
	[smem:$0x3F98] =	sst s0  }
0x18: {  	s0 =	sld [smem:$0x3F7B];
	_ =	swait.ge [sflag:s4], $0x0  }
0x19: {  	s7 =	sld [smem:$0x3F7C]  }
0x1a: {  	s8 =	sadd.s32 $0xFFFFE003, lr  }
0x1b: {  	s9 =	sadd.s32 $0xFFFFFEF7, lr;
	s5 =	simm.s32 $0xFFFFFFFF;
	p2 =	slt.u32 s8, $0xFFFFF086  }
0x1c: {  	p1 =	slt.u32 s9, $0xF7A;
	s5 =	simm.s32 @!p2 $0x0  }
0x1d: {  	s5 =	simm.s32 @p1 $0x1;
	p0 =	seq.s32 s7, s2  }
0x1e: {  	s7 =	smul.u32 @!p0 $0xF7A, s2;
	p2 =	seq.s32 @!p0 s5, $0x0  }
0x1f: {  	s9 =	smul.u32 $0xF7A, s1;
	s8 =	simm.s32 @!p0 $0x1BF5;
	p2 =	por !p2, p0  }
0x20: {  	[sflag:s8] =	ssyncset.s32 @!p0 $0xFFFFF086;
	s6 =	sadd.s32 @!p0 s3, s7;
	s7 =	simm.s32 @!p0 $0x108  }
0x21: {  	s3 =	sadd.s32 s3, s9;
	s6 =	sadd.s32 @!p0 $0x88, s6;
	s7 =	simm.s32 @p2 $0x1082  }
0x22: {  	[simem:s7], [sflag:s8] =	dma.local @!p0 [hbm:s6], $0xF7A  }
0x23: {  	s9 =	sor.u32 $0xD0000000, s2;
	s6 =	simm.s32 $0x108;
	_ =	swait.ge @!p0 [sflag:s8], $0x0  }
0x24: {  	s3 =	sadd.s32 $0x88, s3;
	s6 =	simm.s32 @!p1 $0x1082;
	[sflag:s4] =	ssyncset.s32 $0xFFFFF086  }
0x25: {  	[simem:s6], [sflag:s4] =	dma.local [hbm:s3], $0xF7A  }
0x26: {  	[smem:$0x3F7C] =	sst s1;
	(tag) =	ssettag s2;
	_ =	strace s9  }
0x27: {  	s1 =	sld [smem:$0x3F8C]  }
0x28: {  	s2 =	sld [smem:$0x3F8D]  }
0x29: {  	s4 =	sld [smem:$0x3F8F]  }
0x2a: {  	p0 =	seq.s32 s5, $0x0;
	s5 =	sld [smem:$0x3F90]  }
0x2b: {  	s6 =	sld [smem:$0x3F91]  }
0x2c: {  	s7 =	sld [smem:$0x3F92]  }
0x2d: {  	s3 =	simm.s32 $0x108;
	s8 =	sld [smem:$0x3F93]  }
0x2e: {  	s3 =	simm.s32 @!p0 $0x1082;
	s9 =	sld [smem:$0x3F94]  }
0x2f: {  	lr =	sadd.s32 s0, s3;
	s0 =	sld [smem:$0x3F8B]  }
0x30: {  	s3 =	sld [smem:$0x3F8E]  }
0x31: {  	[smem:$0x3F97] =	sst s10  }
0x32: {  	s10 =	sld [smem:$0x3F95];
	_ =	sdelay $0x3  }
0x33: {  	p0 =	seq.s32 s10, $0x1;
	s10 =	sld [smem:$0x3F97];
	_ =	sdelay $0x3  }
0x34: {  	[smem:$0x3F97] =	sst s10  }
0x35: {  	s10 =	sld [smem:$0x3F96];
	_ =	sdelay $0x3  }
0x36: {  	p1 =	seq.s32 s10, $0x1;
	s10 =	sld [smem:$0x3F97];
	_ =	sdelay $0x3  }
0x37: {  	[smem:$0x3F97] =	sst s10  }
0x38: {  	s10 =	sld [smem:$0x3F98]  }
0x39: {  	_ = 	snop;
	(pc) =	sbr.ind lr, $3  }
0x3a: {  	_ = 	snop  }
0x3b: {  	_ = 	snop  }
0x3c: {  	p2 =	seq.s32 s10, $0x1;
	s10 =	sld [smem:$0x3F97]  }
0x3d: {  	_ =	shalt  }
0x3e: {  	_ =	shalt  }
0x3f: {  	_ =	shalt  }
0x40: {  	_ =	shalt  }
0x41: {  	_ =	shalt  }
0x42: {  	_ =	shalt  }
0x43: {  	_ =	shalt  }
0x44: {  	_ =	shalt  }
0x45: {  	_ =	shalt  }
0x46: {  	_ =	shalt  }
0x47: {  	_ =	shalt  }
0x48: {  	_ =	shalt  }
0x49: {  	_ =	shalt  }
0x4a: {  	_ =	shalt  }
0x4b: {  	_ =	shalt  }
0x4c: {  	_ =	shalt  }
0x4d: {  	_ =	shalt  }
0x4e: {  	_ =	shalt  }
0x4f: {  	_ =	shalt  }
0x50: {  	_ =	shalt  }
0x51: {  	_ =	shalt  }
0x52: {  	_ =	shalt  }
0x53: {  	_ =	shalt  }
0x54: {  	_ =	shalt  }
0x55: {  	_ =	shalt  }
0x56: {  	_ =	shalt  }
0x57: {  	_ =	shalt  }
0x58: {  	_ =	shalt  }
0x59: {  	_ =	shalt  }
0x5a: {  	_ =	shalt  }
0x5b: {  	_ =	shalt  }
0x5c: {  	_ =	shalt  }
0x5d: {  	_ =	shalt  }
0x5e: {  	_ =	shalt  }
0x5f: {  	_ =	shalt  }
0x60: {  	_ =	shalt  }
0x61: {  	_ =	shalt  }
0x62: {  	_ =	shalt  }
0x63: {  	_ =	shalt  }
0x64: {  	_ =	shalt  }
0x65: {  	_ =	shalt  }
0x66: {  	_ =	shalt  }
0x67: {  	_ =	shalt  }
0x68: {  	_ =	shalt  }
0x69: {  	_ =	shalt  }
0x6a: {  	_ =	shalt  }
0x6b: {  	_ =	shalt  }
0x6c: {  	_ =	shalt  }
0x6d: {  	_ =	shalt  }
0x6e: {  	_ =	shalt  }
0x6f: {  	_ =	shalt  }
0x70: {  	_ =	shalt  }
0x71: {  	_ =	shalt  }
0x72: {  	_ =	shalt  }
0x73: {  	_ =	shalt  }
0x74: {  	_ =	shalt  }
0x75: {  	_ =	shalt  }
0x76: {  	_ =	shalt  }
0x77: {  	_ =	shalt  }
0x78: {  	_ =	shalt  }
0x79: {  	_ =	shalt  }
0x7a: {  	_ =	shalt  }
0x7b: {  	_ =	shalt  }
0x7c: {  	_ =	shalt  }
0x7d: {  	_ =	shalt  }
0x7e: {  	_ =	shalt  }
0x7f: {  	_ =	shalt  }
0x80: {  	_ =	shalt  }
0x81: {  	_ =	shalt  }
0x82: {  	_ =	shalt  }
0x83: {  	_ =	shalt  }
0x84: {  	_ =	shalt  }
0x85: {  	_ =	shalt  }
0x86: {  	_ =	shalt  }
0x87: {  	_ =	shalt  }
.Lfunc_end0:
.L_simem_size_0:
called_computation.1_lowered:
.L_overlay_start_0:
0x88: {  	s2 =	sld [smem:$0x3FD9]  }
0x89: {  	s3 =	sld [smem:$0x3FFE];
	_ =	sdelay $0x1  }
0x8a: {  	s1 =	srdreg.scid  }
0x8b: {  	s0 =	sand.u32 $0x1, s1  }
0x8c: {  	s16 =	sshll.u32 s0, $0xA;
	s2 =	sadd.s32 s3, s2  }
0x8d: {  	s2 =	sadd.s32 s2, s16  }
0x8e: {  	[smem:$0x3FA3] =	sst s2  }
0x8f: {  	_ = 	snop  }
0x90: {  	(tm) =	ssettm $0x1  }
0x91: {  	s17 =	sld [smem:$0x3FFB];
	_ =	sdelay $0x3  }
0x92: {  	_ =	strace s17  }
0x93: {  	s2 =	sld [smem:$0x3FFC];
	_ =	sdelay $0x3  }
0x94: {  	_ =	strace s2  }
0x95: {  	s2 =	sld [smem:$0x3FFD];
	_ =	sdelay $0x3  }
0x96: {  	_ =	strace s2  }
0x97: {  	_ =	strace $0x8FFFFFFF  }
0x98: {  	s18 =	sld [smem:$0x3FDB];
	_ =	sdelay $0x1  }
0x99: {  	s19 =	simm.s32 $_scs_section_size  }
0x9a: {  	s4 =	simm.s32 $_size__tile_overlayer_lowered;
	s5 =	simm.s32 $_tile_overlayer_lowered  }
0x9b: {  	s22 =	simm.s32 $0x1BFF;
	s21 =	sshll.u32 s5, $0x1;
	s2 =	sadd.s32 s19, s18  }
0x9c: {  	s6 =	simm.s32 $0x0;
	s20 =	sshll.u32 s4, $0x1;
	s4 =	sadd.s32 s21, s2  }
0x9d: {  	[timem:s6], [sflag:s22] =	dma.local [hbm:s4], s20  }
0x9e: {  	_ =	swait.ge [sflag:s22], s20  }
0x9f: {  	s3 =	ssub.s32 $0x0, s20;
	[sflag:s22] =	ssyncset.done $0x0  }
0xa0: {  	[sflag:s22] =	ssyncadd.s32 s3;
	_ =	sdelay $0x1  }
0xa1: {  	s23 =	simm.s32 $0x1B8B  }
0xa2: {  	_ =	swait.ge [sflag:s23], $0x1  }
0xa3: {  	[sflag:s23] =	ssyncset.done $0x0  }
0xa4: {  	s25 =	simm.s32 $0x1B8E;
	s24 =	sld [smem:$0x3FFE];
	[sflag:s23] =	ssyncadd.s32 $0xFFFFFFFF  }
0xa5: {  	s26 =	simm.s32 $execute0_lowered;
	[smem:$0x3FD2] =	sst s25  }
0xa6: {  	s4 =	sshll.u32 s26, $0x1;
	_ =	strace $0x80000049;
	[dreg:$0x1] =	wrdreg $0xFFFFFFFF  }
0xa7: {  	s28 =	simm.s32 $_size_execute0_lowered;
	s2 =	sadd.s32 s2, s4;
	[dreg:$0x0] =	wrdreg $0x0  }
0xa8: {  	s4 =	sshll.u32 s28, $0x1;
	[dreg:$0x2] =	wrdreg s2  }
0xa9: {  	[dreg:$0x3] =	wrdreg s4  }
0xaa: {  	[dreg:$0x4] =	wrdreg $0xC0  }
0xab: {  	_ =	task [dreg:s6], $0x5FFFF  }
0xac: {  	[dreg:$0x1] =	wrdreg $0xFFFFFFFF  }
0xad: {  	[dreg:$0x0] =	wrdreg $0x60  }
0xae: {  	[dreg:$0x2] =	wrdreg s24  }
0xaf: {  	[dreg:$0x3] =	wrdreg $0x10F000  }
0xb0: {  	[dreg:$0x4] =	wrdreg $0x9  }
0xb1: {  	_ =	task.clear_ibuf [dreg:s6], $0x5FFFF;
	_ =	strace $0x90000049  }
0xb2: {  	s29 =	simm.s32 $0x9;
	_ =	strace $0x8000004B  }
0xb3: {  	_ =	swait.ge [sflag:s29], $0x1  }
0xb4: {  	[sflag:s29] =	ssyncadd.s32 $0xFFFFFFFF  }
0xb5: {  	_ =	strace $0x9000004B  }
0xb6: {  	_ =	sfence  }
0xb7: {  	s30 =	sld [smem:$0x0];
	_ =	sdelay $0x2  }
0xb8: {  	s31 =	sshll.u32 s1, $0xD;
	s1 =	sshrl.u32 s1, $0x2  }
0xb9: {  	s3 =	sand.u32 $0x4000, s31;
	s1 =	sadd.s32 s1, s30  }
0xba: {  	s0 =	sor.u32 s3, s0;
	s1 =	sshll.u32 s1, $0x11  }
0xbb: {  	s0 =	sor.u32 s1, s0  }
0xbc: {  	s0 =	sadd.s32 $0x8F2B, s0  }
0xbd: {  	[sflag:s0] =	ssyncadd.remote.s32 $0x1  }
0xbe: {  	_ =	sfence.sel $0xFFFF  }
0xbf: {  	[dreg:$0x0] =	wrdreg $0xFFFFFFFF;
	(pc) =	sbr.abs _section_cstart, $3  }
0xc0: {  	[dreg:$0x1] =	wrdreg $0xFFFFFFFF  }
0xc1: {  	_ =	task.clear_ibuf [dreg:s6], $0x2FFFF;
	_ =	strace $0x9FFFFFFF  }
0xc2: {  	(tm) =	ssettm $0x7FFFFFFF  }
0xc3: {  	_ =	shalt  }
tec
execute0_lowered:
.L_overlay_start_1:
0x0: {  	(tag) =	ssettag $0x1  }
0x1: {  	s0 =	rddreg [dreg:$0x0]  }
0x2: {  	s1 =	rddreg [dreg:$0x1];
	s2 =	simm.s32 $0x0  }
0x3: {  	s4 =	srdreg.scid;
	s8 =	stileid.u32;
	s17 =	simm.s32 $0x80  }
0x4: {  	s18 =	simm.s32 $0x4F00;
	s19 =	simm.s32 $0x6F00;
	s28 =	simm.s32 $0xEF00  }
0x5: {  	s29 =	simm.s32 $0x1;
	s30 =	simm.s32 $0x2;
	s31 =	simm.s32 $0x3  }
0x6: {  	s16 =	simm.s32 $0x5;
	s20 =	simm.s32 $0x6;
	[smem:$0x7FF] =	sst s2  }
0x7: {  	s3 =	sadd.s32 $0x1A800, s0;
	s6 =	sand.u32 $0x1, s4;
	s7 =	sadd.s32 $0x6E00, s0  }
0x8: {  	s9 =	smul.u32 $0x9C00, s8;
	s21 =	sadd.s32 $0x2E200, s0;
	s0 =	sadd.s32 $0x2F600, s0  }
0x9: {  	s22 =	sshll.u32 s8, $0x6;
	s23 =	sshll.u32 s8, $0x4;
	s15 =	sadd.s32 $0x9C000, s1  }
0xa: {  	p0 =	sne.s32 s8, $0x0;
	_ =	strace $0x8000004A;
	s4 =	sshll.u32 s6, $0x4  }
0xb: {  	s5 =	ssub.s32 $0x2, s6;
	[dreg:$0x7] =	wrdreg s21;
	s6 =	smul.u32 $0x9C400, s6  }
0xc: {  	s15 =	sshrl.u32 @!p0 s15, $0x3;
	s21 =	simm.s32 $0x8F00;
	s10 =	sor.u32 s8, s4  }
0xd: {  	s11 =	sshrl.u32 s5, $0x1;
	s13 =	sadd.s32 s9, s1;
	s8 =	simm.s32 $0xB  }
0xe: {  	s4 =	simm.s32 $0x0;
	s12 =	smul.u32 $0x2700, s10;
	s11 =	ssub.s32 s5, s11  }
0xf: {  	s5 =	sor.u32 $0x1C0D, s22;
	s9 =	sadd.s32 s9, s6;
	s6 =	sshrl.u32 s6, $0x3  }
0x10: {  	s13 =	sshrl.u32 s13, $0x3;
	p1 =	sgt.u32 s10, $0x3;
	s22 =	simm.s32 $0x7  }
0x11: {  	s24 =	sshrl.u32 s9, $0x3;
	s6 =	sadd.s32 s0, s6;
	s26 =	smax.u32 s11, $0x1  }
0x12: {  	s9 =	simm.s32 $0xC;
	s12 =	sshrl.u32 s12, $0x3;
	s0 =	sadd.s32 s0, s24  }
0x13: {  	s25 =	sadd.s32 $0x13800, s6;
	[dreg:$0xa] =	wrdreg s26;
	s24 =	simm.s32 $0x8  }
0x14: {  	s26 =	simm.s32 $0x9;
	s6 =	simm.s32 $0x0;
	[dreg:$0x8] =	wrdreg s0  }
0x15: {  	s14 =	sadd.s32 s7, s12;
	s7 =	sadd.s32 s23, s7;
	[dreg:$0x9] =	wrdreg s25  }
0x16: {  	s23 =	simm.s32 $0xAF00;
	[dreg:$0x3] =	wrdreg s14;
	s14 =	sadd.s32 $0x9C40, s14  }
0x17: {  	s25 =	simm.s32 $0xCF00;
	s12 =	sadd.s32 $0x9C00, s7;
	[dreg:$0x4] =	wrdreg s14  }
0x18: {  	s0 =	simm.s32 $0x4;
	s7 =	sadd.s32 $0x13840, s7;
	[dreg:$0x5] =	wrdreg s12  }
0x19: {  	[dreg:$0x6] =	wrdreg s7;
	s14 =	simm.s32 $0xD;
	s7 =	simm.s32 $0xA  }
.LBB2_1:
0x1a: {  	s2 =	rddreg [dreg:$0x7]  }
0x1b: {  	[spmem:s13], [sflag:s5] =	dma.local [hbm:s2], $0x1380  }
0x1c: {  	_ =	swait.ge [sflag:s14], $0x1380  }
0x1d: {  	[sflag:s14] =	ssyncset.done $0x0  }
0x1e: {  	s10 =	simm.s32 @!p0 $0xD;
	[sflag:s14] =	ssyncadd.s32 $0xFFFFEC80  }
0x1f: {  	[spmem:s15], [sflag:s5] =	dma.local @!p0 [hbm:s2], $0x80  }
0x20: {  	_ =	swait.ge @!p0 [sflag:s10], $0x80  }
0x21: {  	[sflag:s10] =	ssyncset.done @!p0 $0x0  }
0x22: {  	[sflag:s10] =	ssyncadd.s32 @!p0 $0xFFFFFF80  }
0x23: {  	[bflag:$0x0] =	sbarrier.arrive $0xFFFF  }
0x24: {  	s2 =	rddreg [dreg:$0x3]  }
0x25: {  	[tilespmem:s4], [sflag:$0xD] =	stream.linear.gather [hbm4b:s2+s4], $0x2700, $0x38;
	[tilespmem:$0x1AB40] =	vst v63  }
0x26: {  	_ =	swait.ge [sflag:s14], $0x2700  }
0x27: {  	[sflag:s14] =	ssyncset.done $0x0  }
0x28: {  	s12 =	simm.s32 $0x2780;
	s11 =	rddreg [dreg:$0x4];
	[sflag:s14] =	ssyncadd.s32 $0xFFFFD900  }
0x29: {  	[tilespmem:s12], [sflag:$0xD] =	stream.linear.gather [hbm4b:s11+s4], $0x2700, $0x38;
	[tilespmem:$0x1AB40] =	vst v63  }
0x2a: {  	_ =	swait.ge [sflag:s14], $0x2700  }
0x2b: {  	s10 =	simm.s32 @!p1 $0x0;
	[sflag:s14] =	ssyncset.done $0x0  }
0x2c: {  	s11 =	simm.s32 @!p1 $0x2700;
	s12 =	rddreg [dreg:$0x5];
	[sflag:s14] =	ssyncadd.s32 $0xFFFFD900  }
0x2d: {  	[tilespmem:s11], [sflag:$0xD] =	stream.linear.gather @!p1 [hbm4b:s12+s10], $0x80, $0x38;
	[tilespmem:$0x1AB40] =	vst v63  }
0x2e: {  	s11 =	simm.s32 @!p1 $0xD  }
0x2f: {  	_ =	swait.ge @!p1 [sflag:s11], $0x80  }
0x30: {  	[sflag:s11] =	ssyncset.done @!p1 $0x0  }
0x31: {  	s12 =	simm.s32 @!p1 $0x4E80;
	s2 =	rddreg [dreg:$0x6];
	[sflag:s11] =	ssyncadd.s32 @!p1 $0xFFFFFF80  }
0x32: {  	[tilespmem:s12], [sflag:$0xD] =	stream.linear.gather @!p1 [hbm4b:s2+s10], $0x80, $0x38;
	[tilespmem:$0x1AB40] =	vst v63  }
0x33: {  	_ =	swait.ge @!p1 [sflag:s11], $0x80  }
0x34: {  	[sflag:s11] =	ssyncset.done @!p1 $0x0  }
0x35: {  	[sflag:s11] =	ssyncadd.s32 @!p1 $0xFFFFFF80  }
0x36: {  	[tilespmem:s18], [sflag:$0x1] =	stream.indirect.gather [hbm4b:s3+s17], $0x40, s4, s17, $0xb8;
	[tilespmem:$0x1AB40] =	vst v63  }
0x37: {  	_ = 	snop  }
0x38: {  	[tilespmem:s19], [sflag:$0x2] =	stream.indirect.gather [hbm4b:s3+s17], $0x40, s17, s17, $0xb8;
	[tilespmem:$0x1AB40] =	vst v63  }
0x39: {  	s10 =	simm.s32 $0x100  }
0x3a: {  	[tilespmem:s21], [sflag:$0x3] =	stream.indirect.gather [hbm4b:s3+s17], $0x40, s10, s17, $0xb8;
	[tilespmem:$0x1AB40] =	vst v63  }
0x3b: {  	s11 =	simm.s32 $0x180  }
0x3c: {  	[tilespmem:s23], [sflag:$0x4] =	stream.indirect.gather [hbm4b:s3+s17], $0x40, s11, s17, $0xb8;
	[tilespmem:$0x1AB40] =	vst v63  }
0x3d: {  	s12 =	simm.s32 $0x200  }
0x3e: {  	[tilespmem:s25], [sflag:$0x5] =	stream.indirect.gather [hbm4b:s3+s17], $0x40, s12, s17, $0xb8;
	[tilespmem:$0x1AB40] =	vst v63  }
0x3f: {  	s10 =	simm.s32 $0x280  }
0x40: {  	[tilespmem:s28], [sflag:$0x6] =	stream.indirect.gather [hbm4b:s3+s17], $0x40, s10, s17, $0xb8;
	[tilespmem:$0x1AB40] =	vst v63  }
0x41: {  	_ =	swait.ge [sflag:s29], $0x2000  }
0x42: {  	[sflag:s29] =	ssyncset.done $0x0  }
0x43: {  	s11 =	simm.s32 $0x2780;
	[sflag:s29] =	ssyncadd.s32 $0xFFFFE000  }
0x44: {  	[spmem:s1] =	stream.indirect.scatter.add.f32 [tilespmem:s18], [sflag:$0x7], $0x40, s11, s17, $0xb8;
	[tilespmem:$0x1AB40] =	vst v63  }
0x45: {  	_ =	swait.ge [sflag:s30], $0x2000  }
0x46: {  	[sflag:s30] =	ssyncset.done $0x0  }
0x47: {  	s12 =	simm.s32 $0x2800;
	[sflag:s30] =	ssyncadd.s32 $0xFFFFE000  }
0x48: {  	[spmem:s1] =	stream.indirect.scatter.add.f32 [tilespmem:s19], [sflag:$0x8], $0x40, s12, s17, $0xb8;
	[tilespmem:$0x1AB40] =	vst v63  }
0x49: {  	_ =	swait.ge [sflag:s31], $0x2000  }
0x4a: {  	[sflag:s31] =	ssyncset.done $0x0  }
0x4b: {  	s2 =	simm.s32 $0x2880;
	[sflag:s31] =	ssyncadd.s32 $0xFFFFE000  }
0x4c: {  	[spmem:s1] =	stream.indirect.scatter.add.f32 [tilespmem:s21], [sflag:$0x9], $0x40, s2, s17, $0xb8;
	[tilespmem:$0x1AB40] =	vst v63  }
0x4d: {  	_ =	swait.ge [sflag:s0], $0x2000  }
0x4e: {  	[sflag:s0] =	ssyncset.done $0x0  }
0x4f: {  	s11 =	simm.s32 $0x2900;
	[sflag:s0] =	ssyncadd.s32 $0xFFFFE000  }
0x50: {  	[spmem:s1] =	stream.indirect.scatter.add.f32 [tilespmem:s23], [sflag:$0xA], $0x40, s11, s17, $0xb8;
	[tilespmem:$0x1AB40] =	vst v63  }
0x51: {  	_ =	swait.ge [sflag:s16], $0x2000  }
0x52: {  	[sflag:s16] =	ssyncset.done $0x0  }
0x53: {  	s12 =	simm.s32 $0x2980;
	[sflag:s16] =	ssyncadd.s32 $0xFFFFE000  }
0x54: {  	[spmem:s1] =	stream.indirect.scatter.add.f32 [tilespmem:s25], [sflag:$0xB], $0x40, s12, s17, $0xb8;
	[tilespmem:$0x1AB40] =	vst v63  }
0x55: {  	_ =	swait.ge [sflag:s20], $0x2000  }
0x56: {  	[sflag:s20] =	ssyncset.done $0x0  }
0x57: {  	s2 =	simm.s32 $0x2A00;
	[sflag:s20] =	ssyncadd.s32 $0xFFFFE000  }
0x58: {  	[spmem:s1] =	stream.indirect.scatter.add.f32 [tilespmem:s28], [sflag:$0xC], $0x40, s2, s17, $0xb8;
	[tilespmem:$0x1AB40] =	vst v63  }
0x59: {  	_ =	swait.ge [sflag:s22], $0x2000  }
0x5a: {  	[sflag:s22] =	ssyncset.done $0x0  }
0x5b: {  	s11 =	simm.s32 $0x300;
	[sflag:s22] =	ssyncadd.s32 $0xFFFFE000  }
0x5c: {  	[tilespmem:s18], [sflag:$0x1] =	stream.indirect.gather [hbm4b:s3+s17], $0x40, s11, s17, $0xb8;
	[tilespmem:$0x1AB40] =	vst v63  }
0x5d: {  	_ =	swait.ge [sflag:s24], $0x2000  }
0x5e: {  	[sflag:s24] =	ssyncset.done $0x0  }
0x5f: {  	s12 =	simm.s32 $0x380;
	[sflag:s24] =	ssyncadd.s32 $0xFFFFE000  }
0x60: {  	[tilespmem:s19], [sflag:$0x2] =	stream.indirect.gather [hbm4b:s3+s17], $0x40, s12, s17, $0xb8;
	[tilespmem:$0x1AB40] =	vst v63  }
0x61: {  	_ =	swait.ge [sflag:s26], $0x2000  }
0x62: {  	[sflag:s26] =	ssyncset.done $0x0  }
0x63: {  	s2 =	simm.s32 $0x400;
	[sflag:s26] =	ssyncadd.s32 $0xFFFFE000  }
0x64: {  	[tilespmem:s21], [sflag:$0x3] =	stream.indirect.gather [hbm4b:s3+s17], $0x40, s2, s17, $0xb8;
	[tilespmem:$0x1AB40] =	vst v63  }
0x65: {  	_ =	swait.ge [sflag:s7], $0x2000  }
0x66: {  	[sflag:s7] =	ssyncset.done $0x0  }
0x67: {  	s11 =	simm.s32 $0x480;
	[sflag:s7] =	ssyncadd.s32 $0xFFFFE000  }
0x68: {  	[tilespmem:s23], [sflag:$0x4] =	stream.indirect.gather [hbm4b:s3+s17], $0x40, s11, s17, $0xb8;
	[tilespmem:$0x1AB40] =	vst v63  }
0x69: {  	_ =	swait.ge [sflag:s8], $0x2000  }
0x6a: {  	[sflag:s8] =	ssyncset.done $0x0  }
0x6b: {  	s12 =	simm.s32 $0x500;
	[sflag:s8] =	ssyncadd.s32 $0xFFFFE000  }
0x6c: {  	[tilespmem:s25], [sflag:$0x5] =	stream.indirect.gather [hbm4b:s3+s17], $0x40, s12, s17, $0xb8;
	[tilespmem:$0x1AB40] =	vst v63  }
0x6d: {  	_ =	swait.ge [sflag:s9], $0x2000  }
0x6e: {  	[sflag:s9] =	ssyncset.done $0x0  }
0x6f: {  	s10 =	simm.s32 $0xC00;
	s11 =	simm.s32 $0x580;
	[sflag:s9] =	ssyncadd.s32 $0xFFFFE000  }
.LBB2_2:
0x70: {  	[tilespmem:s28], [sflag:$0x6] =	stream.indirect.gather [hbm4b:s3+s17], $0x40, s11, s17, $0xb8;
	[tilespmem:$0x1AB40] =	vst v63  }
0x71: {  	s11 =	smov.u32 s10  }
0x72: {  	p2 =	sne.s32 s10, $0x8400;
	s10 =	sadd.s32 $0xC00, s10;
	_ =	swait.ge [sflag:s29], $0x2000  }
0x73: {  	s11 =	sshra.s32 s11, $0x2;
	[sflag:s29] =	ssyncset.done $0x0  }
0x74: {  	s12 =	sadd.s32 $0x2780, s11;
	[sflag:s29] =	ssyncadd.s32 $0xFFFFE000  }
0x75: {  	[spmem:s1] =	stream.indirect.scatter.add.f32 [tilespmem:s18], [sflag:$0x7], $0x40, s12, s17, $0xb8;
	[tilespmem:$0x1AB40] =	vst v63  }
0x76: {  	_ =	swait.ge [sflag:s30], $0x2000  }
0x77: {  	[sflag:s30] =	ssyncset.done $0x0  }
0x78: {  	s12 =	sadd.s32 $0x2800, s11;
	[sflag:s30] =	ssyncadd.s32 $0xFFFFE000  }
0x79: {  	[spmem:s1] =	stream.indirect.scatter.add.f32 [tilespmem:s19], [sflag:$0x8], $0x40, s12, s17, $0xb8;
	[tilespmem:$0x1AB40] =	vst v63  }
0x7a: {  	_ =	swait.ge [sflag:s31], $0x2000  }
0x7b: {  	[sflag:s31] =	ssyncset.done $0x0  }
0x7c: {  	s12 =	sadd.s32 $0x2880, s11;
	[sflag:s31] =	ssyncadd.s32 $0xFFFFE000  }
0x7d: {  	[spmem:s1] =	stream.indirect.scatter.add.f32 [tilespmem:s21], [sflag:$0x9], $0x40, s12, s17, $0xb8;
	[tilespmem:$0x1AB40] =	vst v63  }
0x7e: {  	_ =	swait.ge [sflag:s0], $0x2000  }
0x7f: {  	[sflag:s0] =	ssyncset.done $0x0  }
0x80: {  	s12 =	sadd.s32 $0x2900, s11;
	[sflag:s0] =	ssyncadd.s32 $0xFFFFE000  }
0x81: {  	[spmem:s1] =	stream.indirect.scatter.add.f32 [tilespmem:s23], [sflag:$0xA], $0x40, s12, s17, $0xb8;
	[tilespmem:$0x1AB40] =	vst v63  }
0x82: {  	_ =	swait.ge [sflag:s16], $0x2000  }
0x83: {  	[sflag:s16] =	ssyncset.done $0x0  }
0x84: {  	s12 =	sadd.s32 $0x2980, s11;
	[sflag:s16] =	ssyncadd.s32 $0xFFFFE000  }
0x85: {  	[spmem:s1] =	stream.indirect.scatter.add.f32 [tilespmem:s25], [sflag:$0xB], $0x40, s12, s17, $0xb8;
	[tilespmem:$0x1AB40] =	vst v63  }
0x86: {  	_ =	swait.ge [sflag:s20], $0x2000  }
0x87: {  	[sflag:s20] =	ssyncset.done $0x0  }
0x88: {  	s12 =	sadd.s32 $0x2A00, s11;
	[sflag:s20] =	ssyncadd.s32 $0xFFFFE000  }
0x89: {  	[spmem:s1] =	stream.indirect.scatter.add.f32 [tilespmem:s28], [sflag:$0xC], $0x40, s12, s17, $0xb8;
	[tilespmem:$0x1AB40] =	vst v63  }
0x8a: {  	_ =	swait.ge [sflag:s22], $0x2000  }
0x8b: {  	[sflag:s22] =	ssyncset.done $0x0  }
0x8c: {  	s12 =	sadd.s32 $0x300, s11;
	[sflag:s22] =	ssyncadd.s32 $0xFFFFE000  }
0x8d: {  	[tilespmem:s18], [sflag:$0x1] =	stream.indirect.gather [hbm4b:s3+s17], $0x40, s12, s17, $0xb8;
	[tilespmem:$0x1AB40] =	vst v63  }
0x8e: {  	_ =	swait.ge [sflag:s24], $0x2000  }
0x8f: {  	[sflag:s24] =	ssyncset.done $0x0  }
0x90: {  	s12 =	sadd.s32 $0x380, s11;
	[sflag:s24] =	ssyncadd.s32 $0xFFFFE000  }
0x91: {  	[tilespmem:s19], [sflag:$0x2] =	stream.indirect.gather [hbm4b:s3+s17], $0x40, s12, s17, $0xb8;
	[tilespmem:$0x1AB40] =	vst v63  }
0x92: {  	_ =	swait.ge [sflag:s26], $0x2000  }
0x93: {  	[sflag:s26] =	ssyncset.done $0x0  }
0x94: {  	s12 =	sadd.s32 $0x400, s11;
	[sflag:s26] =	ssyncadd.s32 $0xFFFFE000  }
0x95: {  	[tilespmem:s21], [sflag:$0x3] =	stream.indirect.gather [hbm4b:s3+s17], $0x40, s12, s17, $0xb8;
	[tilespmem:$0x1AB40] =	vst v63  }
0x96: {  	_ =	swait.ge [sflag:s7], $0x2000  }
0x97: {  	[sflag:s7] =	ssyncset.done $0x0  }
0x98: {  	s12 =	sadd.s32 $0x480, s11;
	[sflag:s7] =	ssyncadd.s32 $0xFFFFE000  }
0x99: {  	[tilespmem:s23], [sflag:$0x4] =	stream.indirect.gather [hbm4b:s3+s17], $0x40, s12, s17, $0xb8;
	[tilespmem:$0x1AB40] =	vst v63  }
0x9a: {  	_ =	swait.ge [sflag:s8], $0x2000  }
0x9b: {  	[sflag:s8] =	ssyncset.done $0x0  }
.Ltmp0:
0x9c: {  	s12 =	sadd.s32 $0x500, s11;
	[sflag:s8] =	ssyncadd.s32 $0xFFFFE000;
	(pc) =	sbr.rel @p2 .LBB2_2-.Ltmp0, $4  }
0x9d: {  	[tilespmem:s25], [sflag:$0x5] =	stream.indirect.gather [hbm4b:s3+s17], $0x40, s12, s17, $0xb8;
	[tilespmem:$0x1AB40] =	vst v63  }
0x9e: {  	_ =	swait.ge [sflag:s9], $0x2000  }
0x9f: {  	[sflag:s9] =	ssyncset.done $0x0  }
0xa0: {  	s11 =	sadd.s32 $0x580, s11;
	[sflag:s9] =	ssyncadd.s32 $0xFFFFE000  }
0xa1: {  	[tilespmem:s28], [sflag:$0x6] =	stream.indirect.gather [hbm4b:s3+s17], $0x40, s11, s17, $0xb8;
	[tilespmem:$0x1AB40] =	vst v63  }
0xa2: {  	_ =	swait.ge [sflag:s29], $0x2000  }
0xa3: {  	[sflag:s29] =	ssyncset.done $0x0  }
0xa4: {  	s2 =	simm.s32 $0x4B80;
	[sflag:s29] =	ssyncadd.s32 $0xFFFFE000  }
0xa5: {  	[spmem:s1] =	stream.indirect.scatter.add.f32 [tilespmem:s18], [sflag:$0x7], $0x40, s2, s17, $0xb8;
	[tilespmem:$0x1AB40] =	vst v63  }
0xa6: {  	_ =	swait.ge [sflag:s30], $0x2000  }
0xa7: {  	[sflag:s30] =	ssyncset.done $0x0  }
0xa8: {  	s12 =	simm.s32 $0x4C00;
	[sflag:s30] =	ssyncadd.s32 $0xFFFFE000  }
0xa9: {  	[spmem:s1] =	stream.indirect.scatter.add.f32 [tilespmem:s19], [sflag:$0x8], $0x40, s12, s17, $0xb8;
	[tilespmem:$0x1AB40] =	vst v63  }
0xaa: {  	_ =	swait.ge [sflag:s31], $0x2000  }
0xab: {  	[sflag:s31] =	ssyncset.done $0x0  }
0xac: {  	s10 =	simm.s32 $0x4C80;
	[sflag:s31] =	ssyncadd.s32 $0xFFFFE000  }
0xad: {  	[spmem:s1] =	stream.indirect.scatter.add.f32 [tilespmem:s21], [sflag:$0x9], $0x40, s10, s17, $0xb8;
	[tilespmem:$0x1AB40] =	vst v63  }
0xae: {  	_ =	swait.ge [sflag:s0], $0x2000  }
0xaf: {  	[sflag:s0] =	ssyncset.done $0x0  }
0xb0: {  	s11 =	simm.s32 $0x4D00;
	[sflag:s0] =	ssyncadd.s32 $0xFFFFE000  }
0xb1: {  	[spmem:s1] =	stream.indirect.scatter.add.f32 [tilespmem:s23], [sflag:$0xA], $0x40, s11, s17, $0xb8;
	[tilespmem:$0x1AB40] =	vst v63  }
0xb2: {  	_ =	swait.ge [sflag:s16], $0x2000  }
0xb3: {  	[sflag:s16] =	ssyncset.done $0x0  }
0xb4: {  	s12 =	simm.s32 $0x4D80;
	[sflag:s16] =	ssyncadd.s32 $0xFFFFE000  }
0xb5: {  	[spmem:s1] =	stream.indirect.scatter.add.f32 [tilespmem:s25], [sflag:$0xB], $0x40, s12, s17, $0xb8;
	[tilespmem:$0x1AB40] =	vst v63  }
0xb6: {  	_ =	swait.ge [sflag:s20], $0x2000  }
0xb7: {  	[sflag:s20] =	ssyncset.done $0x0  }
0xb8: {  	s10 =	simm.s32 $0x4E00;
	[sflag:s20] =	ssyncadd.s32 $0xFFFFE000  }
0xb9: {  	[spmem:s1] =	stream.indirect.scatter.add.f32 [tilespmem:s28], [sflag:$0xC], $0x40, s10, s17, $0xb8;
	[tilespmem:$0x1AB40] =	vst v63  }
0xba: {  	_ =	swait.ge [sflag:s22], $0x2000  }
0xbb: {  	[sflag:s22] =	ssyncset.done $0x0  }
0xbc: {  	[sflag:s22] =	ssyncadd.s32 $0xFFFFE000  }
0xbd: {  	_ =	swait.ge [sflag:s24], $0x2000  }
0xbe: {  	[sflag:s24] =	ssyncset.done $0x0  }
0xbf: {  	[sflag:s24] =	ssyncadd.s32 $0xFFFFE000  }
0xc0: {  	_ =	swait.ge [sflag:s26], $0x2000  }
0xc1: {  	[sflag:s26] =	ssyncset.done $0x0  }
0xc2: {  	[sflag:s26] =	ssyncadd.s32 $0xFFFFE000  }
0xc3: {  	_ =	swait.ge [sflag:s7], $0x2000  }
0xc4: {  	[sflag:s7] =	ssyncset.done $0x0  }
0xc5: {  	[sflag:s7] =	ssyncadd.s32 $0xFFFFE000  }
0xc6: {  	_ =	swait.ge [sflag:s8], $0x2000  }
0xc7: {  	[sflag:s8] =	ssyncset.done $0x0  }
0xc8: {  	[sflag:s8] =	ssyncadd.s32 $0xFFFFE000  }
0xc9: {  	_ =	swait.ge [sflag:s9], $0x2000  }
0xca: {  	s11 =	simm.s32 @!p1 $0x2700;
	[sflag:s9] =	ssyncset.done $0x0  }
0xcb: {  	s12 =	simm.s32 @!p1 $0x4F00;
	s10 =	simm.s32 @!p1 $0x80;
	[sflag:s9] =	ssyncadd.s32 $0xFFFFE000  }
0xcc: {  	[tilespmem:s12], [sflag:$0x1] =	stream.indirect.gather @!p1 [hbm4b:s3+s10], $0x40, s11, s10, $0xb8;
	[tilespmem:$0x1AB40] =	vst v63  }
0xcd: {  	s11 =	simm.s32 @!p1 $0x1  }
0xce: {  	_ =	swait.ge @!p1 [sflag:s11], $0x2000  }
0xcf: {  	[sflag:s11] =	ssyncset.done @!p1 $0x0  }
0xd0: {  	[sflag:s11] =	ssyncadd.s32 @!p1 $0xFFFFE000;
	s11 =	simm.s32 @!p1 $0x4E80  }
0xd1: {  	[spmem:s1] =	stream.indirect.scatter.add.f32 @!p1 [tilespmem:s12], [sflag:$0xD], $0x40, s11, s10, $0xb8;
	[tilespmem:$0x1AB40] =	vst v63  }
0xd2: {  	s10 =	simm.s32 @!p1 $0xD  }
0xd3: {  	_ =	swait.ge @!p1 [sflag:s10], $0x2000  }
0xd4: {  	[sflag:s10] =	ssyncset.done @!p1 $0x0  }
0xd5: {  	[sflag:s10] =	ssyncadd.s32 @!p1 $0xFFFFE000  }
0xd6: {  	[bflag:$0x0] =	sbarrier.arrive $0xFFFF  }
0xd7: {  	s11 =	rddreg [dreg:$0x8]  }
0xd8: {  	[hbm:s11], [sflag:s5] =	dma.local [spmem:s13], $0x1380  }
0xd9: {  	_ =	swait.ge [sflag:s14], $0x1380  }
0xda: {  	[sflag:s14] =	ssyncset.done $0x0  }
0xdb: {  	s10 =	simm.s32 @!p0 $0xD;
	s2 =	rddreg [dreg:$0x9];
	[sflag:s14] =	ssyncadd.s32 $0xFFFFEC80  }
0xdc: {  	[hbm:s2], [sflag:s5] =	dma.local @!p0 [spmem:s15], $0x80  }
0xdd: {  	_ =	swait.ge @!p0 [sflag:s10], $0x80  }
0xde: {  	s6 =	sadd.s32 $0x1, s6;
	s12 =	rddreg [dreg:$0xa]  }
0xdf: {  	p2 =	sne.s32 s6, s12  }
.Ltmp1:
0xe0: {  	_ = 	snop;
	(pc) =	sbr.rel @p2 .LBB2_1-.Ltmp1, $3  }
0xe1: {  	_ =	sdelay $0x1  }
0xe2: {  	[sflag:s10] =	ssyncset.done @!p0 $0x0  }
0xe3: {  	[sflag:s10] =	ssyncadd.s32 @!p0 $0xFFFFFF80  }
0xe4: {  	_ =	sfence.sel $0x180000  }
0xe5: {  	[bflag:$0x0] =	sbarrier.arrive $0xFFFF  }
0xe6: {  	_ =	strace $0x9000004A  }
0xe7: {  	[bflag:$0x2] =	sbarrier.arrive $0xFFFF  }
0xe8: {  	s0 =	rddreg [dreg:$0x2]  }
0xe9: {  	s0 =	sadd.s32 @!p0 $0x100000, s0  }
0xea: {  	[sflag:s0] =	ssyncadd.tile.s32 @!p0 $0x1;
	_ =	shalt  }
.Lfunc_end2:
_tile_overlayer_lowered:
.L_overlay_start_2:
0xeb: {  	(tag) =	ssettag $0x2  }
0xec: {  	s0 =	rddreg [dreg:$0x0];
	s2 =	stileid.u32  }
0xed: {  	s1 =	rddreg [dreg:$0x1];
	p0 =	sne.s32 s2, $0x0  }
0xee: {  	s3 =	rddreg [dreg:$0x2];
	[bflag:$0x3] =	sbarrier.arrive $0xFFFF;
	s2 =	simm.s32 @!p0 $0x1C0D  }
0xef: {  	[timem:s3], [sflag:s2] =	dma.local @!p0 [hbm:s0], s1  }
0xf0: {  	s0 =	simm.s32 @!p0 $0xD  }
0xf1: {  	_ =	swait.ge @!p0 [sflag:s0], s1  }
0xf2: {  	s1 =	ssub.s32 @!p0 $0x0, s1;
	[sflag:s0] =	ssyncset.done @!p0 $0x0  }
0xf3: {  	[sflag:s0] =	ssyncadd.s32 @!p0 s1  }
0xf4: {  	[bflag:$0x3] =	sbarrier.arrive $0xFFFF  }
0xf5: {  	_ =	shalt  }

// kernel: kernel.16.cloned.1.call-start
scs
__scs_entry_jumppad:
0x0: {  	(pc) =	sbr.rel $0x88, $3  }
0x1: {  	(tag) =	ssettag $0x0;
	lr =	simm.s32 $0x1  }
0x2: {  	[smem:$0x3F7C] =	sst lr;
	_ =	strace $0xD0000000  }
0x3: {  	_ = 	snop  }
0x4: {  	_ = 	snop  }
0x5: {  	_ = 	snop  }
0x6: {  	_ = 	snop  }
0x7: {  	_ = 	snop  }
__scs_overlays_trampoline_lowered:
0x8: {  	[smem:$0x3F8B] =	sst s0  }
0x9: {  	[smem:$0x3F8C] =	sst s1  }
0xa: {  	[smem:$0x3F8D] =	sst s2  }
0xb: {  	[smem:$0x3F8E] =	sst s3  }
0xc: {  	[smem:$0x3F8F] =	sst s4  }
0xd: {  	[smem:$0x3F90] =	sst s5  }
0xe: {  	[smem:$0x3F91] =	sst s6  }
0xf: {  	[smem:$0x3F92] =	sst s7  }
0x10: {  	[smem:$0x3F93] =	sst s8  }
0x11: {  	[smem:$0x3F94] =	sst s9;
	s0 =	simm.s32 @!p0 $0x0  }
0x12: {  	s1 =	sld [smem:$0x3F7A];
	s0 =	simm.s32 @p0 $0x1  }
0x13: {  	[smem:$0x3F95] =	sst s0;
	s0 =	simm.s32 @!p1 $0x0  }
0x14: {  	s2 =	sld [smem:$0x3F79];
	s0 =	simm.s32 @p1 $0x1  }
0x15: {  	[smem:$0x3F96] =	sst s0;
	s0 =	simm.s32 @!p2 $0x0  }
0x16: {  	s3 =	sld [smem:$0x3FDB];
	s0 =	simm.s32 @p2 $0x1  }
0x17: {  	s4 =	simm.s32 $0x1BF5;
	[smem:$0x3F98] =	sst s0  }
0x18: {  	s0 =	sld [smem:$0x3F7B];
	_ =	swait.ge [sflag:s4], $0x0  }
0x19: {  	s7 =	sld [smem:$0x3F7C]  }
0x1a: {  	s8 =	sadd.s32 $0xFFFFE003, lr  }
0x1b: {  	s9 =	sadd.s32 $0xFFFFFEF7, lr;
	s5 =	simm.s32 $0xFFFFFFFF;
	p2 =	slt.u32 s8, $0xFFFFF086  }
0x1c: {  	p1 =	slt.u32 s9, $0xF7A;
	s5 =	simm.s32 @!p2 $0x0  }
0x1d: {  	s5 =	simm.s32 @p1 $0x1;
	p0 =	seq.s32 s7, s2  }
0x1e: {  	s7 =	smul.u32 @!p0 $0xF7A, s2;
	p2 =	seq.s32 @!p0 s5, $0x0  }
0x1f: {  	s9 =	smul.u32 $0xF7A, s1;
	s8 =	simm.s32 @!p0 $0x1BF5;
	p2 =	por !p2, p0  }
0x20: {  	[sflag:s8] =	ssyncset.s32 @!p0 $0xFFFFF086;
	s6 =	sadd.s32 @!p0 s3, s7;
	s7 =	simm.s32 @!p0 $0x108  }
0x21: {  	s3 =	sadd.s32 s3, s9;
	s6 =	sadd.s32 @!p0 $0x88, s6;
	s7 =	simm.s32 @p2 $0x1082  }
0x22: {  	[simem:s7], [sflag:s8] =	dma.local @!p0 [hbm:s6], $0xF7A  }
0x23: {  	s9 =	sor.u32 $0xD0000000, s2;
	s6 =	simm.s32 $0x108;
	_ =	swait.ge @!p0 [sflag:s8], $0x0  }
0x24: {  	s3 =	sadd.s32 $0x88, s3;
	s6 =	simm.s32 @!p1 $0x1082;
	[sflag:s4] =	ssyncset.s32 $0xFFFFF086  }
0x25: {  	[simem:s6], [sflag:s4] =	dma.local [hbm:s3], $0xF7A  }
0x26: {  	[smem:$0x3F7C] =	sst s1;
	(tag) =	ssettag s2;
	_ =	strace s9  }
0x27: {  	s1 =	sld [smem:$0x3F8C]  }
0x28: {  	s2 =	sld [smem:$0x3F8D]  }
0x29: {  	s4 =	sld [smem:$0x3F8F]  }
0x2a: {  	p0 =	seq.s32 s5, $0x0;
	s5 =	sld [smem:$0x3F90]  }
0x2b: {  	s6 =	sld [smem:$0x3F91]  }
0x2c: {  	s7 =	sld [smem:$0x3F92]  }
0x2d: {  	s3 =	simm.s32 $0x108;
	s8 =	sld [smem:$0x3F93]  }
0x2e: {  	s3 =	simm.s32 @!p0 $0x1082;
	s9 =	sld [smem:$0x3F94]  }
0x2f: {  	lr =	sadd.s32 s0, s3;
	s0 =	sld [smem:$0x3F8B]  }
0x30: {  	s3 =	sld [smem:$0x3F8E]  }
0x31: {  	[smem:$0x3F97] =	sst s10  }
0x32: {  	s10 =	sld [smem:$0x3F95];
	_ =	sdelay $0x3  }
0x33: {  	p0 =	seq.s32 s10, $0x1;
	s10 =	sld [smem:$0x3F97];
	_ =	sdelay $0x3  }
0x34: {  	[smem:$0x3F97] =	sst s10  }
0x35: {  	s10 =	sld [smem:$0x3F96];
	_ =	sdelay $0x3  }
0x36: {  	p1 =	seq.s32 s10, $0x1;
	s10 =	sld [smem:$0x3F97];
	_ =	sdelay $0x3  }
0x37: {  	[smem:$0x3F97] =	sst s10  }
0x38: {  	s10 =	sld [smem:$0x3F98]  }
0x39: {  	_ = 	snop;
	(pc) =	sbr.ind lr, $3  }
0x3a: {  	_ = 	snop  }
0x3b: {  	_ = 	snop  }
0x3c: {  	p2 =	seq.s32 s10, $0x1;
	s10 =	sld [smem:$0x3F97]  }
0x3d: {  	_ =	shalt  }
0x3e: {  	_ =	shalt  }
0x3f: {  	_ =	shalt  }
0x40: {  	_ =	shalt  }
0x41: {  	_ =	shalt  }
0x42: {  	_ =	shalt  }
0x43: {  	_ =	shalt  }
0x44: {  	_ =	shalt  }
0x45: {  	_ =	shalt  }
0x46: {  	_ =	shalt  }
0x47: {  	_ =	shalt  }
0x48: {  	_ =	shalt  }
0x49: {  	_ =	shalt  }
0x4a: {  	_ =	shalt  }
0x4b: {  	_ =	shalt  }
0x4c: {  	_ =	shalt  }
0x4d: {  	_ =	shalt  }
0x4e: {  	_ =	shalt  }
0x4f: {  	_ =	shalt  }
0x50: {  	_ =	shalt  }
0x51: {  	_ =	shalt  }
0x52: {  	_ =	shalt  }
0x53: {  	_ =	shalt  }
0x54: {  	_ =	shalt  }
0x55: {  	_ =	shalt  }
0x56: {  	_ =	shalt  }
0x57: {  	_ =	shalt  }
0x58: {  	_ =	shalt  }
0x59: {  	_ =	shalt  }
0x5a: {  	_ =	shalt  }
0x5b: {  	_ =	shalt  }
0x5c: {  	_ =	shalt  }
0x5d: {  	_ =	shalt  }
0x5e: {  	_ =	shalt  }
0x5f: {  	_ =	shalt  }
0x60: {  	_ =	shalt  }
0x61: {  	_ =	shalt  }
0x62: {  	_ =	shalt  }
0x63: {  	_ =	shalt  }
0x64: {  	_ =	shalt  }
0x65: {  	_ =	shalt  }
0x66: {  	_ =	shalt  }
0x67: {  	_ =	shalt  }
0x68: {  	_ =	shalt  }
0x69: {  	_ =	shalt  }
0x6a: {  	_ =	shalt  }
0x6b: {  	_ =	shalt  }
0x6c: {  	_ =	shalt  }
0x6d: {  	_ =	shalt  }
0x6e: {  	_ =	shalt  }
0x6f: {  	_ =	shalt  }
0x70: {  	_ =	shalt  }
0x71: {  	_ =	shalt  }
0x72: {  	_ =	shalt  }
0x73: {  	_ =	shalt  }
0x74: {  	_ =	shalt  }
0x75: {  	_ =	shalt  }
0x76: {  	_ =	shalt  }
0x77: {  	_ =	shalt  }
0x78: {  	_ =	shalt  }
0x79: {  	_ =	shalt  }
0x7a: {  	_ =	shalt  }
0x7b: {  	_ =	shalt  }
0x7c: {  	_ =	shalt  }
0x7d: {  	_ =	shalt  }
0x7e: {  	_ =	shalt  }
0x7f: {  	_ =	shalt  }
0x80: {  	_ =	shalt  }
0x81: {  	_ =	shalt  }
0x82: {  	_ =	shalt  }
0x83: {  	_ =	shalt  }
0x84: {  	_ =	shalt  }
0x85: {  	_ =	shalt  }
0x86: {  	_ =	shalt  }
0x87: {  	_ =	shalt  }
.Lfunc_end0:
.L_simem_size_0:
called_computation.2_lowered:
.L_overlay_start_0:
0x88: {  	s2 =	sld [smem:$0x3FD9]  }
0x89: {  	s3 =	sld [smem:$0x3FFE];
	_ =	sdelay $0x1  }
0x8a: {  	s1 =	srdreg.scid  }
0x8b: {  	s0 =	sand.u32 $0x1, s1  }
0x8c: {  	s16 =	sshll.u32 s0, $0xA;
	s2 =	sadd.s32 s3, s2  }
0x8d: {  	s2 =	sadd.s32 s2, s16  }
0x8e: {  	[smem:$0x3FA3] =	sst s2  }
0x8f: {  	_ = 	snop  }
0x90: {  	(tm) =	ssettm $0x1  }
0x91: {  	s17 =	sld [smem:$0x3FFB];
	_ =	sdelay $0x3  }
0x92: {  	_ =	strace s17  }
0x93: {  	s2 =	sld [smem:$0x3FFC];
	_ =	sdelay $0x3  }
0x94: {  	_ =	strace s2  }
0x95: {  	s2 =	sld [smem:$0x3FFD];
	_ =	sdelay $0x3  }
0x96: {  	_ =	strace s2  }
0x97: {  	_ =	strace $0x8FFFFFFF  }
0x98: {  	s18 =	sld [smem:$0x3FDB];
	_ =	sdelay $0x1  }
0x99: {  	s19 =	simm.s32 $_scs_section_size  }
0x9a: {  	s4 =	simm.s32 $_size__tile_overlayer_lowered;
	s5 =	simm.s32 $_tile_overlayer_lowered  }
0x9b: {  	s22 =	simm.s32 $0x1BFF;
	s21 =	sshll.u32 s5, $0x1;
	s2 =	sadd.s32 s19, s18  }
0x9c: {  	s6 =	simm.s32 $0x0;
	s20 =	sshll.u32 s4, $0x1;
	s4 =	sadd.s32 s21, s2  }
0x9d: {  	[timem:s6], [sflag:s22] =	dma.local [hbm:s4], s20  }
0x9e: {  	_ =	swait.ge [sflag:s22], s20  }
0x9f: {  	s3 =	ssub.s32 $0x0, s20;
	[sflag:s22] =	ssyncset.done $0x0  }
0xa0: {  	[sflag:s22] =	ssyncadd.s32 s3;
	_ =	sdelay $0x1  }
0xa1: {  	s23 =	simm.s32 $0x1B8B  }
0xa2: {  	_ =	swait.ge [sflag:s23], $0x1  }
0xa3: {  	[sflag:s23] =	ssyncset.done $0x0  }
0xa4: {  	s25 =	simm.s32 $0x1B8E;
	s24 =	sld [smem:$0x3FFE];
	[sflag:s23] =	ssyncadd.s32 $0xFFFFFFFF  }
0xa5: {  	s26 =	simm.s32 $execute0_lowered;
	[smem:$0x3FD2] =	sst s25  }
0xa6: {  	s4 =	sshll.u32 s26, $0x1;
	_ =	strace $0x8000004C;
	[dreg:$0x1] =	wrdreg $0xFFFFFFFF  }
0xa7: {  	s28 =	simm.s32 $_size_execute0_lowered;
	s2 =	sadd.s32 s2, s4;
	[dreg:$0x0] =	wrdreg $0x0  }
0xa8: {  	s4 =	sshll.u32 s28, $0x1;
	[dreg:$0x2] =	wrdreg s2  }
0xa9: {  	[dreg:$0x3] =	wrdreg s4  }
0xaa: {  	[dreg:$0x4] =	wrdreg $0xC0  }
0xab: {  	_ =	task [dreg:s6], $0x5FFFF  }
0xac: {  	[dreg:$0x1] =	wrdreg $0xFFFFFFFF  }
0xad: {  	[dreg:$0x0] =	wrdreg $0x60  }
0xae: {  	[dreg:$0x2] =	wrdreg s24  }
0xaf: {  	[dreg:$0x3] =	wrdreg $0x10F000  }
0xb0: {  	[dreg:$0x4] =	wrdreg $0x9  }
0xb1: {  	_ =	task.clear_ibuf [dreg:s6], $0x5FFFF;
	_ =	strace $0x9000004C  }
0xb2: {  	s29 =	simm.s32 $0x9;
	_ =	strace $0x8000004E  }
0xb3: {  	_ =	swait.ge [sflag:s29], $0x1  }
0xb4: {  	[sflag:s29] =	ssyncadd.s32 $0xFFFFFFFF  }
0xb5: {  	_ =	strace $0x9000004E  }
0xb6: {  	_ =	sfence  }
0xb7: {  	s30 =	sld [smem:$0x0];
	_ =	sdelay $0x2  }
0xb8: {  	s31 =	sshll.u32 s1, $0xD;
	s1 =	sshrl.u32 s1, $0x2  }
0xb9: {  	s3 =	sand.u32 $0x4000, s31;
	s1 =	sadd.s32 s1, s30  }
0xba: {  	s0 =	sor.u32 s3, s0;
	s1 =	sshll.u32 s1, $0x11  }
0xbb: {  	s0 =	sor.u32 s1, s0  }
0xbc: {  	s0 =	sadd.s32 $0x8F2B, s0  }
0xbd: {  	[sflag:s0] =	ssyncadd.remote.s32 $0x1  }
0xbe: {  	_ =	sfence.sel $0xFFFF  }
0xbf: {  	[dreg:$0x0] =	wrdreg $0xFFFFFFFF;
	(pc) =	sbr.abs _section_cstart, $3  }
0xc0: {  	[dreg:$0x1] =	wrdreg $0xFFFFFFFF  }
0xc1: {  	_ =	task.clear_ibuf [dreg:s6], $0x2FFFF;
	_ =	strace $0x9FFFFFFF  }
0xc2: {  	(tm) =	ssettm $0x7FFFFFFF  }
0xc3: {  	_ =	shalt  }
tec
execute0_lowered:
.L_overlay_start_1:
0x0: {  	(tag) =	ssettag $0x1  }
0x1: {  	s0 =	rddreg [dreg:$0x0]  }
0x2: {  	s1 =	rddreg [dreg:$0x1];
	s2 =	simm.s32 $0x0  }
0x3: {  	s4 =	srdreg.scid;
	s8 =	stileid.u32;
	s17 =	simm.s32 $0x80  }
0x4: {  	s18 =	simm.s32 $0x4F00;
	s19 =	simm.s32 $0x6F00;
	s28 =	simm.s32 $0xEF00  }
0x5: {  	s29 =	simm.s32 $0x1;
	s30 =	simm.s32 $0x2;
	s31 =	simm.s32 $0x3  }
0x6: {  	s16 =	simm.s32 $0x5;
	s20 =	simm.s32 $0x6;
	[smem:$0x7FF] =	sst s2  }
0x7: {  	s3 =	sadd.s32 $0x1A800, s0;
	s6 =	sand.u32 $0x1, s4;
	s7 =	sadd.s32 $0x6E00, s0  }
0x8: {  	s9 =	smul.u32 $0x9C00, s8;
	s21 =	sadd.s32 $0x2E200, s0;
	s0 =	sadd.s32 $0x2F600, s0  }
0x9: {  	s22 =	sshll.u32 s8, $0x6;
	s23 =	sshll.u32 s8, $0x4;
	s15 =	sadd.s32 $0x9C000, s1  }
0xa: {  	p0 =	sne.s32 s8, $0x0;
	_ =	strace $0x8000004D;
	s4 =	sshll.u32 s6, $0x4  }
0xb: {  	s5 =	ssub.s32 $0x2, s6;
	[dreg:$0x7] =	wrdreg s21;
	s6 =	smul.u32 $0x9C400, s6  }
0xc: {  	s15 =	sshrl.u32 @!p0 s15, $0x3;
	s21 =	simm.s32 $0x8F00;
	s10 =	sor.u32 s8, s4  }
0xd: {  	s11 =	sshrl.u32 s5, $0x1;
	s13 =	sadd.s32 s9, s1;
	s8 =	simm.s32 $0xB  }
0xe: {  	s4 =	simm.s32 $0x0;
	s12 =	smul.u32 $0x2700, s10;
	s11 =	ssub.s32 s5, s11  }
0xf: {  	s5 =	sor.u32 $0x1C0D, s22;
	s9 =	sadd.s32 s9, s6;
	s6 =	sshrl.u32 s6, $0x3  }
0x10: {  	s13 =	sshrl.u32 s13, $0x3;
	p1 =	sgt.u32 s10, $0x3;
	s22 =	simm.s32 $0x7  }
0x11: {  	s24 =	sshrl.u32 s9, $0x3;
	s6 =	sadd.s32 s0, s6;
	s26 =	smax.u32 s11, $0x1  }
0x12: {  	s9 =	simm.s32 $0xC;
	s12 =	sshrl.u32 s12, $0x3;
	s0 =	sadd.s32 s0, s24  }
0x13: {  	s25 =	sadd.s32 $0x13800, s6;
	[dreg:$0xa] =	wrdreg s26;
	s24 =	simm.s32 $0x8  }
0x14: {  	s26 =	simm.s32 $0x9;
	s6 =	simm.s32 $0x0;
	[dreg:$0x8] =	wrdreg s0  }
0x15: {  	s14 =	sadd.s32 s7, s12;
	s7 =	sadd.s32 s23, s7;
	[dreg:$0x9] =	wrdreg s25  }
0x16: {  	s23 =	simm.s32 $0xAF00;
	[dreg:$0x3] =	wrdreg s14;
	s14 =	sadd.s32 $0x9C40, s14  }
0x17: {  	s25 =	simm.s32 $0xCF00;
	s12 =	sadd.s32 $0x9C00, s7;
	[dreg:$0x4] =	wrdreg s14  }
0x18: {  	s0 =	simm.s32 $0x4;
	s7 =	sadd.s32 $0x13840, s7;
	[dreg:$0x5] =	wrdreg s12  }
0x19: {  	[dreg:$0x6] =	wrdreg s7;
	s14 =	simm.s32 $0xD;
	s7 =	simm.s32 $0xA  }
.LBB2_1:
0x1a: {  	s2 =	rddreg [dreg:$0x7]  }
0x1b: {  	[spmem:s13], [sflag:s5] =	dma.local [hbm:s2], $0x1380  }
0x1c: {  	_ =	swait.ge [sflag:s14], $0x1380  }
0x1d: {  	[sflag:s14] =	ssyncset.done $0x0  }
0x1e: {  	s10 =	simm.s32 @!p0 $0xD;
	[sflag:s14] =	ssyncadd.s32 $0xFFFFEC80  }
0x1f: {  	[spmem:s15], [sflag:s5] =	dma.local @!p0 [hbm:s2], $0x80  }
0x20: {  	_ =	swait.ge @!p0 [sflag:s10], $0x80  }
0x21: {  	[sflag:s10] =	ssyncset.done @!p0 $0x0  }
0x22: {  	[sflag:s10] =	ssyncadd.s32 @!p0 $0xFFFFFF80  }
0x23: {  	[bflag:$0x0] =	sbarrier.arrive $0xFFFF  }
0x24: {  	s2 =	rddreg [dreg:$0x3]  }
0x25: {  	[tilespmem:s4], [sflag:$0xD] =	stream.linear.gather [hbm4b:s2+s4], $0x2700, $0x38;
	[tilespmem:$0x1AB40] =	vst v63  }
0x26: {  	_ =	swait.ge [sflag:s14], $0x2700  }
0x27: {  	[sflag:s14] =	ssyncset.done $0x0  }
0x28: {  	s12 =	simm.s32 $0x2780;
	s11 =	rddreg [dreg:$0x4];
	[sflag:s14] =	ssyncadd.s32 $0xFFFFD900  }
0x29: {  	[tilespmem:s12], [sflag:$0xD] =	stream.linear.gather [hbm4b:s11+s4], $0x2700, $0x38;
	[tilespmem:$0x1AB40] =	vst v63  }
0x2a: {  	_ =	swait.ge [sflag:s14], $0x2700  }
0x2b: {  	s10 =	simm.s32 @!p1 $0x0;
	[sflag:s14] =	ssyncset.done $0x0  }
0x2c: {  	s11 =	simm.s32 @!p1 $0x2700;
	s12 =	rddreg [dreg:$0x5];
	[sflag:s14] =	ssyncadd.s32 $0xFFFFD900  }
0x2d: {  	[tilespmem:s11], [sflag:$0xD] =	stream.linear.gather @!p1 [hbm4b:s12+s10], $0x80, $0x38;
	[tilespmem:$0x1AB40] =	vst v63  }
0x2e: {  	s11 =	simm.s32 @!p1 $0xD  }
0x2f: {  	_ =	swait.ge @!p1 [sflag:s11], $0x80  }
0x30: {  	[sflag:s11] =	ssyncset.done @!p1 $0x0  }
0x31: {  	s12 =	simm.s32 @!p1 $0x4E80;
	s2 =	rddreg [dreg:$0x6];
	[sflag:s11] =	ssyncadd.s32 @!p1 $0xFFFFFF80  }
0x32: {  	[tilespmem:s12], [sflag:$0xD] =	stream.linear.gather @!p1 [hbm4b:s2+s10], $0x80, $0x38;
	[tilespmem:$0x1AB40] =	vst v63  }
0x33: {  	_ =	swait.ge @!p1 [sflag:s11], $0x80  }
0x34: {  	[sflag:s11] =	ssyncset.done @!p1 $0x0  }
0x35: {  	[sflag:s11] =	ssyncadd.s32 @!p1 $0xFFFFFF80  }
0x36: {  	[tilespmem:s18], [sflag:$0x1] =	stream.indirect.gather [hbm4b:s3+s17], $0x40, s4, s17, $0xb8;
	[tilespmem:$0x1AB40] =	vst v63  }
0x37: {  	_ = 	snop  }
0x38: {  	[tilespmem:s19], [sflag:$0x2] =	stream.indirect.gather [hbm4b:s3+s17], $0x40, s17, s17, $0xb8;
	[tilespmem:$0x1AB40] =	vst v63  }
0x39: {  	s10 =	simm.s32 $0x100  }
0x3a: {  	[tilespmem:s21], [sflag:$0x3] =	stream.indirect.gather [hbm4b:s3+s17], $0x40, s10, s17, $0xb8;
	[tilespmem:$0x1AB40] =	vst v63  }
0x3b: {  	s11 =	simm.s32 $0x180  }
0x3c: {  	[tilespmem:s23], [sflag:$0x4] =	stream.indirect.gather [hbm4b:s3+s17], $0x40, s11, s17, $0xb8;
	[tilespmem:$0x1AB40] =	vst v63  }
0x3d: {  	s12 =	simm.s32 $0x200  }
0x3e: {  	[tilespmem:s25], [sflag:$0x5] =	stream.indirect.gather [hbm4b:s3+s17], $0x40, s12, s17, $0xb8;
	[tilespmem:$0x1AB40] =	vst v63  }
0x3f: {  	s10 =	simm.s32 $0x280  }
0x40: {  	[tilespmem:s28], [sflag:$0x6] =	stream.indirect.gather [hbm4b:s3+s17], $0x40, s10, s17, $0xb8;
	[tilespmem:$0x1AB40] =	vst v63  }
0x41: {  	_ =	swait.ge [sflag:s29], $0x2000  }
0x42: {  	[sflag:s29] =	ssyncset.done $0x0  }
0x43: {  	s11 =	simm.s32 $0x2780;
	[sflag:s29] =	ssyncadd.s32 $0xFFFFE000  }
0x44: {  	[spmem:s1] =	stream.indirect.scatter.add.f32 [tilespmem:s18], [sflag:$0x7], $0x40, s11, s17, $0xb8;
	[tilespmem:$0x1AB40] =	vst v63  }
0x45: {  	_ =	swait.ge [sflag:s30], $0x2000  }
0x46: {  	[sflag:s30] =	ssyncset.done $0x0  }
0x47: {  	s12 =	simm.s32 $0x2800;
	[sflag:s30] =	ssyncadd.s32 $0xFFFFE000  }
0x48: {  	[spmem:s1] =	stream.indirect.scatter.add.f32 [tilespmem:s19], [sflag:$0x8], $0x40, s12, s17, $0xb8;
	[tilespmem:$0x1AB40] =	vst v63  }
0x49: {  	_ =	swait.ge [sflag:s31], $0x2000  }
0x4a: {  	[sflag:s31] =	ssyncset.done $0x0  }
0x4b: {  	s2 =	simm.s32 $0x2880;
	[sflag:s31] =	ssyncadd.s32 $0xFFFFE000  }
0x4c: {  	[spmem:s1] =	stream.indirect.scatter.add.f32 [tilespmem:s21], [sflag:$0x9], $0x40, s2, s17, $0xb8;
	[tilespmem:$0x1AB40] =	vst v63  }
0x4d: {  	_ =	swait.ge [sflag:s0], $0x2000  }
0x4e: {  	[sflag:s0] =	ssyncset.done $0x0  }
0x4f: {  	s11 =	simm.s32 $0x2900;
	[sflag:s0] =	ssyncadd.s32 $0xFFFFE000  }
0x50: {  	[spmem:s1] =	stream.indirect.scatter.add.f32 [tilespmem:s23], [sflag:$0xA], $0x40, s11, s17, $0xb8;
	[tilespmem:$0x1AB40] =	vst v63  }
0x51: {  	_ =	swait.ge [sflag:s16], $0x2000  }
0x52: {  	[sflag:s16] =	ssyncset.done $0x0  }
0x53: {  	s12 =	simm.s32 $0x2980;
	[sflag:s16] =	ssyncadd.s32 $0xFFFFE000  }
0x54: {  	[spmem:s1] =	stream.indirect.scatter.add.f32 [tilespmem:s25], [sflag:$0xB], $0x40, s12, s17, $0xb8;
	[tilespmem:$0x1AB40] =	vst v63  }
0x55: {  	_ =	swait.ge [sflag:s20], $0x2000  }
0x56: {  	[sflag:s20] =	ssyncset.done $0x0  }
0x57: {  	s2 =	simm.s32 $0x2A00;
	[sflag:s20] =	ssyncadd.s32 $0xFFFFE000  }
0x58: {  	[spmem:s1] =	stream.indirect.scatter.add.f32 [tilespmem:s28], [sflag:$0xC], $0x40, s2, s17, $0xb8;
	[tilespmem:$0x1AB40] =	vst v63  }
0x59: {  	_ =	swait.ge [sflag:s22], $0x2000  }
0x5a: {  	[sflag:s22] =	ssyncset.done $0x0  }
0x5b: {  	s11 =	simm.s32 $0x300;
	[sflag:s22] =	ssyncadd.s32 $0xFFFFE000  }
0x5c: {  	[tilespmem:s18], [sflag:$0x1] =	stream.indirect.gather [hbm4b:s3+s17], $0x40, s11, s17, $0xb8;
	[tilespmem:$0x1AB40] =	vst v63  }
0x5d: {  	_ =	swait.ge [sflag:s24], $0x2000  }
0x5e: {  	[sflag:s24] =	ssyncset.done $0x0  }
0x5f: {  	s12 =	simm.s32 $0x380;
	[sflag:s24] =	ssyncadd.s32 $0xFFFFE000  }
0x60: {  	[tilespmem:s19], [sflag:$0x2] =	stream.indirect.gather [hbm4b:s3+s17], $0x40, s12, s17, $0xb8;
	[tilespmem:$0x1AB40] =	vst v63  }
0x61: {  	_ =	swait.ge [sflag:s26], $0x2000  }
0x62: {  	[sflag:s26] =	ssyncset.done $0x0  }
0x63: {  	s2 =	simm.s32 $0x400;
	[sflag:s26] =	ssyncadd.s32 $0xFFFFE000  }
0x64: {  	[tilespmem:s21], [sflag:$0x3] =	stream.indirect.gather [hbm4b:s3+s17], $0x40, s2, s17, $0xb8;
	[tilespmem:$0x1AB40] =	vst v63  }
0x65: {  	_ =	swait.ge [sflag:s7], $0x2000  }
0x66: {  	[sflag:s7] =	ssyncset.done $0x0  }
0x67: {  	s11 =	simm.s32 $0x480;
	[sflag:s7] =	ssyncadd.s32 $0xFFFFE000  }
0x68: {  	[tilespmem:s23], [sflag:$0x4] =	stream.indirect.gather [hbm4b:s3+s17], $0x40, s11, s17, $0xb8;
	[tilespmem:$0x1AB40] =	vst v63  }
0x69: {  	_ =	swait.ge [sflag:s8], $0x2000  }
0x6a: {  	[sflag:s8] =	ssyncset.done $0x0  }
0x6b: {  	s12 =	simm.s32 $0x500;
	[sflag:s8] =	ssyncadd.s32 $0xFFFFE000  }
0x6c: {  	[tilespmem:s25], [sflag:$0x5] =	stream.indirect.gather [hbm4b:s3+s17], $0x40, s12, s17, $0xb8;
	[tilespmem:$0x1AB40] =	vst v63  }
0x6d: {  	_ =	swait.ge [sflag:s9], $0x2000  }
0x6e: {  	[sflag:s9] =	ssyncset.done $0x0  }
0x6f: {  	s10 =	simm.s32 $0xC00;
	s11 =	simm.s32 $0x580;
	[sflag:s9] =	ssyncadd.s32 $0xFFFFE000  }
.LBB2_2:
0x70: {  	[tilespmem:s28], [sflag:$0x6] =	stream.indirect.gather [hbm4b:s3+s17], $0x40, s11, s17, $0xb8;
	[tilespmem:$0x1AB40] =	vst v63  }
0x71: {  	s11 =	smov.u32 s10  }
0x72: {  	p2 =	sne.s32 s10, $0x8400;
	s10 =	sadd.s32 $0xC00, s10;
	_ =	swait.ge [sflag:s29], $0x2000  }
0x73: {  	s11 =	sshra.s32 s11, $0x2;
	[sflag:s29] =	ssyncset.done $0x0  }
0x74: {  	s12 =	sadd.s32 $0x2780, s11;
	[sflag:s29] =	ssyncadd.s32 $0xFFFFE000  }
0x75: {  	[spmem:s1] =	stream.indirect.scatter.add.f32 [tilespmem:s18], [sflag:$0x7], $0x40, s12, s17, $0xb8;
	[tilespmem:$0x1AB40] =	vst v63  }
0x76: {  	_ =	swait.ge [sflag:s30], $0x2000  }
0x77: {  	[sflag:s30] =	ssyncset.done $0x0  }
0x78: {  	s12 =	sadd.s32 $0x2800, s11;
	[sflag:s30] =	ssyncadd.s32 $0xFFFFE000  }
0x79: {  	[spmem:s1] =	stream.indirect.scatter.add.f32 [tilespmem:s19], [sflag:$0x8], $0x40, s12, s17, $0xb8;
	[tilespmem:$0x1AB40] =	vst v63  }
0x7a: {  	_ =	swait.ge [sflag:s31], $0x2000  }
0x7b: {  	[sflag:s31] =	ssyncset.done $0x0  }
0x7c: {  	s12 =	sadd.s32 $0x2880, s11;
	[sflag:s31] =	ssyncadd.s32 $0xFFFFE000  }
0x7d: {  	[spmem:s1] =	stream.indirect.scatter.add.f32 [tilespmem:s21], [sflag:$0x9], $0x40, s12, s17, $0xb8;
	[tilespmem:$0x1AB40] =	vst v63  }
0x7e: {  	_ =	swait.ge [sflag:s0], $0x2000  }
0x7f: {  	[sflag:s0] =	ssyncset.done $0x0  }
0x80: {  	s12 =	sadd.s32 $0x2900, s11;
	[sflag:s0] =	ssyncadd.s32 $0xFFFFE000  }
0x81: {  	[spmem:s1] =	stream.indirect.scatter.add.f32 [tilespmem:s23], [sflag:$0xA], $0x40, s12, s17, $0xb8;
	[tilespmem:$0x1AB40] =	vst v63  }
0x82: {  	_ =	swait.ge [sflag:s16], $0x2000  }
0x83: {  	[sflag:s16] =	ssyncset.done $0x0  }
0x84: {  	s12 =	sadd.s32 $0x2980, s11;
	[sflag:s16] =	ssyncadd.s32 $0xFFFFE000  }
0x85: {  	[spmem:s1] =	stream.indirect.scatter.add.f32 [tilespmem:s25], [sflag:$0xB], $0x40, s12, s17, $0xb8;
	[tilespmem:$0x1AB40] =	vst v63  }
0x86: {  	_ =	swait.ge [sflag:s20], $0x2000  }
0x87: {  	[sflag:s20] =	ssyncset.done $0x0  }
0x88: {  	s12 =	sadd.s32 $0x2A00, s11;
	[sflag:s20] =	ssyncadd.s32 $0xFFFFE000  }
0x89: {  	[spmem:s1] =	stream.indirect.scatter.add.f32 [tilespmem:s28], [sflag:$0xC], $0x40, s12, s17, $0xb8;
	[tilespmem:$0x1AB40] =	vst v63  }
0x8a: {  	_ =	swait.ge [sflag:s22], $0x2000  }
0x8b: {  	[sflag:s22] =	ssyncset.done $0x0  }
0x8c: {  	s12 =	sadd.s32 $0x300, s11;
	[sflag:s22] =	ssyncadd.s32 $0xFFFFE000  }
0x8d: {  	[tilespmem:s18], [sflag:$0x1] =	stream.indirect.gather [hbm4b:s3+s17], $0x40, s12, s17, $0xb8;
	[tilespmem:$0x1AB40] =	vst v63  }
0x8e: {  	_ =	swait.ge [sflag:s24], $0x2000  }
0x8f: {  	[sflag:s24] =	ssyncset.done $0x0  }
0x90: {  	s12 =	sadd.s32 $0x380, s11;
	[sflag:s24] =	ssyncadd.s32 $0xFFFFE000  }
0x91: {  	[tilespmem:s19], [sflag:$0x2] =	stream.indirect.gather [hbm4b:s3+s17], $0x40, s12, s17, $0xb8;
	[tilespmem:$0x1AB40] =	vst v63  }
0x92: {  	_ =	swait.ge [sflag:s26], $0x2000  }
0x93: {  	[sflag:s26] =	ssyncset.done $0x0  }
0x94: {  	s12 =	sadd.s32 $0x400, s11;
	[sflag:s26] =	ssyncadd.s32 $0xFFFFE000  }
0x95: {  	[tilespmem:s21], [sflag:$0x3] =	stream.indirect.gather [hbm4b:s3+s17], $0x40, s12, s17, $0xb8;
	[tilespmem:$0x1AB40] =	vst v63  }
0x96: {  	_ =	swait.ge [sflag:s7], $0x2000  }
0x97: {  	[sflag:s7] =	ssyncset.done $0x0  }
0x98: {  	s12 =	sadd.s32 $0x480, s11;
	[sflag:s7] =	ssyncadd.s32 $0xFFFFE000  }
0x99: {  	[tilespmem:s23], [sflag:$0x4] =	stream.indirect.gather [hbm4b:s3+s17], $0x40, s12, s17, $0xb8;
	[tilespmem:$0x1AB40] =	vst v63  }
0x9a: {  	_ =	swait.ge [sflag:s8], $0x2000  }
0x9b: {  	[sflag:s8] =	ssyncset.done $0x0  }
.Ltmp0:
0x9c: {  	s12 =	sadd.s32 $0x500, s11;
	[sflag:s8] =	ssyncadd.s32 $0xFFFFE000;
	(pc) =	sbr.rel @p2 .LBB2_2-.Ltmp0, $4  }
0x9d: {  	[tilespmem:s25], [sflag:$0x5] =	stream.indirect.gather [hbm4b:s3+s17], $0x40, s12, s17, $0xb8;
	[tilespmem:$0x1AB40] =	vst v63  }
0x9e: {  	_ =	swait.ge [sflag:s9], $0x2000  }
0x9f: {  	[sflag:s9] =	ssyncset.done $0x0  }
0xa0: {  	s11 =	sadd.s32 $0x580, s11;
	[sflag:s9] =	ssyncadd.s32 $0xFFFFE000  }
0xa1: {  	[tilespmem:s28], [sflag:$0x6] =	stream.indirect.gather [hbm4b:s3+s17], $0x40, s11, s17, $0xb8;
	[tilespmem:$0x1AB40] =	vst v63  }
0xa2: {  	_ =	swait.ge [sflag:s29], $0x2000  }
0xa3: {  	[sflag:s29] =	ssyncset.done $0x0  }
0xa4: {  	s2 =	simm.s32 $0x4B80;
	[sflag:s29] =	ssyncadd.s32 $0xFFFFE000  }
0xa5: {  	[spmem:s1] =	stream.indirect.scatter.add.f32 [tilespmem:s18], [sflag:$0x7], $0x40, s2, s17, $0xb8;
	[tilespmem:$0x1AB40] =	vst v63  }
0xa6: {  	_ =	swait.ge [sflag:s30], $0x2000  }
0xa7: {  	[sflag:s30] =	ssyncset.done $0x0  }
0xa8: {  	s12 =	simm.s32 $0x4C00;
	[sflag:s30] =	ssyncadd.s32 $0xFFFFE000  }
0xa9: {  	[spmem:s1] =	stream.indirect.scatter.add.f32 [tilespmem:s19], [sflag:$0x8], $0x40, s12, s17, $0xb8;
	[tilespmem:$0x1AB40] =	vst v63  }
0xaa: {  	_ =	swait.ge [sflag:s31], $0x2000  }
0xab: {  	[sflag:s31] =	ssyncset.done $0x0  }
0xac: {  	s10 =	simm.s32 $0x4C80;
	[sflag:s31] =	ssyncadd.s32 $0xFFFFE000  }
0xad: {  	[spmem:s1] =	stream.indirect.scatter.add.f32 [tilespmem:s21], [sflag:$0x9], $0x40, s10, s17, $0xb8;
	[tilespmem:$0x1AB40] =	vst v63  }
0xae: {  	_ =	swait.ge [sflag:s0], $0x2000  }
0xaf: {  	[sflag:s0] =	ssyncset.done $0x0  }
0xb0: {  	s11 =	simm.s32 $0x4D00;
	[sflag:s0] =	ssyncadd.s32 $0xFFFFE000  }
0xb1: {  	[spmem:s1] =	stream.indirect.scatter.add.f32 [tilespmem:s23], [sflag:$0xA], $0x40, s11, s17, $0xb8;
	[tilespmem:$0x1AB40] =	vst v63  }
0xb2: {  	_ =	swait.ge [sflag:s16], $0x2000  }
0xb3: {  	[sflag:s16] =	ssyncset.done $0x0  }
0xb4: {  	s12 =	simm.s32 $0x4D80;
	[sflag:s16] =	ssyncadd.s32 $0xFFFFE000  }
0xb5: {  	[spmem:s1] =	stream.indirect.scatter.add.f32 [tilespmem:s25], [sflag:$0xB], $0x40, s12, s17, $0xb8;
	[tilespmem:$0x1AB40] =	vst v63  }
0xb6: {  	_ =	swait.ge [sflag:s20], $0x2000  }
0xb7: {  	[sflag:s20] =	ssyncset.done $0x0  }
0xb8: {  	s10 =	simm.s32 $0x4E00;
	[sflag:s20] =	ssyncadd.s32 $0xFFFFE000  }
0xb9: {  	[spmem:s1] =	stream.indirect.scatter.add.f32 [tilespmem:s28], [sflag:$0xC], $0x40, s10, s17, $0xb8;
	[tilespmem:$0x1AB40] =	vst v63  }
0xba: {  	_ =	swait.ge [sflag:s22], $0x2000  }
0xbb: {  	[sflag:s22] =	ssyncset.done $0x0  }
0xbc: {  	[sflag:s22] =	ssyncadd.s32 $0xFFFFE000  }
0xbd: {  	_ =	swait.ge [sflag:s24], $0x2000  }
0xbe: {  	[sflag:s24] =	ssyncset.done $0x0  }
0xbf: {  	[sflag:s24] =	ssyncadd.s32 $0xFFFFE000  }
0xc0: {  	_ =	swait.ge [sflag:s26], $0x2000  }
0xc1: {  	[sflag:s26] =	ssyncset.done $0x0  }
0xc2: {  	[sflag:s26] =	ssyncadd.s32 $0xFFFFE000  }
0xc3: {  	_ =	swait.ge [sflag:s7], $0x2000  }
0xc4: {  	[sflag:s7] =	ssyncset.done $0x0  }
0xc5: {  	[sflag:s7] =	ssyncadd.s32 $0xFFFFE000  }
0xc6: {  	_ =	swait.ge [sflag:s8], $0x2000  }
0xc7: {  	[sflag:s8] =	ssyncset.done $0x0  }
0xc8: {  	[sflag:s8] =	ssyncadd.s32 $0xFFFFE000  }
0xc9: {  	_ =	swait.ge [sflag:s9], $0x2000  }
0xca: {  	s11 =	simm.s32 @!p1 $0x2700;
	[sflag:s9] =	ssyncset.done $0x0  }
0xcb: {  	s12 =	simm.s32 @!p1 $0x4F00;
	s10 =	simm.s32 @!p1 $0x80;
	[sflag:s9] =	ssyncadd.s32 $0xFFFFE000  }
0xcc: {  	[tilespmem:s12], [sflag:$0x1] =	stream.indirect.gather @!p1 [hbm4b:s3+s10], $0x40, s11, s10, $0xb8;
	[tilespmem:$0x1AB40] =	vst v63  }
0xcd: {  	s11 =	simm.s32 @!p1 $0x1  }
0xce: {  	_ =	swait.ge @!p1 [sflag:s11], $0x2000  }
0xcf: {  	[sflag:s11] =	ssyncset.done @!p1 $0x0  }
0xd0: {  	[sflag:s11] =	ssyncadd.s32 @!p1 $0xFFFFE000;
	s11 =	simm.s32 @!p1 $0x4E80  }
0xd1: {  	[spmem:s1] =	stream.indirect.scatter.add.f32 @!p1 [tilespmem:s12], [sflag:$0xD], $0x40, s11, s10, $0xb8;
	[tilespmem:$0x1AB40] =	vst v63  }
0xd2: {  	s10 =	simm.s32 @!p1 $0xD  }
0xd3: {  	_ =	swait.ge @!p1 [sflag:s10], $0x2000  }
0xd4: {  	[sflag:s10] =	ssyncset.done @!p1 $0x0  }
0xd5: {  	[sflag:s10] =	ssyncadd.s32 @!p1 $0xFFFFE000  }
0xd6: {  	[bflag:$0x0] =	sbarrier.arrive $0xFFFF  }
0xd7: {  	s11 =	rddreg [dreg:$0x8]  }
0xd8: {  	[hbm:s11], [sflag:s5] =	dma.local [spmem:s13], $0x1380  }
0xd9: {  	_ =	swait.ge [sflag:s14], $0x1380  }
0xda: {  	[sflag:s14] =	ssyncset.done $0x0  }
0xdb: {  	s10 =	simm.s32 @!p0 $0xD;
	s2 =	rddreg [dreg:$0x9];
	[sflag:s14] =	ssyncadd.s32 $0xFFFFEC80  }
0xdc: {  	[hbm:s2], [sflag:s5] =	dma.local @!p0 [spmem:s15], $0x80  }
0xdd: {  	_ =	swait.ge @!p0 [sflag:s10], $0x80  }
0xde: {  	s6 =	sadd.s32 $0x1, s6;
	s12 =	rddreg [dreg:$0xa]  }
0xdf: {  	p2 =	sne.s32 s6, s12  }
.Ltmp1:
0xe0: {  	_ = 	snop;
	(pc) =	sbr.rel @p2 .LBB2_1-.Ltmp1, $3  }
0xe1: {  	_ =	sdelay $0x1  }
0xe2: {  	[sflag:s10] =	ssyncset.done @!p0 $0x0  }
0xe3: {  	[sflag:s10] =	ssyncadd.s32 @!p0 $0xFFFFFF80  }
0xe4: {  	_ =	sfence.sel $0x180000  }
0xe5: {  	[bflag:$0x0] =	sbarrier.arrive $0xFFFF  }
0xe6: {  	_ =	strace $0x9000004D  }
0xe7: {  	[bflag:$0x2] =	sbarrier.arrive $0xFFFF  }
0xe8: {  	s0 =	rddreg [dreg:$0x2]  }
0xe9: {  	s0 =	sadd.s32 @!p0 $0x100000, s0  }
0xea: {  	[sflag:s0] =	ssyncadd.tile.s32 @!p0 $0x1;
	_ =	shalt  }
.Lfunc_end2:
_tile_overlayer_lowered:
.L_overlay_start_2:
0xeb: {  	(tag) =	ssettag $0x2  }
0xec: {  	s0 =	rddreg [dreg:$0x0];
	s2 =	stileid.u32  }
0xed: {  	s1 =	rddreg [dreg:$0x1];
	p0 =	sne.s32 s2, $0x0  }
0xee: {  	s3 =	rddreg [dreg:$0x2];
	[bflag:$0x3] =	sbarrier.arrive $0xFFFF;
	s2 =	simm.s32 @!p0 $0x1C0D  }
0xef: {  	[timem:s3], [sflag:s2] =	dma.local @!p0 [hbm:s0], s1  }
0xf0: {  	s0 =	simm.s32 @!p0 $0xD  }
0xf1: {  	_ =	swait.ge @!p0 [sflag:s0], s1  }
0xf2: {  	s1 =	ssub.s32 @!p0 $0x0, s1;
	[sflag:s0] =	ssyncset.done @!p0 $0x0  }
0xf3: {  	[sflag:s0] =	ssyncadd.s32 @!p0 s1  }
0xf4: {  	[bflag:$0x3] =	sbarrier.arrive $0xFFFF  }
0xf5: {  	_ =	shalt  }

</sc_bundles>
